<compile_context>
chip_gen: v7x
topology: tpu7x:2x2x1
jax: 0.10.2.dev20260603
libtpu: 0.0.44.dev20260713+nightly
codegen_flags: <defaults>
</compile_context>

<pallas_src>
import functools
import math

import jax
import jax.numpy as jnp
from jax import lax
from jax.experimental import pallas as pl
from jax.experimental.pallas import tpu as pltpu
from jax.experimental.pallas import tpu_sc as plsc

_KNN = 5
_S = 5
_SS = _S * _S
_CENTER = (_SS - 1) // 2
_SIGMA = 1.0
_CUTOFF = 1.0
_NCLS = 20
_KROWS = 32
_UNP_ROW = 25
_SROWS = 8

_NC, _NS = 2, 16
_NW = _NC * _NS
_NBUF = 3


def _inv_gauss_weights():
    x = jnp.arange(_S)
    x_grid = jnp.tile(x, _S).reshape(_S, _S)
    y_grid = x_grid.T
    mean = (_S - 1) / 2.0
    var = _SIGMA ** 2.0
    g = (1.0 / (2.0 * math.pi * var)) * jnp.exp(
        -((x_grid - mean) ** 2.0 + (y_grid - mean) ** 2.0) / (2.0 * var))
    g = g / jnp.sum(g)
    w = (1.0 - g).reshape(_SS).astype(jnp.float32)
    return jnp.concatenate([w, jnp.zeros((_KROWS - _SS,), jnp.float32)])


def _pipelined_gather(table_hbm, idx_hbm, out_hbm, bufs, ks, n_points, pt,
                      base):
    idx_v = bufs[0:_NBUF]
    buf_v = bufs[_NBUF:2 * _NBUF]
    semi = bufs[2 * _NBUF:3 * _NBUF]
    semg = bufs[3 * _NBUF:4 * _NBUF]
    sems = bufs[4 * _NBUF:5 * _NBUF]

    def row(k):
        return pl.ds(k * n_points + base, pt)

    nk = len(ks)
    ld = [None] * nk
    gat = [None] * nk
    st = [None] * nk

    def fire_st(i):
        s = i % _NBUF
        gat[i].wait()
        st[i] = pltpu.async_copy(buf_v[s], out_hbm.at[row(ks[i])], sems[s])

    ld[0] = pltpu.async_copy(idx_hbm.at[row(ks[0])], idx_v[0], semi[0])
    for i in range(nk):
        s = i % _NBUF
        ld[i].wait()
        if i >= _NBUF:
            st[i - _NBUF].wait()
        gat[i] = pltpu.async_copy(table_hbm.at[idx_v[s]], buf_v[s], semg[s])
        if i + 1 < nk:
            if i + 1 >= _NBUF:
                fire_st(i + 1 - _NBUF)
            ld[i + 1] = pltpu.async_copy(
                idx_hbm.at[row(ks[i + 1])], idx_v[(i + 1) % _NBUF],
                semi[(i + 1) % _NBUF])
    for i in range(max(0, nk - _NBUF), nk):
        fire_st(i)
        st[i].wait()


def _sc_gather_range(base_arr, rng_pad, unproj, n_points, koffs):
    pt = n_points // _NW
    mesh = plsc.VectorSubcoreMesh(core_axis_name="c", subcore_axis_name="s",
                                  num_cores=_NC, num_subcores=_NS)
    scratch = ([pltpu.VMEM((pt,), jnp.int32) for _ in range(_NBUF)]
               + [pltpu.VMEM((pt,), jnp.float32) for _ in range(_NBUF)]
               + [pltpu.VMEM((pt,), jnp.int32)]
               + [pltpu.SemaphoreType.DMA for _ in range(2 * _NBUF)]
               + [pltpu.VMEM((pt,), jnp.float32), pltpu.SemaphoreType.DMA])

    @functools.partial(
        pl.kernel,
        out_type=jax.ShapeDtypeStruct((_KROWS * n_points,), jnp.float32),
        mesh=mesh,
        scratch_types=scratch,
        compiler_params=pltpu.CompilerParams(needs_layout_passes=False),
    )
    def sc1(base_hbm, rng_hbm, unp_hbm, grng_hbm, *bufs):
        idx_v = bufs[0:_NBUF]
        buf_v = bufs[_NBUF:2 * _NBUF]
        base_v = bufs[2 * _NBUF]
        semg = bufs[2 * _NBUF + 1:3 * _NBUF + 1]
        sems = bufs[3 * _NBUF + 1:4 * _NBUF + 1]
        unp_v = bufs[4 * _NBUF + 1]
        semu = bufs[4 * _NBUF + 2]
        wid = lax.axis_index("s") * _NC + lax.axis_index("c")
        base = wid * pt
        pltpu.sync_copy(base_hbm.at[pl.ds(base, pt)], base_v)
        pltpu.sync_copy(unp_hbm.at[pl.ds(base, pt)], unp_v)
        u1 = pltpu.async_copy(
            unp_v, grng_hbm.at[pl.ds(_CENTER * n_points + base, pt)], semu)
        u2 = pltpu.async_copy(
            unp_v, grng_hbm.at[pl.ds(_UNP_ROW * n_points + base, pt)], semu)
        ks = [k for k in range(_SS) if k != _CENTER]

        def row(k):
            return pl.ds(k * n_points + base, pt)

        def calc_idx(s, off):
            def bdy(g, _):
                g16 = g * 16
                idx_v[s][pl.ds(g16, 16)] = base_v[pl.ds(g16, 16)] + off
                return 0
            lax.fori_loop(0, pt // 16, bdy, 0)

        nk = len(ks)
        gat = [None] * nk
        st = [None] * nk

        def fire_st(i):
            s = i % _NBUF
            gat[i].wait()
            st[i] = pltpu.async_copy(buf_v[s], grng_hbm.at[row(ks[i])],
                                     sems[s])

        for i in range(nk):
            s = i % _NBUF
            if i >= _NBUF:
                st[i - _NBUF].wait()
            calc_idx(s, koffs[ks[i]])
            gat[i] = pltpu.async_copy(rng_hbm.at[idx_v[s]], buf_v[s], semg[s])
            if i + 1 >= _NBUF and i + 1 < nk:
                fire_st(i + 1 - _NBUF)
        for i in range(nk - _NBUF, nk):
            fire_st(i)
            st[i].wait()
        u1.wait()
        u2.wait()

    return sc1(base_arr, rng_pad, unproj)


def _sc_cls_vote(pack_arr, base_arr, cls_pad, n_points, sentinel, wp):
    pt = n_points // _NW
    mesh = plsc.VectorSubcoreMesh(core_axis_name="c", subcore_axis_name="s",
                                  num_cores=_NC, num_subcores=_NS)
    scratch = ([pltpu.VMEM((pt,), jnp.int32) for _ in range(_KNN)]
               + [pltpu.VMEM((pt,), jnp.int32) for _ in range(_KNN)]
               + [pltpu.VMEM((pt,), jnp.int32)]
               + [pltpu.VMEM((pt,), jnp.int32)]
               + [pltpu.VMEM((pt,), jnp.int32)]
               + [pltpu.SemaphoreType.DMA for _ in range(_KNN + 1)])

    @functools.partial(
        pl.kernel,
        out_type=jax.ShapeDtypeStruct((n_points,), jnp.int32),
        mesh=mesh,
        scratch_types=scratch,
        compiler_params=pltpu.CompilerParams(needs_layout_passes=False),
    )
    def sc2(pack_hbm, basep_hbm, cls_hbm, out_hbm, *bufs):
        idx_v = bufs[0:_KNN]
        cls_v = bufs[_KNN:2 * _KNN]
        out_v = bufs[2 * _KNN]
        pack_v = bufs[2 * _KNN + 1]
        base_v = bufs[2 * _KNN + 2]
        semg = bufs[2 * _KNN + 3:3 * _KNN + 3]
        semo = bufs[3 * _KNN + 3]
        wid = lax.axis_index("s") * _NC + lax.axis_index("c")
        base = wid * pt
        pltpu.sync_copy(pack_hbm.at[pl.ds(base, pt)], pack_v)
        pltpu.sync_copy(basep_hbm.at[pl.ds(base, pt)], base_v)

        gat = []
        for j in range(_KNN):
            def decode(g, _, j=j):
                g16 = g * 16
                pk = pack_v[pl.ds(g16, 16)]
                bs = base_v[pl.ds(g16, 16)]
                k = (pk >> (5 * j)) & 31
                dy = (k * 13) >> 6
                dx = k - dy * 5
                fi = bs + dy * wp + dx
                idx_v[j][pl.ds(g16, 16)] = jnp.where(k == _SS, sentinel, fi)
                return 0
            lax.fori_loop(0, pt // 16, decode, 0)
            gat.append(
                pltpu.async_copy(cls_hbm.at[idx_v[j]], cls_v[j], semg[j]))
        for g in gat:
            g.wait()

        def vote(gi, _):
            off = gi * 16
            sel = [cls_v[j][pl.ds(off, 16)] for j in range(_KNN)]
            ones = jnp.ones((16,), jnp.int32)
            cnt = [ones] * _KNN
            for i in range(_KNN):
                for j in range(i + 1, _KNN):
                    e = (sel[i] == sel[j]).astype(jnp.int32)
                    cnt[i] = cnt[i] + e
                    cnt[j] = cnt[j] + e
            neg = jnp.full((16,), -1000, jnp.int32)
            key = neg
            for i in range(_KNN):
                c = sel[i]
                valid = (c >= 1) & (c < _NCLS)
                key = jnp.maximum(key, jnp.where(valid, cnt[i] * 32 - c, neg))
            best = jnp.where(key == -1000, 1, 32 - (key & 31))
            out_v[pl.ds(off, 16)] = best
            return 0

        lax.fori_loop(0, pt // 16, vote, 0)
        pltpu.async_copy(out_v, out_hbm.at[pl.ds(base, pt)], semo).wait()

    return sc2(pack_arr, base_arr, cls_pad)


def _tc_select_body(grng_ref, w_ref, o_ref):
    g = grng_ref[...]
    w = w_ref[...]
    b = g.shape[1]
    r = g[_UNP_ROW:_UNP_ROW + 1, :]
    rows = lax.broadcasted_iota(jnp.int32, (_KROWS, b), 0)
    d = jnp.abs(g - r) * w
    d = jnp.where(rows < _SS, d, jnp.inf)

    pack = None
    for j in range(_KNN):
        m = jnp.min(d, axis=0, keepdims=True)
        ki = jnp.min(jnp.where(d == m, rows, _KROWS), axis=0, keepdims=True)
        hit = rows == ki
        kq = jnp.where(m > _CUTOFF, _SS, ki)
        pack = kq if pack is None else pack | (kq << (5 * j))
        d = jnp.where(hit, jnp.inf, d)
    o_ref[...] = pack.reshape(1, 1, b)


def _tc_select(g_rng, w_col, n_points, block=2048):
    nb = n_points // block
    return pl.pallas_call(
        _tc_select_body,
        grid=(nb,),
        in_specs=[
            pl.BlockSpec((_KROWS, block), lambda i: (0, i)),
            pl.BlockSpec((_KROWS, 1), lambda i: (0, 0)),
        ],
        out_specs=pl.BlockSpec((1, 1, block), lambda i: (i, 0, 0)),
        out_shape=jax.ShapeDtypeStruct((nb, 1, block), jnp.int32),
    )(g_rng, w_col)


def _tc_vote_body(cls_ref, o_ref):
    cl = cls_ref[...]
    b = cl.shape[1]
    sel = [cl[i:i + 1, :] for i in range(_KNN)]
    ones = jnp.ones_like(sel[0])
    cnt = [ones] * _KNN
    for i in range(_KNN):
        for j in range(i + 1, _KNN):
            e = (sel[i] == sel[j]).astype(jnp.int32)
            cnt[i] = cnt[i] + e
            cnt[j] = cnt[j] + e
    neg = jnp.full_like(ones, -1000)
    key = neg
    for i in range(_KNN):
        c = sel[i]
        valid = (c >= 1) & (c < _NCLS)
        key = jnp.maximum(key, jnp.where(valid, cnt[i] * 32 - c, neg))
    best = jnp.where(key == -1000, 1, 32 - (key & 31))
    o_ref[...] = best.reshape(1, 1, b)


def _tc_vote(cls5, n_points, block=2048):
    nb = n_points // block
    return pl.pallas_call(
        _tc_vote_body,
        grid=(nb,),
        in_specs=[pl.BlockSpec((_SROWS, block), lambda i: (0, i))],
        out_specs=pl.BlockSpec((1, 1, block), lambda i: (i, 0, 0)),
        out_shape=jax.ShapeDtypeStruct((nb, 1, block), jnp.int32),
    )(cls5)


def kernel(proj_range, unproj_range, proj_argmax, px, py):
    h, w = proj_range.shape
    p = unproj_range.shape[0]
    pad = (_S - 1) // 2
    wp = w + 2 * pad
    rng_pad = jnp.pad(proj_range, pad).reshape(-1)
    npix = rng_pad.shape[0]
    cls_pad = jnp.concatenate([
        jnp.pad(proj_argmax, pad).reshape(-1),
        jnp.full((8,), _NCLS, jnp.int32)])
    sentinel = npix
    base = py * wp + px
    offs = [dy * wp + dx for dy in range(_S) for dx in range(_S)]
    w_col = _inv_gauss_weights().reshape(_KROWS, 1)

    nh = 2
    ph = p // nh
    outs = []
    for hh in range(nh):
        base_h = lax.slice(base, (hh * ph,), ((hh + 1) * ph,))
        unp_h = lax.slice(unproj_range, (hh * ph,), ((hh + 1) * ph,))
        g_rng = _sc_gather_range(base_h, rng_pad, unp_h, ph, offs)
        g_rng = g_rng.reshape(_KROWS, ph)
        pack = _tc_select(g_rng, w_col, ph).reshape(ph)
        outs.append(_sc_cls_vote(pack, base_h, cls_pad, ph, sentinel, wp))
    return jnp.concatenate(outs)

# --- scband reference (transcript-rebuilt; emitter-appended) ---
"""Pipeline reference for scband-knn-25812753449617 (READ-ONLY COPY).

The authoritative reference and input builder live on the scoring server;
editing this copy changes nothing except your own understanding.
"""

import math
import jax, jax.numpy as jnp
import numpy as np

KNN_K = 5
SEARCH = 5
SIGMA = 1.0
CUTOFF = 1.0
NUM_CLASSES = 20
IGNORE_INDEX = 0
H, W, P = 64, 2048, 131072


def _gaussian_kernel(ks, sigma):
    x = jnp.arange(ks)
    x_grid = jnp.tile(x, ks).reshape(ks, ks)
    y_grid = x_grid.T
    mean = (ks - 1) / 2.0
    var = sigma ** 2.0
    g = (1.0 / (2.0 * math.pi * var)) * jnp.exp(
        -((x_grid - mean) ** 2.0 + (y_grid - mean) ** 2.0) / (2.0 * var))
    return g / jnp.sum(g)


def _unfold(img, s, pad):
    # Equivalent of F.unfold(img[None,None], kernel_size=(s,s), padding=(pad,pad))
    # PyTorch kernel-element order is row-major: k = dy*s + dx.
    Hh, Ww = img.shape
    p = jnp.pad(img, ((pad, pad), (pad, pad)))
    cols = jnp.stack([p[dy:dy + Hh, dx:dx + Ww]
                      for dy in range(s) for dx in range(s)], axis=0)
    return cols.reshape(s * s, Hh * Ww)


def setup_inputs(seed: int = 0) -> dict:
    key = jax.random.key(seed)
    k1, k2, k3, k4, k5 = jax.random.split(key, 5)
    proj_range = jax.random.uniform(k1, (H, W), dtype=jnp.float32)
    unproj_range = jax.random.uniform(k2, (P,), dtype=jnp.float32)
    proj_argmax = jax.random.randint(k3, (H, W), 0, NUM_CLASSES, dtype=jnp.int32)
    px = jax.random.randint(k4, (P,), 0, W, dtype=jnp.int32)
    py = jax.random.randint(k5, (P,), 0, H, dtype=jnp.int32)
    return {"proj_range": proj_range, "unproj_range": unproj_range,
            "proj_argmax": proj_argmax, "px": px, "py": py}


def reference(proj_range, unproj_range, proj_argmax, px, py):
    s = SEARCH
    pad = (s - 1) // 2
    Hh, Ww = proj_range.shape
    Pn = unproj_range.shape[0]

    proj_unfold_k_rang = _unfold(proj_range, s, pad)          # [s*s, H*W]
    idx_list = py * Ww + px                                   # [P]
    u = proj_unfold_k_rang[:, idx_list]                       # [s*s, P]
    u = jnp.where(u < 0, jnp.inf, u)
    center = (s * s - 1) // 2
    u = u.at[center, :].set(unproj_range)

    k2_distances = jnp.abs(u - unproj_range[None, :])         # [s*s, P]
    inv_gauss_k = (1.0 - _gaussian_kernel(s, SIGMA)).reshape(s * s, 1)
    k2_distances = k2_distances * inv_gauss_k

    # topk smallest along kernel axis, per point
    _, knn_idx = jax.lax.top_k(-k2_distances.T, KNN_K)        # [P, knn]

    proj_unfold_1_argmax = _unfold(proj_argmax.astype(jnp.float32), s, pad).astype(jnp.int32)
    ua = proj_unfold_1_argmax[:, idx_list].T                  # [P, s*s]
    knn_argmax = jnp.take_along_axis(ua, knn_idx, axis=1)     # [P, knn]

    if CUTOFF > 0:
        knn_distances = jnp.take_along_axis(k2_distances.T, knn_idx, axis=1)
        knn_argmax = jnp.where(knn_distances > CUTOFF, NUM_CLASSES, knn_argmax)

    onehot = jnp.zeros((Pn, NUM_CLASSES + 1), dtype=proj_range.dtype)
    onehot = onehot.at[jnp.arange(Pn)[:, None], knn_argmax].add(1.0)

    if IGNORE_INDEX == NUM_CLASSES - 1:
        out = jnp.argmax(onehot[:, :-2], axis=1)
    elif IGNORE_INDEX == 0:
        out = jnp.argmax(onehot[:, 1:-1], axis=1) + 1
    else:
        out = jnp.argmax(onehot[:, :-1], axis=1)
    return out.reshape(Pn)

if __name__ == "__main__":
    import jax
    _d = setup_inputs()
    print(jax.jit(kernel)(*tuple(_d.values())))

</pallas_src>

<mosaic_0001>
#map = affine_map<(d0, d1) -> (0)>
module attributes {stable_mosaic.version = 14 : i64} {
  func.func @sc1(%arg0: i32, %arg1: i32, %arg2: memref<65536xi32, #tpu.memory_space<hbm>>, %arg3: memref<139536xf32, #tpu.memory_space<hbm>>, %arg4: memref<65536xf32, #tpu.memory_space<hbm>>, %arg5: memref<2097152xf32, #tpu.memory_space<hbm>>, %arg6: memref<2048xi32, #tpu.memory_space<vmem>>, %arg7: memref<2048xi32, #tpu.memory_space<vmem>>, %arg8: memref<2048xi32, #tpu.memory_space<vmem>>, %arg9: memref<2048xf32, #tpu.memory_space<vmem>>, %arg10: memref<2048xf32, #tpu.memory_space<vmem>>, %arg11: memref<2048xf32, #tpu.memory_space<vmem>>, %arg12: memref<2048xi32, #tpu.memory_space<vmem>>, %arg13: memref<!tpu.dma_semaphore, #tpu.memory_space<semaphore_mem>>, %arg14: memref<!tpu.dma_semaphore, #tpu.memory_space<semaphore_mem>>, %arg15: memref<!tpu.dma_semaphore, #tpu.memory_space<semaphore_mem>>, %arg16: memref<!tpu.dma_semaphore, #tpu.memory_space<semaphore_mem>>, %arg17: memref<!tpu.dma_semaphore, #tpu.memory_space<semaphore_mem>>, %arg18: memref<!tpu.dma_semaphore, #tpu.memory_space<semaphore_mem>>, %arg19: memref<2048xf32, #tpu.memory_space<vmem>>, %arg20: memref<!tpu.dma_semaphore, #tpu.memory_space<semaphore_mem>>) attributes {dimension_semantics = [#tpu.dimension_semantics<core_parallel>, #tpu.dimension_semantics<subcore_parallel>], iteration_bounds = array<i64: 2, 16>, scalar_prefetch = 0 : i64, scratch_operands = 15 : i64, tpu.core_type = #tpu.core_type<sc_vector_subcore>, window_params = [{transform_indices = #map}, {transform_indices = #map}, {transform_indices = #map}, {transform_indices = #map}]} {
    %mul3A = arith.constant 2 : i32
    %mul3A_0 = arith.muli %arg1, %mul3A : i32
    %add3A = arith.addi %mul3A_0, %arg0 : i32
    %mul3A_1 = arith.constant 2048 : i32
    %mul3A_2 = arith.muli %add3A, %mul3A_1 : i32
    "tpu.region"() ({
      %run_scoped3A = tpu.sem_alloc : memref<!tpu.dma_semaphore, #tpu.memory_space<semaphore_mem>>
      %dma_start3A_420 = tpu.memref_slice %arg2[%mul3A_2] : memref<65536xi32, #tpu.memory_space<hbm>> -> memref<2048xi32, #tpu.memory_space<hbm>>
      %dma_start3A_421 = tpu.memref_slice %arg2[%mul3A_2] : memref<65536xi32, #tpu.memory_space<hbm>> -> memref<2048xi32, #tpu.memory_space<hbm>>
      tpu.enqueue_dma source(%dma_start3A_421 : memref<2048xi32, #tpu.memory_space<hbm>>) target(%arg12 : memref<2048xi32, #tpu.memory_space<vmem>>) target_semaphore(%run_scoped3A : memref<!tpu.dma_semaphore, #tpu.memory_space<semaphore_mem>>)
      %dma_wait3A_422 = tpu.memref_slice %arg2[%mul3A_2] : memref<65536xi32, #tpu.memory_space<hbm>> -> memref<2048xi32, #tpu.memory_space<hbm>>
      %dma_wait3A_423 = tpu.memref_slice %arg2[%mul3A_2] : memref<65536xi32, #tpu.memory_space<hbm>> -> memref<2048xi32, #tpu.memory_space<hbm>>
      tpu.wait_dma2 semaphore(%run_scoped3A : memref<!tpu.dma_semaphore, #tpu.memory_space<semaphore_mem>>) src(%dma_wait3A_423 : memref<2048xi32, #tpu.memory_space<hbm>>) dst(%arg12 : memref<2048xi32, #tpu.memory_space<vmem>>)
      tpu.yield
    }) : () -> ()
    "tpu.region"() ({
      %run_scoped3A = tpu.sem_alloc : memref<!tpu.dma_semaphore, #tpu.memory_space<semaphore_mem>>
      %dma_start3A_420 = tpu.memref_slice %arg4[%mul3A_2] : memref<65536xf32, #tpu.memory_space<hbm>> -> memref<2048xf32, #tpu.memory_space<hbm>>
      %dma_start3A_421 = tpu.memref_slice %arg4[%mul3A_2] : memref<65536xf32, #tpu.memory_space<hbm>> -> memref<2048xf32, #tpu.memory_space<hbm>>
      tpu.enqueue_dma source(%dma_start3A_421 : memref<2048xf32, #tpu.memory_space<hbm>>) target(%arg19 : memref<2048xf32, #tpu.memory_space<vmem>>) target_semaphore(%run_scoped3A : memref<!tpu.dma_semaphore, #tpu.memory_space<semaphore_mem>>)
      %dma_wait3A_422 = tpu.memref_slice %arg4[%mul3A_2] : memref<65536xf32, #tpu.memory_space<hbm>> -> memref<2048xf32, #tpu.memory_space<hbm>>
      %dma_wait3A_423 = tpu.memref_slice %arg4[%mul3A_2] : memref<65536xf32, #tpu.memory_space<hbm>> -> memref<2048xf32, #tpu.memory_space<hbm>>
      tpu.wait_dma2 semaphore(%run_scoped3A : memref<!tpu.dma_semaphore, #tpu.memory_space<semaphore_mem>>) src(%dma_wait3A_423 : memref<2048xf32, #tpu.memory_space<hbm>>) dst(%arg19 : memref<2048xf32, #tpu.memory_space<vmem>>)
      tpu.yield
    }) : () -> ()
    %add3A_3 = arith.constant 786432 : i32
    %add3A_4 = arith.addi %add3A_3, %mul3A_2 : i32
    %dma_start3A = tpu.memref_slice %arg5[%add3A_4] : memref<2097152xf32, #tpu.memory_space<hbm>> -> memref<2048xf32, #tpu.memory_space<hbm>>
    %dma_start3A_5 = tpu.memref_slice %arg5[%add3A_4] : memref<2097152xf32, #tpu.memory_space<hbm>> -> memref<2048xf32, #tpu.memory_space<hbm>>
    tpu.enqueue_dma source(%arg19 : memref<2048xf32, #tpu.memory_space<vmem>>) target(%dma_start3A_5 : memref<2048xf32, #tpu.memory_space<hbm>>) target_semaphore(%arg20 : memref<!tpu.dma_semaphore, #tpu.memory_space<semaphore_mem>>)
    %add3A_6 = arith.constant 1638400 : i32
    %add3A_7 = arith.addi %add3A_6, %mul3A_2 : i32
    %dma_start3A_8 = tpu.memref_slice %arg5[%add3A_7] : memref<2097152xf32, #tpu.memory_space<hbm>> -> memref<2048xf32, #tpu.memory_space<hbm>>
    %dma_start3A_9 = tpu.memref_slice %arg5[%add3A_7] : memref<2097152xf32, #tpu.memory_space<hbm>> -> memref<2048xf32, #tpu.memory_space<hbm>>
    tpu.enqueue_dma source(%arg19 : memref<2048xf32, #tpu.memory_space<vmem>>) target(%dma_start3A_9 : memref<2048xf32, #tpu.memory_space<hbm>>) target_semaphore(%arg20 : memref<!tpu.dma_semaphore, #tpu.memory_space<semaphore_mem>>)
    %scan3A = arith.constant 0 : i32
    %scan3A_10 = arith.constant 0 : i32
    %scan3A_11 = arith.constant 128 : i32
    %scan3A_12 = arith.addi %scan3A_10, %scan3A_11 : i32
    %scan3A_13 = arith.constant 1 : i32
    %scan3A_14 = scf.for %scan3A_420 = %scan3A_10 to %scan3A_12 step %scan3A_13 iter_args(%scan3A_421 = %scan3A) -> (i32)  : i32 {
      %mul3A_422 = arith.constant 16 : i32
      %mul3A_423 = arith.muli %scan3A_420, %mul3A_422 : i32
      %get3A = arith.index_cast %mul3A_423 : i32 to index
      %get3A_424 = tpu.vector_load %arg12[%get3A] {strides = array<i32>} : memref<2048xi32, #tpu.memory_space<vmem>>, vector<16xi32>,
      %add3A_425 = arith.constant 0 : i32
      %add3A_426 = vector.broadcast %add3A_425 : i32 to vector<16xi32>
      %add3A_427 = arith.addi %get3A_424, %add3A_426 : vector<16xi32>
      %swap3A = arith.index_cast %mul3A_423 : i32 to index
      %swap3A_428 = tpu.vector_load %arg6[%swap3A] {strides = array<i32>} : memref<2048xi32, #tpu.memory_space<vmem>>, vector<16xi32>,
      tpu.vector_store %arg6[%swap3A], %add3A_427 {strides = array<i32>} : memref<2048xi32, #tpu.memory_space<vmem>>, vector<16xi32>,
      %scan3A_429 = arith.constant 0 : i32
      scf.yield %scan3A_429 : i32
    }
    %scan3A_15 = arith.constant 128 : i32
    %dma_start3A_16 = arith.constant 0 : i32
    %dma_start3A_17 = tpu.memref_slice %arg3[%dma_start3A_16] : memref<139536xf32, #tpu.memory_space<hbm>> -> memref<139536xf32, #tpu.memory_space<hbm>>
    tpu.enqueue_indirect_dma source(%dma_start3A_17 : memref<139536xf32, #tpu.memory_space<hbm>>) target(%arg9 : memref<2048xf32, #tpu.memory_space<vmem>>) offsets(%arg6 : memref<2048xi32, #tpu.memory_space<vmem>>) semaphore(%arg13 : memref<!tpu.dma_semaphore, #tpu.memory_space<semaphore_mem>>)
    %scan3A_18 = arith.constant 0 : i32
    %scan3A_19 = arith.constant 0 : i32
    %scan3A_20 = arith.constant 128 : i32
    %scan3A_21 = arith.addi %scan3A_19, %scan3A_20 : i32
    %scan3A_22 = arith.constant 1 : i32
    %scan3A_23 = scf.for %scan3A_420 = %scan3A_19 to %scan3A_21 step %scan3A_22 iter_args(%scan3A_421 = %scan3A_18) -> (i32)  : i32 {
      %mul3A_422 = arith.constant 16 : i32
      %mul3A_423 = arith.muli %scan3A_420, %mul3A_422 : i32
      %get3A = arith.index_cast %mul3A_423 : i32 to index
      %get3A_424 = tpu.vector_load %arg12[%get3A] {strides = array<i32>} : memref<2048xi32, #tpu.memory_space<vmem>>, vector<16xi32>,
      %add3A_425 = arith.constant 1 : i32
      %add3A_426 = vector.broadcast %add3A_425 : i32 to vector<16xi32>
      %add3A_427 = arith.addi %get3A_424, %add3A_426 : vector<16xi32>
      %swap3A = arith.index_cast %mul3A_423 : i32 to index
      %swap3A_428 = tpu.vector_load %arg7[%swap3A] {strides = array<i32>} : memref<2048xi32, #tpu.memory_space<vmem>>, vector<16xi32>,
      tpu.vector_store %arg7[%swap3A], %add3A_427 {strides = array<i32>} : memref<2048xi32, #tpu.memory_space<vmem>>, vector<16xi32>,
      %scan3A_429 = arith.constant 0 : i32
      scf.yield %scan3A_429 : i32
    }
    %scan3A_24 = arith.constant 128 : i32
    %dma_start3A_25 = arith.constant 0 : i32
    %dma_start3A_26 = tpu.memref_slice %arg3[%dma_start3A_25] : memref<139536xf32, #tpu.memory_space<hbm>> -> memref<139536xf32, #tpu.memory_space<hbm>>
    tpu.enqueue_indirect_dma source(%dma_start3A_26 : memref<139536xf32, #tpu.memory_space<hbm>>) target(%arg10 : memref<2048xf32, #tpu.memory_space<vmem>>) offsets(%arg7 : memref<2048xi32, #tpu.memory_space<vmem>>) semaphore(%arg14 : memref<!tpu.dma_semaphore, #tpu.memory_space<semaphore_mem>>)
    %scan3A_27 = arith.constant 0 : i32
    %scan3A_28 = arith.constant 0 : i32
    %scan3A_29 = arith.constant 128 : i32
    %scan3A_30 = arith.addi %scan3A_28, %scan3A_29 : i32
    %scan3A_31 = arith.constant 1 : i32
    %scan3A_32 = scf.for %scan3A_420 = %scan3A_28 to %scan3A_30 step %scan3A_31 iter_args(%scan3A_421 = %scan3A_27) -> (i32)  : i32 {
      %mul3A_422 = arith.constant 16 : i32
      %mul3A_423 = arith.muli %scan3A_420, %mul3A_422 : i32
      %get3A = arith.index_cast %mul3A_423 : i32 to index
      %get3A_424 = tpu.vector_load %arg12[%get3A] {strides = array<i32>} : memref<2048xi32, #tpu.memory_space<vmem>>, vector<16xi32>,
      %add3A_425 = arith.constant 2 : i32
      %add3A_426 = vector.broadcast %add3A_425 : i32 to vector<16xi32>
      %add3A_427 = arith.addi %get3A_424, %add3A_426 : vector<16xi32>
      %swap3A = arith.index_cast %mul3A_423 : i32 to index
      %swap3A_428 = tpu.vector_load %arg8[%swap3A] {strides = array<i32>} : memref<2048xi32, #tpu.memory_space<vmem>>, vector<16xi32>,
      tpu.vector_store %arg8[%swap3A], %add3A_427 {strides = array<i32>} : memref<2048xi32, #tpu.memory_space<vmem>>, vector<16xi32>,
      %scan3A_429 = arith.constant 0 : i32
      scf.yield %scan3A_429 : i32
    }
    %scan3A_33 = arith.constant 128 : i32
    %dma_start3A_34 = arith.constant 0 : i32
    %dma_start3A_35 = tpu.memref_slice %arg3[%dma_start3A_34] : memref<139536xf32, #tpu.memory_space<hbm>> -> memref<139536xf32, #tpu.memory_space<hbm>>
    tpu.enqueue_indirect_dma source(%dma_start3A_35 : memref<139536xf32, #tpu.memory_space<hbm>>) target(%arg11 : memref<2048xf32, #tpu.memory_space<vmem>>) offsets(%arg8 : memref<2048xi32, #tpu.memory_space<vmem>>) semaphore(%arg15 : memref<!tpu.dma_semaphore, #tpu.memory_space<semaphore_mem>>)
    %dma_wait3A = arith.constant 0 : i32
    %dma_wait3A_36 = tpu.memref_slice %arg3[%dma_wait3A] : memref<139536xf32, #tpu.memory_space<hbm>> -> memref<139536xf32, #tpu.memory_space<hbm>>
    tpu.wait_indirect_dma semaphore(%arg13 : memref<!tpu.dma_semaphore, #tpu.memory_space<semaphore_mem>>) src(%dma_wait3A_36 : memref<139536xf32, #tpu.memory_space<hbm>>) dst(%arg9 : memref<2048xf32, #tpu.memory_space<vmem>>)
    %add3A_37 = arith.constant 0 : i32
    %add3A_38 = arith.addi %add3A_37, %mul3A_2 : i32
    %dma_start3A_39 = tpu.memref_slice %arg5[%add3A_38] : memref<2097152xf32, #tpu.memory_space<hbm>> -> memref<2048xf32, #tpu.memory_space<hbm>>
    %dma_start3A_40 = tpu.memref_slice %arg5[%add3A_38] : memref<2097152xf32, #tpu.memory_space<hbm>> -> memref<2048xf32, #tpu.memory_space<hbm>>
    tpu.enqueue_dma source(%arg9 : memref<2048xf32, #tpu.memory_space<vmem>>) target(%dma_start3A_40 : memref<2048xf32, #tpu.memory_space<hbm>>) target_semaphore(%arg16 : memref<!tpu.dma_semaphore, #tpu.memory_space<semaphore_mem>>)
    %dma_wait3A_41 = tpu.memref_slice %arg5[%add3A_38] : memref<2097152xf32, #tpu.memory_space<hbm>> -> memref<2048xf32, #tpu.memory_space<hbm>>
    %dma_wait3A_42 = tpu.memref_slice %arg5[%add3A_38] : memref<2097152xf32, #tpu.memory_space<hbm>> -> memref<2048xf32, #tpu.memory_space<hbm>>
    tpu.wait_dma2 semaphore(%arg16 : memref<!tpu.dma_semaphore, #tpu.memory_space<semaphore_mem>>) src(%arg9 : memref<2048xf32, #tpu.memory_space<vmem>>) dst(%dma_wait3A_42 : memref<2048xf32, #tpu.memory_space<hbm>>)
    %scan3A_43 = arith.constant 0 : i32
    %scan3A_44 = arith.constant 0 : i32
    %scan3A_45 = arith.constant 128 : i32
    %scan3A_46 = arith.addi %scan3A_44, %scan3A_45 : i32
    %scan3A_47 = arith.constant 1 : i32
    %scan3A_48 = scf.for %scan3A_420 = %scan3A_44 to %scan3A_46 step %scan3A_47 iter_args(%scan3A_421 = %scan3A_43) -> (i32)  : i32 {
      %mul3A_422 = arith.constant 16 : i32
      %mul3A_423 = arith.muli %scan3A_420, %mul3A_422 : i32
      %get3A = arith.index_cast %mul3A_423 : i32 to index
      %get3A_424 = tpu.vector_load %arg12[%get3A] {strides = array<i32>} : memref<2048xi32, #tpu.memory_space<vmem>>, vector<16xi32>,
      %add3A_425 = arith.constant 3 : i32
      %add3A_426 = vector.broadcast %add3A_425 : i32 to vector<16xi32>
      %add3A_427 = arith.addi %get3A_424, %add3A_426 : vector<16xi32>
      %swap3A = arith.index_cast %mul3A_423 : i32 to index
      %swap3A_428 = tpu.vector_load %arg6[%swap3A] {strides = array<i32>} : memref<2048xi32, #tpu.memory_space<vmem>>, vector<16xi32>,
      tpu.vector_store %arg6[%swap3A], %add3A_427 {strides = array<i32>} : memref<2048xi32, #tpu.memory_space<vmem>>, vector<16xi32>,
      %scan3A_429 = arith.constant 0 : i32
      scf.yield %scan3A_429 : i32
    }
    %scan3A_49 = arith.constant 128 : i32
    %dma_start3A_50 = arith.constant 0 : i32
    %dma_start3A_51 = tpu.memref_slice %arg3[%dma_start3A_50] : memref<139536xf32, #tpu.memory_space<hbm>> -> memref<139536xf32, #tpu.memory_space<hbm>>
    tpu.enqueue_indirect_dma source(%dma_start3A_51 : memref<139536xf32, #tpu.memory_space<hbm>>) target(%arg9 : memref<2048xf32, #tpu.memory_space<vmem>>) offsets(%arg6 : memref<2048xi32, #tpu.memory_space<vmem>>) semaphore(%arg13 : memref<!tpu.dma_semaphore, #tpu.memory_space<semaphore_mem>>)
    %dma_wait3A_52 = arith.constant 0 : i32
    %dma_wait3A_53 = tpu.memref_slice %arg3[%dma_wait3A_52] : memref<139536xf32, #tpu.memory_space<hbm>> -> memref<139536xf32, #tpu.memory_space<hbm>>
    tpu.wait_indirect_dma semaphore(%arg14 : memref<!tpu.dma_semaphore, #tpu.memory_space<semaphore_mem>>) src(%dma_wait3A_53 : memref<139536xf32, #tpu.memory_space<hbm>>) dst(%arg10 : memref<2048xf32, #tpu.memory_space<vmem>>)
    %add3A_54 = arith.constant 65536 : i32
    %add3A_55 = arith.addi %add3A_54, %mul3A_2 : i32
    %dma_start3A_56 = tpu.memref_slice %arg5[%add3A_55] : memref<2097152xf32, #tpu.memory_space<hbm>> -> memref<2048xf32, #tpu.memory_space<hbm>>
    %dma_start3A_57 = tpu.memref_slice %arg5[%add3A_55] : memref<2097152xf32, #tpu.memory_space<hbm>> -> memref<2048xf32, #tpu.memory_space<hbm>>
    tpu.enqueue_dma source(%arg10 : memref<2048xf32, #tpu.memory_space<vmem>>) target(%dma_start3A_57 : memref<2048xf32, #tpu.memory_space<hbm>>) target_semaphore(%arg17 : memref<!tpu.dma_semaphore, #tpu.memory_space<semaphore_mem>>)
    %dma_wait3A_58 = tpu.memref_slice %arg5[%add3A_55] : memref<2097152xf32, #tpu.memory_space<hbm>> -> memref<2048xf32, #tpu.memory_space<hbm>>
    %dma_wait3A_59 = tpu.memref_slice %arg5[%add3A_55] : memref<2097152xf32, #tpu.memory_space<hbm>> -> memref<2048xf32, #tpu.memory_space<hbm>>
    tpu.wait_dma2 semaphore(%arg17 : memref<!tpu.dma_semaphore, #tpu.memory_space<semaphore_mem>>) src(%arg10 : memref<2048xf32, #tpu.memory_space<vmem>>) dst(%dma_wait3A_59 : memref<2048xf32, #tpu.memory_space<hbm>>)
    %scan3A_60 = arith.constant 0 : i32
    %scan3A_61 = arith.constant 0 : i32
    %scan3A_62 = arith.constant 128 : i32
    %scan3A_63 = arith.addi %scan3A_61, %scan3A_62 : i32
    %scan3A_64 = arith.constant 1 : i32
    %scan3A_65 = scf.for %scan3A_420 = %scan3A_61 to %scan3A_63 step %scan3A_64 iter_args(%scan3A_421 = %scan3A_60) -> (i32)  : i32 {
      %mul3A_422 = arith.constant 16 : i32
      %mul3A_423 = arith.muli %scan3A_420, %mul3A_422 : i32
      %get3A = arith.index_cast %mul3A_423 : i32 to index
      %get3A_424 = tpu.vector_load %arg12[%get3A] {strides = array<i32>} : memref<2048xi32, #tpu.memory_space<vmem>>, vector<16xi32>,
      %add3A_425 = arith.constant 4 : i32
      %add3A_426 = vector.broadcast %add3A_425 : i32 to vector<16xi32>
      %add3A_427 = arith.addi %get3A_424, %add3A_426 : vector<16xi32>
      %swap3A = arith.index_cast %mul3A_423 : i32 to index
      %swap3A_428 = tpu.vector_load %arg7[%swap3A] {strides = array<i32>} : memref<2048xi32, #tpu.memory_space<vmem>>, vector<16xi32>,
      tpu.vector_store %arg7[%swap3A], %add3A_427 {strides = array<i32>} : memref<2048xi32, #tpu.memory_space<vmem>>, vector<16xi32>,
      %scan3A_429 = arith.constant 0 : i32
      scf.yield %scan3A_429 : i32
    }
    %scan3A_66 = arith.constant 128 : i32
    %dma_start3A_67 = arith.constant 0 : i32
    %dma_start3A_68 = tpu.memref_slice %arg3[%dma_start3A_67] : memref<139536xf32, #tpu.memory_space<hbm>> -> memref<139536xf32, #tpu.memory_space<hbm>>
    tpu.enqueue_indirect_dma source(%dma_start3A_68 : memref<139536xf32, #tpu.memory_space<hbm>>) target(%arg10 : memref<2048xf32, #tpu.memory_space<vmem>>) offsets(%arg7 : memref<2048xi32, #tpu.memory_space<vmem>>) semaphore(%arg14 : memref<!tpu.dma_semaphore, #tpu.memory_space<semaphore_mem>>)
    %dma_wait3A_69 = arith.constant 0 : i32
    %dma_wait3A_70 = tpu.memref_slice %arg3[%dma_wait3A_69] : memref<139536xf32, #tpu.memory_space<hbm>> -> memref<139536xf32, #tpu.memory_space<hbm>>
    tpu.wait_indirect_dma semaphore(%arg15 : memref<!tpu.dma_semaphore, #tpu.memory_space<semaphore_mem>>) src(%dma_wait3A_70 : memref<139536xf32, #tpu.memory_space<hbm>>) dst(%arg11 : memref<2048xf32, #tpu.memory_space<vmem>>)
    %add3A_71 = arith.constant 131072 : i32
    %add3A_72 = arith.addi %add3A_71, %mul3A_2 : i32
    %dma_start3A_73 = tpu.memref_slice %arg5[%add3A_72] : memref<2097152xf32, #tpu.memory_space<hbm>> -> memref<2048xf32, #tpu.memory_space<hbm>>
    %dma_start3A_74 = tpu.memref_slice %arg5[%add3A_72] : memref<2097152xf32, #tpu.memory_space<hbm>> -> memref<2048xf32, #tpu.memory_space<hbm>>
    tpu.enqueue_dma source(%arg11 : memref<2048xf32, #tpu.memory_space<vmem>>) target(%dma_start3A_74 : memref<2048xf32, #tpu.memory_space<hbm>>) target_semaphore(%arg18 : memref<!tpu.dma_semaphore, #tpu.memory_space<semaphore_mem>>)
    %dma_wait3A_75 = tpu.memref_slice %arg5[%add3A_72] : memref<2097152xf32, #tpu.memory_space<hbm>> -> memref<2048xf32, #tpu.memory_space<hbm>>
    %dma_wait3A_76 = tpu.memref_slice %arg5[%add3A_72] : memref<2097152xf32, #tpu.memory_space<hbm>> -> memref<2048xf32, #tpu.memory_space<hbm>>
    tpu.wait_dma2 semaphore(%arg18 : memref<!tpu.dma_semaphore, #tpu.memory_space<semaphore_mem>>) src(%arg11 : memref<2048xf32, #tpu.memory_space<vmem>>) dst(%dma_wait3A_76 : memref<2048xf32, #tpu.memory_space<hbm>>)
    %scan3A_77 = arith.constant 0 : i32
    %scan3A_78 = arith.constant 0 : i32
    %scan3A_79 = arith.constant 128 : i32
    %scan3A_80 = arith.addi %scan3A_78, %scan3A_79 : i32
    %scan3A_81 = arith.constant 1 : i32
    %scan3A_82 = scf.for %scan3A_420 = %scan3A_78 to %scan3A_80 step %scan3A_81 iter_args(%scan3A_421 = %scan3A_77) -> (i32)  : i32 {
      %mul3A_422 = arith.constant 16 : i32
      %mul3A_423 = arith.muli %scan3A_420, %mul3A_422 : i32
      %get3A = arith.index_cast %mul3A_423 : i32 to index
      %get3A_424 = tpu.vector_load %arg12[%get3A] {strides = array<i32>} : memref<2048xi32, #tpu.memory_space<vmem>>, vector<16xi32>,
      %add3A_425 = arith.constant 2052 : i32
      %add3A_426 = vector.broadcast %add3A_425 : i32 to vector<16xi32>
      %add3A_427 = arith.addi %get3A_424, %add3A_426 : vector<16xi32>
      %swap3A = arith.index_cast %mul3A_423 : i32 to index
      %swap3A_428 = tpu.vector_load %arg8[%swap3A] {strides = array<i32>} : memref<2048xi32, #tpu.memory_space<vmem>>, vector<16xi32>,
      tpu.vector_store %arg8[%swap3A], %add3A_427 {strides = array<i32>} : memref<2048xi32, #tpu.memory_space<vmem>>, vector<16xi32>,
      %scan3A_429 = arith.constant 0 : i32
      scf.yield %scan3A_429 : i32
    }
    %scan3A_83 = arith.constant 128 : i32
    %dma_start3A_84 = arith.constant 0 : i32
    %dma_start3A_85 = tpu.memref_slice %arg3[%dma_start3A_84] : memref<139536xf32, #tpu.memory_space<hbm>> -> memref<139536xf32, #tpu.memory_space<hbm>>
    tpu.enqueue_indirect_dma source(%dma_start3A_85 : memref<139536xf32, #tpu.memory_space<hbm>>) target(%arg11 : memref<2048xf32, #tpu.memory_space<vmem>>) offsets(%arg8 : memref<2048xi32, #tpu.memory_space<vmem>>) semaphore(%arg15 : memref<!tpu.dma_semaphore, #tpu.memory_space<semaphore_mem>>)
    %dma_wait3A_86 = arith.constant 0 : i32
    %dma_wait3A_87 = tpu.memref_slice %arg3[%dma_wait3A_86] : memref<139536xf32, #tpu.memory_space<hbm>> -> memref<139536xf32, #tpu.memory_space<hbm>>
    tpu.wait_indirect_dma semaphore(%arg13 : memref<!tpu.dma_semaphore, #tpu.memory_space<semaphore_mem>>) src(%dma_wait3A_87 : memref<139536xf32, #tpu.memory_space<hbm>>) dst(%arg9 : memref<2048xf32, #tpu.memory_space<vmem>>)
    %add3A_88 = arith.constant 196608 : i32
    %add3A_89 = arith.addi %add3A_88, %mul3A_2 : i32
    %dma_start3A_90 = tpu.memref_slice %arg5[%add3A_89] : memref<2097152xf32, #tpu.memory_space<hbm>> -> memref<2048xf32, #tpu.memory_space<hbm>>
    %dma_start3A_91 = tpu.memref_slice %arg5[%add3A_89] : memref<2097152xf32, #tpu.memory_space<hbm>> -> memref<2048xf32, #tpu.memory_space<hbm>>
    tpu.enqueue_dma source(%arg9 : memref<2048xf32, #tpu.memory_space<vmem>>) target(%dma_start3A_91 : memref<2048xf32, #tpu.memory_space<hbm>>) target_semaphore(%arg16 : memref<!tpu.dma_semaphore, #tpu.memory_space<semaphore_mem>>)
    %dma_wait3A_92 = tpu.memref_slice %arg5[%add3A_89] : memref<2097152xf32, #tpu.memory_space<hbm>> -> memref<2048xf32, #tpu.memory_space<hbm>>
    %dma_wait3A_93 = tpu.memref_slice %arg5[%add3A_89] : memref<2097152xf32, #tpu.memory_space<hbm>> -> memref<2048xf32, #tpu.memory_space<hbm>>
    tpu.wait_dma2 semaphore(%arg16 : memref<!tpu.dma_semaphore, #tpu.memory_space<semaphore_mem>>) src(%arg9 : memref<2048xf32, #tpu.memory_space<vmem>>) dst(%dma_wait3A_93 : memref<2048xf32, #tpu.memory_space<hbm>>)
    %scan3A_94 = arith.constant 0 : i32
    %scan3A_95 = arith.constant 0 : i32
    %scan3A_96 = arith.constant 128 : i32
    %scan3A_97 = arith.addi %scan3A_95, %scan3A_96 : i32
    %scan3A_98 = arith.constant 1 : i32
    %scan3A_99 = scf.for %scan3A_420 = %scan3A_95 to %scan3A_97 step %scan3A_98 iter_args(%scan3A_421 = %scan3A_94) -> (i32)  : i32 {
      %mul3A_422 = arith.constant 16 : i32
      %mul3A_423 = arith.muli %scan3A_420, %mul3A_422 : i32
      %get3A = arith.index_cast %mul3A_423 : i32 to index
      %get3A_424 = tpu.vector_load %arg12[%get3A] {strides = array<i32>} : memref<2048xi32, #tpu.memory_space<vmem>>, vector<16xi32>,
      %add3A_425 = arith.constant 2053 : i32
      %add3A_426 = vector.broadcast %add3A_425 : i32 to vector<16xi32>
      %add3A_427 = arith.addi %get3A_424, %add3A_426 : vector<16xi32>
      %swap3A = arith.index_cast %mul3A_423 : i32 to index
      %swap3A_428 = tpu.vector_load %arg6[%swap3A] {strides = array<i32>} : memref<2048xi32, #tpu.memory_space<vmem>>, vector<16xi32>,
      tpu.vector_store %arg6[%swap3A], %add3A_427 {strides = array<i32>} : memref<2048xi32, #tpu.memory_space<vmem>>, vector<16xi32>,
      %scan3A_429 = arith.constant 0 : i32
      scf.yield %scan3A_429 : i32
    }
    %scan3A_100 = arith.constant 128 : i32
    %dma_start3A_101 = arith.constant 0 : i32
    %dma_start3A_102 = tpu.memref_slice %arg3[%dma_start3A_101] : memref<139536xf32, #tpu.memory_space<hbm>> -> memref<139536xf32, #tpu.memory_space<hbm>>
    tpu.enqueue_indirect_dma source(%dma_start3A_102 : memref<139536xf32, #tpu.memory_space<hbm>>) target(%arg9 : memref<2048xf32, #tpu.memory_space<vmem>>) offsets(%arg6 : memref<2048xi32, #tpu.memory_space<vmem>>) semaphore(%arg13 : memref<!tpu.dma_semaphore, #tpu.memory_space<semaphore_mem>>)
    %dma_wait3A_103 = arith.constant 0 : i32
    %dma_wait3A_104 = tpu.memref_slice %arg3[%dma_wait3A_103] : memref<139536xf32, #tpu.memory_space<hbm>> -> memref<139536xf32, #tpu.memory_space<hbm>>
    tpu.wait_indirect_dma semaphore(%arg14 : memref<!tpu.dma_semaphore, #tpu.memory_space<semaphore_mem>>) src(%dma_wait3A_104 : memref<139536xf32, #tpu.memory_space<hbm>>) dst(%arg10 : memref<2048xf32, #tpu.memory_space<vmem>>)
    %add3A_105 = arith.constant 262144 : i32
    %add3A_106 = arith.addi %add3A_105, %mul3A_2 : i32
    %dma_start3A_107 = tpu.memref_slice %arg5[%add3A_106] : memref<2097152xf32, #tpu.memory_space<hbm>> -> memref<2048xf32, #tpu.memory_space<hbm>>
    %dma_start3A_108 = tpu.memref_slice %arg5[%add3A_106] : memref<2097152xf32, #tpu.memory_space<hbm>> -> memref<2048xf32, #tpu.memory_space<hbm>>
    tpu.enqueue_dma source(%arg10 : memref<2048xf32, #tpu.memory_space<vmem>>) target(%dma_start3A_108 : memref<2048xf32, #tpu.memory_space<hbm>>) target_semaphore(%arg17 : memref<!tpu.dma_semaphore, #tpu.memory_space<semaphore_mem>>)
    %dma_wait3A_109 = tpu.memref_slice %arg5[%add3A_106] : memref<2097152xf32, #tpu.memory_space<hbm>> -> memref<2048xf32, #tpu.memory_space<hbm>>
    %dma_wait3A_110 = tpu.memref_slice %arg5[%add3A_106] : memref<2097152xf32, #tpu.memory_space<hbm>> -> memref<2048xf32, #tpu.memory_space<hbm>>
    tpu.wait_dma2 semaphore(%arg17 : memref<!tpu.dma_semaphore, #tpu.memory_space<semaphore_mem>>) src(%arg10 : memref<2048xf32, #tpu.memory_space<vmem>>) dst(%dma_wait3A_110 : memref<2048xf32, #tpu.memory_space<hbm>>)
    %scan3A_111 = arith.constant 0 : i32
    %scan3A_112 = arith.constant 0 : i32
    %scan3A_113 = arith.constant 128 : i32
    %scan3A_114 = arith.addi %scan3A_112, %scan3A_113 : i32
    %scan3A_115 = arith.constant 1 : i32
    %scan3A_116 = scf.for %scan3A_420 = %scan3A_112 to %scan3A_114 step %scan3A_115 iter_args(%scan3A_421 = %scan3A_111) -> (i32)  : i32 {
      %mul3A_422 = arith.constant 16 : i32
      %mul3A_423 = arith.muli %scan3A_420, %mul3A_422 : i32
      %get3A = arith.index_cast %mul3A_423 : i32 to index
      %get3A_424 = tpu.vector_load %arg12[%get3A] {strides = array<i32>} : memref<2048xi32, #tpu.memory_space<vmem>>, vector<16xi32>,
      %add3A_425 = arith.constant 2054 : i32
      %add3A_426 = vector.broadcast %add3A_425 : i32 to vector<16xi32>
      %add3A_427 = arith.addi %get3A_424, %add3A_426 : vector<16xi32>
      %swap3A = arith.index_cast %mul3A_423 : i32 to index
      %swap3A_428 = tpu.vector_load %arg7[%swap3A] {strides = array<i32>} : memref<2048xi32, #tpu.memory_space<vmem>>, vector<16xi32>,
      tpu.vector_store %arg7[%swap3A], %add3A_427 {strides = array<i32>} : memref<2048xi32, #tpu.memory_space<vmem>>, vector<16xi32>,
      %scan3A_429 = arith.constant 0 : i32
      scf.yield %scan3A_429 : i32
    }
    %scan3A_117 = arith.constant 128 : i32
    %dma_start3A_118 = arith.constant 0 : i32
    %dma_start3A_119 = tpu.memref_slice %arg3[%dma_start3A_118] : memref<139536xf32, #tpu.memory_space<hbm>> -> memref<139536xf32, #tpu.memory_space<hbm>>
    tpu.enqueue_indirect_dma source(%dma_start3A_119 : memref<139536xf32, #tpu.memory_space<hbm>>) target(%arg10 : memref<2048xf32, #tpu.memory_space<vmem>>) offsets(%arg7 : memref<2048xi32, #tpu.memory_space<vmem>>) semaphore(%arg14 : memref<!tpu.dma_semaphore, #tpu.memory_space<semaphore_mem>>)
    %dma_wait3A_120 = arith.constant 0 : i32
    %dma_wait3A_121 = tpu.memref_slice %arg3[%dma_wait3A_120] : memref<139536xf32, #tpu.memory_space<hbm>> -> memref<139536xf32, #tpu.memory_space<hbm>>
    tpu.wait_indirect_dma semaphore(%arg15 : memref<!tpu.dma_semaphore, #tpu.memory_space<semaphore_mem>>) src(%dma_wait3A_121 : memref<139536xf32, #tpu.memory_space<hbm>>) dst(%arg11 : memref<2048xf32, #tpu.memory_space<vmem>>)
    %add3A_122 = arith.constant 327680 : i32
    %add3A_123 = arith.addi %add3A_122, %mul3A_2 : i32
    %dma_start3A_124 = tpu.memref_slice %arg5[%add3A_123] : memref<2097152xf32, #tpu.memory_space<hbm>> -> memref<2048xf32, #tpu.memory_space<hbm>>
    %dma_start3A_125 = tpu.memref_slice %arg5[%add3A_123] : memref<2097152xf32, #tpu.memory_space<hbm>> -> memref<2048xf32, #tpu.memory_space<hbm>>
    tpu.enqueue_dma source(%arg11 : memref<2048xf32, #tpu.memory_space<vmem>>) target(%dma_start3A_125 : memref<2048xf32, #tpu.memory_space<hbm>>) target_semaphore(%arg18 : memref<!tpu.dma_semaphore, #tpu.memory_space<semaphore_mem>>)
    %dma_wait3A_126 = tpu.memref_slice %arg5[%add3A_123] : memref<2097152xf32, #tpu.memory_space<hbm>> -> memref<2048xf32, #tpu.memory_space<hbm>>
    %dma_wait3A_127 = tpu.memref_slice %arg5[%add3A_123] : memref<2097152xf32, #tpu.memory_space<hbm>> -> memref<2048xf32, #tpu.memory_space<hbm>>
    tpu.wait_dma2 semaphore(%arg18 : memref<!tpu.dma_semaphore, #tpu.memory_space<semaphore_mem>>) src(%arg11 : memref<2048xf32, #tpu.memory_space<vmem>>) dst(%dma_wait3A_127 : memref<2048xf32, #tpu.memory_space<hbm>>)
    %scan3A_128 = arith.constant 0 : i32
    %scan3A_129 = arith.constant 0 : i32
    %scan3A_130 = arith.constant 128 : i32
    %scan3A_131 = arith.addi %scan3A_129, %scan3A_130 : i32
    %scan3A_132 = arith.constant 1 : i32
    %scan3A_133 = scf.for %scan3A_420 = %scan3A_129 to %scan3A_131 step %scan3A_132 iter_args(%scan3A_421 = %scan3A_128) -> (i32)  : i32 {
      %mul3A_422 = arith.constant 16 : i32
      %mul3A_423 = arith.muli %scan3A_420, %mul3A_422 : i32
      %get3A = arith.index_cast %mul3A_423 : i32 to index
      %get3A_424 = tpu.vector_load %arg12[%get3A] {strides = array<i32>} : memref<2048xi32, #tpu.memory_space<vmem>>, vector<16xi32>,
      %add3A_425 = arith.constant 2055 : i32
      %add3A_426 = vector.broadcast %add3A_425 : i32 to vector<16xi32>
      %add3A_427 = arith.addi %get3A_424, %add3A_426 : vector<16xi32>
      %swap3A = arith.index_cast %mul3A_423 : i32 to index
      %swap3A_428 = tpu.vector_load %arg8[%swap3A] {strides = array<i32>} : memref<2048xi32, #tpu.memory_space<vmem>>, vector<16xi32>,
      tpu.vector_store %arg8[%swap3A], %add3A_427 {strides = array<i32>} : memref<2048xi32, #tpu.memory_space<vmem>>, vector<16xi32>,
      %scan3A_429 = arith.constant 0 : i32
      scf.yield %scan3A_429 : i32
    }
    %scan3A_134 = arith.constant 128 : i32
    %dma_start3A_135 = arith.constant 0 : i32
    %dma_start3A_136 = tpu.memref_slice %arg3[%dma_start3A_135] : memref<139536xf32, #tpu.memory_space<hbm>> -> memref<139536xf32, #tpu.memory_space<hbm>>
    tpu.enqueue_indirect_dma source(%dma_start3A_136 : memref<139536xf32, #tpu.memory_space<hbm>>) target(%arg11 : memref<2048xf32, #tpu.memory_space<vmem>>) offsets(%arg8 : memref<2048xi32, #tpu.memory_space<vmem>>) semaphore(%arg15 : memref<!tpu.dma_semaphore, #tpu.memory_space<semaphore_mem>>)
    %dma_wait3A_137 = arith.constant 0 : i32
    %dma_wait3A_138 = tpu.memref_slice %arg3[%dma_wait3A_137] : memref<139536xf32, #tpu.memory_space<hbm>> -> memref<139536xf32, #tpu.memory_space<hbm>>
    tpu.wait_indirect_dma semaphore(%arg13 : memref<!tpu.dma_semaphore, #tpu.memory_space<semaphore_mem>>) src(%dma_wait3A_138 : memref<139536xf32, #tpu.memory_space<hbm>>) dst(%arg9 : memref<2048xf32, #tpu.memory_space<vmem>>)
    %add3A_139 = arith.constant 393216 : i32
    %add3A_140 = arith.addi %add3A_139, %mul3A_2 : i32
    %dma_start3A_141 = tpu.memref_slice %arg5[%add3A_140] : memref<2097152xf32, #tpu.memory_space<hbm>> -> memref<2048xf32, #tpu.memory_space<hbm>>
    %dma_start3A_142 = tpu.memref_slice %arg5[%add3A_140] : memref<2097152xf32, #tpu.memory_space<hbm>> -> memref<2048xf32, #tpu.memory_space<hbm>>
    tpu.enqueue_dma source(%arg9 : memref<2048xf32, #tpu.memory_space<vmem>>) target(%dma_start3A_142 : memref<2048xf32, #tpu.memory_space<hbm>>) target_semaphore(%arg16 : memref<!tpu.dma_semaphore, #tpu.memory_space<semaphore_mem>>)
    %dma_wait3A_143 = tpu.memref_slice %arg5[%add3A_140] : memref<2097152xf32, #tpu.memory_space<hbm>> -> memref<2048xf32, #tpu.memory_space<hbm>>
    %dma_wait3A_144 = tpu.memref_slice %arg5[%add3A_140] : memref<2097152xf32, #tpu.memory_space<hbm>> -> memref<2048xf32, #tpu.memory_space<hbm>>
    tpu.wait_dma2 semaphore(%arg16 : memref<!tpu.dma_semaphore, #tpu.memory_space<semaphore_mem>>) src(%arg9 : memref<2048xf32, #tpu.memory_space<vmem>>) dst(%dma_wait3A_144 : memref<2048xf32, #tpu.memory_space<hbm>>)
    %scan3A_145 = arith.constant 0 : i32
    %scan3A_146 = arith.constant 0 : i32
    %scan3A_147 = arith.constant 128 : i32
    %scan3A_148 = arith.addi %scan3A_146, %scan3A_147 : i32
    %scan3A_149 = arith.constant 1 : i32
    %scan3A_150 = scf.for %scan3A_420 = %scan3A_146 to %scan3A_148 step %scan3A_149 iter_args(%scan3A_421 = %scan3A_145) -> (i32)  : i32 {
      %mul3A_422 = arith.constant 16 : i32
      %mul3A_423 = arith.muli %scan3A_420, %mul3A_422 : i32
      %get3A = arith.index_cast %mul3A_423 : i32 to index
      %get3A_424 = tpu.vector_load %arg12[%get3A] {strides = array<i32>} : memref<2048xi32, #tpu.memory_space<vmem>>, vector<16xi32>,
      %add3A_425 = arith.constant 2056 : i32
      %add3A_426 = vector.broadcast %add3A_425 : i32 to vector<16xi32>
      %add3A_427 = arith.addi %get3A_424, %add3A_426 : vector<16xi32>
      %swap3A = arith.index_cast %mul3A_423 : i32 to index
      %swap3A_428 = tpu.vector_load %arg6[%swap3A] {strides = array<i32>} : memref<2048xi32, #tpu.memory_space<vmem>>, vector<16xi32>,
      tpu.vector_store %arg6[%swap3A], %add3A_427 {strides = array<i32>} : memref<2048xi32, #tpu.memory_space<vmem>>, vector<16xi32>,
      %scan3A_429 = arith.constant 0 : i32
      scf.yield %scan3A_429 : i32
    }
    %scan3A_151 = arith.constant 128 : i32
    %dma_start3A_152 = arith.constant 0 : i32
    %dma_start3A_153 = tpu.memref_slice %arg3[%dma_start3A_152] : memref<139536xf32, #tpu.memory_space<hbm>> -> memref<139536xf32, #tpu.memory_space<hbm>>
    tpu.enqueue_indirect_dma source(%dma_start3A_153 : memref<139536xf32, #tpu.memory_space<hbm>>) target(%arg9 : memref<2048xf32, #tpu.memory_space<vmem>>) offsets(%arg6 : memref<2048xi32, #tpu.memory_space<vmem>>) semaphore(%arg13 : memref<!tpu.dma_semaphore, #tpu.memory_space<semaphore_mem>>)
    %dma_wait3A_154 = arith.constant 0 : i32
    %dma_wait3A_155 = tpu.memref_slice %arg3[%dma_wait3A_154] : memref<139536xf32, #tpu.memory_space<hbm>> -> memref<139536xf32, #tpu.memory_space<hbm>>
    tpu.wait_indirect_dma semaphore(%arg14 : memref<!tpu.dma_semaphore, #tpu.memory_space<semaphore_mem>>) src(%dma_wait3A_155 : memref<139536xf32, #tpu.memory_space<hbm>>) dst(%arg10 : memref<2048xf32, #tpu.memory_space<vmem>>)
    %add3A_156 = arith.constant 458752 : i32
    %add3A_157 = arith.addi %add3A_156, %mul3A_2 : i32
    %dma_start3A_158 = tpu.memref_slice %arg5[%add3A_157] : memref<2097152xf32, #tpu.memory_space<hbm>> -> memref<2048xf32, #tpu.memory_space<hbm>>
    %dma_start3A_159 = tpu.memref_slice %arg5[%add3A_157] : memref<2097152xf32, #tpu.memory_space<hbm>> -> memref<2048xf32, #tpu.memory_space<hbm>>
    tpu.enqueue_dma source(%arg10 : memref<2048xf32, #tpu.memory_space<vmem>>) target(%dma_start3A_159 : memref<2048xf32, #tpu.memory_space<hbm>>) target_semaphore(%arg17 : memref<!tpu.dma_semaphore, #tpu.memory_space<semaphore_mem>>)
    %dma_wait3A_160 = tpu.memref_slice %arg5[%add3A_157] : memref<2097152xf32, #tpu.memory_space<hbm>> -> memref<2048xf32, #tpu.memory_space<hbm>>
    %dma_wait3A_161 = tpu.memref_slice %arg5[%add3A_157] : memref<2097152xf32, #tpu.memory_space<hbm>> -> memref<2048xf32, #tpu.memory_space<hbm>>
    tpu.wait_dma2 semaphore(%arg17 : memref<!tpu.dma_semaphore, #tpu.memory_space<semaphore_mem>>) src(%arg10 : memref<2048xf32, #tpu.memory_space<vmem>>) dst(%dma_wait3A_161 : memref<2048xf32, #tpu.memory_space<hbm>>)
    %scan3A_162 = arith.constant 0 : i32
    %scan3A_163 = arith.constant 0 : i32
    %scan3A_164 = arith.constant 128 : i32
    %scan3A_165 = arith.addi %scan3A_163, %scan3A_164 : i32
    %scan3A_166 = arith.constant 1 : i32
    %scan3A_167 = scf.for %scan3A_420 = %scan3A_163 to %scan3A_165 step %scan3A_166 iter_args(%scan3A_421 = %scan3A_162) -> (i32)  : i32 {
      %mul3A_422 = arith.constant 16 : i32
      %mul3A_423 = arith.muli %scan3A_420, %mul3A_422 : i32
      %get3A = arith.index_cast %mul3A_423 : i32 to index
      %get3A_424 = tpu.vector_load %arg12[%get3A] {strides = array<i32>} : memref<2048xi32, #tpu.memory_space<vmem>>, vector<16xi32>,
      %add3A_425 = arith.constant 4104 : i32
      %add3A_426 = vector.broadcast %add3A_425 : i32 to vector<16xi32>
      %add3A_427 = arith.addi %get3A_424, %add3A_426 : vector<16xi32>
      %swap3A = arith.index_cast %mul3A_423 : i32 to index
      %swap3A_428 = tpu.vector_load %arg7[%swap3A] {strides = array<i32>} : memref<2048xi32, #tpu.memory_space<vmem>>, vector<16xi32>,
      tpu.vector_store %arg7[%swap3A], %add3A_427 {strides = array<i32>} : memref<2048xi32, #tpu.memory_space<vmem>>, vector<16xi32>,
      %scan3A_429 = arith.constant 0 : i32
      scf.yield %scan3A_429 : i32
    }
    %scan3A_168 = arith.constant 128 : i32
    %dma_start3A_169 = arith.constant 0 : i32
    %dma_start3A_170 = tpu.memref_slice %arg3[%dma_start3A_169] : memref<139536xf32, #tpu.memory_space<hbm>> -> memref<139536xf32, #tpu.memory_space<hbm>>
    tpu.enqueue_indirect_dma source(%dma_start3A_170 : memref<139536xf32, #tpu.memory_space<hbm>>) target(%arg10 : memref<2048xf32, #tpu.memory_space<vmem>>) offsets(%arg7 : memref<2048xi32, #tpu.memory_space<vmem>>) semaphore(%arg14 : memref<!tpu.dma_semaphore, #tpu.memory_space<semaphore_mem>>)
    %dma_wait3A_171 = arith.constant 0 : i32
    %dma_wait3A_172 = tpu.memref_slice %arg3[%dma_wait3A_171] : memref<139536xf32, #tpu.memory_space<hbm>> -> memref<139536xf32, #tpu.memory_space<hbm>>
    tpu.wait_indirect_dma semaphore(%arg15 : memref<!tpu.dma_semaphore, #tpu.memory_space<semaphore_mem>>) src(%dma_wait3A_172 : memref<139536xf32, #tpu.memory_space<hbm>>) dst(%arg11 : memref<2048xf32, #tpu.memory_space<vmem>>)
    %add3A_173 = arith.constant 524288 : i32
    %add3A_174 = arith.addi %add3A_173, %mul3A_2 : i32
    %dma_start3A_175 = tpu.memref_slice %arg5[%add3A_174] : memref<2097152xf32, #tpu.memory_space<hbm>> -> memref<2048xf32, #tpu.memory_space<hbm>>
    %dma_start3A_176 = tpu.memref_slice %arg5[%add3A_174] : memref<2097152xf32, #tpu.memory_space<hbm>> -> memref<2048xf32, #tpu.memory_space<hbm>>
    tpu.enqueue_dma source(%arg11 : memref<2048xf32, #tpu.memory_space<vmem>>) target(%dma_start3A_176 : memref<2048xf32, #tpu.memory_space<hbm>>) target_semaphore(%arg18 : memref<!tpu.dma_semaphore, #tpu.memory_space<semaphore_mem>>)
    %dma_wait3A_177 = tpu.memref_slice %arg5[%add3A_174] : memref<2097152xf32, #tpu.memory_space<hbm>> -> memref<2048xf32, #tpu.memory_space<hbm>>
    %dma_wait3A_178 = tpu.memref_slice %arg5[%add3A_174] : memref<2097152xf32, #tpu.memory_space<hbm>> -> memref<2048xf32, #tpu.memory_space<hbm>>
    tpu.wait_dma2 semaphore(%arg18 : memref<!tpu.dma_semaphore, #tpu.memory_space<semaphore_mem>>) src(%arg11 : memref<2048xf32, #tpu.memory_space<vmem>>) dst(%dma_wait3A_178 : memref<2048xf32, #tpu.memory_space<hbm>>)
    %scan3A_179 = arith.constant 0 : i32
    %scan3A_180 = arith.constant 0 : i32
    %scan3A_181 = arith.constant 128 : i32
    %scan3A_182 = arith.addi %scan3A_180, %scan3A_181 : i32
    %scan3A_183 = arith.constant 1 : i32
    %scan3A_184 = scf.for %scan3A_420 = %scan3A_180 to %scan3A_182 step %scan3A_183 iter_args(%scan3A_421 = %scan3A_179) -> (i32)  : i32 {
      %mul3A_422 = arith.constant 16 : i32
      %mul3A_423 = arith.muli %scan3A_420, %mul3A_422 : i32
      %get3A = arith.index_cast %mul3A_423 : i32 to index
      %get3A_424 = tpu.vector_load %arg12[%get3A] {strides = array<i32>} : memref<2048xi32, #tpu.memory_space<vmem>>, vector<16xi32>,
      %add3A_425 = arith.constant 4105 : i32
      %add3A_426 = vector.broadcast %add3A_425 : i32 to vector<16xi32>
      %add3A_427 = arith.addi %get3A_424, %add3A_426 : vector<16xi32>
      %swap3A = arith.index_cast %mul3A_423 : i32 to index
      %swap3A_428 = tpu.vector_load %arg8[%swap3A] {strides = array<i32>} : memref<2048xi32, #tpu.memory_space<vmem>>, vector<16xi32>,
      tpu.vector_store %arg8[%swap3A], %add3A_427 {strides = array<i32>} : memref<2048xi32, #tpu.memory_space<vmem>>, vector<16xi32>,
      %scan3A_429 = arith.constant 0 : i32
      scf.yield %scan3A_429 : i32
    }
    %scan3A_185 = arith.constant 128 : i32
    %dma_start3A_186 = arith.constant 0 : i32
    %dma_start3A_187 = tpu.memref_slice %arg3[%dma_start3A_186] : memref<139536xf32, #tpu.memory_space<hbm>> -> memref<139536xf32, #tpu.memory_space<hbm>>
    tpu.enqueue_indirect_dma source(%dma_start3A_187 : memref<139536xf32, #tpu.memory_space<hbm>>) target(%arg11 : memref<2048xf32, #tpu.memory_space<vmem>>) offsets(%arg8 : memref<2048xi32, #tpu.memory_space<vmem>>) semaphore(%arg15 : memref<!tpu.dma_semaphore, #tpu.memory_space<semaphore_mem>>)
    %dma_wait3A_188 = arith.constant 0 : i32
    %dma_wait3A_189 = tpu.memref_slice %arg3[%dma_wait3A_188] : memref<139536xf32, #tpu.memory_space<hbm>> -> memref<139536xf32, #tpu.memory_space<hbm>>
    tpu.wait_indirect_dma semaphore(%arg13 : memref<!tpu.dma_semaphore, #tpu.memory_space<semaphore_mem>>) src(%dma_wait3A_189 : memref<139536xf32, #tpu.memory_space<hbm>>) dst(%arg9 : memref<2048xf32, #tpu.memory_space<vmem>>)
    %add3A_190 = arith.constant 589824 : i32
    %add3A_191 = arith.addi %add3A_190, %mul3A_2 : i32
    %dma_start3A_192 = tpu.memref_slice %arg5[%add3A_191] : memref<2097152xf32, #tpu.memory_space<hbm>> -> memref<2048xf32, #tpu.memory_space<hbm>>
    %dma_start3A_193 = tpu.memref_slice %arg5[%add3A_191] : memref<2097152xf32, #tpu.memory_space<hbm>> -> memref<2048xf32, #tpu.memory_space<hbm>>
    tpu.enqueue_dma source(%arg9 : memref<2048xf32, #tpu.memory_space<vmem>>) target(%dma_start3A_193 : memref<2048xf32, #tpu.memory_space<hbm>>) target_semaphore(%arg16 : memref<!tpu.dma_semaphore, #tpu.memory_space<semaphore_mem>>)
    %dma_wait3A_194 = tpu.memref_slice %arg5[%add3A_191] : memref<2097152xf32, #tpu.memory_space<hbm>> -> memref<2048xf32, #tpu.memory_space<hbm>>
    %dma_wait3A_195 = tpu.memref_slice %arg5[%add3A_191] : memref<2097152xf32, #tpu.memory_space<hbm>> -> memref<2048xf32, #tpu.memory_space<hbm>>
    tpu.wait_dma2 semaphore(%arg16 : memref<!tpu.dma_semaphore, #tpu.memory_space<semaphore_mem>>) src(%arg9 : memref<2048xf32, #tpu.memory_space<vmem>>) dst(%dma_wait3A_195 : memref<2048xf32, #tpu.memory_space<hbm>>)
    %scan3A_196 = arith.constant 0 : i32
    %scan3A_197 = arith.constant 0 : i32
    %scan3A_198 = arith.constant 128 : i32
    %scan3A_199 = arith.addi %scan3A_197, %scan3A_198 : i32
    %scan3A_200 = arith.constant 1 : i32
    %scan3A_201 = scf.for %scan3A_420 = %scan3A_197 to %scan3A_199 step %scan3A_200 iter_args(%scan3A_421 = %scan3A_196) -> (i32)  : i32 {
      %mul3A_422 = arith.constant 16 : i32
      %mul3A_423 = arith.muli %scan3A_420, %mul3A_422 : i32
      %get3A = arith.index_cast %mul3A_423 : i32 to index
      %get3A_424 = tpu.vector_load %arg12[%get3A] {strides = array<i32>} : memref<2048xi32, #tpu.memory_space<vmem>>, vector<16xi32>,
      %add3A_425 = arith.constant 4107 : i32
      %add3A_426 = vector.broadcast %add3A_425 : i32 to vector<16xi32>
      %add3A_427 = arith.addi %get3A_424, %add3A_426 : vector<16xi32>
      %swap3A = arith.index_cast %mul3A_423 : i32 to index
      %swap3A_428 = tpu.vector_load %arg6[%swap3A] {strides = array<i32>} : memref<2048xi32, #tpu.memory_space<vmem>>, vector<16xi32>,
      tpu.vector_store %arg6[%swap3A], %add3A_427 {strides = array<i32>} : memref<2048xi32, #tpu.memory_space<vmem>>, vector<16xi32>,
      %scan3A_429 = arith.constant 0 : i32
      scf.yield %scan3A_429 : i32
    }
    %scan3A_202 = arith.constant 128 : i32
    %dma_start3A_203 = arith.constant 0 : i32
    %dma_start3A_204 = tpu.memref_slice %arg3[%dma_start3A_203] : memref<139536xf32, #tpu.memory_space<hbm>> -> memref<139536xf32, #tpu.memory_space<hbm>>
    tpu.enqueue_indirect_dma source(%dma_start3A_204 : memref<139536xf32, #tpu.memory_space<hbm>>) target(%arg9 : memref<2048xf32, #tpu.memory_space<vmem>>) offsets(%arg6 : memref<2048xi32, #tpu.memory_space<vmem>>) semaphore(%arg13 : memref<!tpu.dma_semaphore, #tpu.memory_space<semaphore_mem>>)
    %dma_wait3A_205 = arith.constant 0 : i32
    %dma_wait3A_206 = tpu.memref_slice %arg3[%dma_wait3A_205] : memref<139536xf32, #tpu.memory_space<hbm>> -> memref<139536xf32, #tpu.memory_space<hbm>>
    tpu.wait_indirect_dma semaphore(%arg14 : memref<!tpu.dma_semaphore, #tpu.memory_space<semaphore_mem>>) src(%dma_wait3A_206 : memref<139536xf32, #tpu.memory_space<hbm>>) dst(%arg10 : memref<2048xf32, #tpu.memory_space<vmem>>)
    %add3A_207 = arith.constant 655360 : i32
    %add3A_208 = arith.addi %add3A_207, %mul3A_2 : i32
    %dma_start3A_209 = tpu.memref_slice %arg5[%add3A_208] : memref<2097152xf32, #tpu.memory_space<hbm>> -> memref<2048xf32, #tpu.memory_space<hbm>>
    %dma_start3A_210 = tpu.memref_slice %arg5[%add3A_208] : memref<2097152xf32, #tpu.memory_space<hbm>> -> memref<2048xf32, #tpu.memory_space<hbm>>
    tpu.enqueue_dma source(%arg10 : memref<2048xf32, #tpu.memory_space<vmem>>) target(%dma_start3A_210 : memref<2048xf32, #tpu.memory_space<hbm>>) target_semaphore(%arg17 : memref<!tpu.dma_semaphore, #tpu.memory_space<semaphore_mem>>)
    %dma_wait3A_211 = tpu.memref_slice %arg5[%add3A_208] : memref<2097152xf32, #tpu.memory_space<hbm>> -> memref<2048xf32, #tpu.memory_space<hbm>>
    %dma_wait3A_212 = tpu.memref_slice %arg5[%add3A_208] : memref<2097152xf32, #tpu.memory_space<hbm>> -> memref<2048xf32, #tpu.memory_space<hbm>>
    tpu.wait_dma2 semaphore(%arg17 : memref<!tpu.dma_semaphore, #tpu.memory_space<semaphore_mem>>) src(%arg10 : memref<2048xf32, #tpu.memory_space<vmem>>) dst(%dma_wait3A_212 : memref<2048xf32, #tpu.memory_space<hbm>>)
    %scan3A_213 = arith.constant 0 : i32
    %scan3A_214 = arith.constant 0 : i32
    %scan3A_215 = arith.constant 128 : i32
    %scan3A_216 = arith.addi %scan3A_214, %scan3A_215 : i32
    %scan3A_217 = arith.constant 1 : i32
    %scan3A_218 = scf.for %scan3A_420 = %scan3A_214 to %scan3A_216 step %scan3A_217 iter_args(%scan3A_421 = %scan3A_213) -> (i32)  : i32 {
      %mul3A_422 = arith.constant 16 : i32
      %mul3A_423 = arith.muli %scan3A_420, %mul3A_422 : i32
      %get3A = arith.index_cast %mul3A_423 : i32 to index
      %get3A_424 = tpu.vector_load %arg12[%get3A] {strides = array<i32>} : memref<2048xi32, #tpu.memory_space<vmem>>, vector<16xi32>,
      %add3A_425 = arith.constant 4108 : i32
      %add3A_426 = vector.broadcast %add3A_425 : i32 to vector<16xi32>
      %add3A_427 = arith.addi %get3A_424, %add3A_426 : vector<16xi32>
      %swap3A = arith.index_cast %mul3A_423 : i32 to index
      %swap3A_428 = tpu.vector_load %arg7[%swap3A] {strides = array<i32>} : memref<2048xi32, #tpu.memory_space<vmem>>, vector<16xi32>,
      tpu.vector_store %arg7[%swap3A], %add3A_427 {strides = array<i32>} : memref<2048xi32, #tpu.memory_space<vmem>>, vector<16xi32>,
      %scan3A_429 = arith.constant 0 : i32
      scf.yield %scan3A_429 : i32
    }
    %scan3A_219 = arith.constant 128 : i32
    %dma_start3A_220 = arith.constant 0 : i32
    %dma_start3A_221 = tpu.memref_slice %arg3[%dma_start3A_220] : memref<139536xf32, #tpu.memory_space<hbm>> -> memref<139536xf32, #tpu.memory_space<hbm>>
    tpu.enqueue_indirect_dma source(%dma_start3A_221 : memref<139536xf32, #tpu.memory_space<hbm>>) target(%arg10 : memref<2048xf32, #tpu.memory_space<vmem>>) offsets(%arg7 : memref<2048xi32, #tpu.memory_space<vmem>>) semaphore(%arg14 : memref<!tpu.dma_semaphore, #tpu.memory_space<semaphore_mem>>)
    %dma_wait3A_222 = arith.constant 0 : i32
    %dma_wait3A_223 = tpu.memref_slice %arg3[%dma_wait3A_222] : memref<139536xf32, #tpu.memory_space<hbm>> -> memref<139536xf32, #tpu.memory_space<hbm>>
    tpu.wait_indirect_dma semaphore(%arg15 : memref<!tpu.dma_semaphore, #tpu.memory_space<semaphore_mem>>) src(%dma_wait3A_223 : memref<139536xf32, #tpu.memory_space<hbm>>) dst(%arg11 : memref<2048xf32, #tpu.memory_space<vmem>>)
    %add3A_224 = arith.constant 720896 : i32
    %add3A_225 = arith.addi %add3A_224, %mul3A_2 : i32
    %dma_start3A_226 = tpu.memref_slice %arg5[%add3A_225] : memref<2097152xf32, #tpu.memory_space<hbm>> -> memref<2048xf32, #tpu.memory_space<hbm>>
    %dma_start3A_227 = tpu.memref_slice %arg5[%add3A_225] : memref<2097152xf32, #tpu.memory_space<hbm>> -> memref<2048xf32, #tpu.memory_space<hbm>>
    tpu.enqueue_dma source(%arg11 : memref<2048xf32, #tpu.memory_space<vmem>>) target(%dma_start3A_227 : memref<2048xf32, #tpu.memory_space<hbm>>) target_semaphore(%arg18 : memref<!tpu.dma_semaphore, #tpu.memory_space<semaphore_mem>>)
    %dma_wait3A_228 = tpu.memref_slice %arg5[%add3A_225] : memref<2097152xf32, #tpu.memory_space<hbm>> -> memref<2048xf32, #tpu.memory_space<hbm>>
    %dma_wait3A_229 = tpu.memref_slice %arg5[%add3A_225] : memref<2097152xf32, #tpu.memory_space<hbm>> -> memref<2048xf32, #tpu.memory_space<hbm>>
    tpu.wait_dma2 semaphore(%arg18 : memref<!tpu.dma_semaphore, #tpu.memory_space<semaphore_mem>>) src(%arg11 : memref<2048xf32, #tpu.memory_space<vmem>>) dst(%dma_wait3A_229 : memref<2048xf32, #tpu.memory_space<hbm>>)
    %scan3A_230 = arith.constant 0 : i32
    %scan3A_231 = arith.constant 0 : i32
    %scan3A_232 = arith.constant 128 : i32
    %scan3A_233 = arith.addi %scan3A_231, %scan3A_232 : i32
    %scan3A_234 = arith.constant 1 : i32
    %scan3A_235 = scf.for %scan3A_420 = %scan3A_231 to %scan3A_233 step %scan3A_234 iter_args(%scan3A_421 = %scan3A_230) -> (i32)  : i32 {
      %mul3A_422 = arith.constant 16 : i32
      %mul3A_423 = arith.muli %scan3A_420, %mul3A_422 : i32
      %get3A = arith.index_cast %mul3A_423 : i32 to index
      %get3A_424 = tpu.vector_load %arg12[%get3A] {strides = array<i32>} : memref<2048xi32, #tpu.memory_space<vmem>>, vector<16xi32>,
      %add3A_425 = arith.constant 6156 : i32
      %add3A_426 = vector.broadcast %add3A_425 : i32 to vector<16xi32>
      %add3A_427 = arith.addi %get3A_424, %add3A_426 : vector<16xi32>
      %swap3A = arith.index_cast %mul3A_423 : i32 to index
      %swap3A_428 = tpu.vector_load %arg8[%swap3A] {strides = array<i32>} : memref<2048xi32, #tpu.memory_space<vmem>>, vector<16xi32>,
      tpu.vector_store %arg8[%swap3A], %add3A_427 {strides = array<i32>} : memref<2048xi32, #tpu.memory_space<vmem>>, vector<16xi32>,
      %scan3A_429 = arith.constant 0 : i32
      scf.yield %scan3A_429 : i32
    }
    %scan3A_236 = arith.constant 128 : i32
    %dma_start3A_237 = arith.constant 0 : i32
    %dma_start3A_238 = tpu.memref_slice %arg3[%dma_start3A_237] : memref<139536xf32, #tpu.memory_space<hbm>> -> memref<139536xf32, #tpu.memory_space<hbm>>
    tpu.enqueue_indirect_dma source(%dma_start3A_238 : memref<139536xf32, #tpu.memory_space<hbm>>) target(%arg11 : memref<2048xf32, #tpu.memory_space<vmem>>) offsets(%arg8 : memref<2048xi32, #tpu.memory_space<vmem>>) semaphore(%arg15 : memref<!tpu.dma_semaphore, #tpu.memory_space<semaphore_mem>>)
    %dma_wait3A_239 = arith.constant 0 : i32
    %dma_wait3A_240 = tpu.memref_slice %arg3[%dma_wait3A_239] : memref<139536xf32, #tpu.memory_space<hbm>> -> memref<139536xf32, #tpu.memory_space<hbm>>
    tpu.wait_indirect_dma semaphore(%arg13 : memref<!tpu.dma_semaphore, #tpu.memory_space<semaphore_mem>>) src(%dma_wait3A_240 : memref<139536xf32, #tpu.memory_space<hbm>>) dst(%arg9 : memref<2048xf32, #tpu.memory_space<vmem>>)
    %add3A_241 = arith.constant 851968 : i32
    %add3A_242 = arith.addi %add3A_241, %mul3A_2 : i32
    %dma_start3A_243 = tpu.memref_slice %arg5[%add3A_242] : memref<2097152xf32, #tpu.memory_space<hbm>> -> memref<2048xf32, #tpu.memory_space<hbm>>
    %dma_start3A_244 = tpu.memref_slice %arg5[%add3A_242] : memref<2097152xf32, #tpu.memory_space<hbm>> -> memref<2048xf32, #tpu.memory_space<hbm>>
    tpu.enqueue_dma source(%arg9 : memref<2048xf32, #tpu.memory_space<vmem>>) target(%dma_start3A_244 : memref<2048xf32, #tpu.memory_space<hbm>>) target_semaphore(%arg16 : memref<!tpu.dma_semaphore, #tpu.memory_space<semaphore_mem>>)
    %dma_wait3A_245 = tpu.memref_slice %arg5[%add3A_242] : memref<2097152xf32, #tpu.memory_space<hbm>> -> memref<2048xf32, #tpu.memory_space<hbm>>
    %dma_wait3A_246 = tpu.memref_slice %arg5[%add3A_242] : memref<2097152xf32, #tpu.memory_space<hbm>> -> memref<2048xf32, #tpu.memory_space<hbm>>
    tpu.wait_dma2 semaphore(%arg16 : memref<!tpu.dma_semaphore, #tpu.memory_space<semaphore_mem>>) src(%arg9 : memref<2048xf32, #tpu.memory_space<vmem>>) dst(%dma_wait3A_246 : memref<2048xf32, #tpu.memory_space<hbm>>)
    %scan3A_247 = arith.constant 0 : i32
    %scan3A_248 = arith.constant 0 : i32
    %scan3A_249 = arith.constant 128 : i32
    %scan3A_250 = arith.addi %scan3A_248, %scan3A_249 : i32
    %scan3A_251 = arith.constant 1 : i32
    %scan3A_252 = scf.for %scan3A_420 = %scan3A_248 to %scan3A_250 step %scan3A_251 iter_args(%scan3A_421 = %scan3A_247) -> (i32)  : i32 {
      %mul3A_422 = arith.constant 16 : i32
      %mul3A_423 = arith.muli %scan3A_420, %mul3A_422 : i32
      %get3A = arith.index_cast %mul3A_423 : i32 to index
      %get3A_424 = tpu.vector_load %arg12[%get3A] {strides = array<i32>} : memref<2048xi32, #tpu.memory_space<vmem>>, vector<16xi32>,
      %add3A_425 = arith.constant 6157 : i32
      %add3A_426 = vector.broadcast %add3A_425 : i32 to vector<16xi32>
      %add3A_427 = arith.addi %get3A_424, %add3A_426 : vector<16xi32>
      %swap3A = arith.index_cast %mul3A_423 : i32 to index
      %swap3A_428 = tpu.vector_load %arg6[%swap3A] {strides = array<i32>} : memref<2048xi32, #tpu.memory_space<vmem>>, vector<16xi32>,
      tpu.vector_store %arg6[%swap3A], %add3A_427 {strides = array<i32>} : memref<2048xi32, #tpu.memory_space<vmem>>, vector<16xi32>,
      %scan3A_429 = arith.constant 0 : i32
      scf.yield %scan3A_429 : i32
    }
    %scan3A_253 = arith.constant 128 : i32
    %dma_start3A_254 = arith.constant 0 : i32
    %dma_start3A_255 = tpu.memref_slice %arg3[%dma_start3A_254] : memref<139536xf32, #tpu.memory_space<hbm>> -> memref<139536xf32, #tpu.memory_space<hbm>>
    tpu.enqueue_indirect_dma source(%dma_start3A_255 : memref<139536xf32, #tpu.memory_space<hbm>>) target(%arg9 : memref<2048xf32, #tpu.memory_space<vmem>>) offsets(%arg6 : memref<2048xi32, #tpu.memory_space<vmem>>) semaphore(%arg13 : memref<!tpu.dma_semaphore, #tpu.memory_space<semaphore_mem>>)
    %dma_wait3A_256 = arith.constant 0 : i32
    %dma_wait3A_257 = tpu.memref_slice %arg3[%dma_wait3A_256] : memref<139536xf32, #tpu.memory_space<hbm>> -> memref<139536xf32, #tpu.memory_space<hbm>>
    tpu.wait_indirect_dma semaphore(%arg14 : memref<!tpu.dma_semaphore, #tpu.memory_space<semaphore_mem>>) src(%dma_wait3A_257 : memref<139536xf32, #tpu.memory_space<hbm>>) dst(%arg10 : memref<2048xf32, #tpu.memory_space<vmem>>)
    %add3A_258 = arith.constant 917504 : i32
    %add3A_259 = arith.addi %add3A_258, %mul3A_2 : i32
    %dma_start3A_260 = tpu.memref_slice %arg5[%add3A_259] : memref<2097152xf32, #tpu.memory_space<hbm>> -> memref<2048xf32, #tpu.memory_space<hbm>>
    %dma_start3A_261 = tpu.memref_slice %arg5[%add3A_259] : memref<2097152xf32, #tpu.memory_space<hbm>> -> memref<2048xf32, #tpu.memory_space<hbm>>
    tpu.enqueue_dma source(%arg10 : memref<2048xf32, #tpu.memory_space<vmem>>) target(%dma_start3A_261 : memref<2048xf32, #tpu.memory_space<hbm>>) target_semaphore(%arg17 : memref<!tpu.dma_semaphore, #tpu.memory_space<semaphore_mem>>)
    %dma_wait3A_262 = tpu.memref_slice %arg5[%add3A_259] : memref<2097152xf32, #tpu.memory_space<hbm>> -> memref<2048xf32, #tpu.memory_space<hbm>>
    %dma_wait3A_263 = tpu.memref_slice %arg5[%add3A_259] : memref<2097152xf32, #tpu.memory_space<hbm>> -> memref<2048xf32, #tpu.memory_space<hbm>>
    tpu.wait_dma2 semaphore(%arg17 : memref<!tpu.dma_semaphore, #tpu.memory_space<semaphore_mem>>) src(%arg10 : memref<2048xf32, #tpu.memory_space<vmem>>) dst(%dma_wait3A_263 : memref<2048xf32, #tpu.memory_space<hbm>>)
    %scan3A_264 = arith.constant 0 : i32
    %scan3A_265 = arith.constant 0 : i32
    %scan3A_266 = arith.constant 128 : i32
    %scan3A_267 = arith.addi %scan3A_265, %scan3A_266 : i32
    %scan3A_268 = arith.constant 1 : i32
    %scan3A_269 = scf.for %scan3A_420 = %scan3A_265 to %scan3A_267 step %scan3A_268 iter_args(%scan3A_421 = %scan3A_264) -> (i32)  : i32 {
      %mul3A_422 = arith.constant 16 : i32
      %mul3A_423 = arith.muli %scan3A_420, %mul3A_422 : i32
      %get3A = arith.index_cast %mul3A_423 : i32 to index
      %get3A_424 = tpu.vector_load %arg12[%get3A] {strides = array<i32>} : memref<2048xi32, #tpu.memory_space<vmem>>, vector<16xi32>,
      %add3A_425 = arith.constant 6158 : i32
      %add3A_426 = vector.broadcast %add3A_425 : i32 to vector<16xi32>
      %add3A_427 = arith.addi %get3A_424, %add3A_426 : vector<16xi32>
      %swap3A = arith.index_cast %mul3A_423 : i32 to index
      %swap3A_428 = tpu.vector_load %arg7[%swap3A] {strides = array<i32>} : memref<2048xi32, #tpu.memory_space<vmem>>, vector<16xi32>,
      tpu.vector_store %arg7[%swap3A], %add3A_427 {strides = array<i32>} : memref<2048xi32, #tpu.memory_space<vmem>>, vector<16xi32>,
      %scan3A_429 = arith.constant 0 : i32
      scf.yield %scan3A_429 : i32
    }
    %scan3A_270 = arith.constant 128 : i32
    %dma_start3A_271 = arith.constant 0 : i32
    %dma_start3A_272 = tpu.memref_slice %arg3[%dma_start3A_271] : memref<139536xf32, #tpu.memory_space<hbm>> -> memref<139536xf32, #tpu.memory_space<hbm>>
    tpu.enqueue_indirect_dma source(%dma_start3A_272 : memref<139536xf32, #tpu.memory_space<hbm>>) target(%arg10 : memref<2048xf32, #tpu.memory_space<vmem>>) offsets(%arg7 : memref<2048xi32, #tpu.memory_space<vmem>>) semaphore(%arg14 : memref<!tpu.dma_semaphore, #tpu.memory_space<semaphore_mem>>)
    %dma_wait3A_273 = arith.constant 0 : i32
    %dma_wait3A_274 = tpu.memref_slice %arg3[%dma_wait3A_273] : memref<139536xf32, #tpu.memory_space<hbm>> -> memref<139536xf32, #tpu.memory_space<hbm>>
    tpu.wait_indirect_dma semaphore(%arg15 : memref<!tpu.dma_semaphore, #tpu.memory_space<semaphore_mem>>) src(%dma_wait3A_274 : memref<139536xf32, #tpu.memory_space<hbm>>) dst(%arg11 : memref<2048xf32, #tpu.memory_space<vmem>>)
    %add3A_275 = arith.constant 983040 : i32
    %add3A_276 = arith.addi %add3A_275, %mul3A_2 : i32
    %dma_start3A_277 = tpu.memref_slice %arg5[%add3A_276] : memref<2097152xf32, #tpu.memory_space<hbm>> -> memref<2048xf32, #tpu.memory_space<hbm>>
    %dma_start3A_278 = tpu.memref_slice %arg5[%add3A_276] : memref<2097152xf32, #tpu.memory_space<hbm>> -> memref<2048xf32, #tpu.memory_space<hbm>>
    tpu.enqueue_dma source(%arg11 : memref<2048xf32, #tpu.memory_space<vmem>>) target(%dma_start3A_278 : memref<2048xf32, #tpu.memory_space<hbm>>) target_semaphore(%arg18 : memref<!tpu.dma_semaphore, #tpu.memory_space<semaphore_mem>>)
    %dma_wait3A_279 = tpu.memref_slice %arg5[%add3A_276] : memref<2097152xf32, #tpu.memory_space<hbm>> -> memref<2048xf32, #tpu.memory_space<hbm>>
    %dma_wait3A_280 = tpu.memref_slice %arg5[%add3A_276] : memref<2097152xf32, #tpu.memory_space<hbm>> -> memref<2048xf32, #tpu.memory_space<hbm>>
    tpu.wait_dma2 semaphore(%arg18 : memref<!tpu.dma_semaphore, #tpu.memory_space<semaphore_mem>>) src(%arg11 : memref<2048xf32, #tpu.memory_space<vmem>>) dst(%dma_wait3A_280 : memref<2048xf32, #tpu.memory_space<hbm>>)
    %scan3A_281 = arith.constant 0 : i32
    %scan3A_282 = arith.constant 0 : i32
    %scan3A_283 = arith.constant 128 : i32
    %scan3A_284 = arith.addi %scan3A_282, %scan3A_283 : i32
    %scan3A_285 = arith.constant 1 : i32
    %scan3A_286 = scf.for %scan3A_420 = %scan3A_282 to %scan3A_284 step %scan3A_285 iter_args(%scan3A_421 = %scan3A_281) -> (i32)  : i32 {
      %mul3A_422 = arith.constant 16 : i32
      %mul3A_423 = arith.muli %scan3A_420, %mul3A_422 : i32
      %get3A = arith.index_cast %mul3A_423 : i32 to index
      %get3A_424 = tpu.vector_load %arg12[%get3A] {strides = array<i32>} : memref<2048xi32, #tpu.memory_space<vmem>>, vector<16xi32>,
      %add3A_425 = arith.constant 6159 : i32
      %add3A_426 = vector.broadcast %add3A_425 : i32 to vector<16xi32>
      %add3A_427 = arith.addi %get3A_424, %add3A_426 : vector<16xi32>
      %swap3A = arith.index_cast %mul3A_423 : i32 to index
      %swap3A_428 = tpu.vector_load %arg8[%swap3A] {strides = array<i32>} : memref<2048xi32, #tpu.memory_space<vmem>>, vector<16xi32>,
      tpu.vector_store %arg8[%swap3A], %add3A_427 {strides = array<i32>} : memref<2048xi32, #tpu.memory_space<vmem>>, vector<16xi32>,
      %scan3A_429 = arith.constant 0 : i32
      scf.yield %scan3A_429 : i32
    }
    %scan3A_287 = arith.constant 128 : i32
    %dma_start3A_288 = arith.constant 0 : i32
    %dma_start3A_289 = tpu.memref_slice %arg3[%dma_start3A_288] : memref<139536xf32, #tpu.memory_space<hbm>> -> memref<139536xf32, #tpu.memory_space<hbm>>
    tpu.enqueue_indirect_dma source(%dma_start3A_289 : memref<139536xf32, #tpu.memory_space<hbm>>) target(%arg11 : memref<2048xf32, #tpu.memory_space<vmem>>) offsets(%arg8 : memref<2048xi32, #tpu.memory_space<vmem>>) semaphore(%arg15 : memref<!tpu.dma_semaphore, #tpu.memory_space<semaphore_mem>>)
    %dma_wait3A_290 = arith.constant 0 : i32
    %dma_wait3A_291 = tpu.memref_slice %arg3[%dma_wait3A_290] : memref<139536xf32, #tpu.memory_space<hbm>> -> memref<139536xf32, #tpu.memory_space<hbm>>
    tpu.wait_indirect_dma semaphore(%arg13 : memref<!tpu.dma_semaphore, #tpu.memory_space<semaphore_mem>>) src(%dma_wait3A_291 : memref<139536xf32, #tpu.memory_space<hbm>>) dst(%arg9 : memref<2048xf32, #tpu.memory_space<vmem>>)
    %add3A_292 = arith.constant 1048576 : i32
    %add3A_293 = arith.addi %add3A_292, %mul3A_2 : i32
    %dma_start3A_294 = tpu.memref_slice %arg5[%add3A_293] : memref<2097152xf32, #tpu.memory_space<hbm>> -> memref<2048xf32, #tpu.memory_space<hbm>>
    %dma_start3A_295 = tpu.memref_slice %arg5[%add3A_293] : memref<2097152xf32, #tpu.memory_space<hbm>> -> memref<2048xf32, #tpu.memory_space<hbm>>
    tpu.enqueue_dma source(%arg9 : memref<2048xf32, #tpu.memory_space<vmem>>) target(%dma_start3A_295 : memref<2048xf32, #tpu.memory_space<hbm>>) target_semaphore(%arg16 : memref<!tpu.dma_semaphore, #tpu.memory_space<semaphore_mem>>)
    %dma_wait3A_296 = tpu.memref_slice %arg5[%add3A_293] : memref<2097152xf32, #tpu.memory_space<hbm>> -> memref<2048xf32, #tpu.memory_space<hbm>>
    %dma_wait3A_297 = tpu.memref_slice %arg5[%add3A_293] : memref<2097152xf32, #tpu.memory_space<hbm>> -> memref<2048xf32, #tpu.memory_space<hbm>>
    tpu.wait_dma2 semaphore(%arg16 : memref<!tpu.dma_semaphore, #tpu.memory_space<semaphore_mem>>) src(%arg9 : memref<2048xf32, #tpu.memory_space<vmem>>) dst(%dma_wait3A_297 : memref<2048xf32, #tpu.memory_space<hbm>>)
    %scan3A_298 = arith.constant 0 : i32
    %scan3A_299 = arith.constant 0 : i32
    %scan3A_300 = arith.constant 128 : i32
    %scan3A_301 = arith.addi %scan3A_299, %scan3A_300 : i32
    %scan3A_302 = arith.constant 1 : i32
    %scan3A_303 = scf.for %scan3A_420 = %scan3A_299 to %scan3A_301 step %scan3A_302 iter_args(%scan3A_421 = %scan3A_298) -> (i32)  : i32 {
      %mul3A_422 = arith.constant 16 : i32
      %mul3A_423 = arith.muli %scan3A_420, %mul3A_422 : i32
      %get3A = arith.index_cast %mul3A_423 : i32 to index
      %get3A_424 = tpu.vector_load %arg12[%get3A] {strides = array<i32>} : memref<2048xi32, #tpu.memory_space<vmem>>, vector<16xi32>,
      %add3A_425 = arith.constant 6160 : i32
      %add3A_426 = vector.broadcast %add3A_425 : i32 to vector<16xi32>
      %add3A_427 = arith.addi %get3A_424, %add3A_426 : vector<16xi32>
      %swap3A = arith.index_cast %mul3A_423 : i32 to index
      %swap3A_428 = tpu.vector_load %arg6[%swap3A] {strides = array<i32>} : memref<2048xi32, #tpu.memory_space<vmem>>, vector<16xi32>,
      tpu.vector_store %arg6[%swap3A], %add3A_427 {strides = array<i32>} : memref<2048xi32, #tpu.memory_space<vmem>>, vector<16xi32>,
      %scan3A_429 = arith.constant 0 : i32
      scf.yield %scan3A_429 : i32
    }
    %scan3A_304 = arith.constant 128 : i32
    %dma_start3A_305 = arith.constant 0 : i32
    %dma_start3A_306 = tpu.memref_slice %arg3[%dma_start3A_305] : memref<139536xf32, #tpu.memory_space<hbm>> -> memref<139536xf32, #tpu.memory_space<hbm>>
    tpu.enqueue_indirect_dma source(%dma_start3A_306 : memref<139536xf32, #tpu.memory_space<hbm>>) target(%arg9 : memref<2048xf32, #tpu.memory_space<vmem>>) offsets(%arg6 : memref<2048xi32, #tpu.memory_space<vmem>>) semaphore(%arg13 : memref<!tpu.dma_semaphore, #tpu.memory_space<semaphore_mem>>)
    %dma_wait3A_307 = arith.constant 0 : i32
    %dma_wait3A_308 = tpu.memref_slice %arg3[%dma_wait3A_307] : memref<139536xf32, #tpu.memory_space<hbm>> -> memref<139536xf32, #tpu.memory_space<hbm>>
    tpu.wait_indirect_dma semaphore(%arg14 : memref<!tpu.dma_semaphore, #tpu.memory_space<semaphore_mem>>) src(%dma_wait3A_308 : memref<139536xf32, #tpu.memory_space<hbm>>) dst(%arg10 : memref<2048xf32, #tpu.memory_space<vmem>>)
    %add3A_309 = arith.constant 1114112 : i32
    %add3A_310 = arith.addi %add3A_309, %mul3A_2 : i32
    %dma_start3A_311 = tpu.memref_slice %arg5[%add3A_310] : memref<2097152xf32, #tpu.memory_space<hbm>> -> memref<2048xf32, #tpu.memory_space<hbm>>
    %dma_start3A_312 = tpu.memref_slice %arg5[%add3A_310] : memref<2097152xf32, #tpu.memory_space<hbm>> -> memref<2048xf32, #tpu.memory_space<hbm>>
    tpu.enqueue_dma source(%arg10 : memref<2048xf32, #tpu.memory_space<vmem>>) target(%dma_start3A_312 : memref<2048xf32, #tpu.memory_space<hbm>>) target_semaphore(%arg17 : memref<!tpu.dma_semaphore, #tpu.memory_space<semaphore_mem>>)
    %dma_wait3A_313 = tpu.memref_slice %arg5[%add3A_310] : memref<2097152xf32, #tpu.memory_space<hbm>> -> memref<2048xf32, #tpu.memory_space<hbm>>
    %dma_wait3A_314 = tpu.memref_slice %arg5[%add3A_310] : memref<2097152xf32, #tpu.memory_space<hbm>> -> memref<2048xf32, #tpu.memory_space<hbm>>
    tpu.wait_dma2 semaphore(%arg17 : memref<!tpu.dma_semaphore, #tpu.memory_space<semaphore_mem>>) src(%arg10 : memref<2048xf32, #tpu.memory_space<vmem>>) dst(%dma_wait3A_314 : memref<2048xf32, #tpu.memory_space<hbm>>)
    %scan3A_315 = arith.constant 0 : i32
    %scan3A_316 = arith.constant 0 : i32
    %scan3A_317 = arith.constant 128 : i32
    %scan3A_318 = arith.addi %scan3A_316, %scan3A_317 : i32
    %scan3A_319 = arith.constant 1 : i32
    %scan3A_320 = scf.for %scan3A_420 = %scan3A_316 to %scan3A_318 step %scan3A_319 iter_args(%scan3A_421 = %scan3A_315) -> (i32)  : i32 {
      %mul3A_422 = arith.constant 16 : i32
      %mul3A_423 = arith.muli %scan3A_420, %mul3A_422 : i32
      %get3A = arith.index_cast %mul3A_423 : i32 to index
      %get3A_424 = tpu.vector_load %arg12[%get3A] {strides = array<i32>} : memref<2048xi32, #tpu.memory_space<vmem>>, vector<16xi32>,
      %add3A_425 = arith.constant 8208 : i32
      %add3A_426 = vector.broadcast %add3A_425 : i32 to vector<16xi32>
      %add3A_427 = arith.addi %get3A_424, %add3A_426 : vector<16xi32>
      %swap3A = arith.index_cast %mul3A_423 : i32 to index
      %swap3A_428 = tpu.vector_load %arg7[%swap3A] {strides = array<i32>} : memref<2048xi32, #tpu.memory_space<vmem>>, vector<16xi32>,
      tpu.vector_store %arg7[%swap3A], %add3A_427 {strides = array<i32>} : memref<2048xi32, #tpu.memory_space<vmem>>, vector<16xi32>,
      %scan3A_429 = arith.constant 0 : i32
      scf.yield %scan3A_429 : i32
    }
    %scan3A_321 = arith.constant 128 : i32
    %dma_start3A_322 = arith.constant 0 : i32
    %dma_start3A_323 = tpu.memref_slice %arg3[%dma_start3A_322] : memref<139536xf32, #tpu.memory_space<hbm>> -> memref<139536xf32, #tpu.memory_space<hbm>>
    tpu.enqueue_indirect_dma source(%dma_start3A_323 : memref<139536xf32, #tpu.memory_space<hbm>>) target(%arg10 : memref<2048xf32, #tpu.memory_space<vmem>>) offsets(%arg7 : memref<2048xi32, #tpu.memory_space<vmem>>) semaphore(%arg14 : memref<!tpu.dma_semaphore, #tpu.memory_space<semaphore_mem>>)
    %dma_wait3A_324 = arith.constant 0 : i32
    %dma_wait3A_325 = tpu.memref_slice %arg3[%dma_wait3A_324] : memref<139536xf32, #tpu.memory_space<hbm>> -> memref<139536xf32, #tpu.memory_space<hbm>>
    tpu.wait_indirect_dma semaphore(%arg15 : memref<!tpu.dma_semaphore, #tpu.memory_space<semaphore_mem>>) src(%dma_wait3A_325 : memref<139536xf32, #tpu.memory_space<hbm>>) dst(%arg11 : memref<2048xf32, #tpu.memory_space<vmem>>)
    %add3A_326 = arith.constant 1179648 : i32
    %add3A_327 = arith.addi %add3A_326, %mul3A_2 : i32
    %dma_start3A_328 = tpu.memref_slice %arg5[%add3A_327] : memref<2097152xf32, #tpu.memory_space<hbm>> -> memref<2048xf32, #tpu.memory_space<hbm>>
    %dma_start3A_329 = tpu.memref_slice %arg5[%add3A_327] : memref<2097152xf32, #tpu.memory_space<hbm>> -> memref<2048xf32, #tpu.memory_space<hbm>>
    tpu.enqueue_dma source(%arg11 : memref<2048xf32, #tpu.memory_space<vmem>>) target(%dma_start3A_329 : memref<2048xf32, #tpu.memory_space<hbm>>) target_semaphore(%arg18 : memref<!tpu.dma_semaphore, #tpu.memory_space<semaphore_mem>>)
    %dma_wait3A_330 = tpu.memref_slice %arg5[%add3A_327] : memref<2097152xf32, #tpu.memory_space<hbm>> -> memref<2048xf32, #tpu.memory_space<hbm>>
    %dma_wait3A_331 = tpu.memref_slice %arg5[%add3A_327] : memref<2097152xf32, #tpu.memory_space<hbm>> -> memref<2048xf32, #tpu.memory_space<hbm>>
    tpu.wait_dma2 semaphore(%arg18 : memref<!tpu.dma_semaphore, #tpu.memory_space<semaphore_mem>>) src(%arg11 : memref<2048xf32, #tpu.memory_space<vmem>>) dst(%dma_wait3A_331 : memref<2048xf32, #tpu.memory_space<hbm>>)
    %scan3A_332 = arith.constant 0 : i32
    %scan3A_333 = arith.constant 0 : i32
    %scan3A_334 = arith.constant 128 : i32
    %scan3A_335 = arith.addi %scan3A_333, %scan3A_334 : i32
    %scan3A_336 = arith.constant 1 : i32
    %scan3A_337 = scf.for %scan3A_420 = %scan3A_333 to %scan3A_335 step %scan3A_336 iter_args(%scan3A_421 = %scan3A_332) -> (i32)  : i32 {
      %mul3A_422 = arith.constant 16 : i32
      %mul3A_423 = arith.muli %scan3A_420, %mul3A_422 : i32
      %get3A = arith.index_cast %mul3A_423 : i32 to index
      %get3A_424 = tpu.vector_load %arg12[%get3A] {strides = array<i32>} : memref<2048xi32, #tpu.memory_space<vmem>>, vector<16xi32>,
      %add3A_425 = arith.constant 8209 : i32
      %add3A_426 = vector.broadcast %add3A_425 : i32 to vector<16xi32>
      %add3A_427 = arith.addi %get3A_424, %add3A_426 : vector<16xi32>
      %swap3A = arith.index_cast %mul3A_423 : i32 to index
      %swap3A_428 = tpu.vector_load %arg8[%swap3A] {strides = array<i32>} : memref<2048xi32, #tpu.memory_space<vmem>>, vector<16xi32>,
      tpu.vector_store %arg8[%swap3A], %add3A_427 {strides = array<i32>} : memref<2048xi32, #tpu.memory_space<vmem>>, vector<16xi32>,
      %scan3A_429 = arith.constant 0 : i32
      scf.yield %scan3A_429 : i32
    }
    %scan3A_338 = arith.constant 128 : i32
    %dma_start3A_339 = arith.constant 0 : i32
    %dma_start3A_340 = tpu.memref_slice %arg3[%dma_start3A_339] : memref<139536xf32, #tpu.memory_space<hbm>> -> memref<139536xf32, #tpu.memory_space<hbm>>
    tpu.enqueue_indirect_dma source(%dma_start3A_340 : memref<139536xf32, #tpu.memory_space<hbm>>) target(%arg11 : memref<2048xf32, #tpu.memory_space<vmem>>) offsets(%arg8 : memref<2048xi32, #tpu.memory_space<vmem>>) semaphore(%arg15 : memref<!tpu.dma_semaphore, #tpu.memory_space<semaphore_mem>>)
    %dma_wait3A_341 = arith.constant 0 : i32
    %dma_wait3A_342 = tpu.memref_slice %arg3[%dma_wait3A_341] : memref<139536xf32, #tpu.memory_space<hbm>> -> memref<139536xf32, #tpu.memory_space<hbm>>
    tpu.wait_indirect_dma semaphore(%arg13 : memref<!tpu.dma_semaphore, #tpu.memory_space<semaphore_mem>>) src(%dma_wait3A_342 : memref<139536xf32, #tpu.memory_space<hbm>>) dst(%arg9 : memref<2048xf32, #tpu.memory_space<vmem>>)
    %add3A_343 = arith.constant 1245184 : i32
    %add3A_344 = arith.addi %add3A_343, %mul3A_2 : i32
    %dma_start3A_345 = tpu.memref_slice %arg5[%add3A_344] : memref<2097152xf32, #tpu.memory_space<hbm>> -> memref<2048xf32, #tpu.memory_space<hbm>>
    %dma_start3A_346 = tpu.memref_slice %arg5[%add3A_344] : memref<2097152xf32, #tpu.memory_space<hbm>> -> memref<2048xf32, #tpu.memory_space<hbm>>
    tpu.enqueue_dma source(%arg9 : memref<2048xf32, #tpu.memory_space<vmem>>) target(%dma_start3A_346 : memref<2048xf32, #tpu.memory_space<hbm>>) target_semaphore(%arg16 : memref<!tpu.dma_semaphore, #tpu.memory_space<semaphore_mem>>)
    %dma_wait3A_347 = tpu.memref_slice %arg5[%add3A_344] : memref<2097152xf32, #tpu.memory_space<hbm>> -> memref<2048xf32, #tpu.memory_space<hbm>>
    %dma_wait3A_348 = tpu.memref_slice %arg5[%add3A_344] : memref<2097152xf32, #tpu.memory_space<hbm>> -> memref<2048xf32, #tpu.memory_space<hbm>>
    tpu.wait_dma2 semaphore(%arg16 : memref<!tpu.dma_semaphore, #tpu.memory_space<semaphore_mem>>) src(%arg9 : memref<2048xf32, #tpu.memory_space<vmem>>) dst(%dma_wait3A_348 : memref<2048xf32, #tpu.memory_space<hbm>>)
    %scan3A_349 = arith.constant 0 : i32
    %scan3A_350 = arith.constant 0 : i32
    %scan3A_351 = arith.constant 128 : i32
    %scan3A_352 = arith.addi %scan3A_350, %scan3A_351 : i32
    %scan3A_353 = arith.constant 1 : i32
    %scan3A_354 = scf.for %scan3A_420 = %scan3A_350 to %scan3A_352 step %scan3A_353 iter_args(%scan3A_421 = %scan3A_349) -> (i32)  : i32 {
      %mul3A_422 = arith.constant 16 : i32
      %mul3A_423 = arith.muli %scan3A_420, %mul3A_422 : i32
      %get3A = arith.index_cast %mul3A_423 : i32 to index
      %get3A_424 = tpu.vector_load %arg12[%get3A] {strides = array<i32>} : memref<2048xi32, #tpu.memory_space<vmem>>, vector<16xi32>,
      %add3A_425 = arith.constant 8210 : i32
      %add3A_426 = vector.broadcast %add3A_425 : i32 to vector<16xi32>
      %add3A_427 = arith.addi %get3A_424, %add3A_426 : vector<16xi32>
      %swap3A = arith.index_cast %mul3A_423 : i32 to index
      %swap3A_428 = tpu.vector_load %arg6[%swap3A] {strides = array<i32>} : memref<2048xi32, #tpu.memory_space<vmem>>, vector<16xi32>,
      tpu.vector_store %arg6[%swap3A], %add3A_427 {strides = array<i32>} : memref<2048xi32, #tpu.memory_space<vmem>>, vector<16xi32>,
      %scan3A_429 = arith.constant 0 : i32
      scf.yield %scan3A_429 : i32
    }
    %scan3A_355 = arith.constant 128 : i32
    %dma_start3A_356 = arith.constant 0 : i32
    %dma_start3A_357 = tpu.memref_slice %arg3[%dma_start3A_356] : memref<139536xf32, #tpu.memory_space<hbm>> -> memref<139536xf32, #tpu.memory_space<hbm>>
    tpu.enqueue_indirect_dma source(%dma_start3A_357 : memref<139536xf32, #tpu.memory_space<hbm>>) target(%arg9 : memref<2048xf32, #tpu.memory_space<vmem>>) offsets(%arg6 : memref<2048xi32, #tpu.memory_space<vmem>>) semaphore(%arg13 : memref<!tpu.dma_semaphore, #tpu.memory_space<semaphore_mem>>)
    %dma_wait3A_358 = arith.constant 0 : i32
    %dma_wait3A_359 = tpu.memref_slice %arg3[%dma_wait3A_358] : memref<139536xf32, #tpu.memory_space<hbm>> -> memref<139536xf32, #tpu.memory_space<hbm>>
    tpu.wait_indirect_dma semaphore(%arg14 : memref<!tpu.dma_semaphore, #tpu.memory_space<semaphore_mem>>) src(%dma_wait3A_359 : memref<139536xf32, #tpu.memory_space<hbm>>) dst(%arg10 : memref<2048xf32, #tpu.memory_space<vmem>>)
    %add3A_360 = arith.constant 1310720 : i32
    %add3A_361 = arith.addi %add3A_360, %mul3A_2 : i32
    %dma_start3A_362 = tpu.memref_slice %arg5[%add3A_361] : memref<2097152xf32, #tpu.memory_space<hbm>> -> memref<2048xf32, #tpu.memory_space<hbm>>
    %dma_start3A_363 = tpu.memref_slice %arg5[%add3A_361] : memref<2097152xf32, #tpu.memory_space<hbm>> -> memref<2048xf32, #tpu.memory_space<hbm>>
    tpu.enqueue_dma source(%arg10 : memref<2048xf32, #tpu.memory_space<vmem>>) target(%dma_start3A_363 : memref<2048xf32, #tpu.memory_space<hbm>>) target_semaphore(%arg17 : memref<!tpu.dma_semaphore, #tpu.memory_space<semaphore_mem>>)
    %dma_wait3A_364 = tpu.memref_slice %arg5[%add3A_361] : memref<2097152xf32, #tpu.memory_space<hbm>> -> memref<2048xf32, #tpu.memory_space<hbm>>
    %dma_wait3A_365 = tpu.memref_slice %arg5[%add3A_361] : memref<2097152xf32, #tpu.memory_space<hbm>> -> memref<2048xf32, #tpu.memory_space<hbm>>
    tpu.wait_dma2 semaphore(%arg17 : memref<!tpu.dma_semaphore, #tpu.memory_space<semaphore_mem>>) src(%arg10 : memref<2048xf32, #tpu.memory_space<vmem>>) dst(%dma_wait3A_365 : memref<2048xf32, #tpu.memory_space<hbm>>)
    %scan3A_366 = arith.constant 0 : i32
    %scan3A_367 = arith.constant 0 : i32
    %scan3A_368 = arith.constant 128 : i32
    %scan3A_369 = arith.addi %scan3A_367, %scan3A_368 : i32
    %scan3A_370 = arith.constant 1 : i32
    %scan3A_371 = scf.for %scan3A_420 = %scan3A_367 to %scan3A_369 step %scan3A_370 iter_args(%scan3A_421 = %scan3A_366) -> (i32)  : i32 {
      %mul3A_422 = arith.constant 16 : i32
      %mul3A_423 = arith.muli %scan3A_420, %mul3A_422 : i32
      %get3A = arith.index_cast %mul3A_423 : i32 to index
      %get3A_424 = tpu.vector_load %arg12[%get3A] {strides = array<i32>} : memref<2048xi32, #tpu.memory_space<vmem>>, vector<16xi32>,
      %add3A_425 = arith.constant 8211 : i32
      %add3A_426 = vector.broadcast %add3A_425 : i32 to vector<16xi32>
      %add3A_427 = arith.addi %get3A_424, %add3A_426 : vector<16xi32>
      %swap3A = arith.index_cast %mul3A_423 : i32 to index
      %swap3A_428 = tpu.vector_load %arg7[%swap3A] {strides = array<i32>} : memref<2048xi32, #tpu.memory_space<vmem>>, vector<16xi32>,
      tpu.vector_store %arg7[%swap3A], %add3A_427 {strides = array<i32>} : memref<2048xi32, #tpu.memory_space<vmem>>, vector<16xi32>,
      %scan3A_429 = arith.constant 0 : i32
      scf.yield %scan3A_429 : i32
    }
    %scan3A_372 = arith.constant 128 : i32
    %dma_start3A_373 = arith.constant 0 : i32
    %dma_start3A_374 = tpu.memref_slice %arg3[%dma_start3A_373] : memref<139536xf32, #tpu.memory_space<hbm>> -> memref<139536xf32, #tpu.memory_space<hbm>>
    tpu.enqueue_indirect_dma source(%dma_start3A_374 : memref<139536xf32, #tpu.memory_space<hbm>>) target(%arg10 : memref<2048xf32, #tpu.memory_space<vmem>>) offsets(%arg7 : memref<2048xi32, #tpu.memory_space<vmem>>) semaphore(%arg14 : memref<!tpu.dma_semaphore, #tpu.memory_space<semaphore_mem>>)
    %dma_wait3A_375 = arith.constant 0 : i32
    %dma_wait3A_376 = tpu.memref_slice %arg3[%dma_wait3A_375] : memref<139536xf32, #tpu.memory_space<hbm>> -> memref<139536xf32, #tpu.memory_space<hbm>>
    tpu.wait_indirect_dma semaphore(%arg15 : memref<!tpu.dma_semaphore, #tpu.memory_space<semaphore_mem>>) src(%dma_wait3A_376 : memref<139536xf32, #tpu.memory_space<hbm>>) dst(%arg11 : memref<2048xf32, #tpu.memory_space<vmem>>)
    %add3A_377 = arith.constant 1376256 : i32
    %add3A_378 = arith.addi %add3A_377, %mul3A_2 : i32
    %dma_start3A_379 = tpu.memref_slice %arg5[%add3A_378] : memref<2097152xf32, #tpu.memory_space<hbm>> -> memref<2048xf32, #tpu.memory_space<hbm>>
    %dma_start3A_380 = tpu.memref_slice %arg5[%add3A_378] : memref<2097152xf32, #tpu.memory_space<hbm>> -> memref<2048xf32, #tpu.memory_space<hbm>>
    tpu.enqueue_dma source(%arg11 : memref<2048xf32, #tpu.memory_space<vmem>>) target(%dma_start3A_380 : memref<2048xf32, #tpu.memory_space<hbm>>) target_semaphore(%arg18 : memref<!tpu.dma_semaphore, #tpu.memory_space<semaphore_mem>>)
    %dma_wait3A_381 = tpu.memref_slice %arg5[%add3A_378] : memref<2097152xf32, #tpu.memory_space<hbm>> -> memref<2048xf32, #tpu.memory_space<hbm>>
    %dma_wait3A_382 = tpu.memref_slice %arg5[%add3A_378] : memref<2097152xf32, #tpu.memory_space<hbm>> -> memref<2048xf32, #tpu.memory_space<hbm>>
    tpu.wait_dma2 semaphore(%arg18 : memref<!tpu.dma_semaphore, #tpu.memory_space<semaphore_mem>>) src(%arg11 : memref<2048xf32, #tpu.memory_space<vmem>>) dst(%dma_wait3A_382 : memref<2048xf32, #tpu.memory_space<hbm>>)
    %scan3A_383 = arith.constant 0 : i32
    %scan3A_384 = arith.constant 0 : i32
    %scan3A_385 = arith.constant 128 : i32
    %scan3A_386 = arith.addi %scan3A_384, %scan3A_385 : i32
    %scan3A_387 = arith.constant 1 : i32
    %scan3A_388 = scf.for %scan3A_420 = %scan3A_384 to %scan3A_386 step %scan3A_387 iter_args(%scan3A_421 = %scan3A_383) -> (i32)  : i32 {
      %mul3A_422 = arith.constant 16 : i32
      %mul3A_423 = arith.muli %scan3A_420, %mul3A_422 : i32
      %get3A = arith.index_cast %mul3A_423 : i32 to index
      %get3A_424 = tpu.vector_load %arg12[%get3A] {strides = array<i32>} : memref<2048xi32, #tpu.memory_space<vmem>>, vector<16xi32>,
      %add3A_425 = arith.constant 8212 : i32
      %add3A_426 = vector.broadcast %add3A_425 : i32 to vector<16xi32>
      %add3A_427 = arith.addi %get3A_424, %add3A_426 : vector<16xi32>
      %swap3A = arith.index_cast %mul3A_423 : i32 to index
      %swap3A_428 = tpu.vector_load %arg8[%swap3A] {strides = array<i32>} : memref<2048xi32, #tpu.memory_space<vmem>>, vector<16xi32>,
      tpu.vector_store %arg8[%swap3A], %add3A_427 {strides = array<i32>} : memref<2048xi32, #tpu.memory_space<vmem>>, vector<16xi32>,
      %scan3A_429 = arith.constant 0 : i32
      scf.yield %scan3A_429 : i32
    }
    %scan3A_389 = arith.constant 128 : i32
    %dma_start3A_390 = arith.constant 0 : i32
    %dma_start3A_391 = tpu.memref_slice %arg3[%dma_start3A_390] : memref<139536xf32, #tpu.memory_space<hbm>> -> memref<139536xf32, #tpu.memory_space<hbm>>
    tpu.enqueue_indirect_dma source(%dma_start3A_391 : memref<139536xf32, #tpu.memory_space<hbm>>) target(%arg11 : memref<2048xf32, #tpu.memory_space<vmem>>) offsets(%arg8 : memref<2048xi32, #tpu.memory_space<vmem>>) semaphore(%arg15 : memref<!tpu.dma_semaphore, #tpu.memory_space<semaphore_mem>>)
    %dma_wait3A_392 = arith.constant 0 : i32
    %dma_wait3A_393 = tpu.memref_slice %arg3[%dma_wait3A_392] : memref<139536xf32, #tpu.memory_space<hbm>> -> memref<139536xf32, #tpu.memory_space<hbm>>
    tpu.wait_indirect_dma semaphore(%arg13 : memref<!tpu.dma_semaphore, #tpu.memory_space<semaphore_mem>>) src(%dma_wait3A_393 : memref<139536xf32, #tpu.memory_space<hbm>>) dst(%arg9 : memref<2048xf32, #tpu.memory_space<vmem>>)
    %add3A_394 = arith.constant 1441792 : i32
    %add3A_395 = arith.addi %add3A_394, %mul3A_2 : i32
    %dma_start3A_396 = tpu.memref_slice %arg5[%add3A_395] : memref<2097152xf32, #tpu.memory_space<hbm>> -> memref<2048xf32, #tpu.memory_space<hbm>>
    %dma_start3A_397 = tpu.memref_slice %arg5[%add3A_395] : memref<2097152xf32, #tpu.memory_space<hbm>> -> memref<2048xf32, #tpu.memory_space<hbm>>
    tpu.enqueue_dma source(%arg9 : memref<2048xf32, #tpu.memory_space<vmem>>) target(%dma_start3A_397 : memref<2048xf32, #tpu.memory_space<hbm>>) target_semaphore(%arg16 : memref<!tpu.dma_semaphore, #tpu.memory_space<semaphore_mem>>)
    %dma_wait3A_398 = tpu.memref_slice %arg5[%add3A_395] : memref<2097152xf32, #tpu.memory_space<hbm>> -> memref<2048xf32, #tpu.memory_space<hbm>>
    %dma_wait3A_399 = tpu.memref_slice %arg5[%add3A_395] : memref<2097152xf32, #tpu.memory_space<hbm>> -> memref<2048xf32, #tpu.memory_space<hbm>>
    tpu.wait_dma2 semaphore(%arg16 : memref<!tpu.dma_semaphore, #tpu.memory_space<semaphore_mem>>) src(%arg9 : memref<2048xf32, #tpu.memory_space<vmem>>) dst(%dma_wait3A_399 : memref<2048xf32, #tpu.memory_space<hbm>>)
    %dma_wait3A_400 = arith.constant 0 : i32
    %dma_wait3A_401 = tpu.memref_slice %arg3[%dma_wait3A_400] : memref<139536xf32, #tpu.memory_space<hbm>> -> memref<139536xf32, #tpu.memory_space<hbm>>
    tpu.wait_indirect_dma semaphore(%arg14 : memref<!tpu.dma_semaphore, #tpu.memory_space<semaphore_mem>>) src(%dma_wait3A_401 : memref<139536xf32, #tpu.memory_space<hbm>>) dst(%arg10 : memref<2048xf32, #tpu.memory_space<vmem>>)
    %add3A_402 = arith.constant 1507328 : i32
    %add3A_403 = arith.addi %add3A_402, %mul3A_2 : i32
    %dma_start3A_404 = tpu.memref_slice %arg5[%add3A_403] : memref<2097152xf32, #tpu.memory_space<hbm>> -> memref<2048xf32, #tpu.memory_space<hbm>>
    %dma_start3A_405 = tpu.memref_slice %arg5[%add3A_403] : memref<2097152xf32, #tpu.memory_space<hbm>> -> memref<2048xf32, #tpu.memory_space<hbm>>
    tpu.enqueue_dma source(%arg10 : memref<2048xf32, #tpu.memory_space<vmem>>) target(%dma_start3A_405 : memref<2048xf32, #tpu.memory_space<hbm>>) target_semaphore(%arg17 : memref<!tpu.dma_semaphore, #tpu.memory_space<semaphore_mem>>)
    %dma_wait3A_406 = tpu.memref_slice %arg5[%add3A_403] : memref<2097152xf32, #tpu.memory_space<hbm>> -> memref<2048xf32, #tpu.memory_space<hbm>>
    %dma_wait3A_407 = tpu.memref_slice %arg5[%add3A_403] : memref<2097152xf32, #tpu.memory_space<hbm>> -> memref<2048xf32, #tpu.memory_space<hbm>>
    tpu.wait_dma2 semaphore(%arg17 : memref<!tpu.dma_semaphore, #tpu.memory_space<semaphore_mem>>) src(%arg10 : memref<2048xf32, #tpu.memory_space<vmem>>) dst(%dma_wait3A_407 : memref<2048xf32, #tpu.memory_space<hbm>>)
    %dma_wait3A_408 = arith.constant 0 : i32
    %dma_wait3A_409 = tpu.memref_slice %arg3[%dma_wait3A_408] : memref<139536xf32, #tpu.memory_space<hbm>> -> memref<139536xf32, #tpu.memory_space<hbm>>
    tpu.wait_indirect_dma semaphore(%arg15 : memref<!tpu.dma_semaphore, #tpu.memory_space<semaphore_mem>>) src(%dma_wait3A_409 : memref<139536xf32, #tpu.memory_space<hbm>>) dst(%arg11 : memref<2048xf32, #tpu.memory_space<vmem>>)
    %add3A_410 = arith.constant 1572864 : i32
    %add3A_411 = arith.addi %add3A_410, %mul3A_2 : i32
    %dma_start3A_412 = tpu.memref_slice %arg5[%add3A_411] : memref<2097152xf32, #tpu.memory_space<hbm>> -> memref<2048xf32, #tpu.memory_space<hbm>>
    %dma_start3A_413 = tpu.memref_slice %arg5[%add3A_411] : memref<2097152xf32, #tpu.memory_space<hbm>> -> memref<2048xf32, #tpu.memory_space<hbm>>
    tpu.enqueue_dma source(%arg11 : memref<2048xf32, #tpu.memory_space<vmem>>) target(%dma_start3A_413 : memref<2048xf32, #tpu.memory_space<hbm>>) target_semaphore(%arg18 : memref<!tpu.dma_semaphore, #tpu.memory_space<semaphore_mem>>)
    %dma_wait3A_414 = tpu.memref_slice %arg5[%add3A_411] : memref<2097152xf32, #tpu.memory_space<hbm>> -> memref<2048xf32, #tpu.memory_space<hbm>>
    %dma_wait3A_415 = tpu.memref_slice %arg5[%add3A_411] : memref<2097152xf32, #tpu.memory_space<hbm>> -> memref<2048xf32, #tpu.memory_space<hbm>>
    tpu.wait_dma2 semaphore(%arg18 : memref<!tpu.dma_semaphore, #tpu.memory_space<semaphore_mem>>) src(%arg11 : memref<2048xf32, #tpu.memory_space<vmem>>) dst(%dma_wait3A_415 : memref<2048xf32, #tpu.memory_space<hbm>>)
    %dma_wait3A_416 = tpu.memref_slice %arg5[%add3A_4] : memref<2097152xf32, #tpu.memory_space<hbm>> -> memref<2048xf32, #tpu.memory_space<hbm>>
    %dma_wait3A_417 = tpu.memref_slice %arg5[%add3A_4] : memref<2097152xf32, #tpu.memory_space<hbm>> -> memref<2048xf32, #tpu.memory_space<hbm>>
    tpu.wait_dma2 semaphore(%arg20 : memref<!tpu.dma_semaphore, #tpu.memory_space<semaphore_mem>>) src(%arg19 : memref<2048xf32, #tpu.memory_space<vmem>>) dst(%dma_wait3A_417 : memref<2048xf32, #tpu.memory_space<hbm>>)
    %dma_wait3A_418 = tpu.memref_slice %arg5[%add3A_7] : memref<2097152xf32, #tpu.memory_space<hbm>> -> memref<2048xf32, #tpu.memory_space<hbm>>
    %dma_wait3A_419 = tpu.memref_slice %arg5[%add3A_7] : memref<2097152xf32, #tpu.memory_space<hbm>> -> memref<2048xf32, #tpu.memory_space<hbm>>
    tpu.wait_dma2 semaphore(%arg20 : memref<!tpu.dma_semaphore, #tpu.memory_space<semaphore_mem>>) src(%arg19 : memref<2048xf32, #tpu.memory_space<vmem>>) dst(%dma_wait3A_419 : memref<2048xf32, #tpu.memory_space<hbm>>)
    return
  }
}

#map = affine_map<(d0, d1) -> (0)>
module attributes {stable_mosaic.version = 14 : i64} {
  func.func @sc2(%arg0: i32, %arg1: i32, %arg2: memref<65536xi32, #tpu.memory_space<hbm>>, %arg3: memref<65536xi32, #tpu.memory_space<hbm>>, %arg4: memref<139544xi32, #tpu.memory_space<hbm>>, %arg5: memref<65536xi32, #tpu.memory_space<hbm>>, %arg6: memref<2048xi32, #tpu.memory_space<vmem>>, %arg7: memref<2048xi32, #tpu.memory_space<vmem>>, %arg8: memref<2048xi32, #tpu.memory_space<vmem>>, %arg9: memref<2048xi32, #tpu.memory_space<vmem>>, %arg10: memref<2048xi32, #tpu.memory_space<vmem>>, %arg11: memref<2048xi32, #tpu.memory_space<vmem>>, %arg12: memref<2048xi32, #tpu.memory_space<vmem>>, %arg13: memref<2048xi32, #tpu.memory_space<vmem>>, %arg14: memref<2048xi32, #tpu.memory_space<vmem>>, %arg15: memref<2048xi32, #tpu.memory_space<vmem>>, %arg16: memref<2048xi32, #tpu.memory_space<vmem>>, %arg17: memref<2048xi32, #tpu.memory_space<vmem>>, %arg18: memref<2048xi32, #tpu.memory_space<vmem>>, %arg19: memref<!tpu.dma_semaphore, #tpu.memory_space<semaphore_mem>>, %arg20: memref<!tpu.dma_semaphore, #tpu.memory_space<semaphore_mem>>, %arg21: memref<!tpu.dma_semaphore, #tpu.memory_space<semaphore_mem>>, %arg22: memref<!tpu.dma_semaphore, #tpu.memory_space<semaphore_mem>>, %arg23: memref<!tpu.dma_semaphore, #tpu.memory_space<semaphore_mem>>, %arg24: memref<!tpu.dma_semaphore, #tpu.memory_space<semaphore_mem>>) attributes {dimension_semantics = [#tpu.dimension_semantics<core_parallel>, #tpu.dimension_semantics<subcore_parallel>], iteration_bounds = array<i64: 2, 16>, scalar_prefetch = 0 : i64, scratch_operands = 19 : i64, tpu.core_type = #tpu.core_type<sc_vector_subcore>, window_params = [{transform_indices = #map}, {transform_indices = #map}, {transform_indices = #map}, {transform_indices = #map}]} {
    %mul3A = arith.constant 2 : i32
    %mul3A_0 = arith.muli %arg1, %mul3A : i32
    %add3A = arith.addi %mul3A_0, %arg0 : i32
    %mul3A_1 = arith.constant 2048 : i32
    %mul3A_2 = arith.muli %add3A, %mul3A_1 : i32
    "tpu.region"() ({
      %run_scoped3A = tpu.sem_alloc : memref<!tpu.dma_semaphore, #tpu.memory_space<semaphore_mem>>
      %dma_start3A_66 = tpu.memref_slice %arg2[%mul3A_2] : memref<65536xi32, #tpu.memory_space<hbm>> -> memref<2048xi32, #tpu.memory_space<hbm>>
      %dma_start3A_67 = tpu.memref_slice %arg2[%mul3A_2] : memref<65536xi32, #tpu.memory_space<hbm>> -> memref<2048xi32, #tpu.memory_space<hbm>>
      tpu.enqueue_dma source(%dma_start3A_67 : memref<2048xi32, #tpu.memory_space<hbm>>) target(%arg17 : memref<2048xi32, #tpu.memory_space<vmem>>) target_semaphore(%run_scoped3A : memref<!tpu.dma_semaphore, #tpu.memory_space<semaphore_mem>>)
      %dma_wait3A_68 = tpu.memref_slice %arg2[%mul3A_2] : memref<65536xi32, #tpu.memory_space<hbm>> -> memref<2048xi32, #tpu.memory_space<hbm>>
      %dma_wait3A_69 = tpu.memref_slice %arg2[%mul3A_2] : memref<65536xi32, #tpu.memory_space<hbm>> -> memref<2048xi32, #tpu.memory_space<hbm>>
      tpu.wait_dma2 semaphore(%run_scoped3A : memref<!tpu.dma_semaphore, #tpu.memory_space<semaphore_mem>>) src(%dma_wait3A_69 : memref<2048xi32, #tpu.memory_space<hbm>>) dst(%arg17 : memref<2048xi32, #tpu.memory_space<vmem>>)
      tpu.yield
    }) : () -> ()
    "tpu.region"() ({
      %run_scoped3A = tpu.sem_alloc : memref<!tpu.dma_semaphore, #tpu.memory_space<semaphore_mem>>
      %dma_start3A_66 = tpu.memref_slice %arg3[%mul3A_2] : memref<65536xi32, #tpu.memory_space<hbm>> -> memref<2048xi32, #tpu.memory_space<hbm>>
      %dma_start3A_67 = tpu.memref_slice %arg3[%mul3A_2] : memref<65536xi32, #tpu.memory_space<hbm>> -> memref<2048xi32, #tpu.memory_space<hbm>>
      tpu.enqueue_dma source(%dma_start3A_67 : memref<2048xi32, #tpu.memory_space<hbm>>) target(%arg18 : memref<2048xi32, #tpu.memory_space<vmem>>) target_semaphore(%run_scoped3A : memref<!tpu.dma_semaphore, #tpu.memory_space<semaphore_mem>>)
      %dma_wait3A_68 = tpu.memref_slice %arg3[%mul3A_2] : memref<65536xi32, #tpu.memory_space<hbm>> -> memref<2048xi32, #tpu.memory_space<hbm>>
      %dma_wait3A_69 = tpu.memref_slice %arg3[%mul3A_2] : memref<65536xi32, #tpu.memory_space<hbm>> -> memref<2048xi32, #tpu.memory_space<hbm>>
      tpu.wait_dma2 semaphore(%run_scoped3A : memref<!tpu.dma_semaphore, #tpu.memory_space<semaphore_mem>>) src(%dma_wait3A_69 : memref<2048xi32, #tpu.memory_space<hbm>>) dst(%arg18 : memref<2048xi32, #tpu.memory_space<vmem>>)
      tpu.yield
    }) : () -> ()
    %scan3A = arith.constant 0 : i32
    %scan3A_3 = arith.constant 0 : i32
    %scan3A_4 = arith.constant 128 : i32
    %scan3A_5 = arith.addi %scan3A_3, %scan3A_4 : i32
    %scan3A_6 = arith.constant 1 : i32
    %scan3A_7 = scf.for %scan3A_66 = %scan3A_3 to %scan3A_5 step %scan3A_6 iter_args(%scan3A_67 = %scan3A) -> (i32)  : i32 {
      %mul3A_68 = arith.constant 16 : i32
      %mul3A_69 = arith.muli %scan3A_66, %mul3A_68 : i32
      %get3A = arith.index_cast %mul3A_69 : i32 to index
      %get3A_70 = tpu.vector_load %arg17[%get3A] {strides = array<i32>} : memref<2048xi32, #tpu.memory_space<vmem>>, vector<16xi32>,
      %get3A_71 = arith.index_cast %mul3A_69 : i32 to index
      %get3A_72 = tpu.vector_load %arg18[%get3A_71] {strides = array<i32>} : memref<2048xi32, #tpu.memory_space<vmem>>, vector<16xi32>,
      %shift_right_arithmetic3A = arith.constant 0 : i32
      %shift_right_arithmetic3A_73 = vector.broadcast %shift_right_arithmetic3A : i32 to vector<16xi32>
      %shift_right_arithmetic3A_74 = arith.shrsi %get3A_70, %shift_right_arithmetic3A_73 : vector<16xi32>
      %and3A = arith.constant 31 : i32
      %and3A_75 = vector.broadcast %and3A : i32 to vector<16xi32>
      %and3A_76 = arith.andi %shift_right_arithmetic3A_74, %and3A_75 : vector<16xi32>
      %mul3A_77 = arith.constant 13 : i32
      %mul3A_78 = vector.broadcast %mul3A_77 : i32 to vector<16xi32>
      %mul3A_79 = arith.muli %and3A_76, %mul3A_78 : vector<16xi32>
      %shift_right_arithmetic3A_80 = arith.constant 6 : i32
      %shift_right_arithmetic3A_81 = vector.broadcast %shift_right_arithmetic3A_80 : i32 to vector<16xi32>
      %shift_right_arithmetic3A_82 = arith.shrsi %mul3A_79, %shift_right_arithmetic3A_81 : vector<16xi32>
      %mul3A_83 = arith.constant 5 : i32
      %mul3A_84 = vector.broadcast %mul3A_83 : i32 to vector<16xi32>
      %mul3A_85 = arith.muli %shift_right_arithmetic3A_82, %mul3A_84 : vector<16xi32>
      %sub3A = arith.subi %and3A_76, %mul3A_85 : vector<16xi32>
      %mul3A_86 = arith.constant 2052 : i32
      %mul3A_87 = vector.broadcast %mul3A_86 : i32 to vector<16xi32>
      %mul3A_88 = arith.muli %shift_right_arithmetic3A_82, %mul3A_87 : vector<16xi32>
      %add3A_89 = arith.addi %get3A_72, %mul3A_88 : vector<16xi32>
      %add3A_90 = arith.addi %add3A_89, %sub3A : vector<16xi32>
      %eq3A = arith.constant 25 : i32
      %eq3A_91 = vector.broadcast %eq3A : i32 to vector<16xi32>
      %eq3A_92 = arith.cmpi eq, %and3A_76, %eq3A_91 : vector<16xi32>
      %jit3A = arith.constant 139536 : i32
      %broadcast_in_dim3A = vector.broadcast %jit3A : i32 to vector<16xi32>
      %select_n3A = arith.select %eq3A_92, %broadcast_in_dim3A, %add3A_90 : vector<16xi1>, vector<16xi32>
      %swap3A = arith.index_cast %mul3A_69 : i32 to index
      %swap3A_93 = tpu.vector_load %arg6[%swap3A] {strides = array<i32>} : memref<2048xi32, #tpu.memory_space<vmem>>, vector<16xi32>,
      tpu.vector_store %arg6[%swap3A], %select_n3A {strides = array<i32>} : memref<2048xi32, #tpu.memory_space<vmem>>, vector<16xi32>,
      %scan3A_94 = arith.constant 0 : i32
      scf.yield %scan3A_94 : i32
    }
    %scan3A_8 = arith.constant 128 : i32
    %dma_start3A = arith.constant 0 : i32
    %dma_start3A_9 = tpu.memref_slice %arg4[%dma_start3A] : memref<139544xi32, #tpu.memory_space<hbm>> -> memref<139544xi32, #tpu.memory_space<hbm>>
    tpu.enqueue_indirect_dma source(%dma_start3A_9 : memref<139544xi32, #tpu.memory_space<hbm>>) target(%arg11 : memref<2048xi32, #tpu.memory_space<vmem>>) offsets(%arg6 : memref<2048xi32, #tpu.memory_space<vmem>>) semaphore(%arg19 : memref<!tpu.dma_semaphore, #tpu.memory_space<semaphore_mem>>)
    %scan3A_10 = arith.constant 0 : i32
    %scan3A_11 = arith.constant 0 : i32
    %scan3A_12 = arith.constant 128 : i32
    %scan3A_13 = arith.addi %scan3A_11, %scan3A_12 : i32
    %scan3A_14 = arith.constant 1 : i32
    %scan3A_15 = scf.for %scan3A_66 = %scan3A_11 to %scan3A_13 step %scan3A_14 iter_args(%scan3A_67 = %scan3A_10) -> (i32)  : i32 {
      %mul3A_68 = arith.constant 16 : i32
      %mul3A_69 = arith.muli %scan3A_66, %mul3A_68 : i32
      %get3A = arith.index_cast %mul3A_69 : i32 to index
      %get3A_70 = tpu.vector_load %arg17[%get3A] {strides = array<i32>} : memref<2048xi32, #tpu.memory_space<vmem>>, vector<16xi32>,
      %get3A_71 = arith.index_cast %mul3A_69 : i32 to index
      %get3A_72 = tpu.vector_load %arg18[%get3A_71] {strides = array<i32>} : memref<2048xi32, #tpu.memory_space<vmem>>, vector<16xi32>,
      %shift_right_arithmetic3A = arith.constant 5 : i32
      %shift_right_arithmetic3A_73 = vector.broadcast %shift_right_arithmetic3A : i32 to vector<16xi32>
      %shift_right_arithmetic3A_74 = arith.shrsi %get3A_70, %shift_right_arithmetic3A_73 : vector<16xi32>
      %and3A = arith.constant 31 : i32
      %and3A_75 = vector.broadcast %and3A : i32 to vector<16xi32>
      %and3A_76 = arith.andi %shift_right_arithmetic3A_74, %and3A_75 : vector<16xi32>
      %mul3A_77 = arith.constant 13 : i32
      %mul3A_78 = vector.broadcast %mul3A_77 : i32 to vector<16xi32>
      %mul3A_79 = arith.muli %and3A_76, %mul3A_78 : vector<16xi32>
      %shift_right_arithmetic3A_80 = arith.constant 6 : i32
      %shift_right_arithmetic3A_81 = vector.broadcast %shift_right_arithmetic3A_80 : i32 to vector<16xi32>
      %shift_right_arithmetic3A_82 = arith.shrsi %mul3A_79, %shift_right_arithmetic3A_81 : vector<16xi32>
      %mul3A_83 = arith.constant 5 : i32
      %mul3A_84 = vector.broadcast %mul3A_83 : i32 to vector<16xi32>
      %mul3A_85 = arith.muli %shift_right_arithmetic3A_82, %mul3A_84 : vector<16xi32>
      %sub3A = arith.subi %and3A_76, %mul3A_85 : vector<16xi32>
      %mul3A_86 = arith.constant 2052 : i32
      %mul3A_87 = vector.broadcast %mul3A_86 : i32 to vector<16xi32>
      %mul3A_88 = arith.muli %shift_right_arithmetic3A_82, %mul3A_87 : vector<16xi32>
      %add3A_89 = arith.addi %get3A_72, %mul3A_88 : vector<16xi32>
      %add3A_90 = arith.addi %add3A_89, %sub3A : vector<16xi32>
      %eq3A = arith.constant 25 : i32
      %eq3A_91 = vector.broadcast %eq3A : i32 to vector<16xi32>
      %eq3A_92 = arith.cmpi eq, %and3A_76, %eq3A_91 : vector<16xi32>
      %jit3A = arith.constant 139536 : i32
      %broadcast_in_dim3A = vector.broadcast %jit3A : i32 to vector<16xi32>
      %select_n3A = arith.select %eq3A_92, %broadcast_in_dim3A, %add3A_90 : vector<16xi1>, vector<16xi32>
      %swap3A = arith.index_cast %mul3A_69 : i32 to index
      %swap3A_93 = tpu.vector_load %arg7[%swap3A] {strides = array<i32>} : memref<2048xi32, #tpu.memory_space<vmem>>, vector<16xi32>,
      tpu.vector_store %arg7[%swap3A], %select_n3A {strides = array<i32>} : memref<2048xi32, #tpu.memory_space<vmem>>, vector<16xi32>,
      %scan3A_94 = arith.constant 0 : i32
      scf.yield %scan3A_94 : i32
    }
    %scan3A_16 = arith.constant 128 : i32
    %dma_start3A_17 = arith.constant 0 : i32
    %dma_start3A_18 = tpu.memref_slice %arg4[%dma_start3A_17] : memref<139544xi32, #tpu.memory_space<hbm>> -> memref<139544xi32, #tpu.memory_space<hbm>>
    tpu.enqueue_indirect_dma source(%dma_start3A_18 : memref<139544xi32, #tpu.memory_space<hbm>>) target(%arg12 : memref<2048xi32, #tpu.memory_space<vmem>>) offsets(%arg7 : memref<2048xi32, #tpu.memory_space<vmem>>) semaphore(%arg20 : memref<!tpu.dma_semaphore, #tpu.memory_space<semaphore_mem>>)
    %scan3A_19 = arith.constant 0 : i32
    %scan3A_20 = arith.constant 0 : i32
    %scan3A_21 = arith.constant 128 : i32
    %scan3A_22 = arith.addi %scan3A_20, %scan3A_21 : i32
    %scan3A_23 = arith.constant 1 : i32
    %scan3A_24 = scf.for %scan3A_66 = %scan3A_20 to %scan3A_22 step %scan3A_23 iter_args(%scan3A_67 = %scan3A_19) -> (i32)  : i32 {
      %mul3A_68 = arith.constant 16 : i32
      %mul3A_69 = arith.muli %scan3A_66, %mul3A_68 : i32
      %get3A = arith.index_cast %mul3A_69 : i32 to index
      %get3A_70 = tpu.vector_load %arg17[%get3A] {strides = array<i32>} : memref<2048xi32, #tpu.memory_space<vmem>>, vector<16xi32>,
      %get3A_71 = arith.index_cast %mul3A_69 : i32 to index
      %get3A_72 = tpu.vector_load %arg18[%get3A_71] {strides = array<i32>} : memref<2048xi32, #tpu.memory_space<vmem>>, vector<16xi32>,
      %shift_right_arithmetic3A = arith.constant 10 : i32
      %shift_right_arithmetic3A_73 = vector.broadcast %shift_right_arithmetic3A : i32 to vector<16xi32>
      %shift_right_arithmetic3A_74 = arith.shrsi %get3A_70, %shift_right_arithmetic3A_73 : vector<16xi32>
      %and3A = arith.constant 31 : i32
      %and3A_75 = vector.broadcast %and3A : i32 to vector<16xi32>
      %and3A_76 = arith.andi %shift_right_arithmetic3A_74, %and3A_75 : vector<16xi32>
      %mul3A_77 = arith.constant 13 : i32
      %mul3A_78 = vector.broadcast %mul3A_77 : i32 to vector<16xi32>
      %mul3A_79 = arith.muli %and3A_76, %mul3A_78 : vector<16xi32>
      %shift_right_arithmetic3A_80 = arith.constant 6 : i32
      %shift_right_arithmetic3A_81 = vector.broadcast %shift_right_arithmetic3A_80 : i32 to vector<16xi32>
      %shift_right_arithmetic3A_82 = arith.shrsi %mul3A_79, %shift_right_arithmetic3A_81 : vector<16xi32>
      %mul3A_83 = arith.constant 5 : i32
      %mul3A_84 = vector.broadcast %mul3A_83 : i32 to vector<16xi32>
      %mul3A_85 = arith.muli %shift_right_arithmetic3A_82, %mul3A_84 : vector<16xi32>
      %sub3A = arith.subi %and3A_76, %mul3A_85 : vector<16xi32>
      %mul3A_86 = arith.constant 2052 : i32
      %mul3A_87 = vector.broadcast %mul3A_86 : i32 to vector<16xi32>
      %mul3A_88 = arith.muli %shift_right_arithmetic3A_82, %mul3A_87 : vector<16xi32>
      %add3A_89 = arith.addi %get3A_72, %mul3A_88 : vector<16xi32>
      %add3A_90 = arith.addi %add3A_89, %sub3A : vector<16xi32>
      %eq3A = arith.constant 25 : i32
      %eq3A_91 = vector.broadcast %eq3A : i32 to vector<16xi32>
      %eq3A_92 = arith.cmpi eq, %and3A_76, %eq3A_91 : vector<16xi32>
      %jit3A = arith.constant 139536 : i32
      %broadcast_in_dim3A = vector.broadcast %jit3A : i32 to vector<16xi32>
      %select_n3A = arith.select %eq3A_92, %broadcast_in_dim3A, %add3A_90 : vector<16xi1>, vector<16xi32>
      %swap3A = arith.index_cast %mul3A_69 : i32 to index
      %swap3A_93 = tpu.vector_load %arg8[%swap3A] {strides = array<i32>} : memref<2048xi32, #tpu.memory_space<vmem>>, vector<16xi32>,
      tpu.vector_store %arg8[%swap3A], %select_n3A {strides = array<i32>} : memref<2048xi32, #tpu.memory_space<vmem>>, vector<16xi32>,
      %scan3A_94 = arith.constant 0 : i32
      scf.yield %scan3A_94 : i32
    }
    %scan3A_25 = arith.constant 128 : i32
    %dma_start3A_26 = arith.constant 0 : i32
    %dma_start3A_27 = tpu.memref_slice %arg4[%dma_start3A_26] : memref<139544xi32, #tpu.memory_space<hbm>> -> memref<139544xi32, #tpu.memory_space<hbm>>
    tpu.enqueue_indirect_dma source(%dma_start3A_27 : memref<139544xi32, #tpu.memory_space<hbm>>) target(%arg13 : memref<2048xi32, #tpu.memory_space<vmem>>) offsets(%arg8 : memref<2048xi32, #tpu.memory_space<vmem>>) semaphore(%arg21 : memref<!tpu.dma_semaphore, #tpu.memory_space<semaphore_mem>>)
    %scan3A_28 = arith.constant 0 : i32
    %scan3A_29 = arith.constant 0 : i32
    %scan3A_30 = arith.constant 128 : i32
    %scan3A_31 = arith.addi %scan3A_29, %scan3A_30 : i32
    %scan3A_32 = arith.constant 1 : i32
    %scan3A_33 = scf.for %scan3A_66 = %scan3A_29 to %scan3A_31 step %scan3A_32 iter_args(%scan3A_67 = %scan3A_28) -> (i32)  : i32 {
      %mul3A_68 = arith.constant 16 : i32
      %mul3A_69 = arith.muli %scan3A_66, %mul3A_68 : i32
      %get3A = arith.index_cast %mul3A_69 : i32 to index
      %get3A_70 = tpu.vector_load %arg17[%get3A] {strides = array<i32>} : memref<2048xi32, #tpu.memory_space<vmem>>, vector<16xi32>,
      %get3A_71 = arith.index_cast %mul3A_69 : i32 to index
      %get3A_72 = tpu.vector_load %arg18[%get3A_71] {strides = array<i32>} : memref<2048xi32, #tpu.memory_space<vmem>>, vector<16xi32>,
      %shift_right_arithmetic3A = arith.constant 15 : i32
      %shift_right_arithmetic3A_73 = vector.broadcast %shift_right_arithmetic3A : i32 to vector<16xi32>
      %shift_right_arithmetic3A_74 = arith.shrsi %get3A_70, %shift_right_arithmetic3A_73 : vector<16xi32>
      %and3A = arith.constant 31 : i32
      %and3A_75 = vector.broadcast %and3A : i32 to vector<16xi32>
      %and3A_76 = arith.andi %shift_right_arithmetic3A_74, %and3A_75 : vector<16xi32>
      %mul3A_77 = arith.constant 13 : i32
      %mul3A_78 = vector.broadcast %mul3A_77 : i32 to vector<16xi32>
      %mul3A_79 = arith.muli %and3A_76, %mul3A_78 : vector<16xi32>
      %shift_right_arithmetic3A_80 = arith.constant 6 : i32
      %shift_right_arithmetic3A_81 = vector.broadcast %shift_right_arithmetic3A_80 : i32 to vector<16xi32>
      %shift_right_arithmetic3A_82 = arith.shrsi %mul3A_79, %shift_right_arithmetic3A_81 : vector<16xi32>
      %mul3A_83 = arith.constant 5 : i32
      %mul3A_84 = vector.broadcast %mul3A_83 : i32 to vector<16xi32>
      %mul3A_85 = arith.muli %shift_right_arithmetic3A_82, %mul3A_84 : vector<16xi32>
      %sub3A = arith.subi %and3A_76, %mul3A_85 : vector<16xi32>
      %mul3A_86 = arith.constant 2052 : i32
      %mul3A_87 = vector.broadcast %mul3A_86 : i32 to vector<16xi32>
      %mul3A_88 = arith.muli %shift_right_arithmetic3A_82, %mul3A_87 : vector<16xi32>
      %add3A_89 = arith.addi %get3A_72, %mul3A_88 : vector<16xi32>
      %add3A_90 = arith.addi %add3A_89, %sub3A : vector<16xi32>
      %eq3A = arith.constant 25 : i32
      %eq3A_91 = vector.broadcast %eq3A : i32 to vector<16xi32>
      %eq3A_92 = arith.cmpi eq, %and3A_76, %eq3A_91 : vector<16xi32>
      %jit3A = arith.constant 139536 : i32
      %broadcast_in_dim3A = vector.broadcast %jit3A : i32 to vector<16xi32>
      %select_n3A = arith.select %eq3A_92, %broadcast_in_dim3A, %add3A_90 : vector<16xi1>, vector<16xi32>
      %swap3A = arith.index_cast %mul3A_69 : i32 to index
      %swap3A_93 = tpu.vector_load %arg9[%swap3A] {strides = array<i32>} : memref<2048xi32, #tpu.memory_space<vmem>>, vector<16xi32>,
      tpu.vector_store %arg9[%swap3A], %select_n3A {strides = array<i32>} : memref<2048xi32, #tpu.memory_space<vmem>>, vector<16xi32>,
      %scan3A_94 = arith.constant 0 : i32
      scf.yield %scan3A_94 : i32
    }
    %scan3A_34 = arith.constant 128 : i32
    %dma_start3A_35 = arith.constant 0 : i32
    %dma_start3A_36 = tpu.memref_slice %arg4[%dma_start3A_35] : memref<139544xi32, #tpu.memory_space<hbm>> -> memref<139544xi32, #tpu.memory_space<hbm>>
    tpu.enqueue_indirect_dma source(%dma_start3A_36 : memref<139544xi32, #tpu.memory_space<hbm>>) target(%arg14 : memref<2048xi32, #tpu.memory_space<vmem>>) offsets(%arg9 : memref<2048xi32, #tpu.memory_space<vmem>>) semaphore(%arg22 : memref<!tpu.dma_semaphore, #tpu.memory_space<semaphore_mem>>)
    %scan3A_37 = arith.constant 0 : i32
    %scan3A_38 = arith.constant 0 : i32
    %scan3A_39 = arith.constant 128 : i32
    %scan3A_40 = arith.addi %scan3A_38, %scan3A_39 : i32
    %scan3A_41 = arith.constant 1 : i32
    %scan3A_42 = scf.for %scan3A_66 = %scan3A_38 to %scan3A_40 step %scan3A_41 iter_args(%scan3A_67 = %scan3A_37) -> (i32)  : i32 {
      %mul3A_68 = arith.constant 16 : i32
      %mul3A_69 = arith.muli %scan3A_66, %mul3A_68 : i32
      %get3A = arith.index_cast %mul3A_69 : i32 to index
      %get3A_70 = tpu.vector_load %arg17[%get3A] {strides = array<i32>} : memref<2048xi32, #tpu.memory_space<vmem>>, vector<16xi32>,
      %get3A_71 = arith.index_cast %mul3A_69 : i32 to index
      %get3A_72 = tpu.vector_load %arg18[%get3A_71] {strides = array<i32>} : memref<2048xi32, #tpu.memory_space<vmem>>, vector<16xi32>,
      %shift_right_arithmetic3A = arith.constant 20 : i32
      %shift_right_arithmetic3A_73 = vector.broadcast %shift_right_arithmetic3A : i32 to vector<16xi32>
      %shift_right_arithmetic3A_74 = arith.shrsi %get3A_70, %shift_right_arithmetic3A_73 : vector<16xi32>
      %and3A = arith.constant 31 : i32
      %and3A_75 = vector.broadcast %and3A : i32 to vector<16xi32>
      %and3A_76 = arith.andi %shift_right_arithmetic3A_74, %and3A_75 : vector<16xi32>
      %mul3A_77 = arith.constant 13 : i32
      %mul3A_78 = vector.broadcast %mul3A_77 : i32 to vector<16xi32>
      %mul3A_79 = arith.muli %and3A_76, %mul3A_78 : vector<16xi32>
      %shift_right_arithmetic3A_80 = arith.constant 6 : i32
      %shift_right_arithmetic3A_81 = vector.broadcast %shift_right_arithmetic3A_80 : i32 to vector<16xi32>
      %shift_right_arithmetic3A_82 = arith.shrsi %mul3A_79, %shift_right_arithmetic3A_81 : vector<16xi32>
      %mul3A_83 = arith.constant 5 : i32
      %mul3A_84 = vector.broadcast %mul3A_83 : i32 to vector<16xi32>
      %mul3A_85 = arith.muli %shift_right_arithmetic3A_82, %mul3A_84 : vector<16xi32>
      %sub3A = arith.subi %and3A_76, %mul3A_85 : vector<16xi32>
      %mul3A_86 = arith.constant 2052 : i32
      %mul3A_87 = vector.broadcast %mul3A_86 : i32 to vector<16xi32>
      %mul3A_88 = arith.muli %shift_right_arithmetic3A_82, %mul3A_87 : vector<16xi32>
      %add3A_89 = arith.addi %get3A_72, %mul3A_88 : vector<16xi32>
      %add3A_90 = arith.addi %add3A_89, %sub3A : vector<16xi32>
      %eq3A = arith.constant 25 : i32
      %eq3A_91 = vector.broadcast %eq3A : i32 to vector<16xi32>
      %eq3A_92 = arith.cmpi eq, %and3A_76, %eq3A_91 : vector<16xi32>
      %jit3A = arith.constant 139536 : i32
      %broadcast_in_dim3A = vector.broadcast %jit3A : i32 to vector<16xi32>
      %select_n3A = arith.select %eq3A_92, %broadcast_in_dim3A, %add3A_90 : vector<16xi1>, vector<16xi32>
      %swap3A = arith.index_cast %mul3A_69 : i32 to index
      %swap3A_93 = tpu.vector_load %arg10[%swap3A] {strides = array<i32>} : memref<2048xi32, #tpu.memory_space<vmem>>, vector<16xi32>,
      tpu.vector_store %arg10[%swap3A], %select_n3A {strides = array<i32>} : memref<2048xi32, #tpu.memory_space<vmem>>, vector<16xi32>,
      %scan3A_94 = arith.constant 0 : i32
      scf.yield %scan3A_94 : i32
    }
    %scan3A_43 = arith.constant 128 : i32
    %dma_start3A_44 = arith.constant 0 : i32
    %dma_start3A_45 = tpu.memref_slice %arg4[%dma_start3A_44] : memref<139544xi32, #tpu.memory_space<hbm>> -> memref<139544xi32, #tpu.memory_space<hbm>>
    tpu.enqueue_indirect_dma source(%dma_start3A_45 : memref<139544xi32, #tpu.memory_space<hbm>>) target(%arg15 : memref<2048xi32, #tpu.memory_space<vmem>>) offsets(%arg10 : memref<2048xi32, #tpu.memory_space<vmem>>) semaphore(%arg23 : memref<!tpu.dma_semaphore, #tpu.memory_space<semaphore_mem>>)
    %dma_wait3A = arith.constant 0 : i32
    %dma_wait3A_46 = tpu.memref_slice %arg4[%dma_wait3A] : memref<139544xi32, #tpu.memory_space<hbm>> -> memref<139544xi32, #tpu.memory_space<hbm>>
    tpu.wait_indirect_dma semaphore(%arg19 : memref<!tpu.dma_semaphore, #tpu.memory_space<semaphore_mem>>) src(%dma_wait3A_46 : memref<139544xi32, #tpu.memory_space<hbm>>) dst(%arg11 : memref<2048xi32, #tpu.memory_space<vmem>>)
    %dma_wait3A_47 = arith.constant 0 : i32
    %dma_wait3A_48 = tpu.memref_slice %arg4[%dma_wait3A_47] : memref<139544xi32, #tpu.memory_space<hbm>> -> memref<139544xi32, #tpu.memory_space<hbm>>
    tpu.wait_indirect_dma semaphore(%arg20 : memref<!tpu.dma_semaphore, #tpu.memory_space<semaphore_mem>>) src(%dma_wait3A_48 : memref<139544xi32, #tpu.memory_space<hbm>>) dst(%arg12 : memref<2048xi32, #tpu.memory_space<vmem>>)
    %dma_wait3A_49 = arith.constant 0 : i32
    %dma_wait3A_50 = tpu.memref_slice %arg4[%dma_wait3A_49] : memref<139544xi32, #tpu.memory_space<hbm>> -> memref<139544xi32, #tpu.memory_space<hbm>>
    tpu.wait_indirect_dma semaphore(%arg21 : memref<!tpu.dma_semaphore, #tpu.memory_space<semaphore_mem>>) src(%dma_wait3A_50 : memref<139544xi32, #tpu.memory_space<hbm>>) dst(%arg13 : memref<2048xi32, #tpu.memory_space<vmem>>)
    %dma_wait3A_51 = arith.constant 0 : i32
    %dma_wait3A_52 = tpu.memref_slice %arg4[%dma_wait3A_51] : memref<139544xi32, #tpu.memory_space<hbm>> -> memref<139544xi32, #tpu.memory_space<hbm>>
    tpu.wait_indirect_dma semaphore(%arg22 : memref<!tpu.dma_semaphore, #tpu.memory_space<semaphore_mem>>) src(%dma_wait3A_52 : memref<139544xi32, #tpu.memory_space<hbm>>) dst(%arg14 : memref<2048xi32, #tpu.memory_space<vmem>>)
    %dma_wait3A_53 = arith.constant 0 : i32
    %dma_wait3A_54 = tpu.memref_slice %arg4[%dma_wait3A_53] : memref<139544xi32, #tpu.memory_space<hbm>> -> memref<139544xi32, #tpu.memory_space<hbm>>
    tpu.wait_indirect_dma semaphore(%arg23 : memref<!tpu.dma_semaphore, #tpu.memory_space<semaphore_mem>>) src(%dma_wait3A_54 : memref<139544xi32, #tpu.memory_space<hbm>>) dst(%arg15 : memref<2048xi32, #tpu.memory_space<vmem>>)
    %scan3A_55 = arith.constant 0 : i32
    %scan3A_56 = arith.constant 0 : i32
    %scan3A_57 = arith.constant 128 : i32
    %scan3A_58 = arith.addi %scan3A_56, %scan3A_57 : i32
    %scan3A_59 = arith.constant 1 : i32
    %scan3A_60 = scf.for %scan3A_66 = %scan3A_56 to %scan3A_58 step %scan3A_59 iter_args(%scan3A_67 = %scan3A_55) -> (i32)  : i32 {
      %mul3A_68 = arith.constant 16 : i32
      %mul3A_69 = arith.muli %scan3A_66, %mul3A_68 : i32
      %get3A = arith.index_cast %mul3A_69 : i32 to index
      %get3A_70 = tpu.vector_load %arg11[%get3A] {strides = array<i32>} : memref<2048xi32, #tpu.memory_space<vmem>>, vector<16xi32>,
      %get3A_71 = arith.index_cast %mul3A_69 : i32 to index
      %get3A_72 = tpu.vector_load %arg12[%get3A_71] {strides = array<i32>} : memref<2048xi32, #tpu.memory_space<vmem>>, vector<16xi32>,
      %get3A_73 = arith.index_cast %mul3A_69 : i32 to index
      %get3A_74 = tpu.vector_load %arg13[%get3A_73] {strides = array<i32>} : memref<2048xi32, #tpu.memory_space<vmem>>, vector<16xi32>,
      %get3A_75 = arith.index_cast %mul3A_69 : i32 to index
      %get3A_76 = tpu.vector_load %arg14[%get3A_75] {strides = array<i32>} : memref<2048xi32, #tpu.memory_space<vmem>>, vector<16xi32>,
      %get3A_77 = arith.index_cast %mul3A_69 : i32 to index
      %get3A_78 = tpu.vector_load %arg15[%get3A_77] {strides = array<i32>} : memref<2048xi32, #tpu.memory_space<vmem>>, vector<16xi32>,
      %broadcast_in_dim3A = arith.constant 1 : i32
      %broadcast_in_dim3A_79 = vector.broadcast %broadcast_in_dim3A : i32 to vector<16xi32>
      %eq3A = arith.cmpi eq, %get3A_70, %get3A_72 : vector<16xi32>
      %convert_element_type3A = arith.extui %eq3A : vector<16xi1> to vector<16xi32>
      %add3A_80 = arith.addi %broadcast_in_dim3A_79, %convert_element_type3A : vector<16xi32>
      %add3A_81 = arith.addi %broadcast_in_dim3A_79, %convert_element_type3A : vector<16xi32>
      %eq3A_82 = arith.cmpi eq, %get3A_70, %get3A_74 : vector<16xi32>
      %convert_element_type3A_83 = arith.extui %eq3A_82 : vector<16xi1> to vector<16xi32>
      %add3A_84 = arith.addi %add3A_80, %convert_element_type3A_83 : vector<16xi32>
      %add3A_85 = arith.addi %broadcast_in_dim3A_79, %convert_element_type3A_83 : vector<16xi32>
      %eq3A_86 = arith.cmpi eq, %get3A_70, %get3A_76 : vector<16xi32>
      %convert_element_type3A_87 = arith.extui %eq3A_86 : vector<16xi1> to vector<16xi32>
      %add3A_88 = arith.addi %add3A_84, %convert_element_type3A_87 : vector<16xi32>
      %add3A_89 = arith.addi %broadcast_in_dim3A_79, %convert_element_type3A_87 : vector<16xi32>
      %eq3A_90 = arith.cmpi eq, %get3A_70, %get3A_78 : vector<16xi32>
      %convert_element_type3A_91 = arith.extui %eq3A_90 : vector<16xi1> to vector<16xi32>
      %add3A_92 = arith.addi %add3A_88, %convert_element_type3A_91 : vector<16xi32>
      %add3A_93 = arith.addi %broadcast_in_dim3A_79, %convert_element_type3A_91 : vector<16xi32>
      %eq3A_94 = arith.cmpi eq, %get3A_72, %get3A_74 : vector<16xi32>
      %convert_element_type3A_95 = arith.extui %eq3A_94 : vector<16xi1> to vector<16xi32>
      %add3A_96 = arith.addi %add3A_81, %convert_element_type3A_95 : vector<16xi32>
      %add3A_97 = arith.addi %add3A_85, %convert_element_type3A_95 : vector<16xi32>
      %eq3A_98 = arith.cmpi eq, %get3A_72, %get3A_76 : vector<16xi32>
      %convert_element_type3A_99 = arith.extui %eq3A_98 : vector<16xi1> to vector<16xi32>
      %add3A_100 = arith.addi %add3A_96, %convert_element_type3A_99 : vector<16xi32>
      %add3A_101 = arith.addi %add3A_89, %convert_element_type3A_99 : vector<16xi32>
      %eq3A_102 = arith.cmpi eq, %get3A_72, %get3A_78 : vector<16xi32>
      %convert_element_type3A_103 = arith.extui %eq3A_102 : vector<16xi1> to vector<16xi32>
      %add3A_104 = arith.addi %add3A_100, %convert_element_type3A_103 : vector<16xi32>
      %add3A_105 = arith.addi %add3A_93, %convert_element_type3A_103 : vector<16xi32>
      %eq3A_106 = arith.cmpi eq, %get3A_74, %get3A_76 : vector<16xi32>
      %convert_element_type3A_107 = arith.extui %eq3A_106 : vector<16xi1> to vector<16xi32>
      %add3A_108 = arith.addi %add3A_97, %convert_element_type3A_107 : vector<16xi32>
      %add3A_109 = arith.addi %add3A_101, %convert_element_type3A_107 : vector<16xi32>
      %eq3A_110 = arith.cmpi eq, %get3A_74, %get3A_78 : vector<16xi32>
      %convert_element_type3A_111 = arith.extui %eq3A_110 : vector<16xi1> to vector<16xi32>
      %add3A_112 = arith.addi %add3A_108, %convert_element_type3A_111 : vector<16xi32>
      %add3A_113 = arith.addi %add3A_105, %convert_element_type3A_111 : vector<16xi32>
      %eq3A_114 = arith.cmpi eq, %get3A_76, %get3A_78 : vector<16xi32>
      %convert_element_type3A_115 = arith.extui %eq3A_114 : vector<16xi1> to vector<16xi32>
      %add3A_116 = arith.addi %add3A_109, %convert_element_type3A_115 : vector<16xi32>
      %add3A_117 = arith.addi %add3A_113, %convert_element_type3A_115 : vector<16xi32>
      %broadcast_in_dim3A_118 = arith.constant -1000 : i32
      %broadcast_in_dim3A_119 = vector.broadcast %broadcast_in_dim3A_118 : i32 to vector<16xi32>
      %ge3A = arith.constant 1 : i32
      %ge3A_120 = vector.broadcast %ge3A : i32 to vector<16xi32>
      %ge3A_121 = arith.cmpi sge, %get3A_70, %ge3A_120 : vector<16xi32>
      %lt3A = arith.constant 20 : i32
      %lt3A_122 = vector.broadcast %lt3A : i32 to vector<16xi32>
      %lt3A_123 = arith.cmpi slt, %get3A_70, %lt3A_122 : vector<16xi32>
      %and3A = arith.andi %ge3A_121, %lt3A_123 : vector<16xi1>
      %mul3A_124 = arith.constant 32 : i32
      %mul3A_125 = vector.broadcast %mul3A_124 : i32 to vector<16xi32>
      %mul3A_126 = arith.muli %add3A_92, %mul3A_125 : vector<16xi32>
      %sub3A = arith.subi %mul3A_126, %get3A_70 : vector<16xi32>
      %select_n3A = arith.select %and3A, %sub3A, %broadcast_in_dim3A_119 : vector<16xi1>, vector<16xi32>
      %max3A = arith.maxsi %broadcast_in_dim3A_119, %select_n3A : vector<16xi32>
      %ge3A_127 = arith.constant 1 : i32
      %ge3A_128 = vector.broadcast %ge3A_127 : i32 to vector<16xi32>
      %ge3A_129 = arith.cmpi sge, %get3A_72, %ge3A_128 : vector<16xi32>
      %lt3A_130 = arith.constant 20 : i32
      %lt3A_131 = vector.broadcast %lt3A_130 : i32 to vector<16xi32>
      %lt3A_132 = arith.cmpi slt, %get3A_72, %lt3A_131 : vector<16xi32>
      %and3A_133 = arith.andi %ge3A_129, %lt3A_132 : vector<16xi1>
      %mul3A_134 = arith.constant 32 : i32
      %mul3A_135 = vector.broadcast %mul3A_134 : i32 to vector<16xi32>
      %mul3A_136 = arith.muli %add3A_104, %mul3A_135 : vector<16xi32>
      %sub3A_137 = arith.subi %mul3A_136, %get3A_72 : vector<16xi32>
      %select_n3A_138 = arith.select %and3A_133, %sub3A_137, %broadcast_in_dim3A_119 : vector<16xi1>, vector<16xi32>
      %max3A_139 = arith.maxsi %max3A, %select_n3A_138 : vector<16xi32>
      %ge3A_140 = arith.constant 1 : i32
      %ge3A_141 = vector.broadcast %ge3A_140 : i32 to vector<16xi32>
      %ge3A_142 = arith.cmpi sge, %get3A_74, %ge3A_141 : vector<16xi32>
      %lt3A_143 = arith.constant 20 : i32
      %lt3A_144 = vector.broadcast %lt3A_143 : i32 to vector<16xi32>
      %lt3A_145 = arith.cmpi slt, %get3A_74, %lt3A_144 : vector<16xi32>
      %and3A_146 = arith.andi %ge3A_142, %lt3A_145 : vector<16xi1>
      %mul3A_147 = arith.constant 32 : i32
      %mul3A_148 = vector.broadcast %mul3A_147 : i32 to vector<16xi32>
      %mul3A_149 = arith.muli %add3A_112, %mul3A_148 : vector<16xi32>
      %sub3A_150 = arith.subi %mul3A_149, %get3A_74 : vector<16xi32>
      %select_n3A_151 = arith.select %and3A_146, %sub3A_150, %broadcast_in_dim3A_119 : vector<16xi1>, vector<16xi32>
      %max3A_152 = arith.maxsi %max3A_139, %select_n3A_151 : vector<16xi32>
      %ge3A_153 = arith.constant 1 : i32
      %ge3A_154 = vector.broadcast %ge3A_153 : i32 to vector<16xi32>
      %ge3A_155 = arith.cmpi sge, %get3A_76, %ge3A_154 : vector<16xi32>
      %lt3A_156 = arith.constant 20 : i32
      %lt3A_157 = vector.broadcast %lt3A_156 : i32 to vector<16xi32>
      %lt3A_158 = arith.cmpi slt, %get3A_76, %lt3A_157 : vector<16xi32>
      %and3A_159 = arith.andi %ge3A_155, %lt3A_158 : vector<16xi1>
      %mul3A_160 = arith.constant 32 : i32
      %mul3A_161 = vector.broadcast %mul3A_160 : i32 to vector<16xi32>
      %mul3A_162 = arith.muli %add3A_116, %mul3A_161 : vector<16xi32>
      %sub3A_163 = arith.subi %mul3A_162, %get3A_76 : vector<16xi32>
      %select_n3A_164 = arith.select %and3A_159, %sub3A_163, %broadcast_in_dim3A_119 : vector<16xi1>, vector<16xi32>
      %max3A_165 = arith.maxsi %max3A_152, %select_n3A_164 : vector<16xi32>
      %ge3A_166 = arith.constant 1 : i32
      %ge3A_167 = vector.broadcast %ge3A_166 : i32 to vector<16xi32>
      %ge3A_168 = arith.cmpi sge, %get3A_78, %ge3A_167 : vector<16xi32>
      %lt3A_169 = arith.constant 20 : i32
      %lt3A_170 = vector.broadcast %lt3A_169 : i32 to vector<16xi32>
      %lt3A_171 = arith.cmpi slt, %get3A_78, %lt3A_170 : vector<16xi32>
      %and3A_172 = arith.andi %ge3A_168, %lt3A_171 : vector<16xi1>
      %mul3A_173 = arith.constant 32 : i32
      %mul3A_174 = vector.broadcast %mul3A_173 : i32 to vector<16xi32>
      %mul3A_175 = arith.muli %add3A_117, %mul3A_174 : vector<16xi32>
      %sub3A_176 = arith.subi %mul3A_175, %get3A_78 : vector<16xi32>
      %select_n3A_177 = arith.select %and3A_172, %sub3A_176, %broadcast_in_dim3A_119 : vector<16xi1>, vector<16xi32>
      %max3A_178 = arith.maxsi %max3A_165, %select_n3A_177 : vector<16xi32>
      %eq3A_179 = arith.constant -1000 : i32
      %eq3A_180 = vector.broadcast %eq3A_179 : i32 to vector<16xi32>
      %eq3A_181 = arith.cmpi eq, %max3A_178, %eq3A_180 : vector<16xi32>
      %and3A_182 = arith.constant 31 : i32
      %and3A_183 = vector.broadcast %and3A_182 : i32 to vector<16xi32>
      %and3A_184 = arith.andi %max3A_178, %and3A_183 : vector<16xi32>
      %sub3A_185 = arith.constant 32 : i32
      %sub3A_186 = vector.broadcast %sub3A_185 : i32 to vector<16xi32>
      %sub3A_187 = arith.subi %sub3A_186, %and3A_184 : vector<16xi32>
      %jit3A = arith.constant 1 : i32
      %broadcast_in_dim3A_188 = vector.broadcast %jit3A : i32 to vector<16xi32>
      %select_n3A_189 = arith.select %eq3A_181, %broadcast_in_dim3A_188, %sub3A_187 : vector<16xi1>, vector<16xi32>
      %swap3A = arith.index_cast %mul3A_69 : i32 to index
      %swap3A_190 = tpu.vector_load %arg16[%swap3A] {strides = array<i32>} : memref<2048xi32, #tpu.memory_space<vmem>>, vector<16xi32>,
      tpu.vector_store %arg16[%swap3A], %select_n3A_189 {strides = array<i32>} : memref<2048xi32, #tpu.memory_space<vmem>>, vector<16xi32>,
      %scan3A_191 = arith.constant 0 : i32
      scf.yield %scan3A_191 : i32
    }
    %scan3A_61 = arith.constant 128 : i32
    %dma_start3A_62 = tpu.memref_slice %arg5[%mul3A_2] : memref<65536xi32, #tpu.memory_space<hbm>> -> memref<2048xi32, #tpu.memory_space<hbm>>
    %dma_start3A_63 = tpu.memref_slice %arg5[%mul3A_2] : memref<65536xi32, #tpu.memory_space<hbm>> -> memref<2048xi32, #tpu.memory_space<hbm>>
    tpu.enqueue_dma source(%arg16 : memref<2048xi32, #tpu.memory_space<vmem>>) target(%dma_start3A_63 : memref<2048xi32, #tpu.memory_space<hbm>>) target_semaphore(%arg24 : memref<!tpu.dma_semaphore, #tpu.memory_space<semaphore_mem>>)
    %dma_wait3A_64 = tpu.memref_slice %arg5[%mul3A_2] : memref<65536xi32, #tpu.memory_space<hbm>> -> memref<2048xi32, #tpu.memory_space<hbm>>
    %dma_wait3A_65 = tpu.memref_slice %arg5[%mul3A_2] : memref<65536xi32, #tpu.memory_space<hbm>> -> memref<2048xi32, #tpu.memory_space<hbm>>
    tpu.wait_dma2 semaphore(%arg24 : memref<!tpu.dma_semaphore, #tpu.memory_space<semaphore_mem>>) src(%arg16 : memref<2048xi32, #tpu.memory_space<vmem>>) dst(%dma_wait3A_65 : memref<2048xi32, #tpu.memory_space<hbm>>)
    return
  }
}

#map = affine_map<(d0, d1) -> (0)>
module attributes {stable_mosaic.version = 14 : i64} {
  func.func @sc2(%arg0: i32, %arg1: i32, %arg2: memref<65536xi32, #tpu.memory_space<hbm>>, %arg3: memref<65536xi32, #tpu.memory_space<hbm>>, %arg4: memref<139544xi32, #tpu.memory_space<hbm>>, %arg5: memref<65536xi32, #tpu.memory_space<hbm>>, %arg6: memref<2048xi32, #tpu.memory_space<vmem>>, %arg7: memref<2048xi32, #tpu.memory_space<vmem>>, %arg8: memref<2048xi32, #tpu.memory_space<vmem>>, %arg9: memref<2048xi32, #tpu.memory_space<vmem>>, %arg10: memref<2048xi32, #tpu.memory_space<vmem>>, %arg11: memref<2048xi32, #tpu.memory_space<vmem>>, %arg12: memref<2048xi32, #tpu.memory_space<vmem>>, %arg13: memref<2048xi32, #tpu.memory_space<vmem>>, %arg14: memref<2048xi32, #tpu.memory_space<vmem>>, %arg15: memref<2048xi32, #tpu.memory_space<vmem>>, %arg16: memref<2048xi32, #tpu.memory_space<vmem>>, %arg17: memref<2048xi32, #tpu.memory_space<vmem>>, %arg18: memref<2048xi32, #tpu.memory_space<vmem>>, %arg19: memref<!tpu.dma_semaphore, #tpu.memory_space<semaphore_mem>>, %arg20: memref<!tpu.dma_semaphore, #tpu.memory_space<semaphore_mem>>, %arg21: memref<!tpu.dma_semaphore, #tpu.memory_space<semaphore_mem>>, %arg22: memref<!tpu.dma_semaphore, #tpu.memory_space<semaphore_mem>>, %arg23: memref<!tpu.dma_semaphore, #tpu.memory_space<semaphore_mem>>, %arg24: memref<!tpu.dma_semaphore, #tpu.memory_space<semaphore_mem>>) attributes {dimension_semantics = [#tpu.dimension_semantics<core_parallel>, #tpu.dimension_semantics<subcore_parallel>], iteration_bounds = array<i64: 2, 16>, scalar_prefetch = 0 : i64, scratch_operands = 19 : i64, tpu.core_type = #tpu.core_type<sc_vector_subcore>, window_params = [{transform_indices = #map}, {transform_indices = #map}, {transform_indices = #map}, {transform_indices = #map}]} {
    %mul3A = arith.constant 2 : i32
    %mul3A_0 = arith.muli %arg1, %mul3A : i32
    %add3A = arith.addi %mul3A_0, %arg0 : i32
    %mul3A_1 = arith.constant 2048 : i32
    %mul3A_2 = arith.muli %add3A, %mul3A_1 : i32
    "tpu.region"() ({
      %run_scoped3A = tpu.sem_alloc : memref<!tpu.dma_semaphore, #tpu.memory_space<semaphore_mem>>
      %dma_start3A_66 = tpu.memref_slice %arg2[%mul3A_2] : memref<65536xi32, #tpu.memory_space<hbm>> -> memref<2048xi32, #tpu.memory_space<hbm>>
      %dma_start3A_67 = tpu.memref_slice %arg2[%mul3A_2] : memref<65536xi32, #tpu.memory_space<hbm>> -> memref<2048xi32, #tpu.memory_space<hbm>>
      tpu.enqueue_dma source(%dma_start3A_67 : memref<2048xi32, #tpu.memory_space<hbm>>) target(%arg17 : memref<2048xi32, #tpu.memory_space<vmem>>) target_semaphore(%run_scoped3A : memref<!tpu.dma_semaphore, #tpu.memory_space<semaphore_mem>>)
      %dma_wait3A_68 = tpu.memref_slice %arg2[%mul3A_2] : memref<65536xi32, #tpu.memory_space<hbm>> -> memref<2048xi32, #tpu.memory_space<hbm>>
      %dma_wait3A_69 = tpu.memref_slice %arg2[%mul3A_2] : memref<65536xi32, #tpu.memory_space<hbm>> -> memref<2048xi32, #tpu.memory_space<hbm>>
      tpu.wait_dma2 semaphore(%run_scoped3A : memref<!tpu.dma_semaphore, #tpu.memory_space<semaphore_mem>>) src(%dma_wait3A_69 : memref<2048xi32, #tpu.memory_space<hbm>>) dst(%arg17 : memref<2048xi32, #tpu.memory_space<vmem>>)
      tpu.yield
    }) : () -> ()
    "tpu.region"() ({
      %run_scoped3A = tpu.sem_alloc : memref<!tpu.dma_semaphore, #tpu.memory_space<semaphore_mem>>
      %dma_start3A_66 = tpu.memref_slice %arg3[%mul3A_2] : memref<65536xi32, #tpu.memory_space<hbm>> -> memref<2048xi32, #tpu.memory_space<hbm>>
      %dma_start3A_67 = tpu.memref_slice %arg3[%mul3A_2] : memref<65536xi32, #tpu.memory_space<hbm>> -> memref<2048xi32, #tpu.memory_space<hbm>>
      tpu.enqueue_dma source(%dma_start3A_67 : memref<2048xi32, #tpu.memory_space<hbm>>) target(%arg18 : memref<2048xi32, #tpu.memory_space<vmem>>) target_semaphore(%run_scoped3A : memref<!tpu.dma_semaphore, #tpu.memory_space<semaphore_mem>>)
      %dma_wait3A_68 = tpu.memref_slice %arg3[%mul3A_2] : memref<65536xi32, #tpu.memory_space<hbm>> -> memref<2048xi32, #tpu.memory_space<hbm>>
      %dma_wait3A_69 = tpu.memref_slice %arg3[%mul3A_2] : memref<65536xi32, #tpu.memory_space<hbm>> -> memref<2048xi32, #tpu.memory_space<hbm>>
      tpu.wait_dma2 semaphore(%run_scoped3A : memref<!tpu.dma_semaphore, #tpu.memory_space<semaphore_mem>>) src(%dma_wait3A_69 : memref<2048xi32, #tpu.memory_space<hbm>>) dst(%arg18 : memref<2048xi32, #tpu.memory_space<vmem>>)
      tpu.yield
    }) : () -> ()
    %scan3A = arith.constant 0 : i32
    %scan3A_3 = arith.constant 0 : i32
    %scan3A_4 = arith.constant 128 : i32
    %scan3A_5 = arith.addi %scan3A_3, %scan3A_4 : i32
    %scan3A_6 = arith.constant 1 : i32
    %scan3A_7 = scf.for %scan3A_66 = %scan3A_3 to %scan3A_5 step %scan3A_6 iter_args(%scan3A_67 = %scan3A) -> (i32)  : i32 {
      %mul3A_68 = arith.constant 16 : i32
      %mul3A_69 = arith.muli %scan3A_66, %mul3A_68 : i32
      %get3A = arith.index_cast %mul3A_69 : i32 to index
      %get3A_70 = tpu.vector_load %arg17[%get3A] {strides = array<i32>} : memref<2048xi32, #tpu.memory_space<vmem>>, vector<16xi32>,
      %get3A_71 = arith.index_cast %mul3A_69 : i32 to index
      %get3A_72 = tpu.vector_load %arg18[%get3A_71] {strides = array<i32>} : memref<2048xi32, #tpu.memory_space<vmem>>, vector<16xi32>,
      %shift_right_arithmetic3A = arith.constant 0 : i32
      %shift_right_arithmetic3A_73 = vector.broadcast %shift_right_arithmetic3A : i32 to vector<16xi32>
      %shift_right_arithmetic3A_74 = arith.shrsi %get3A_70, %shift_right_arithmetic3A_73 : vector<16xi32>
      %and3A = arith.constant 31 : i32
      %and3A_75 = vector.broadcast %and3A : i32 to vector<16xi32>
      %and3A_76 = arith.andi %shift_right_arithmetic3A_74, %and3A_75 : vector<16xi32>
      %mul3A_77 = arith.constant 13 : i32
      %mul3A_78 = vector.broadcast %mul3A_77 : i32 to vector<16xi32>
      %mul3A_79 = arith.muli %and3A_76, %mul3A_78 : vector<16xi32>
      %shift_right_arithmetic3A_80 = arith.constant 6 : i32
      %shift_right_arithmetic3A_81 = vector.broadcast %shift_right_arithmetic3A_80 : i32 to vector<16xi32>
      %shift_right_arithmetic3A_82 = arith.shrsi %mul3A_79, %shift_right_arithmetic3A_81 : vector<16xi32>
      %mul3A_83 = arith.constant 5 : i32
      %mul3A_84 = vector.broadcast %mul3A_83 : i32 to vector<16xi32>
      %mul3A_85 = arith.muli %shift_right_arithmetic3A_82, %mul3A_84 : vector<16xi32>
      %sub3A = arith.subi %and3A_76, %mul3A_85 : vector<16xi32>
      %mul3A_86 = arith.constant 2052 : i32
      %mul3A_87 = vector.broadcast %mul3A_86 : i32 to vector<16xi32>
      %mul3A_88 = arith.muli %shift_right_arithmetic3A_82, %mul3A_87 : vector<16xi32>
      %add3A_89 = arith.addi %get3A_72, %mul3A_88 : vector<16xi32>
      %add3A_90 = arith.addi %add3A_89, %sub3A : vector<16xi32>
      %eq3A = arith.constant 25 : i32
      %eq3A_91 = vector.broadcast %eq3A : i32 to vector<16xi32>
      %eq3A_92 = arith.cmpi eq, %and3A_76, %eq3A_91 : vector<16xi32>
      %jit3A = arith.constant 139536 : i32
      %broadcast_in_dim3A = vector.broadcast %jit3A : i32 to vector<16xi32>
      %select_n3A = arith.select %eq3A_92, %broadcast_in_dim3A, %add3A_90 : vector<16xi1>, vector<16xi32>
      %swap3A = arith.index_cast %mul3A_69 : i32 to index
      %swap3A_93 = tpu.vector_load %arg6[%swap3A] {strides = array<i32>} : memref<2048xi32, #tpu.memory_space<vmem>>, vector<16xi32>,
      tpu.vector_store %arg6[%swap3A], %select_n3A {strides = array<i32>} : memref<2048xi32, #tpu.memory_space<vmem>>, vector<16xi32>,
      %scan3A_94 = arith.constant 0 : i32
      scf.yield %scan3A_94 : i32
    }
    %scan3A_8 = arith.constant 128 : i32
    %dma_start3A = arith.constant 0 : i32
    %dma_start3A_9 = tpu.memref_slice %arg4[%dma_start3A] : memref<139544xi32, #tpu.memory_space<hbm>> -> memref<139544xi32, #tpu.memory_space<hbm>>
    tpu.enqueue_indirect_dma source(%dma_start3A_9 : memref<139544xi32, #tpu.memory_space<hbm>>) target(%arg11 : memref<2048xi32, #tpu.memory_space<vmem>>) offsets(%arg6 : memref<2048xi32, #tpu.memory_space<vmem>>) semaphore(%arg19 : memref<!tpu.dma_semaphore, #tpu.memory_space<semaphore_mem>>)
    %scan3A_10 = arith.constant 0 : i32
    %scan3A_11 = arith.constant 0 : i32
    %scan3A_12 = arith.constant 128 : i32
    %scan3A_13 = arith.addi %scan3A_11, %scan3A_12 : i32
    %scan3A_14 = arith.constant 1 : i32
    %scan3A_15 = scf.for %scan3A_66 = %scan3A_11 to %scan3A_13 step %scan3A_14 iter_args(%scan3A_67 = %scan3A_10) -> (i32)  : i32 {
      %mul3A_68 = arith.constant 16 : i32
      %mul3A_69 = arith.muli %scan3A_66, %mul3A_68 : i32
      %get3A = arith.index_cast %mul3A_69 : i32 to index
      %get3A_70 = tpu.vector_load %arg17[%get3A] {strides = array<i32>} : memref<2048xi32, #tpu.memory_space<vmem>>, vector<16xi32>,
      %get3A_71 = arith.index_cast %mul3A_69 : i32 to index
      %get3A_72 = tpu.vector_load %arg18[%get3A_71] {strides = array<i32>} : memref<2048xi32, #tpu.memory_space<vmem>>, vector<16xi32>,
      %shift_right_arithmetic3A = arith.constant 5 : i32
      %shift_right_arithmetic3A_73 = vector.broadcast %shift_right_arithmetic3A : i32 to vector<16xi32>
      %shift_right_arithmetic3A_74 = arith.shrsi %get3A_70, %shift_right_arithmetic3A_73 : vector<16xi32>
      %and3A = arith.constant 31 : i32
      %and3A_75 = vector.broadcast %and3A : i32 to vector<16xi32>
      %and3A_76 = arith.andi %shift_right_arithmetic3A_74, %and3A_75 : vector<16xi32>
      %mul3A_77 = arith.constant 13 : i32
      %mul3A_78 = vector.broadcast %mul3A_77 : i32 to vector<16xi32>
      %mul3A_79 = arith.muli %and3A_76, %mul3A_78 : vector<16xi32>
      %shift_right_arithmetic3A_80 = arith.constant 6 : i32
      %shift_right_arithmetic3A_81 = vector.broadcast %shift_right_arithmetic3A_80 : i32 to vector<16xi32>
      %shift_right_arithmetic3A_82 = arith.shrsi %mul3A_79, %shift_right_arithmetic3A_81 : vector<16xi32>
      %mul3A_83 = arith.constant 5 : i32
      %mul3A_84 = vector.broadcast %mul3A_83 : i32 to vector<16xi32>
      %mul3A_85 = arith.muli %shift_right_arithmetic3A_82, %mul3A_84 : vector<16xi32>
      %sub3A = arith.subi %and3A_76, %mul3A_85 : vector<16xi32>
      %mul3A_86 = arith.constant 2052 : i32
      %mul3A_87 = vector.broadcast %mul3A_86 : i32 to vector<16xi32>
      %mul3A_88 = arith.muli %shift_right_arithmetic3A_82, %mul3A_87 : vector<16xi32>
      %add3A_89 = arith.addi %get3A_72, %mul3A_88 : vector<16xi32>
      %add3A_90 = arith.addi %add3A_89, %sub3A : vector<16xi32>
      %eq3A = arith.constant 25 : i32
      %eq3A_91 = vector.broadcast %eq3A : i32 to vector<16xi32>
      %eq3A_92 = arith.cmpi eq, %and3A_76, %eq3A_91 : vector<16xi32>
      %jit3A = arith.constant 139536 : i32
      %broadcast_in_dim3A = vector.broadcast %jit3A : i32 to vector<16xi32>
      %select_n3A = arith.select %eq3A_92, %broadcast_in_dim3A, %add3A_90 : vector<16xi1>, vector<16xi32>
      %swap3A = arith.index_cast %mul3A_69 : i32 to index
      %swap3A_93 = tpu.vector_load %arg7[%swap3A] {strides = array<i32>} : memref<2048xi32, #tpu.memory_space<vmem>>, vector<16xi32>,
      tpu.vector_store %arg7[%swap3A], %select_n3A {strides = array<i32>} : memref<2048xi32, #tpu.memory_space<vmem>>, vector<16xi32>,
      %scan3A_94 = arith.constant 0 : i32
      scf.yield %scan3A_94 : i32
    }
    %scan3A_16 = arith.constant 128 : i32
    %dma_start3A_17 = arith.constant 0 : i32
    %dma_start3A_18 = tpu.memref_slice %arg4[%dma_start3A_17] : memref<139544xi32, #tpu.memory_space<hbm>> -> memref<139544xi32, #tpu.memory_space<hbm>>
    tpu.enqueue_indirect_dma source(%dma_start3A_18 : memref<139544xi32, #tpu.memory_space<hbm>>) target(%arg12 : memref<2048xi32, #tpu.memory_space<vmem>>) offsets(%arg7 : memref<2048xi32, #tpu.memory_space<vmem>>) semaphore(%arg20 : memref<!tpu.dma_semaphore, #tpu.memory_space<semaphore_mem>>)
    %scan3A_19 = arith.constant 0 : i32
    %scan3A_20 = arith.constant 0 : i32
    %scan3A_21 = arith.constant 128 : i32
    %scan3A_22 = arith.addi %scan3A_20, %scan3A_21 : i32
    %scan3A_23 = arith.constant 1 : i32
    %scan3A_24 = scf.for %scan3A_66 = %scan3A_20 to %scan3A_22 step %scan3A_23 iter_args(%scan3A_67 = %scan3A_19) -> (i32)  : i32 {
      %mul3A_68 = arith.constant 16 : i32
      %mul3A_69 = arith.muli %scan3A_66, %mul3A_68 : i32
      %get3A = arith.index_cast %mul3A_69 : i32 to index
      %get3A_70 = tpu.vector_load %arg17[%get3A] {strides = array<i32>} : memref<2048xi32, #tpu.memory_space<vmem>>, vector<16xi32>,
      %get3A_71 = arith.index_cast %mul3A_69 : i32 to index
      %get3A_72 = tpu.vector_load %arg18[%get3A_71] {strides = array<i32>} : memref<2048xi32, #tpu.memory_space<vmem>>, vector<16xi32>,
      %shift_right_arithmetic3A = arith.constant 10 : i32
      %shift_right_arithmetic3A_73 = vector.broadcast %shift_right_arithmetic3A : i32 to vector<16xi32>
      %shift_right_arithmetic3A_74 = arith.shrsi %get3A_70, %shift_right_arithmetic3A_73 : vector<16xi32>
      %and3A = arith.constant 31 : i32
      %and3A_75 = vector.broadcast %and3A : i32 to vector<16xi32>
      %and3A_76 = arith.andi %shift_right_arithmetic3A_74, %and3A_75 : vector<16xi32>
      %mul3A_77 = arith.constant 13 : i32
      %mul3A_78 = vector.broadcast %mul3A_77 : i32 to vector<16xi32>
      %mul3A_79 = arith.muli %and3A_76, %mul3A_78 : vector<16xi32>
      %shift_right_arithmetic3A_80 = arith.constant 6 : i32
      %shift_right_arithmetic3A_81 = vector.broadcast %shift_right_arithmetic3A_80 : i32 to vector<16xi32>
      %shift_right_arithmetic3A_82 = arith.shrsi %mul3A_79, %shift_right_arithmetic3A_81 : vector<16xi32>
      %mul3A_83 = arith.constant 5 : i32
      %mul3A_84 = vector.broadcast %mul3A_83 : i32 to vector<16xi32>
      %mul3A_85 = arith.muli %shift_right_arithmetic3A_82, %mul3A_84 : vector<16xi32>
      %sub3A = arith.subi %and3A_76, %mul3A_85 : vector<16xi32>
      %mul3A_86 = arith.constant 2052 : i32
      %mul3A_87 = vector.broadcast %mul3A_86 : i32 to vector<16xi32>
      %mul3A_88 = arith.muli %shift_right_arithmetic3A_82, %mul3A_87 : vector<16xi32>
      %add3A_89 = arith.addi %get3A_72, %mul3A_88 : vector<16xi32>
      %add3A_90 = arith.addi %add3A_89, %sub3A : vector<16xi32>
      %eq3A = arith.constant 25 : i32
      %eq3A_91 = vector.broadcast %eq3A : i32 to vector<16xi32>
      %eq3A_92 = arith.cmpi eq, %and3A_76, %eq3A_91 : vector<16xi32>
      %jit3A = arith.constant 139536 : i32
      %broadcast_in_dim3A = vector.broadcast %jit3A : i32 to vector<16xi32>
      %select_n3A = arith.select %eq3A_92, %broadcast_in_dim3A, %add3A_90 : vector<16xi1>, vector<16xi32>
      %swap3A = arith.index_cast %mul3A_69 : i32 to index
      %swap3A_93 = tpu.vector_load %arg8[%swap3A] {strides = array<i32>} : memref<2048xi32, #tpu.memory_space<vmem>>, vector<16xi32>,
      tpu.vector_store %arg8[%swap3A], %select_n3A {strides = array<i32>} : memref<2048xi32, #tpu.memory_space<vmem>>, vector<16xi32>,
      %scan3A_94 = arith.constant 0 : i32
      scf.yield %scan3A_94 : i32
    }
    %scan3A_25 = arith.constant 128 : i32
    %dma_start3A_26 = arith.constant 0 : i32
    %dma_start3A_27 = tpu.memref_slice %arg4[%dma_start3A_26] : memref<139544xi32, #tpu.memory_space<hbm>> -> memref<139544xi32, #tpu.memory_space<hbm>>
    tpu.enqueue_indirect_dma source(%dma_start3A_27 : memref<139544xi32, #tpu.memory_space<hbm>>) target(%arg13 : memref<2048xi32, #tpu.memory_space<vmem>>) offsets(%arg8 : memref<2048xi32, #tpu.memory_space<vmem>>) semaphore(%arg21 : memref<!tpu.dma_semaphore, #tpu.memory_space<semaphore_mem>>)
    %scan3A_28 = arith.constant 0 : i32
    %scan3A_29 = arith.constant 0 : i32
    %scan3A_30 = arith.constant 128 : i32
    %scan3A_31 = arith.addi %scan3A_29, %scan3A_30 : i32
    %scan3A_32 = arith.constant 1 : i32
    %scan3A_33 = scf.for %scan3A_66 = %scan3A_29 to %scan3A_31 step %scan3A_32 iter_args(%scan3A_67 = %scan3A_28) -> (i32)  : i32 {
      %mul3A_68 = arith.constant 16 : i32
      %mul3A_69 = arith.muli %scan3A_66, %mul3A_68 : i32
      %get3A = arith.index_cast %mul3A_69 : i32 to index
      %get3A_70 = tpu.vector_load %arg17[%get3A] {strides = array<i32>} : memref<2048xi32, #tpu.memory_space<vmem>>, vector<16xi32>,
      %get3A_71 = arith.index_cast %mul3A_69 : i32 to index
      %get3A_72 = tpu.vector_load %arg18[%get3A_71] {strides = array<i32>} : memref<2048xi32, #tpu.memory_space<vmem>>, vector<16xi32>,
      %shift_right_arithmetic3A = arith.constant 15 : i32
      %shift_right_arithmetic3A_73 = vector.broadcast %shift_right_arithmetic3A : i32 to vector<16xi32>
      %shift_right_arithmetic3A_74 = arith.shrsi %get3A_70, %shift_right_arithmetic3A_73 : vector<16xi32>
      %and3A = arith.constant 31 : i32
      %and3A_75 = vector.broadcast %and3A : i32 to vector<16xi32>
      %and3A_76 = arith.andi %shift_right_arithmetic3A_74, %and3A_75 : vector<16xi32>
      %mul3A_77 = arith.constant 13 : i32
      %mul3A_78 = vector.broadcast %mul3A_77 : i32 to vector<16xi32>
      %mul3A_79 = arith.muli %and3A_76, %mul3A_78 : vector<16xi32>
      %shift_right_arithmetic3A_80 = arith.constant 6 : i32
      %shift_right_arithmetic3A_81 = vector.broadcast %shift_right_arithmetic3A_80 : i32 to vector<16xi32>
      %shift_right_arithmetic3A_82 = arith.shrsi %mul3A_79, %shift_right_arithmetic3A_81 : vector<16xi32>
      %mul3A_83 = arith.constant 5 : i32
      %mul3A_84 = vector.broadcast %mul3A_83 : i32 to vector<16xi32>
      %mul3A_85 = arith.muli %shift_right_arithmetic3A_82, %mul3A_84 : vector<16xi32>
      %sub3A = arith.subi %and3A_76, %mul3A_85 : vector<16xi32>
      %mul3A_86 = arith.constant 2052 : i32
      %mul3A_87 = vector.broadcast %mul3A_86 : i32 to vector<16xi32>
      %mul3A_88 = arith.muli %shift_right_arithmetic3A_82, %mul3A_87 : vector<16xi32>
      %add3A_89 = arith.addi %get3A_72, %mul3A_88 : vector<16xi32>
      %add3A_90 = arith.addi %add3A_89, %sub3A : vector<16xi32>
      %eq3A = arith.constant 25 : i32
      %eq3A_91 = vector.broadcast %eq3A : i32 to vector<16xi32>
      %eq3A_92 = arith.cmpi eq, %and3A_76, %eq3A_91 : vector<16xi32>
      %jit3A = arith.constant 139536 : i32
      %broadcast_in_dim3A = vector.broadcast %jit3A : i32 to vector<16xi32>
      %select_n3A = arith.select %eq3A_92, %broadcast_in_dim3A, %add3A_90 : vector<16xi1>, vector<16xi32>
      %swap3A = arith.index_cast %mul3A_69 : i32 to index
      %swap3A_93 = tpu.vector_load %arg9[%swap3A] {strides = array<i32>} : memref<2048xi32, #tpu.memory_space<vmem>>, vector<16xi32>,
      tpu.vector_store %arg9[%swap3A], %select_n3A {strides = array<i32>} : memref<2048xi32, #tpu.memory_space<vmem>>, vector<16xi32>,
      %scan3A_94 = arith.constant 0 : i32
      scf.yield %scan3A_94 : i32
    }
    %scan3A_34 = arith.constant 128 : i32
    %dma_start3A_35 = arith.constant 0 : i32
    %dma_start3A_36 = tpu.memref_slice %arg4[%dma_start3A_35] : memref<139544xi32, #tpu.memory_space<hbm>> -> memref<139544xi32, #tpu.memory_space<hbm>>
    tpu.enqueue_indirect_dma source(%dma_start3A_36 : memref<139544xi32, #tpu.memory_space<hbm>>) target(%arg14 : memref<2048xi32, #tpu.memory_space<vmem>>) offsets(%arg9 : memref<2048xi32, #tpu.memory_space<vmem>>) semaphore(%arg22 : memref<!tpu.dma_semaphore, #tpu.memory_space<semaphore_mem>>)
    %scan3A_37 = arith.constant 0 : i32
    %scan3A_38 = arith.constant 0 : i32
    %scan3A_39 = arith.constant 128 : i32
    %scan3A_40 = arith.addi %scan3A_38, %scan3A_39 : i32
    %scan3A_41 = arith.constant 1 : i32
    %scan3A_42 = scf.for %scan3A_66 = %scan3A_38 to %scan3A_40 step %scan3A_41 iter_args(%scan3A_67 = %scan3A_37) -> (i32)  : i32 {
      %mul3A_68 = arith.constant 16 : i32
      %mul3A_69 = arith.muli %scan3A_66, %mul3A_68 : i32
      %get3A = arith.index_cast %mul3A_69 : i32 to index
      %get3A_70 = tpu.vector_load %arg17[%get3A] {strides = array<i32>} : memref<2048xi32, #tpu.memory_space<vmem>>, vector<16xi32>,
      %get3A_71 = arith.index_cast %mul3A_69 : i32 to index
      %get3A_72 = tpu.vector_load %arg18[%get3A_71] {strides = array<i32>} : memref<2048xi32, #tpu.memory_space<vmem>>, vector<16xi32>,
      %shift_right_arithmetic3A = arith.constant 20 : i32
      %shift_right_arithmetic3A_73 = vector.broadcast %shift_right_arithmetic3A : i32 to vector<16xi32>
      %shift_right_arithmetic3A_74 = arith.shrsi %get3A_70, %shift_right_arithmetic3A_73 : vector<16xi32>
      %and3A = arith.constant 31 : i32
      %and3A_75 = vector.broadcast %and3A : i32 to vector<16xi32>
      %and3A_76 = arith.andi %shift_right_arithmetic3A_74, %and3A_75 : vector<16xi32>
      %mul3A_77 = arith.constant 13 : i32
      %mul3A_78 = vector.broadcast %mul3A_77 : i32 to vector<16xi32>
      %mul3A_79 = arith.muli %and3A_76, %mul3A_78 : vector<16xi32>
      %shift_right_arithmetic3A_80 = arith.constant 6 : i32
      %shift_right_arithmetic3A_81 = vector.broadcast %shift_right_arithmetic3A_80 : i32 to vector<16xi32>
      %shift_right_arithmetic3A_82 = arith.shrsi %mul3A_79, %shift_right_arithmetic3A_81 : vector<16xi32>
      %mul3A_83 = arith.constant 5 : i32
      %mul3A_84 = vector.broadcast %mul3A_83 : i32 to vector<16xi32>
      %mul3A_85 = arith.muli %shift_right_arithmetic3A_82, %mul3A_84 : vector<16xi32>
      %sub3A = arith.subi %and3A_76, %mul3A_85 : vector<16xi32>
      %mul3A_86 = arith.constant 2052 : i32
      %mul3A_87 = vector.broadcast %mul3A_86 : i32 to vector<16xi32>
      %mul3A_88 = arith.muli %shift_right_arithmetic3A_82, %mul3A_87 : vector<16xi32>
      %add3A_89 = arith.addi %get3A_72, %mul3A_88 : vector<16xi32>
      %add3A_90 = arith.addi %add3A_89, %sub3A : vector<16xi32>
      %eq3A = arith.constant 25 : i32
      %eq3A_91 = vector.broadcast %eq3A : i32 to vector<16xi32>
      %eq3A_92 = arith.cmpi eq, %and3A_76, %eq3A_91 : vector<16xi32>
      %jit3A = arith.constant 139536 : i32
      %broadcast_in_dim3A = vector.broadcast %jit3A : i32 to vector<16xi32>
      %select_n3A = arith.select %eq3A_92, %broadcast_in_dim3A, %add3A_90 : vector<16xi1>, vector<16xi32>
      %swap3A = arith.index_cast %mul3A_69 : i32 to index
      %swap3A_93 = tpu.vector_load %arg10[%swap3A] {strides = array<i32>} : memref<2048xi32, #tpu.memory_space<vmem>>, vector<16xi32>,
      tpu.vector_store %arg10[%swap3A], %select_n3A {strides = array<i32>} : memref<2048xi32, #tpu.memory_space<vmem>>, vector<16xi32>,
      %scan3A_94 = arith.constant 0 : i32
      scf.yield %scan3A_94 : i32
    }
    %scan3A_43 = arith.constant 128 : i32
    %dma_start3A_44 = arith.constant 0 : i32
    %dma_start3A_45 = tpu.memref_slice %arg4[%dma_start3A_44] : memref<139544xi32, #tpu.memory_space<hbm>> -> memref<139544xi32, #tpu.memory_space<hbm>>
    tpu.enqueue_indirect_dma source(%dma_start3A_45 : memref<139544xi32, #tpu.memory_space<hbm>>) target(%arg15 : memref<2048xi32, #tpu.memory_space<vmem>>) offsets(%arg10 : memref<2048xi32, #tpu.memory_space<vmem>>) semaphore(%arg23 : memref<!tpu.dma_semaphore, #tpu.memory_space<semaphore_mem>>)
    %dma_wait3A = arith.constant 0 : i32
    %dma_wait3A_46 = tpu.memref_slice %arg4[%dma_wait3A] : memref<139544xi32, #tpu.memory_space<hbm>> -> memref<139544xi32, #tpu.memory_space<hbm>>
    tpu.wait_indirect_dma semaphore(%arg19 : memref<!tpu.dma_semaphore, #tpu.memory_space<semaphore_mem>>) src(%dma_wait3A_46 : memref<139544xi32, #tpu.memory_space<hbm>>) dst(%arg11 : memref<2048xi32, #tpu.memory_space<vmem>>)
    %dma_wait3A_47 = arith.constant 0 : i32
    %dma_wait3A_48 = tpu.memref_slice %arg4[%dma_wait3A_47] : memref<139544xi32, #tpu.memory_space<hbm>> -> memref<139544xi32, #tpu.memory_space<hbm>>
    tpu.wait_indirect_dma semaphore(%arg20 : memref<!tpu.dma_semaphore, #tpu.memory_space<semaphore_mem>>) src(%dma_wait3A_48 : memref<139544xi32, #tpu.memory_space<hbm>>) dst(%arg12 : memref<2048xi32, #tpu.memory_space<vmem>>)
    %dma_wait3A_49 = arith.constant 0 : i32
    %dma_wait3A_50 = tpu.memref_slice %arg4[%dma_wait3A_49] : memref<139544xi32, #tpu.memory_space<hbm>> -> memref<139544xi32, #tpu.memory_space<hbm>>
    tpu.wait_indirect_dma semaphore(%arg21 : memref<!tpu.dma_semaphore, #tpu.memory_space<semaphore_mem>>) src(%dma_wait3A_50 : memref<139544xi32, #tpu.memory_space<hbm>>) dst(%arg13 : memref<2048xi32, #tpu.memory_space<vmem>>)
    %dma_wait3A_51 = arith.constant 0 : i32
    %dma_wait3A_52 = tpu.memref_slice %arg4[%dma_wait3A_51] : memref<139544xi32, #tpu.memory_space<hbm>> -> memref<139544xi32, #tpu.memory_space<hbm>>
    tpu.wait_indirect_dma semaphore(%arg22 : memref<!tpu.dma_semaphore, #tpu.memory_space<semaphore_mem>>) src(%dma_wait3A_52 : memref<139544xi32, #tpu.memory_space<hbm>>) dst(%arg14 : memref<2048xi32, #tpu.memory_space<vmem>>)
    %dma_wait3A_53 = arith.constant 0 : i32
    %dma_wait3A_54 = tpu.memref_slice %arg4[%dma_wait3A_53] : memref<139544xi32, #tpu.memory_space<hbm>> -> memref<139544xi32, #tpu.memory_space<hbm>>
    tpu.wait_indirect_dma semaphore(%arg23 : memref<!tpu.dma_semaphore, #tpu.memory_space<semaphore_mem>>) src(%dma_wait3A_54 : memref<139544xi32, #tpu.memory_space<hbm>>) dst(%arg15 : memref<2048xi32, #tpu.memory_space<vmem>>)
    %scan3A_55 = arith.constant 0 : i32
    %scan3A_56 = arith.constant 0 : i32
    %scan3A_57 = arith.constant 128 : i32
    %scan3A_58 = arith.addi %scan3A_56, %scan3A_57 : i32
    %scan3A_59 = arith.constant 1 : i32
    %scan3A_60 = scf.for %scan3A_66 = %scan3A_56 to %scan3A_58 step %scan3A_59 iter_args(%scan3A_67 = %scan3A_55) -> (i32)  : i32 {
      %mul3A_68 = arith.constant 16 : i32
      %mul3A_69 = arith.muli %scan3A_66, %mul3A_68 : i32
      %get3A = arith.index_cast %mul3A_69 : i32 to index
      %get3A_70 = tpu.vector_load %arg11[%get3A] {strides = array<i32>} : memref<2048xi32, #tpu.memory_space<vmem>>, vector<16xi32>,
      %get3A_71 = arith.index_cast %mul3A_69 : i32 to index
      %get3A_72 = tpu.vector_load %arg12[%get3A_71] {strides = array<i32>} : memref<2048xi32, #tpu.memory_space<vmem>>, vector<16xi32>,
      %get3A_73 = arith.index_cast %mul3A_69 : i32 to index
      %get3A_74 = tpu.vector_load %arg13[%get3A_73] {strides = array<i32>} : memref<2048xi32, #tpu.memory_space<vmem>>, vector<16xi32>,
      %get3A_75 = arith.index_cast %mul3A_69 : i32 to index
      %get3A_76 = tpu.vector_load %arg14[%get3A_75] {strides = array<i32>} : memref<2048xi32, #tpu.memory_space<vmem>>, vector<16xi32>,
      %get3A_77 = arith.index_cast %mul3A_69 : i32 to index
      %get3A_78 = tpu.vector_load %arg15[%get3A_77] {strides = array<i32>} : memref<2048xi32, #tpu.memory_space<vmem>>, vector<16xi32>,
      %broadcast_in_dim3A = arith.constant 1 : i32
      %broadcast_in_dim3A_79 = vector.broadcast %broadcast_in_dim3A : i32 to vector<16xi32>
      %eq3A = arith.cmpi eq, %get3A_70, %get3A_72 : vector<16xi32>
      %convert_element_type3A = arith.extui %eq3A : vector<16xi1> to vector<16xi32>
      %add3A_80 = arith.addi %broadcast_in_dim3A_79, %convert_element_type3A : vector<16xi32>
      %add3A_81 = arith.addi %broadcast_in_dim3A_79, %convert_element_type3A : vector<16xi32>
      %eq3A_82 = arith.cmpi eq, %get3A_70, %get3A_74 : vector<16xi32>
      %convert_element_type3A_83 = arith.extui %eq3A_82 : vector<16xi1> to vector<16xi32>
      %add3A_84 = arith.addi %add3A_80, %convert_element_type3A_83 : vector<16xi32>
      %add3A_85 = arith.addi %broadcast_in_dim3A_79, %convert_element_type3A_83 : vector<16xi32>
      %eq3A_86 = arith.cmpi eq, %get3A_70, %get3A_76 : vector<16xi32>
      %convert_element_type3A_87 = arith.extui %eq3A_86 : vector<16xi1> to vector<16xi32>
      %add3A_88 = arith.addi %add3A_84, %convert_element_type3A_87 : vector<16xi32>
      %add3A_89 = arith.addi %broadcast_in_dim3A_79, %convert_element_type3A_87 : vector<16xi32>
      %eq3A_90 = arith.cmpi eq, %get3A_70, %get3A_78 : vector<16xi32>
      %convert_element_type3A_91 = arith.extui %eq3A_90 : vector<16xi1> to vector<16xi32>
      %add3A_92 = arith.addi %add3A_88, %convert_element_type3A_91 : vector<16xi32>
      %add3A_93 = arith.addi %broadcast_in_dim3A_79, %convert_element_type3A_91 : vector<16xi32>
      %eq3A_94 = arith.cmpi eq, %get3A_72, %get3A_74 : vector<16xi32>
      %convert_element_type3A_95 = arith.extui %eq3A_94 : vector<16xi1> to vector<16xi32>
      %add3A_96 = arith.addi %add3A_81, %convert_element_type3A_95 : vector<16xi32>
      %add3A_97 = arith.addi %add3A_85, %convert_element_type3A_95 : vector<16xi32>
      %eq3A_98 = arith.cmpi eq, %get3A_72, %get3A_76 : vector<16xi32>
      %convert_element_type3A_99 = arith.extui %eq3A_98 : vector<16xi1> to vector<16xi32>
      %add3A_100 = arith.addi %add3A_96, %convert_element_type3A_99 : vector<16xi32>
      %add3A_101 = arith.addi %add3A_89, %convert_element_type3A_99 : vector<16xi32>
      %eq3A_102 = arith.cmpi eq, %get3A_72, %get3A_78 : vector<16xi32>
      %convert_element_type3A_103 = arith.extui %eq3A_102 : vector<16xi1> to vector<16xi32>
      %add3A_104 = arith.addi %add3A_100, %convert_element_type3A_103 : vector<16xi32>
      %add3A_105 = arith.addi %add3A_93, %convert_element_type3A_103 : vector<16xi32>
      %eq3A_106 = arith.cmpi eq, %get3A_74, %get3A_76 : vector<16xi32>
      %convert_element_type3A_107 = arith.extui %eq3A_106 : vector<16xi1> to vector<16xi32>
      %add3A_108 = arith.addi %add3A_97, %convert_element_type3A_107 : vector<16xi32>
      %add3A_109 = arith.addi %add3A_101, %convert_element_type3A_107 : vector<16xi32>
      %eq3A_110 = arith.cmpi eq, %get3A_74, %get3A_78 : vector<16xi32>
      %convert_element_type3A_111 = arith.extui %eq3A_110 : vector<16xi1> to vector<16xi32>
      %add3A_112 = arith.addi %add3A_108, %convert_element_type3A_111 : vector<16xi32>
      %add3A_113 = arith.addi %add3A_105, %convert_element_type3A_111 : vector<16xi32>
      %eq3A_114 = arith.cmpi eq, %get3A_76, %get3A_78 : vector<16xi32>
      %convert_element_type3A_115 = arith.extui %eq3A_114 : vector<16xi1> to vector<16xi32>
      %add3A_116 = arith.addi %add3A_109, %convert_element_type3A_115 : vector<16xi32>
      %add3A_117 = arith.addi %add3A_113, %convert_element_type3A_115 : vector<16xi32>
      %broadcast_in_dim3A_118 = arith.constant -1000 : i32
      %broadcast_in_dim3A_119 = vector.broadcast %broadcast_in_dim3A_118 : i32 to vector<16xi32>
      %ge3A = arith.constant 1 : i32
      %ge3A_120 = vector.broadcast %ge3A : i32 to vector<16xi32>
      %ge3A_121 = arith.cmpi sge, %get3A_70, %ge3A_120 : vector<16xi32>
      %lt3A = arith.constant 20 : i32
      %lt3A_122 = vector.broadcast %lt3A : i32 to vector<16xi32>
      %lt3A_123 = arith.cmpi slt, %get3A_70, %lt3A_122 : vector<16xi32>
      %and3A = arith.andi %ge3A_121, %lt3A_123 : vector<16xi1>
      %mul3A_124 = arith.constant 32 : i32
      %mul3A_125 = vector.broadcast %mul3A_124 : i32 to vector<16xi32>
      %mul3A_126 = arith.muli %add3A_92, %mul3A_125 : vector<16xi32>
      %sub3A = arith.subi %mul3A_126, %get3A_70 : vector<16xi32>
      %select_n3A = arith.select %and3A, %sub3A, %broadcast_in_dim3A_119 : vector<16xi1>, vector<16xi32>
      %max3A = arith.maxsi %broadcast_in_dim3A_119, %select_n3A : vector<16xi32>
      %ge3A_127 = arith.constant 1 : i32
      %ge3A_128 = vector.broadcast %ge3A_127 : i32 to vector<16xi32>
      %ge3A_129 = arith.cmpi sge, %get3A_72, %ge3A_128 : vector<16xi32>
      %lt3A_130 = arith.constant 20 : i32
      %lt3A_131 = vector.broadcast %lt3A_130 : i32 to vector<16xi32>
      %lt3A_132 = arith.cmpi slt, %get3A_72, %lt3A_131 : vector<16xi32>
      %and3A_133 = arith.andi %ge3A_129, %lt3A_132 : vector<16xi1>
      %mul3A_134 = arith.constant 32 : i32
      %mul3A_135 = vector.broadcast %mul3A_134 : i32 to vector<16xi32>
      %mul3A_136 = arith.muli %add3A_104, %mul3A_135 : vector<16xi32>
      %sub3A_137 = arith.subi %mul3A_136, %get3A_72 : vector<16xi32>
      %select_n3A_138 = arith.select %and3A_133, %sub3A_137, %broadcast_in_dim3A_119 : vector<16xi1>, vector<16xi32>
      %max3A_139 = arith.maxsi %max3A, %select_n3A_138 : vector<16xi32>
      %ge3A_140 = arith.constant 1 : i32
      %ge3A_141 = vector.broadcast %ge3A_140 : i32 to vector<16xi32>
      %ge3A_142 = arith.cmpi sge, %get3A_74, %ge3A_141 : vector<16xi32>
      %lt3A_143 = arith.constant 20 : i32
      %lt3A_144 = vector.broadcast %lt3A_143 : i32 to vector<16xi32>
      %lt3A_145 = arith.cmpi slt, %get3A_74, %lt3A_144 : vector<16xi32>
      %and3A_146 = arith.andi %ge3A_142, %lt3A_145 : vector<16xi1>
      %mul3A_147 = arith.constant 32 : i32
      %mul3A_148 = vector.broadcast %mul3A_147 : i32 to vector<16xi32>
      %mul3A_149 = arith.muli %add3A_112, %mul3A_148 : vector<16xi32>
      %sub3A_150 = arith.subi %mul3A_149, %get3A_74 : vector<16xi32>
      %select_n3A_151 = arith.select %and3A_146, %sub3A_150, %broadcast_in_dim3A_119 : vector<16xi1>, vector<16xi32>
      %max3A_152 = arith.maxsi %max3A_139, %select_n3A_151 : vector<16xi32>
      %ge3A_153 = arith.constant 1 : i32
      %ge3A_154 = vector.broadcast %ge3A_153 : i32 to vector<16xi32>
      %ge3A_155 = arith.cmpi sge, %get3A_76, %ge3A_154 : vector<16xi32>
      %lt3A_156 = arith.constant 20 : i32
      %lt3A_157 = vector.broadcast %lt3A_156 : i32 to vector<16xi32>
      %lt3A_158 = arith.cmpi slt, %get3A_76, %lt3A_157 : vector<16xi32>
      %and3A_159 = arith.andi %ge3A_155, %lt3A_158 : vector<16xi1>
      %mul3A_160 = arith.constant 32 : i32
      %mul3A_161 = vector.broadcast %mul3A_160 : i32 to vector<16xi32>
      %mul3A_162 = arith.muli %add3A_116, %mul3A_161 : vector<16xi32>
      %sub3A_163 = arith.subi %mul3A_162, %get3A_76 : vector<16xi32>
      %select_n3A_164 = arith.select %and3A_159, %sub3A_163, %broadcast_in_dim3A_119 : vector<16xi1>, vector<16xi32>
      %max3A_165 = arith.maxsi %max3A_152, %select_n3A_164 : vector<16xi32>
      %ge3A_166 = arith.constant 1 : i32
      %ge3A_167 = vector.broadcast %ge3A_166 : i32 to vector<16xi32>
      %ge3A_168 = arith.cmpi sge, %get3A_78, %ge3A_167 : vector<16xi32>
      %lt3A_169 = arith.constant 20 : i32
      %lt3A_170 = vector.broadcast %lt3A_169 : i32 to vector<16xi32>
      %lt3A_171 = arith.cmpi slt, %get3A_78, %lt3A_170 : vector<16xi32>
      %and3A_172 = arith.andi %ge3A_168, %lt3A_171 : vector<16xi1>
      %mul3A_173 = arith.constant 32 : i32
      %mul3A_174 = vector.broadcast %mul3A_173 : i32 to vector<16xi32>
      %mul3A_175 = arith.muli %add3A_117, %mul3A_174 : vector<16xi32>
      %sub3A_176 = arith.subi %mul3A_175, %get3A_78 : vector<16xi32>
      %select_n3A_177 = arith.select %and3A_172, %sub3A_176, %broadcast_in_dim3A_119 : vector<16xi1>, vector<16xi32>
      %max3A_178 = arith.maxsi %max3A_165, %select_n3A_177 : vector<16xi32>
      %eq3A_179 = arith.constant -1000 : i32
      %eq3A_180 = vector.broadcast %eq3A_179 : i32 to vector<16xi32>
      %eq3A_181 = arith.cmpi eq, %max3A_178, %eq3A_180 : vector<16xi32>
      %and3A_182 = arith.constant 31 : i32
      %and3A_183 = vector.broadcast %and3A_182 : i32 to vector<16xi32>
      %and3A_184 = arith.andi %max3A_178, %and3A_183 : vector<16xi32>
      %sub3A_185 = arith.constant 32 : i32
      %sub3A_186 = vector.broadcast %sub3A_185 : i32 to vector<16xi32>
      %sub3A_187 = arith.subi %sub3A_186, %and3A_184 : vector<16xi32>
      %jit3A = arith.constant 1 : i32
      %broadcast_in_dim3A_188 = vector.broadcast %jit3A : i32 to vector<16xi32>
      %select_n3A_189 = arith.select %eq3A_181, %broadcast_in_dim3A_188, %sub3A_187 : vector<16xi1>, vector<16xi32>
      %swap3A = arith.index_cast %mul3A_69 : i32 to index
      %swap3A_190 = tpu.vector_load %arg16[%swap3A] {strides = array<i32>} : memref<2048xi32, #tpu.memory_space<vmem>>, vector<16xi32>,
      tpu.vector_store %arg16[%swap3A], %select_n3A_189 {strides = array<i32>} : memref<2048xi32, #tpu.memory_space<vmem>>, vector<16xi32>,
      %scan3A_191 = arith.constant 0 : i32
      scf.yield %scan3A_191 : i32
    }
    %scan3A_61 = arith.constant 128 : i32
    %dma_start3A_62 = tpu.memref_slice %arg5[%mul3A_2] : memref<65536xi32, #tpu.memory_space<hbm>> -> memref<2048xi32, #tpu.memory_space<hbm>>
    %dma_start3A_63 = tpu.memref_slice %arg5[%mul3A_2] : memref<65536xi32, #tpu.memory_space<hbm>> -> memref<2048xi32, #tpu.memory_space<hbm>>
    tpu.enqueue_dma source(%arg16 : memref<2048xi32, #tpu.memory_space<vmem>>) target(%dma_start3A_63 : memref<2048xi32, #tpu.memory_space<hbm>>) target_semaphore(%arg24 : memref<!tpu.dma_semaphore, #tpu.memory_space<semaphore_mem>>)
    %dma_wait3A_64 = tpu.memref_slice %arg5[%mul3A_2] : memref<65536xi32, #tpu.memory_space<hbm>> -> memref<2048xi32, #tpu.memory_space<hbm>>
    %dma_wait3A_65 = tpu.memref_slice %arg5[%mul3A_2] : memref<65536xi32, #tpu.memory_space<hbm>> -> memref<2048xi32, #tpu.memory_space<hbm>>
    tpu.wait_dma2 semaphore(%arg24 : memref<!tpu.dma_semaphore, #tpu.memory_space<semaphore_mem>>) src(%arg16 : memref<2048xi32, #tpu.memory_space<vmem>>) dst(%dma_wait3A_65 : memref<2048xi32, #tpu.memory_space<hbm>>)
    return
  }
}

#map = affine_map<(d0, d1) -> (0)>
module attributes {stable_mosaic.version = 14 : i64} {
  func.func @sc1(%arg0: i32, %arg1: i32, %arg2: memref<65536xi32, #tpu.memory_space<hbm>>, %arg3: memref<139536xf32, #tpu.memory_space<hbm>>, %arg4: memref<65536xf32, #tpu.memory_space<hbm>>, %arg5: memref<2097152xf32, #tpu.memory_space<hbm>>, %arg6: memref<2048xi32, #tpu.memory_space<vmem>>, %arg7: memref<2048xi32, #tpu.memory_space<vmem>>, %arg8: memref<2048xi32, #tpu.memory_space<vmem>>, %arg9: memref<2048xf32, #tpu.memory_space<vmem>>, %arg10: memref<2048xf32, #tpu.memory_space<vmem>>, %arg11: memref<2048xf32, #tpu.memory_space<vmem>>, %arg12: memref<2048xi32, #tpu.memory_space<vmem>>, %arg13: memref<!tpu.dma_semaphore, #tpu.memory_space<semaphore_mem>>, %arg14: memref<!tpu.dma_semaphore, #tpu.memory_space<semaphore_mem>>, %arg15: memref<!tpu.dma_semaphore, #tpu.memory_space<semaphore_mem>>, %arg16: memref<!tpu.dma_semaphore, #tpu.memory_space<semaphore_mem>>, %arg17: memref<!tpu.dma_semaphore, #tpu.memory_space<semaphore_mem>>, %arg18: memref<!tpu.dma_semaphore, #tpu.memory_space<semaphore_mem>>, %arg19: memref<2048xf32, #tpu.memory_space<vmem>>, %arg20: memref<!tpu.dma_semaphore, #tpu.memory_space<semaphore_mem>>) attributes {dimension_semantics = [#tpu.dimension_semantics<core_parallel>, #tpu.dimension_semantics<subcore_parallel>], iteration_bounds = array<i64: 2, 16>, scalar_prefetch = 0 : i64, scratch_operands = 15 : i64, tpu.core_type = #tpu.core_type<sc_vector_subcore>, window_params = [{transform_indices = #map}, {transform_indices = #map}, {transform_indices = #map}, {transform_indices = #map}]} {
    %mul3A = arith.constant 2 : i32
    %mul3A_0 = arith.muli %arg1, %mul3A : i32
    %add3A = arith.addi %mul3A_0, %arg0 : i32
    %mul3A_1 = arith.constant 2048 : i32
    %mul3A_2 = arith.muli %add3A, %mul3A_1 : i32
    "tpu.region"() ({
      %run_scoped3A = tpu.sem_alloc : memref<!tpu.dma_semaphore, #tpu.memory_space<semaphore_mem>>
      %dma_start3A_420 = tpu.memref_slice %arg2[%mul3A_2] : memref<65536xi32, #tpu.memory_space<hbm>> -> memref<2048xi32, #tpu.memory_space<hbm>>
      %dma_start3A_421 = tpu.memref_slice %arg2[%mul3A_2] : memref<65536xi32, #tpu.memory_space<hbm>> -> memref<2048xi32, #tpu.memory_space<hbm>>
      tpu.enqueue_dma source(%dma_start3A_421 : memref<2048xi32, #tpu.memory_space<hbm>>) target(%arg12 : memref<2048xi32, #tpu.memory_space<vmem>>) target_semaphore(%run_scoped3A : memref<!tpu.dma_semaphore, #tpu.memory_space<semaphore_mem>>)
      %dma_wait3A_422 = tpu.memref_slice %arg2[%mul3A_2] : memref<65536xi32, #tpu.memory_space<hbm>> -> memref<2048xi32, #tpu.memory_space<hbm>>
      %dma_wait3A_423 = tpu.memref_slice %arg2[%mul3A_2] : memref<65536xi32, #tpu.memory_space<hbm>> -> memref<2048xi32, #tpu.memory_space<hbm>>
      tpu.wait_dma2 semaphore(%run_scoped3A : memref<!tpu.dma_semaphore, #tpu.memory_space<semaphore_mem>>) src(%dma_wait3A_423 : memref<2048xi32, #tpu.memory_space<hbm>>) dst(%arg12 : memref<2048xi32, #tpu.memory_space<vmem>>)
      tpu.yield
    }) : () -> ()
    "tpu.region"() ({
      %run_scoped3A = tpu.sem_alloc : memref<!tpu.dma_semaphore, #tpu.memory_space<semaphore_mem>>
      %dma_start3A_420 = tpu.memref_slice %arg4[%mul3A_2] : memref<65536xf32, #tpu.memory_space<hbm>> -> memref<2048xf32, #tpu.memory_space<hbm>>
      %dma_start3A_421 = tpu.memref_slice %arg4[%mul3A_2] : memref<65536xf32, #tpu.memory_space<hbm>> -> memref<2048xf32, #tpu.memory_space<hbm>>
      tpu.enqueue_dma source(%dma_start3A_421 : memref<2048xf32, #tpu.memory_space<hbm>>) target(%arg19 : memref<2048xf32, #tpu.memory_space<vmem>>) target_semaphore(%run_scoped3A : memref<!tpu.dma_semaphore, #tpu.memory_space<semaphore_mem>>)
      %dma_wait3A_422 = tpu.memref_slice %arg4[%mul3A_2] : memref<65536xf32, #tpu.memory_space<hbm>> -> memref<2048xf32, #tpu.memory_space<hbm>>
      %dma_wait3A_423 = tpu.memref_slice %arg4[%mul3A_2] : memref<65536xf32, #tpu.memory_space<hbm>> -> memref<2048xf32, #tpu.memory_space<hbm>>
      tpu.wait_dma2 semaphore(%run_scoped3A : memref<!tpu.dma_semaphore, #tpu.memory_space<semaphore_mem>>) src(%dma_wait3A_423 : memref<2048xf32, #tpu.memory_space<hbm>>) dst(%arg19 : memref<2048xf32, #tpu.memory_space<vmem>>)
      tpu.yield
    }) : () -> ()
    %add3A_3 = arith.constant 786432 : i32
    %add3A_4 = arith.addi %add3A_3, %mul3A_2 : i32
    %dma_start3A = tpu.memref_slice %arg5[%add3A_4] : memref<2097152xf32, #tpu.memory_space<hbm>> -> memref<2048xf32, #tpu.memory_space<hbm>>
    %dma_start3A_5 = tpu.memref_slice %arg5[%add3A_4] : memref<2097152xf32, #tpu.memory_space<hbm>> -> memref<2048xf32, #tpu.memory_space<hbm>>
    tpu.enqueue_dma source(%arg19 : memref<2048xf32, #tpu.memory_space<vmem>>) target(%dma_start3A_5 : memref<2048xf32, #tpu.memory_space<hbm>>) target_semaphore(%arg20 : memref<!tpu.dma_semaphore, #tpu.memory_space<semaphore_mem>>)
    %add3A_6 = arith.constant 1638400 : i32
    %add3A_7 = arith.addi %add3A_6, %mul3A_2 : i32
    %dma_start3A_8 = tpu.memref_slice %arg5[%add3A_7] : memref<2097152xf32, #tpu.memory_space<hbm>> -> memref<2048xf32, #tpu.memory_space<hbm>>
    %dma_start3A_9 = tpu.memref_slice %arg5[%add3A_7] : memref<2097152xf32, #tpu.memory_space<hbm>> -> memref<2048xf32, #tpu.memory_space<hbm>>
    tpu.enqueue_dma source(%arg19 : memref<2048xf32, #tpu.memory_space<vmem>>) target(%dma_start3A_9 : memref<2048xf32, #tpu.memory_space<hbm>>) target_semaphore(%arg20 : memref<!tpu.dma_semaphore, #tpu.memory_space<semaphore_mem>>)
    %scan3A = arith.constant 0 : i32
    %scan3A_10 = arith.constant 0 : i32
    %scan3A_11 = arith.constant 128 : i32
    %scan3A_12 = arith.addi %scan3A_10, %scan3A_11 : i32
    %scan3A_13 = arith.constant 1 : i32
    %scan3A_14 = scf.for %scan3A_420 = %scan3A_10 to %scan3A_12 step %scan3A_13 iter_args(%scan3A_421 = %scan3A) -> (i32)  : i32 {
      %mul3A_422 = arith.constant 16 : i32
      %mul3A_423 = arith.muli %scan3A_420, %mul3A_422 : i32
      %get3A = arith.index_cast %mul3A_423 : i32 to index
      %get3A_424 = tpu.vector_load %arg12[%get3A] {strides = array<i32>} : memref<2048xi32, #tpu.memory_space<vmem>>, vector<16xi32>,
      %add3A_425 = arith.constant 0 : i32
      %add3A_426 = vector.broadcast %add3A_425 : i32 to vector<16xi32>
      %add3A_427 = arith.addi %get3A_424, %add3A_426 : vector<16xi32>
      %swap3A = arith.index_cast %mul3A_423 : i32 to index
      %swap3A_428 = tpu.vector_load %arg6[%swap3A] {strides = array<i32>} : memref<2048xi32, #tpu.memory_space<vmem>>, vector<16xi32>,
      tpu.vector_store %arg6[%swap3A], %add3A_427 {strides = array<i32>} : memref<2048xi32, #tpu.memory_space<vmem>>, vector<16xi32>,
      %scan3A_429 = arith.constant 0 : i32
      scf.yield %scan3A_429 : i32
    }
    %scan3A_15 = arith.constant 128 : i32
    %dma_start3A_16 = arith.constant 0 : i32
    %dma_start3A_17 = tpu.memref_slice %arg3[%dma_start3A_16] : memref<139536xf32, #tpu.memory_space<hbm>> -> memref<139536xf32, #tpu.memory_space<hbm>>
    tpu.enqueue_indirect_dma source(%dma_start3A_17 : memref<139536xf32, #tpu.memory_space<hbm>>) target(%arg9 : memref<2048xf32, #tpu.memory_space<vmem>>) offsets(%arg6 : memref<2048xi32, #tpu.memory_space<vmem>>) semaphore(%arg13 : memref<!tpu.dma_semaphore, #tpu.memory_space<semaphore_mem>>)
    %scan3A_18 = arith.constant 0 : i32
    %scan3A_19 = arith.constant 0 : i32
    %scan3A_20 = arith.constant 128 : i32
    %scan3A_21 = arith.addi %scan3A_19, %scan3A_20 : i32
    %scan3A_22 = arith.constant 1 : i32
    %scan3A_23 = scf.for %scan3A_420 = %scan3A_19 to %scan3A_21 step %scan3A_22 iter_args(%scan3A_421 = %scan3A_18) -> (i32)  : i32 {
      %mul3A_422 = arith.constant 16 : i32
      %mul3A_423 = arith.muli %scan3A_420, %mul3A_422 : i32
      %get3A = arith.index_cast %mul3A_423 : i32 to index
      %get3A_424 = tpu.vector_load %arg12[%get3A] {strides = array<i32>} : memref<2048xi32, #tpu.memory_space<vmem>>, vector<16xi32>,
      %add3A_425 = arith.constant 1 : i32
      %add3A_426 = vector.broadcast %add3A_425 : i32 to vector<16xi32>
      %add3A_427 = arith.addi %get3A_424, %add3A_426 : vector<16xi32>
      %swap3A = arith.index_cast %mul3A_423 : i32 to index
      %swap3A_428 = tpu.vector_load %arg7[%swap3A] {strides = array<i32>} : memref<2048xi32, #tpu.memory_space<vmem>>, vector<16xi32>,
      tpu.vector_store %arg7[%swap3A], %add3A_427 {strides = array<i32>} : memref<2048xi32, #tpu.memory_space<vmem>>, vector<16xi32>,
      %scan3A_429 = arith.constant 0 : i32
      scf.yield %scan3A_429 : i32
    }
    %scan3A_24 = arith.constant 128 : i32
    %dma_start3A_25 = arith.constant 0 : i32
    %dma_start3A_26 = tpu.memref_slice %arg3[%dma_start3A_25] : memref<139536xf32, #tpu.memory_space<hbm>> -> memref<139536xf32, #tpu.memory_space<hbm>>
    tpu.enqueue_indirect_dma source(%dma_start3A_26 : memref<139536xf32, #tpu.memory_space<hbm>>) target(%arg10 : memref<2048xf32, #tpu.memory_space<vmem>>) offsets(%arg7 : memref<2048xi32, #tpu.memory_space<vmem>>) semaphore(%arg14 : memref<!tpu.dma_semaphore, #tpu.memory_space<semaphore_mem>>)
    %scan3A_27 = arith.constant 0 : i32
    %scan3A_28 = arith.constant 0 : i32
    %scan3A_29 = arith.constant 128 : i32
    %scan3A_30 = arith.addi %scan3A_28, %scan3A_29 : i32
    %scan3A_31 = arith.constant 1 : i32
    %scan3A_32 = scf.for %scan3A_420 = %scan3A_28 to %scan3A_30 step %scan3A_31 iter_args(%scan3A_421 = %scan3A_27) -> (i32)  : i32 {
      %mul3A_422 = arith.constant 16 : i32
      %mul3A_423 = arith.muli %scan3A_420, %mul3A_422 : i32
      %get3A = arith.index_cast %mul3A_423 : i32 to index
      %get3A_424 = tpu.vector_load %arg12[%get3A] {strides = array<i32>} : memref<2048xi32, #tpu.memory_space<vmem>>, vector<16xi32>,
      %add3A_425 = arith.constant 2 : i32
      %add3A_426 = vector.broadcast %add3A_425 : i32 to vector<16xi32>
      %add3A_427 = arith.addi %get3A_424, %add3A_426 : vector<16xi32>
      %swap3A = arith.index_cast %mul3A_423 : i32 to index
      %swap3A_428 = tpu.vector_load %arg8[%swap3A] {strides = array<i32>} : memref<2048xi32, #tpu.memory_space<vmem>>, vector<16xi32>,
      tpu.vector_store %arg8[%swap3A], %add3A_427 {strides = array<i32>} : memref<2048xi32, #tpu.memory_space<vmem>>, vector<16xi32>,
      %scan3A_429 = arith.constant 0 : i32
      scf.yield %scan3A_429 : i32
    }
    %scan3A_33 = arith.constant 128 : i32
    %dma_start3A_34 = arith.constant 0 : i32
    %dma_start3A_35 = tpu.memref_slice %arg3[%dma_start3A_34] : memref<139536xf32, #tpu.memory_space<hbm>> -> memref<139536xf32, #tpu.memory_space<hbm>>
    tpu.enqueue_indirect_dma source(%dma_start3A_35 : memref<139536xf32, #tpu.memory_space<hbm>>) target(%arg11 : memref<2048xf32, #tpu.memory_space<vmem>>) offsets(%arg8 : memref<2048xi32, #tpu.memory_space<vmem>>) semaphore(%arg15 : memref<!tpu.dma_semaphore, #tpu.memory_space<semaphore_mem>>)
    %dma_wait3A = arith.constant 0 : i32
    %dma_wait3A_36 = tpu.memref_slice %arg3[%dma_wait3A] : memref<139536xf32, #tpu.memory_space<hbm>> -> memref<139536xf32, #tpu.memory_space<hbm>>
    tpu.wait_indirect_dma semaphore(%arg13 : memref<!tpu.dma_semaphore, #tpu.memory_space<semaphore_mem>>) src(%dma_wait3A_36 : memref<139536xf32, #tpu.memory_space<hbm>>) dst(%arg9 : memref<2048xf32, #tpu.memory_space<vmem>>)
    %add3A_37 = arith.constant 0 : i32
    %add3A_38 = arith.addi %add3A_37, %mul3A_2 : i32
    %dma_start3A_39 = tpu.memref_slice %arg5[%add3A_38] : memref<2097152xf32, #tpu.memory_space<hbm>> -> memref<2048xf32, #tpu.memory_space<hbm>>
    %dma_start3A_40 = tpu.memref_slice %arg5[%add3A_38] : memref<2097152xf32, #tpu.memory_space<hbm>> -> memref<2048xf32, #tpu.memory_space<hbm>>
    tpu.enqueue_dma source(%arg9 : memref<2048xf32, #tpu.memory_space<vmem>>) target(%dma_start3A_40 : memref<2048xf32, #tpu.memory_space<hbm>>) target_semaphore(%arg16 : memref<!tpu.dma_semaphore, #tpu.memory_space<semaphore_mem>>)
    %dma_wait3A_41 = tpu.memref_slice %arg5[%add3A_38] : memref<2097152xf32, #tpu.memory_space<hbm>> -> memref<2048xf32, #tpu.memory_space<hbm>>
    %dma_wait3A_42 = tpu.memref_slice %arg5[%add3A_38] : memref<2097152xf32, #tpu.memory_space<hbm>> -> memref<2048xf32, #tpu.memory_space<hbm>>
    tpu.wait_dma2 semaphore(%arg16 : memref<!tpu.dma_semaphore, #tpu.memory_space<semaphore_mem>>) src(%arg9 : memref<2048xf32, #tpu.memory_space<vmem>>) dst(%dma_wait3A_42 : memref<2048xf32, #tpu.memory_space<hbm>>)
    %scan3A_43 = arith.constant 0 : i32
    %scan3A_44 = arith.constant 0 : i32
    %scan3A_45 = arith.constant 128 : i32
    %scan3A_46 = arith.addi %scan3A_44, %scan3A_45 : i32
    %scan3A_47 = arith.constant 1 : i32
    %scan3A_48 = scf.for %scan3A_420 = %scan3A_44 to %scan3A_46 step %scan3A_47 iter_args(%scan3A_421 = %scan3A_43) -> (i32)  : i32 {
      %mul3A_422 = arith.constant 16 : i32
      %mul3A_423 = arith.muli %scan3A_420, %mul3A_422 : i32
      %get3A = arith.index_cast %mul3A_423 : i32 to index
      %get3A_424 = tpu.vector_load %arg12[%get3A] {strides = array<i32>} : memref<2048xi32, #tpu.memory_space<vmem>>, vector<16xi32>,
      %add3A_425 = arith.constant 3 : i32
      %add3A_426 = vector.broadcast %add3A_425 : i32 to vector<16xi32>
      %add3A_427 = arith.addi %get3A_424, %add3A_426 : vector<16xi32>
      %swap3A = arith.index_cast %mul3A_423 : i32 to index
      %swap3A_428 = tpu.vector_load %arg6[%swap3A] {strides = array<i32>} : memref<2048xi32, #tpu.memory_space<vmem>>, vector<16xi32>,
      tpu.vector_store %arg6[%swap3A], %add3A_427 {strides = array<i32>} : memref<2048xi32, #tpu.memory_space<vmem>>, vector<16xi32>,
      %scan3A_429 = arith.constant 0 : i32
      scf.yield %scan3A_429 : i32
    }
    %scan3A_49 = arith.constant 128 : i32
    %dma_start3A_50 = arith.constant 0 : i32
    %dma_start3A_51 = tpu.memref_slice %arg3[%dma_start3A_50] : memref<139536xf32, #tpu.memory_space<hbm>> -> memref<139536xf32, #tpu.memory_space<hbm>>
    tpu.enqueue_indirect_dma source(%dma_start3A_51 : memref<139536xf32, #tpu.memory_space<hbm>>) target(%arg9 : memref<2048xf32, #tpu.memory_space<vmem>>) offsets(%arg6 : memref<2048xi32, #tpu.memory_space<vmem>>) semaphore(%arg13 : memref<!tpu.dma_semaphore, #tpu.memory_space<semaphore_mem>>)
    %dma_wait3A_52 = arith.constant 0 : i32
    %dma_wait3A_53 = tpu.memref_slice %arg3[%dma_wait3A_52] : memref<139536xf32, #tpu.memory_space<hbm>> -> memref<139536xf32, #tpu.memory_space<hbm>>
    tpu.wait_indirect_dma semaphore(%arg14 : memref<!tpu.dma_semaphore, #tpu.memory_space<semaphore_mem>>) src(%dma_wait3A_53 : memref<139536xf32, #tpu.memory_space<hbm>>) dst(%arg10 : memref<2048xf32, #tpu.memory_space<vmem>>)
    %add3A_54 = arith.constant 65536 : i32
    %add3A_55 = arith.addi %add3A_54, %mul3A_2 : i32
    %dma_start3A_56 = tpu.memref_slice %arg5[%add3A_55] : memref<2097152xf32, #tpu.memory_space<hbm>> -> memref<2048xf32, #tpu.memory_space<hbm>>
    %dma_start3A_57 = tpu.memref_slice %arg5[%add3A_55] : memref<2097152xf32, #tpu.memory_space<hbm>> -> memref<2048xf32, #tpu.memory_space<hbm>>
    tpu.enqueue_dma source(%arg10 : memref<2048xf32, #tpu.memory_space<vmem>>) target(%dma_start3A_57 : memref<2048xf32, #tpu.memory_space<hbm>>) target_semaphore(%arg17 : memref<!tpu.dma_semaphore, #tpu.memory_space<semaphore_mem>>)
    %dma_wait3A_58 = tpu.memref_slice %arg5[%add3A_55] : memref<2097152xf32, #tpu.memory_space<hbm>> -> memref<2048xf32, #tpu.memory_space<hbm>>
    %dma_wait3A_59 = tpu.memref_slice %arg5[%add3A_55] : memref<2097152xf32, #tpu.memory_space<hbm>> -> memref<2048xf32, #tpu.memory_space<hbm>>
    tpu.wait_dma2 semaphore(%arg17 : memref<!tpu.dma_semaphore, #tpu.memory_space<semaphore_mem>>) src(%arg10 : memref<2048xf32, #tpu.memory_space<vmem>>) dst(%dma_wait3A_59 : memref<2048xf32, #tpu.memory_space<hbm>>)
    %scan3A_60 = arith.constant 0 : i32
    %scan3A_61 = arith.constant 0 : i32
    %scan3A_62 = arith.constant 128 : i32
    %scan3A_63 = arith.addi %scan3A_61, %scan3A_62 : i32
    %scan3A_64 = arith.constant 1 : i32
    %scan3A_65 = scf.for %scan3A_420 = %scan3A_61 to %scan3A_63 step %scan3A_64 iter_args(%scan3A_421 = %scan3A_60) -> (i32)  : i32 {
      %mul3A_422 = arith.constant 16 : i32
      %mul3A_423 = arith.muli %scan3A_420, %mul3A_422 : i32
      %get3A = arith.index_cast %mul3A_423 : i32 to index
      %get3A_424 = tpu.vector_load %arg12[%get3A] {strides = array<i32>} : memref<2048xi32, #tpu.memory_space<vmem>>, vector<16xi32>,
      %add3A_425 = arith.constant 4 : i32
      %add3A_426 = vector.broadcast %add3A_425 : i32 to vector<16xi32>
      %add3A_427 = arith.addi %get3A_424, %add3A_426 : vector<16xi32>
      %swap3A = arith.index_cast %mul3A_423 : i32 to index
      %swap3A_428 = tpu.vector_load %arg7[%swap3A] {strides = array<i32>} : memref<2048xi32, #tpu.memory_space<vmem>>, vector<16xi32>,
      tpu.vector_store %arg7[%swap3A], %add3A_427 {strides = array<i32>} : memref<2048xi32, #tpu.memory_space<vmem>>, vector<16xi32>,
      %scan3A_429 = arith.constant 0 : i32
      scf.yield %scan3A_429 : i32
    }
    %scan3A_66 = arith.constant 128 : i32
    %dma_start3A_67 = arith.constant 0 : i32
    %dma_start3A_68 = tpu.memref_slice %arg3[%dma_start3A_67] : memref<139536xf32, #tpu.memory_space<hbm>> -> memref<139536xf32, #tpu.memory_space<hbm>>
    tpu.enqueue_indirect_dma source(%dma_start3A_68 : memref<139536xf32, #tpu.memory_space<hbm>>) target(%arg10 : memref<2048xf32, #tpu.memory_space<vmem>>) offsets(%arg7 : memref<2048xi32, #tpu.memory_space<vmem>>) semaphore(%arg14 : memref<!tpu.dma_semaphore, #tpu.memory_space<semaphore_mem>>)
    %dma_wait3A_69 = arith.constant 0 : i32
    %dma_wait3A_70 = tpu.memref_slice %arg3[%dma_wait3A_69] : memref<139536xf32, #tpu.memory_space<hbm>> -> memref<139536xf32, #tpu.memory_space<hbm>>
    tpu.wait_indirect_dma semaphore(%arg15 : memref<!tpu.dma_semaphore, #tpu.memory_space<semaphore_mem>>) src(%dma_wait3A_70 : memref<139536xf32, #tpu.memory_space<hbm>>) dst(%arg11 : memref<2048xf32, #tpu.memory_space<vmem>>)
    %add3A_71 = arith.constant 131072 : i32
    %add3A_72 = arith.addi %add3A_71, %mul3A_2 : i32
    %dma_start3A_73 = tpu.memref_slice %arg5[%add3A_72] : memref<2097152xf32, #tpu.memory_space<hbm>> -> memref<2048xf32, #tpu.memory_space<hbm>>
    %dma_start3A_74 = tpu.memref_slice %arg5[%add3A_72] : memref<2097152xf32, #tpu.memory_space<hbm>> -> memref<2048xf32, #tpu.memory_space<hbm>>
    tpu.enqueue_dma source(%arg11 : memref<2048xf32, #tpu.memory_space<vmem>>) target(%dma_start3A_74 : memref<2048xf32, #tpu.memory_space<hbm>>) target_semaphore(%arg18 : memref<!tpu.dma_semaphore, #tpu.memory_space<semaphore_mem>>)
    %dma_wait3A_75 = tpu.memref_slice %arg5[%add3A_72] : memref<2097152xf32, #tpu.memory_space<hbm>> -> memref<2048xf32, #tpu.memory_space<hbm>>
    %dma_wait3A_76 = tpu.memref_slice %arg5[%add3A_72] : memref<2097152xf32, #tpu.memory_space<hbm>> -> memref<2048xf32, #tpu.memory_space<hbm>>
    tpu.wait_dma2 semaphore(%arg18 : memref<!tpu.dma_semaphore, #tpu.memory_space<semaphore_mem>>) src(%arg11 : memref<2048xf32, #tpu.memory_space<vmem>>) dst(%dma_wait3A_76 : memref<2048xf32, #tpu.memory_space<hbm>>)
    %scan3A_77 = arith.constant 0 : i32
    %scan3A_78 = arith.constant 0 : i32
    %scan3A_79 = arith.constant 128 : i32
    %scan3A_80 = arith.addi %scan3A_78, %scan3A_79 : i32
    %scan3A_81 = arith.constant 1 : i32
    %scan3A_82 = scf.for %scan3A_420 = %scan3A_78 to %scan3A_80 step %scan3A_81 iter_args(%scan3A_421 = %scan3A_77) -> (i32)  : i32 {
      %mul3A_422 = arith.constant 16 : i32
      %mul3A_423 = arith.muli %scan3A_420, %mul3A_422 : i32
      %get3A = arith.index_cast %mul3A_423 : i32 to index
      %get3A_424 = tpu.vector_load %arg12[%get3A] {strides = array<i32>} : memref<2048xi32, #tpu.memory_space<vmem>>, vector<16xi32>,
      %add3A_425 = arith.constant 2052 : i32
      %add3A_426 = vector.broadcast %add3A_425 : i32 to vector<16xi32>
      %add3A_427 = arith.addi %get3A_424, %add3A_426 : vector<16xi32>
      %swap3A = arith.index_cast %mul3A_423 : i32 to index
      %swap3A_428 = tpu.vector_load %arg8[%swap3A] {strides = array<i32>} : memref<2048xi32, #tpu.memory_space<vmem>>, vector<16xi32>,
      tpu.vector_store %arg8[%swap3A], %add3A_427 {strides = array<i32>} : memref<2048xi32, #tpu.memory_space<vmem>>, vector<16xi32>,
      %scan3A_429 = arith.constant 0 : i32
      scf.yield %scan3A_429 : i32
    }
    %scan3A_83 = arith.constant 128 : i32
    %dma_start3A_84 = arith.constant 0 : i32
    %dma_start3A_85 = tpu.memref_slice %arg3[%dma_start3A_84] : memref<139536xf32, #tpu.memory_space<hbm>> -> memref<139536xf32, #tpu.memory_space<hbm>>
    tpu.enqueue_indirect_dma source(%dma_start3A_85 : memref<139536xf32, #tpu.memory_space<hbm>>) target(%arg11 : memref<2048xf32, #tpu.memory_space<vmem>>) offsets(%arg8 : memref<2048xi32, #tpu.memory_space<vmem>>) semaphore(%arg15 : memref<!tpu.dma_semaphore, #tpu.memory_space<semaphore_mem>>)
    %dma_wait3A_86 = arith.constant 0 : i32
    %dma_wait3A_87 = tpu.memref_slice %arg3[%dma_wait3A_86] : memref<139536xf32, #tpu.memory_space<hbm>> -> memref<139536xf32, #tpu.memory_space<hbm>>
    tpu.wait_indirect_dma semaphore(%arg13 : memref<!tpu.dma_semaphore, #tpu.memory_space<semaphore_mem>>) src(%dma_wait3A_87 : memref<139536xf32, #tpu.memory_space<hbm>>) dst(%arg9 : memref<2048xf32, #tpu.memory_space<vmem>>)
    %add3A_88 = arith.constant 196608 : i32
    %add3A_89 = arith.addi %add3A_88, %mul3A_2 : i32
    %dma_start3A_90 = tpu.memref_slice %arg5[%add3A_89] : memref<2097152xf32, #tpu.memory_space<hbm>> -> memref<2048xf32, #tpu.memory_space<hbm>>
    %dma_start3A_91 = tpu.memref_slice %arg5[%add3A_89] : memref<2097152xf32, #tpu.memory_space<hbm>> -> memref<2048xf32, #tpu.memory_space<hbm>>
    tpu.enqueue_dma source(%arg9 : memref<2048xf32, #tpu.memory_space<vmem>>) target(%dma_start3A_91 : memref<2048xf32, #tpu.memory_space<hbm>>) target_semaphore(%arg16 : memref<!tpu.dma_semaphore, #tpu.memory_space<semaphore_mem>>)
    %dma_wait3A_92 = tpu.memref_slice %arg5[%add3A_89] : memref<2097152xf32, #tpu.memory_space<hbm>> -> memref<2048xf32, #tpu.memory_space<hbm>>
    %dma_wait3A_93 = tpu.memref_slice %arg5[%add3A_89] : memref<2097152xf32, #tpu.memory_space<hbm>> -> memref<2048xf32, #tpu.memory_space<hbm>>
    tpu.wait_dma2 semaphore(%arg16 : memref<!tpu.dma_semaphore, #tpu.memory_space<semaphore_mem>>) src(%arg9 : memref<2048xf32, #tpu.memory_space<vmem>>) dst(%dma_wait3A_93 : memref<2048xf32, #tpu.memory_space<hbm>>)
    %scan3A_94 = arith.constant 0 : i32
    %scan3A_95 = arith.constant 0 : i32
    %scan3A_96 = arith.constant 128 : i32
    %scan3A_97 = arith.addi %scan3A_95, %scan3A_96 : i32
    %scan3A_98 = arith.constant 1 : i32
    %scan3A_99 = scf.for %scan3A_420 = %scan3A_95 to %scan3A_97 step %scan3A_98 iter_args(%scan3A_421 = %scan3A_94) -> (i32)  : i32 {
      %mul3A_422 = arith.constant 16 : i32
      %mul3A_423 = arith.muli %scan3A_420, %mul3A_422 : i32
      %get3A = arith.index_cast %mul3A_423 : i32 to index
      %get3A_424 = tpu.vector_load %arg12[%get3A] {strides = array<i32>} : memref<2048xi32, #tpu.memory_space<vmem>>, vector<16xi32>,
      %add3A_425 = arith.constant 2053 : i32
      %add3A_426 = vector.broadcast %add3A_425 : i32 to vector<16xi32>
      %add3A_427 = arith.addi %get3A_424, %add3A_426 : vector<16xi32>
      %swap3A = arith.index_cast %mul3A_423 : i32 to index
      %swap3A_428 = tpu.vector_load %arg6[%swap3A] {strides = array<i32>} : memref<2048xi32, #tpu.memory_space<vmem>>, vector<16xi32>,
      tpu.vector_store %arg6[%swap3A], %add3A_427 {strides = array<i32>} : memref<2048xi32, #tpu.memory_space<vmem>>, vector<16xi32>,
      %scan3A_429 = arith.constant 0 : i32
      scf.yield %scan3A_429 : i32
    }
    %scan3A_100 = arith.constant 128 : i32
    %dma_start3A_101 = arith.constant 0 : i32
    %dma_start3A_102 = tpu.memref_slice %arg3[%dma_start3A_101] : memref<139536xf32, #tpu.memory_space<hbm>> -> memref<139536xf32, #tpu.memory_space<hbm>>
    tpu.enqueue_indirect_dma source(%dma_start3A_102 : memref<139536xf32, #tpu.memory_space<hbm>>) target(%arg9 : memref<2048xf32, #tpu.memory_space<vmem>>) offsets(%arg6 : memref<2048xi32, #tpu.memory_space<vmem>>) semaphore(%arg13 : memref<!tpu.dma_semaphore, #tpu.memory_space<semaphore_mem>>)
    %dma_wait3A_103 = arith.constant 0 : i32
    %dma_wait3A_104 = tpu.memref_slice %arg3[%dma_wait3A_103] : memref<139536xf32, #tpu.memory_space<hbm>> -> memref<139536xf32, #tpu.memory_space<hbm>>
    tpu.wait_indirect_dma semaphore(%arg14 : memref<!tpu.dma_semaphore, #tpu.memory_space<semaphore_mem>>) src(%dma_wait3A_104 : memref<139536xf32, #tpu.memory_space<hbm>>) dst(%arg10 : memref<2048xf32, #tpu.memory_space<vmem>>)
    %add3A_105 = arith.constant 262144 : i32
    %add3A_106 = arith.addi %add3A_105, %mul3A_2 : i32
    %dma_start3A_107 = tpu.memref_slice %arg5[%add3A_106] : memref<2097152xf32, #tpu.memory_space<hbm>> -> memref<2048xf32, #tpu.memory_space<hbm>>
    %dma_start3A_108 = tpu.memref_slice %arg5[%add3A_106] : memref<2097152xf32, #tpu.memory_space<hbm>> -> memref<2048xf32, #tpu.memory_space<hbm>>
    tpu.enqueue_dma source(%arg10 : memref<2048xf32, #tpu.memory_space<vmem>>) target(%dma_start3A_108 : memref<2048xf32, #tpu.memory_space<hbm>>) target_semaphore(%arg17 : memref<!tpu.dma_semaphore, #tpu.memory_space<semaphore_mem>>)
    %dma_wait3A_109 = tpu.memref_slice %arg5[%add3A_106] : memref<2097152xf32, #tpu.memory_space<hbm>> -> memref<2048xf32, #tpu.memory_space<hbm>>
    %dma_wait3A_110 = tpu.memref_slice %arg5[%add3A_106] : memref<2097152xf32, #tpu.memory_space<hbm>> -> memref<2048xf32, #tpu.memory_space<hbm>>
    tpu.wait_dma2 semaphore(%arg17 : memref<!tpu.dma_semaphore, #tpu.memory_space<semaphore_mem>>) src(%arg10 : memref<2048xf32, #tpu.memory_space<vmem>>) dst(%dma_wait3A_110 : memref<2048xf32, #tpu.memory_space<hbm>>)
    %scan3A_111 = arith.constant 0 : i32
    %scan3A_112 = arith.constant 0 : i32
    %scan3A_113 = arith.constant 128 : i32
    %scan3A_114 = arith.addi %scan3A_112, %scan3A_113 : i32
    %scan3A_115 = arith.constant 1 : i32
    %scan3A_116 = scf.for %scan3A_420 = %scan3A_112 to %scan3A_114 step %scan3A_115 iter_args(%scan3A_421 = %scan3A_111) -> (i32)  : i32 {
      %mul3A_422 = arith.constant 16 : i32
      %mul3A_423 = arith.muli %scan3A_420, %mul3A_422 : i32
      %get3A = arith.index_cast %mul3A_423 : i32 to index
      %get3A_424 = tpu.vector_load %arg12[%get3A] {strides = array<i32>} : memref<2048xi32, #tpu.memory_space<vmem>>, vector<16xi32>,
      %add3A_425 = arith.constant 2054 : i32
      %add3A_426 = vector.broadcast %add3A_425 : i32 to vector<16xi32>
      %add3A_427 = arith.addi %get3A_424, %add3A_426 : vector<16xi32>
      %swap3A = arith.index_cast %mul3A_423 : i32 to index
      %swap3A_428 = tpu.vector_load %arg7[%swap3A] {strides = array<i32>} : memref<2048xi32, #tpu.memory_space<vmem>>, vector<16xi32>,
      tpu.vector_store %arg7[%swap3A], %add3A_427 {strides = array<i32>} : memref<2048xi32, #tpu.memory_space<vmem>>, vector<16xi32>,
      %scan3A_429 = arith.constant 0 : i32
      scf.yield %scan3A_429 : i32
    }
    %scan3A_117 = arith.constant 128 : i32
    %dma_start3A_118 = arith.constant 0 : i32
    %dma_start3A_119 = tpu.memref_slice %arg3[%dma_start3A_118] : memref<139536xf32, #tpu.memory_space<hbm>> -> memref<139536xf32, #tpu.memory_space<hbm>>
    tpu.enqueue_indirect_dma source(%dma_start3A_119 : memref<139536xf32, #tpu.memory_space<hbm>>) target(%arg10 : memref<2048xf32, #tpu.memory_space<vmem>>) offsets(%arg7 : memref<2048xi32, #tpu.memory_space<vmem>>) semaphore(%arg14 : memref<!tpu.dma_semaphore, #tpu.memory_space<semaphore_mem>>)
    %dma_wait3A_120 = arith.constant 0 : i32
    %dma_wait3A_121 = tpu.memref_slice %arg3[%dma_wait3A_120] : memref<139536xf32, #tpu.memory_space<hbm>> -> memref<139536xf32, #tpu.memory_space<hbm>>
    tpu.wait_indirect_dma semaphore(%arg15 : memref<!tpu.dma_semaphore, #tpu.memory_space<semaphore_mem>>) src(%dma_wait3A_121 : memref<139536xf32, #tpu.memory_space<hbm>>) dst(%arg11 : memref<2048xf32, #tpu.memory_space<vmem>>)
    %add3A_122 = arith.constant 327680 : i32
    %add3A_123 = arith.addi %add3A_122, %mul3A_2 : i32
    %dma_start3A_124 = tpu.memref_slice %arg5[%add3A_123] : memref<2097152xf32, #tpu.memory_space<hbm>> -> memref<2048xf32, #tpu.memory_space<hbm>>
    %dma_start3A_125 = tpu.memref_slice %arg5[%add3A_123] : memref<2097152xf32, #tpu.memory_space<hbm>> -> memref<2048xf32, #tpu.memory_space<hbm>>
    tpu.enqueue_dma source(%arg11 : memref<2048xf32, #tpu.memory_space<vmem>>) target(%dma_start3A_125 : memref<2048xf32, #tpu.memory_space<hbm>>) target_semaphore(%arg18 : memref<!tpu.dma_semaphore, #tpu.memory_space<semaphore_mem>>)
    %dma_wait3A_126 = tpu.memref_slice %arg5[%add3A_123] : memref<2097152xf32, #tpu.memory_space<hbm>> -> memref<2048xf32, #tpu.memory_space<hbm>>
    %dma_wait3A_127 = tpu.memref_slice %arg5[%add3A_123] : memref<2097152xf32, #tpu.memory_space<hbm>> -> memref<2048xf32, #tpu.memory_space<hbm>>
    tpu.wait_dma2 semaphore(%arg18 : memref<!tpu.dma_semaphore, #tpu.memory_space<semaphore_mem>>) src(%arg11 : memref<2048xf32, #tpu.memory_space<vmem>>) dst(%dma_wait3A_127 : memref<2048xf32, #tpu.memory_space<hbm>>)
    %scan3A_128 = arith.constant 0 : i32
    %scan3A_129 = arith.constant 0 : i32
    %scan3A_130 = arith.constant 128 : i32
    %scan3A_131 = arith.addi %scan3A_129, %scan3A_130 : i32
    %scan3A_132 = arith.constant 1 : i32
    %scan3A_133 = scf.for %scan3A_420 = %scan3A_129 to %scan3A_131 step %scan3A_132 iter_args(%scan3A_421 = %scan3A_128) -> (i32)  : i32 {
      %mul3A_422 = arith.constant 16 : i32
      %mul3A_423 = arith.muli %scan3A_420, %mul3A_422 : i32
      %get3A = arith.index_cast %mul3A_423 : i32 to index
      %get3A_424 = tpu.vector_load %arg12[%get3A] {strides = array<i32>} : memref<2048xi32, #tpu.memory_space<vmem>>, vector<16xi32>,
      %add3A_425 = arith.constant 2055 : i32
      %add3A_426 = vector.broadcast %add3A_425 : i32 to vector<16xi32>
      %add3A_427 = arith.addi %get3A_424, %add3A_426 : vector<16xi32>
      %swap3A = arith.index_cast %mul3A_423 : i32 to index
      %swap3A_428 = tpu.vector_load %arg8[%swap3A] {strides = array<i32>} : memref<2048xi32, #tpu.memory_space<vmem>>, vector<16xi32>,
      tpu.vector_store %arg8[%swap3A], %add3A_427 {strides = array<i32>} : memref<2048xi32, #tpu.memory_space<vmem>>, vector<16xi32>,
      %scan3A_429 = arith.constant 0 : i32
      scf.yield %scan3A_429 : i32
    }
    %scan3A_134 = arith.constant 128 : i32
    %dma_start3A_135 = arith.constant 0 : i32
    %dma_start3A_136 = tpu.memref_slice %arg3[%dma_start3A_135] : memref<139536xf32, #tpu.memory_space<hbm>> -> memref<139536xf32, #tpu.memory_space<hbm>>
    tpu.enqueue_indirect_dma source(%dma_start3A_136 : memref<139536xf32, #tpu.memory_space<hbm>>) target(%arg11 : memref<2048xf32, #tpu.memory_space<vmem>>) offsets(%arg8 : memref<2048xi32, #tpu.memory_space<vmem>>) semaphore(%arg15 : memref<!tpu.dma_semaphore, #tpu.memory_space<semaphore_mem>>)
    %dma_wait3A_137 = arith.constant 0 : i32
    %dma_wait3A_138 = tpu.memref_slice %arg3[%dma_wait3A_137] : memref<139536xf32, #tpu.memory_space<hbm>> -> memref<139536xf32, #tpu.memory_space<hbm>>
    tpu.wait_indirect_dma semaphore(%arg13 : memref<!tpu.dma_semaphore, #tpu.memory_space<semaphore_mem>>) src(%dma_wait3A_138 : memref<139536xf32, #tpu.memory_space<hbm>>) dst(%arg9 : memref<2048xf32, #tpu.memory_space<vmem>>)
    %add3A_139 = arith.constant 393216 : i32
    %add3A_140 = arith.addi %add3A_139, %mul3A_2 : i32
    %dma_start3A_141 = tpu.memref_slice %arg5[%add3A_140] : memref<2097152xf32, #tpu.memory_space<hbm>> -> memref<2048xf32, #tpu.memory_space<hbm>>
    %dma_start3A_142 = tpu.memref_slice %arg5[%add3A_140] : memref<2097152xf32, #tpu.memory_space<hbm>> -> memref<2048xf32, #tpu.memory_space<hbm>>
    tpu.enqueue_dma source(%arg9 : memref<2048xf32, #tpu.memory_space<vmem>>) target(%dma_start3A_142 : memref<2048xf32, #tpu.memory_space<hbm>>) target_semaphore(%arg16 : memref<!tpu.dma_semaphore, #tpu.memory_space<semaphore_mem>>)
    %dma_wait3A_143 = tpu.memref_slice %arg5[%add3A_140] : memref<2097152xf32, #tpu.memory_space<hbm>> -> memref<2048xf32, #tpu.memory_space<hbm>>
    %dma_wait3A_144 = tpu.memref_slice %arg5[%add3A_140] : memref<2097152xf32, #tpu.memory_space<hbm>> -> memref<2048xf32, #tpu.memory_space<hbm>>
    tpu.wait_dma2 semaphore(%arg16 : memref<!tpu.dma_semaphore, #tpu.memory_space<semaphore_mem>>) src(%arg9 : memref<2048xf32, #tpu.memory_space<vmem>>) dst(%dma_wait3A_144 : memref<2048xf32, #tpu.memory_space<hbm>>)
    %scan3A_145 = arith.constant 0 : i32
    %scan3A_146 = arith.constant 0 : i32
    %scan3A_147 = arith.constant 128 : i32
    %scan3A_148 = arith.addi %scan3A_146, %scan3A_147 : i32
    %scan3A_149 = arith.constant 1 : i32
    %scan3A_150 = scf.for %scan3A_420 = %scan3A_146 to %scan3A_148 step %scan3A_149 iter_args(%scan3A_421 = %scan3A_145) -> (i32)  : i32 {
      %mul3A_422 = arith.constant 16 : i32
      %mul3A_423 = arith.muli %scan3A_420, %mul3A_422 : i32
      %get3A = arith.index_cast %mul3A_423 : i32 to index
      %get3A_424 = tpu.vector_load %arg12[%get3A] {strides = array<i32>} : memref<2048xi32, #tpu.memory_space<vmem>>, vector<16xi32>,
      %add3A_425 = arith.constant 2056 : i32
      %add3A_426 = vector.broadcast %add3A_425 : i32 to vector<16xi32>
      %add3A_427 = arith.addi %get3A_424, %add3A_426 : vector<16xi32>
      %swap3A = arith.index_cast %mul3A_423 : i32 to index
      %swap3A_428 = tpu.vector_load %arg6[%swap3A] {strides = array<i32>} : memref<2048xi32, #tpu.memory_space<vmem>>, vector<16xi32>,
      tpu.vector_store %arg6[%swap3A], %add3A_427 {strides = array<i32>} : memref<2048xi32, #tpu.memory_space<vmem>>, vector<16xi32>,
      %scan3A_429 = arith.constant 0 : i32
      scf.yield %scan3A_429 : i32
    }
    %scan3A_151 = arith.constant 128 : i32
    %dma_start3A_152 = arith.constant 0 : i32
    %dma_start3A_153 = tpu.memref_slice %arg3[%dma_start3A_152] : memref<139536xf32, #tpu.memory_space<hbm>> -> memref<139536xf32, #tpu.memory_space<hbm>>
    tpu.enqueue_indirect_dma source(%dma_start3A_153 : memref<139536xf32, #tpu.memory_space<hbm>>) target(%arg9 : memref<2048xf32, #tpu.memory_space<vmem>>) offsets(%arg6 : memref<2048xi32, #tpu.memory_space<vmem>>) semaphore(%arg13 : memref<!tpu.dma_semaphore, #tpu.memory_space<semaphore_mem>>)
    %dma_wait3A_154 = arith.constant 0 : i32
    %dma_wait3A_155 = tpu.memref_slice %arg3[%dma_wait3A_154] : memref<139536xf32, #tpu.memory_space<hbm>> -> memref<139536xf32, #tpu.memory_space<hbm>>
    tpu.wait_indirect_dma semaphore(%arg14 : memref<!tpu.dma_semaphore, #tpu.memory_space<semaphore_mem>>) src(%dma_wait3A_155 : memref<139536xf32, #tpu.memory_space<hbm>>) dst(%arg10 : memref<2048xf32, #tpu.memory_space<vmem>>)
    %add3A_156 = arith.constant 458752 : i32
    %add3A_157 = arith.addi %add3A_156, %mul3A_2 : i32
    %dma_start3A_158 = tpu.memref_slice %arg5[%add3A_157] : memref<2097152xf32, #tpu.memory_space<hbm>> -> memref<2048xf32, #tpu.memory_space<hbm>>
    %dma_start3A_159 = tpu.memref_slice %arg5[%add3A_157] : memref<2097152xf32, #tpu.memory_space<hbm>> -> memref<2048xf32, #tpu.memory_space<hbm>>
    tpu.enqueue_dma source(%arg10 : memref<2048xf32, #tpu.memory_space<vmem>>) target(%dma_start3A_159 : memref<2048xf32, #tpu.memory_space<hbm>>) target_semaphore(%arg17 : memref<!tpu.dma_semaphore, #tpu.memory_space<semaphore_mem>>)
    %dma_wait3A_160 = tpu.memref_slice %arg5[%add3A_157] : memref<2097152xf32, #tpu.memory_space<hbm>> -> memref<2048xf32, #tpu.memory_space<hbm>>
    %dma_wait3A_161 = tpu.memref_slice %arg5[%add3A_157] : memref<2097152xf32, #tpu.memory_space<hbm>> -> memref<2048xf32, #tpu.memory_space<hbm>>
    tpu.wait_dma2 semaphore(%arg17 : memref<!tpu.dma_semaphore, #tpu.memory_space<semaphore_mem>>) src(%arg10 : memref<2048xf32, #tpu.memory_space<vmem>>) dst(%dma_wait3A_161 : memref<2048xf32, #tpu.memory_space<hbm>>)
    %scan3A_162 = arith.constant 0 : i32
    %scan3A_163 = arith.constant 0 : i32
    %scan3A_164 = arith.constant 128 : i32
    %scan3A_165 = arith.addi %scan3A_163, %scan3A_164 : i32
    %scan3A_166 = arith.constant 1 : i32
    %scan3A_167 = scf.for %scan3A_420 = %scan3A_163 to %scan3A_165 step %scan3A_166 iter_args(%scan3A_421 = %scan3A_162) -> (i32)  : i32 {
      %mul3A_422 = arith.constant 16 : i32
      %mul3A_423 = arith.muli %scan3A_420, %mul3A_422 : i32
      %get3A = arith.index_cast %mul3A_423 : i32 to index
      %get3A_424 = tpu.vector_load %arg12[%get3A] {strides = array<i32>} : memref<2048xi32, #tpu.memory_space<vmem>>, vector<16xi32>,
      %add3A_425 = arith.constant 4104 : i32
      %add3A_426 = vector.broadcast %add3A_425 : i32 to vector<16xi32>
      %add3A_427 = arith.addi %get3A_424, %add3A_426 : vector<16xi32>
      %swap3A = arith.index_cast %mul3A_423 : i32 to index
      %swap3A_428 = tpu.vector_load %arg7[%swap3A] {strides = array<i32>} : memref<2048xi32, #tpu.memory_space<vmem>>, vector<16xi32>,
      tpu.vector_store %arg7[%swap3A], %add3A_427 {strides = array<i32>} : memref<2048xi32, #tpu.memory_space<vmem>>, vector<16xi32>,
      %scan3A_429 = arith.constant 0 : i32
      scf.yield %scan3A_429 : i32
    }
    %scan3A_168 = arith.constant 128 : i32
    %dma_start3A_169 = arith.constant 0 : i32
    %dma_start3A_170 = tpu.memref_slice %arg3[%dma_start3A_169] : memref<139536xf32, #tpu.memory_space<hbm>> -> memref<139536xf32, #tpu.memory_space<hbm>>
    tpu.enqueue_indirect_dma source(%dma_start3A_170 : memref<139536xf32, #tpu.memory_space<hbm>>) target(%arg10 : memref<2048xf32, #tpu.memory_space<vmem>>) offsets(%arg7 : memref<2048xi32, #tpu.memory_space<vmem>>) semaphore(%arg14 : memref<!tpu.dma_semaphore, #tpu.memory_space<semaphore_mem>>)
    %dma_wait3A_171 = arith.constant 0 : i32
    %dma_wait3A_172 = tpu.memref_slice %arg3[%dma_wait3A_171] : memref<139536xf32, #tpu.memory_space<hbm>> -> memref<139536xf32, #tpu.memory_space<hbm>>
    tpu.wait_indirect_dma semaphore(%arg15 : memref<!tpu.dma_semaphore, #tpu.memory_space<semaphore_mem>>) src(%dma_wait3A_172 : memref<139536xf32, #tpu.memory_space<hbm>>) dst(%arg11 : memref<2048xf32, #tpu.memory_space<vmem>>)
    %add3A_173 = arith.constant 524288 : i32
    %add3A_174 = arith.addi %add3A_173, %mul3A_2 : i32
    %dma_start3A_175 = tpu.memref_slice %arg5[%add3A_174] : memref<2097152xf32, #tpu.memory_space<hbm>> -> memref<2048xf32, #tpu.memory_space<hbm>>
    %dma_start3A_176 = tpu.memref_slice %arg5[%add3A_174] : memref<2097152xf32, #tpu.memory_space<hbm>> -> memref<2048xf32, #tpu.memory_space<hbm>>
    tpu.enqueue_dma source(%arg11 : memref<2048xf32, #tpu.memory_space<vmem>>) target(%dma_start3A_176 : memref<2048xf32, #tpu.memory_space<hbm>>) target_semaphore(%arg18 : memref<!tpu.dma_semaphore, #tpu.memory_space<semaphore_mem>>)
    %dma_wait3A_177 = tpu.memref_slice %arg5[%add3A_174] : memref<2097152xf32, #tpu.memory_space<hbm>> -> memref<2048xf32, #tpu.memory_space<hbm>>
    %dma_wait3A_178 = tpu.memref_slice %arg5[%add3A_174] : memref<2097152xf32, #tpu.memory_space<hbm>> -> memref<2048xf32, #tpu.memory_space<hbm>>
    tpu.wait_dma2 semaphore(%arg18 : memref<!tpu.dma_semaphore, #tpu.memory_space<semaphore_mem>>) src(%arg11 : memref<2048xf32, #tpu.memory_space<vmem>>) dst(%dma_wait3A_178 : memref<2048xf32, #tpu.memory_space<hbm>>)
    %scan3A_179 = arith.constant 0 : i32
    %scan3A_180 = arith.constant 0 : i32
    %scan3A_181 = arith.constant 128 : i32
    %scan3A_182 = arith.addi %scan3A_180, %scan3A_181 : i32
    %scan3A_183 = arith.constant 1 : i32
    %scan3A_184 = scf.for %scan3A_420 = %scan3A_180 to %scan3A_182 step %scan3A_183 iter_args(%scan3A_421 = %scan3A_179) -> (i32)  : i32 {
      %mul3A_422 = arith.constant 16 : i32
      %mul3A_423 = arith.muli %scan3A_420, %mul3A_422 : i32
      %get3A = arith.index_cast %mul3A_423 : i32 to index
      %get3A_424 = tpu.vector_load %arg12[%get3A] {strides = array<i32>} : memref<2048xi32, #tpu.memory_space<vmem>>, vector<16xi32>,
      %add3A_425 = arith.constant 4105 : i32
      %add3A_426 = vector.broadcast %add3A_425 : i32 to vector<16xi32>
      %add3A_427 = arith.addi %get3A_424, %add3A_426 : vector<16xi32>
      %swap3A = arith.index_cast %mul3A_423 : i32 to index
      %swap3A_428 = tpu.vector_load %arg8[%swap3A] {strides = array<i32>} : memref<2048xi32, #tpu.memory_space<vmem>>, vector<16xi32>,
      tpu.vector_store %arg8[%swap3A], %add3A_427 {strides = array<i32>} : memref<2048xi32, #tpu.memory_space<vmem>>, vector<16xi32>,
      %scan3A_429 = arith.constant 0 : i32
      scf.yield %scan3A_429 : i32
    }
    %scan3A_185 = arith.constant 128 : i32
    %dma_start3A_186 = arith.constant 0 : i32
    %dma_start3A_187 = tpu.memref_slice %arg3[%dma_start3A_186] : memref<139536xf32, #tpu.memory_space<hbm>> -> memref<139536xf32, #tpu.memory_space<hbm>>
    tpu.enqueue_indirect_dma source(%dma_start3A_187 : memref<139536xf32, #tpu.memory_space<hbm>>) target(%arg11 : memref<2048xf32, #tpu.memory_space<vmem>>) offsets(%arg8 : memref<2048xi32, #tpu.memory_space<vmem>>) semaphore(%arg15 : memref<!tpu.dma_semaphore, #tpu.memory_space<semaphore_mem>>)
    %dma_wait3A_188 = arith.constant 0 : i32
    %dma_wait3A_189 = tpu.memref_slice %arg3[%dma_wait3A_188] : memref<139536xf32, #tpu.memory_space<hbm>> -> memref<139536xf32, #tpu.memory_space<hbm>>
    tpu.wait_indirect_dma semaphore(%arg13 : memref<!tpu.dma_semaphore, #tpu.memory_space<semaphore_mem>>) src(%dma_wait3A_189 : memref<139536xf32, #tpu.memory_space<hbm>>) dst(%arg9 : memref<2048xf32, #tpu.memory_space<vmem>>)
    %add3A_190 = arith.constant 589824 : i32
    %add3A_191 = arith.addi %add3A_190, %mul3A_2 : i32
    %dma_start3A_192 = tpu.memref_slice %arg5[%add3A_191] : memref<2097152xf32, #tpu.memory_space<hbm>> -> memref<2048xf32, #tpu.memory_space<hbm>>
    %dma_start3A_193 = tpu.memref_slice %arg5[%add3A_191] : memref<2097152xf32, #tpu.memory_space<hbm>> -> memref<2048xf32, #tpu.memory_space<hbm>>
    tpu.enqueue_dma source(%arg9 : memref<2048xf32, #tpu.memory_space<vmem>>) target(%dma_start3A_193 : memref<2048xf32, #tpu.memory_space<hbm>>) target_semaphore(%arg16 : memref<!tpu.dma_semaphore, #tpu.memory_space<semaphore_mem>>)
    %dma_wait3A_194 = tpu.memref_slice %arg5[%add3A_191] : memref<2097152xf32, #tpu.memory_space<hbm>> -> memref<2048xf32, #tpu.memory_space<hbm>>
    %dma_wait3A_195 = tpu.memref_slice %arg5[%add3A_191] : memref<2097152xf32, #tpu.memory_space<hbm>> -> memref<2048xf32, #tpu.memory_space<hbm>>
    tpu.wait_dma2 semaphore(%arg16 : memref<!tpu.dma_semaphore, #tpu.memory_space<semaphore_mem>>) src(%arg9 : memref<2048xf32, #tpu.memory_space<vmem>>) dst(%dma_wait3A_195 : memref<2048xf32, #tpu.memory_space<hbm>>)
    %scan3A_196 = arith.constant 0 : i32
    %scan3A_197 = arith.constant 0 : i32
    %scan3A_198 = arith.constant 128 : i32
    %scan3A_199 = arith.addi %scan3A_197, %scan3A_198 : i32
    %scan3A_200 = arith.constant 1 : i32
    %scan3A_201 = scf.for %scan3A_420 = %scan3A_197 to %scan3A_199 step %scan3A_200 iter_args(%scan3A_421 = %scan3A_196) -> (i32)  : i32 {
      %mul3A_422 = arith.constant 16 : i32
      %mul3A_423 = arith.muli %scan3A_420, %mul3A_422 : i32
      %get3A = arith.index_cast %mul3A_423 : i32 to index
      %get3A_424 = tpu.vector_load %arg12[%get3A] {strides = array<i32>} : memref<2048xi32, #tpu.memory_space<vmem>>, vector<16xi32>,
      %add3A_425 = arith.constant 4107 : i32
      %add3A_426 = vector.broadcast %add3A_425 : i32 to vector<16xi32>
      %add3A_427 = arith.addi %get3A_424, %add3A_426 : vector<16xi32>
      %swap3A = arith.index_cast %mul3A_423 : i32 to index
      %swap3A_428 = tpu.vector_load %arg6[%swap3A] {strides = array<i32>} : memref<2048xi32, #tpu.memory_space<vmem>>, vector<16xi32>,
      tpu.vector_store %arg6[%swap3A], %add3A_427 {strides = array<i32>} : memref<2048xi32, #tpu.memory_space<vmem>>, vector<16xi32>,
      %scan3A_429 = arith.constant 0 : i32
      scf.yield %scan3A_429 : i32
    }
    %scan3A_202 = arith.constant 128 : i32
    %dma_start3A_203 = arith.constant 0 : i32
    %dma_start3A_204 = tpu.memref_slice %arg3[%dma_start3A_203] : memref<139536xf32, #tpu.memory_space<hbm>> -> memref<139536xf32, #tpu.memory_space<hbm>>
    tpu.enqueue_indirect_dma source(%dma_start3A_204 : memref<139536xf32, #tpu.memory_space<hbm>>) target(%arg9 : memref<2048xf32, #tpu.memory_space<vmem>>) offsets(%arg6 : memref<2048xi32, #tpu.memory_space<vmem>>) semaphore(%arg13 : memref<!tpu.dma_semaphore, #tpu.memory_space<semaphore_mem>>)
    %dma_wait3A_205 = arith.constant 0 : i32
    %dma_wait3A_206 = tpu.memref_slice %arg3[%dma_wait3A_205] : memref<139536xf32, #tpu.memory_space<hbm>> -> memref<139536xf32, #tpu.memory_space<hbm>>
    tpu.wait_indirect_dma semaphore(%arg14 : memref<!tpu.dma_semaphore, #tpu.memory_space<semaphore_mem>>) src(%dma_wait3A_206 : memref<139536xf32, #tpu.memory_space<hbm>>) dst(%arg10 : memref<2048xf32, #tpu.memory_space<vmem>>)
    %add3A_207 = arith.constant 655360 : i32
    %add3A_208 = arith.addi %add3A_207, %mul3A_2 : i32
    %dma_start3A_209 = tpu.memref_slice %arg5[%add3A_208] : memref<2097152xf32, #tpu.memory_space<hbm>> -> memref<2048xf32, #tpu.memory_space<hbm>>
    %dma_start3A_210 = tpu.memref_slice %arg5[%add3A_208] : memref<2097152xf32, #tpu.memory_space<hbm>> -> memref<2048xf32, #tpu.memory_space<hbm>>
    tpu.enqueue_dma source(%arg10 : memref<2048xf32, #tpu.memory_space<vmem>>) target(%dma_start3A_210 : memref<2048xf32, #tpu.memory_space<hbm>>) target_semaphore(%arg17 : memref<!tpu.dma_semaphore, #tpu.memory_space<semaphore_mem>>)
    %dma_wait3A_211 = tpu.memref_slice %arg5[%add3A_208] : memref<2097152xf32, #tpu.memory_space<hbm>> -> memref<2048xf32, #tpu.memory_space<hbm>>
    %dma_wait3A_212 = tpu.memref_slice %arg5[%add3A_208] : memref<2097152xf32, #tpu.memory_space<hbm>> -> memref<2048xf32, #tpu.memory_space<hbm>>
    tpu.wait_dma2 semaphore(%arg17 : memref<!tpu.dma_semaphore, #tpu.memory_space<semaphore_mem>>) src(%arg10 : memref<2048xf32, #tpu.memory_space<vmem>>) dst(%dma_wait3A_212 : memref<2048xf32, #tpu.memory_space<hbm>>)
    %scan3A_213 = arith.constant 0 : i32
    %scan3A_214 = arith.constant 0 : i32
    %scan3A_215 = arith.constant 128 : i32
    %scan3A_216 = arith.addi %scan3A_214, %scan3A_215 : i32
    %scan3A_217 = arith.constant 1 : i32
    %scan3A_218 = scf.for %scan3A_420 = %scan3A_214 to %scan3A_216 step %scan3A_217 iter_args(%scan3A_421 = %scan3A_213) -> (i32)  : i32 {
      %mul3A_422 = arith.constant 16 : i32
      %mul3A_423 = arith.muli %scan3A_420, %mul3A_422 : i32
      %get3A = arith.index_cast %mul3A_423 : i32 to index
      %get3A_424 = tpu.vector_load %arg12[%get3A] {strides = array<i32>} : memref<2048xi32, #tpu.memory_space<vmem>>, vector<16xi32>,
      %add3A_425 = arith.constant 4108 : i32
      %add3A_426 = vector.broadcast %add3A_425 : i32 to vector<16xi32>
      %add3A_427 = arith.addi %get3A_424, %add3A_426 : vector<16xi32>
      %swap3A = arith.index_cast %mul3A_423 : i32 to index
      %swap3A_428 = tpu.vector_load %arg7[%swap3A] {strides = array<i32>} : memref<2048xi32, #tpu.memory_space<vmem>>, vector<16xi32>,
      tpu.vector_store %arg7[%swap3A], %add3A_427 {strides = array<i32>} : memref<2048xi32, #tpu.memory_space<vmem>>, vector<16xi32>,
      %scan3A_429 = arith.constant 0 : i32
      scf.yield %scan3A_429 : i32
    }
    %scan3A_219 = arith.constant 128 : i32
    %dma_start3A_220 = arith.constant 0 : i32
    %dma_start3A_221 = tpu.memref_slice %arg3[%dma_start3A_220] : memref<139536xf32, #tpu.memory_space<hbm>> -> memref<139536xf32, #tpu.memory_space<hbm>>
    tpu.enqueue_indirect_dma source(%dma_start3A_221 : memref<139536xf32, #tpu.memory_space<hbm>>) target(%arg10 : memref<2048xf32, #tpu.memory_space<vmem>>) offsets(%arg7 : memref<2048xi32, #tpu.memory_space<vmem>>) semaphore(%arg14 : memref<!tpu.dma_semaphore, #tpu.memory_space<semaphore_mem>>)
    %dma_wait3A_222 = arith.constant 0 : i32
    %dma_wait3A_223 = tpu.memref_slice %arg3[%dma_wait3A_222] : memref<139536xf32, #tpu.memory_space<hbm>> -> memref<139536xf32, #tpu.memory_space<hbm>>
    tpu.wait_indirect_dma semaphore(%arg15 : memref<!tpu.dma_semaphore, #tpu.memory_space<semaphore_mem>>) src(%dma_wait3A_223 : memref<139536xf32, #tpu.memory_space<hbm>>) dst(%arg11 : memref<2048xf32, #tpu.memory_space<vmem>>)
    %add3A_224 = arith.constant 720896 : i32
    %add3A_225 = arith.addi %add3A_224, %mul3A_2 : i32
    %dma_start3A_226 = tpu.memref_slice %arg5[%add3A_225] : memref<2097152xf32, #tpu.memory_space<hbm>> -> memref<2048xf32, #tpu.memory_space<hbm>>
    %dma_start3A_227 = tpu.memref_slice %arg5[%add3A_225] : memref<2097152xf32, #tpu.memory_space<hbm>> -> memref<2048xf32, #tpu.memory_space<hbm>>
    tpu.enqueue_dma source(%arg11 : memref<2048xf32, #tpu.memory_space<vmem>>) target(%dma_start3A_227 : memref<2048xf32, #tpu.memory_space<hbm>>) target_semaphore(%arg18 : memref<!tpu.dma_semaphore, #tpu.memory_space<semaphore_mem>>)
    %dma_wait3A_228 = tpu.memref_slice %arg5[%add3A_225] : memref<2097152xf32, #tpu.memory_space<hbm>> -> memref<2048xf32, #tpu.memory_space<hbm>>
    %dma_wait3A_229 = tpu.memref_slice %arg5[%add3A_225] : memref<2097152xf32, #tpu.memory_space<hbm>> -> memref<2048xf32, #tpu.memory_space<hbm>>
    tpu.wait_dma2 semaphore(%arg18 : memref<!tpu.dma_semaphore, #tpu.memory_space<semaphore_mem>>) src(%arg11 : memref<2048xf32, #tpu.memory_space<vmem>>) dst(%dma_wait3A_229 : memref<2048xf32, #tpu.memory_space<hbm>>)
    %scan3A_230 = arith.constant 0 : i32
    %scan3A_231 = arith.constant 0 : i32
    %scan3A_232 = arith.constant 128 : i32
    %scan3A_233 = arith.addi %scan3A_231, %scan3A_232 : i32
    %scan3A_234 = arith.constant 1 : i32
    %scan3A_235 = scf.for %scan3A_420 = %scan3A_231 to %scan3A_233 step %scan3A_234 iter_args(%scan3A_421 = %scan3A_230) -> (i32)  : i32 {
      %mul3A_422 = arith.constant 16 : i32
      %mul3A_423 = arith.muli %scan3A_420, %mul3A_422 : i32
      %get3A = arith.index_cast %mul3A_423 : i32 to index
      %get3A_424 = tpu.vector_load %arg12[%get3A] {strides = array<i32>} : memref<2048xi32, #tpu.memory_space<vmem>>, vector<16xi32>,
      %add3A_425 = arith.constant 6156 : i32
      %add3A_426 = vector.broadcast %add3A_425 : i32 to vector<16xi32>
      %add3A_427 = arith.addi %get3A_424, %add3A_426 : vector<16xi32>
      %swap3A = arith.index_cast %mul3A_423 : i32 to index
      %swap3A_428 = tpu.vector_load %arg8[%swap3A] {strides = array<i32>} : memref<2048xi32, #tpu.memory_space<vmem>>, vector<16xi32>,
      tpu.vector_store %arg8[%swap3A], %add3A_427 {strides = array<i32>} : memref<2048xi32, #tpu.memory_space<vmem>>, vector<16xi32>,
      %scan3A_429 = arith.constant 0 : i32
      scf.yield %scan3A_429 : i32
    }
    %scan3A_236 = arith.constant 128 : i32
    %dma_start3A_237 = arith.constant 0 : i32
    %dma_start3A_238 = tpu.memref_slice %arg3[%dma_start3A_237] : memref<139536xf32, #tpu.memory_space<hbm>> -> memref<139536xf32, #tpu.memory_space<hbm>>
    tpu.enqueue_indirect_dma source(%dma_start3A_238 : memref<139536xf32, #tpu.memory_space<hbm>>) target(%arg11 : memref<2048xf32, #tpu.memory_space<vmem>>) offsets(%arg8 : memref<2048xi32, #tpu.memory_space<vmem>>) semaphore(%arg15 : memref<!tpu.dma_semaphore, #tpu.memory_space<semaphore_mem>>)
    %dma_wait3A_239 = arith.constant 0 : i32
    %dma_wait3A_240 = tpu.memref_slice %arg3[%dma_wait3A_239] : memref<139536xf32, #tpu.memory_space<hbm>> -> memref<139536xf32, #tpu.memory_space<hbm>>
    tpu.wait_indirect_dma semaphore(%arg13 : memref<!tpu.dma_semaphore, #tpu.memory_space<semaphore_mem>>) src(%dma_wait3A_240 : memref<139536xf32, #tpu.memory_space<hbm>>) dst(%arg9 : memref<2048xf32, #tpu.memory_space<vmem>>)
    %add3A_241 = arith.constant 851968 : i32
    %add3A_242 = arith.addi %add3A_241, %mul3A_2 : i32
    %dma_start3A_243 = tpu.memref_slice %arg5[%add3A_242] : memref<2097152xf32, #tpu.memory_space<hbm>> -> memref<2048xf32, #tpu.memory_space<hbm>>
    %dma_start3A_244 = tpu.memref_slice %arg5[%add3A_242] : memref<2097152xf32, #tpu.memory_space<hbm>> -> memref<2048xf32, #tpu.memory_space<hbm>>
    tpu.enqueue_dma source(%arg9 : memref<2048xf32, #tpu.memory_space<vmem>>) target(%dma_start3A_244 : memref<2048xf32, #tpu.memory_space<hbm>>) target_semaphore(%arg16 : memref<!tpu.dma_semaphore, #tpu.memory_space<semaphore_mem>>)
    %dma_wait3A_245 = tpu.memref_slice %arg5[%add3A_242] : memref<2097152xf32, #tpu.memory_space<hbm>> -> memref<2048xf32, #tpu.memory_space<hbm>>
    %dma_wait3A_246 = tpu.memref_slice %arg5[%add3A_242] : memref<2097152xf32, #tpu.memory_space<hbm>> -> memref<2048xf32, #tpu.memory_space<hbm>>
    tpu.wait_dma2 semaphore(%arg16 : memref<!tpu.dma_semaphore, #tpu.memory_space<semaphore_mem>>) src(%arg9 : memref<2048xf32, #tpu.memory_space<vmem>>) dst(%dma_wait3A_246 : memref<2048xf32, #tpu.memory_space<hbm>>)
    %scan3A_247 = arith.constant 0 : i32
    %scan3A_248 = arith.constant 0 : i32
    %scan3A_249 = arith.constant 128 : i32
    %scan3A_250 = arith.addi %scan3A_248, %scan3A_249 : i32
    %scan3A_251 = arith.constant 1 : i32
    %scan3A_252 = scf.for %scan3A_420 = %scan3A_248 to %scan3A_250 step %scan3A_251 iter_args(%scan3A_421 = %scan3A_247) -> (i32)  : i32 {
      %mul3A_422 = arith.constant 16 : i32
      %mul3A_423 = arith.muli %scan3A_420, %mul3A_422 : i32
      %get3A = arith.index_cast %mul3A_423 : i32 to index
      %get3A_424 = tpu.vector_load %arg12[%get3A] {strides = array<i32>} : memref<2048xi32, #tpu.memory_space<vmem>>, vector<16xi32>,
      %add3A_425 = arith.constant 6157 : i32
      %add3A_426 = vector.broadcast %add3A_425 : i32 to vector<16xi32>
      %add3A_427 = arith.addi %get3A_424, %add3A_426 : vector<16xi32>
      %swap3A = arith.index_cast %mul3A_423 : i32 to index
      %swap3A_428 = tpu.vector_load %arg6[%swap3A] {strides = array<i32>} : memref<2048xi32, #tpu.memory_space<vmem>>, vector<16xi32>,
      tpu.vector_store %arg6[%swap3A], %add3A_427 {strides = array<i32>} : memref<2048xi32, #tpu.memory_space<vmem>>, vector<16xi32>,
      %scan3A_429 = arith.constant 0 : i32
      scf.yield %scan3A_429 : i32
    }
    %scan3A_253 = arith.constant 128 : i32
    %dma_start3A_254 = arith.constant 0 : i32
    %dma_start3A_255 = tpu.memref_slice %arg3[%dma_start3A_254] : memref<139536xf32, #tpu.memory_space<hbm>> -> memref<139536xf32, #tpu.memory_space<hbm>>
    tpu.enqueue_indirect_dma source(%dma_start3A_255 : memref<139536xf32, #tpu.memory_space<hbm>>) target(%arg9 : memref<2048xf32, #tpu.memory_space<vmem>>) offsets(%arg6 : memref<2048xi32, #tpu.memory_space<vmem>>) semaphore(%arg13 : memref<!tpu.dma_semaphore, #tpu.memory_space<semaphore_mem>>)
    %dma_wait3A_256 = arith.constant 0 : i32
    %dma_wait3A_257 = tpu.memref_slice %arg3[%dma_wait3A_256] : memref<139536xf32, #tpu.memory_space<hbm>> -> memref<139536xf32, #tpu.memory_space<hbm>>
    tpu.wait_indirect_dma semaphore(%arg14 : memref<!tpu.dma_semaphore, #tpu.memory_space<semaphore_mem>>) src(%dma_wait3A_257 : memref<139536xf32, #tpu.memory_space<hbm>>) dst(%arg10 : memref<2048xf32, #tpu.memory_space<vmem>>)
    %add3A_258 = arith.constant 917504 : i32
    %add3A_259 = arith.addi %add3A_258, %mul3A_2 : i32
    %dma_start3A_260 = tpu.memref_slice %arg5[%add3A_259] : memref<2097152xf32, #tpu.memory_space<hbm>> -> memref<2048xf32, #tpu.memory_space<hbm>>
    %dma_start3A_261 = tpu.memref_slice %arg5[%add3A_259] : memref<2097152xf32, #tpu.memory_space<hbm>> -> memref<2048xf32, #tpu.memory_space<hbm>>
    tpu.enqueue_dma source(%arg10 : memref<2048xf32, #tpu.memory_space<vmem>>) target(%dma_start3A_261 : memref<2048xf32, #tpu.memory_space<hbm>>) target_semaphore(%arg17 : memref<!tpu.dma_semaphore, #tpu.memory_space<semaphore_mem>>)
    %dma_wait3A_262 = tpu.memref_slice %arg5[%add3A_259] : memref<2097152xf32, #tpu.memory_space<hbm>> -> memref<2048xf32, #tpu.memory_space<hbm>>
    %dma_wait3A_263 = tpu.memref_slice %arg5[%add3A_259] : memref<2097152xf32, #tpu.memory_space<hbm>> -> memref<2048xf32, #tpu.memory_space<hbm>>
    tpu.wait_dma2 semaphore(%arg17 : memref<!tpu.dma_semaphore, #tpu.memory_space<semaphore_mem>>) src(%arg10 : memref<2048xf32, #tpu.memory_space<vmem>>) dst(%dma_wait3A_263 : memref<2048xf32, #tpu.memory_space<hbm>>)
    %scan3A_264 = arith.constant 0 : i32
    %scan3A_265 = arith.constant 0 : i32
    %scan3A_266 = arith.constant 128 : i32
    %scan3A_267 = arith.addi %scan3A_265, %scan3A_266 : i32
    %scan3A_268 = arith.constant 1 : i32
    %scan3A_269 = scf.for %scan3A_420 = %scan3A_265 to %scan3A_267 step %scan3A_268 iter_args(%scan3A_421 = %scan3A_264) -> (i32)  : i32 {
      %mul3A_422 = arith.constant 16 : i32
      %mul3A_423 = arith.muli %scan3A_420, %mul3A_422 : i32
      %get3A = arith.index_cast %mul3A_423 : i32 to index
      %get3A_424 = tpu.vector_load %arg12[%get3A] {strides = array<i32>} : memref<2048xi32, #tpu.memory_space<vmem>>, vector<16xi32>,
      %add3A_425 = arith.constant 6158 : i32
      %add3A_426 = vector.broadcast %add3A_425 : i32 to vector<16xi32>
      %add3A_427 = arith.addi %get3A_424, %add3A_426 : vector<16xi32>
      %swap3A = arith.index_cast %mul3A_423 : i32 to index
      %swap3A_428 = tpu.vector_load %arg7[%swap3A] {strides = array<i32>} : memref<2048xi32, #tpu.memory_space<vmem>>, vector<16xi32>,
      tpu.vector_store %arg7[%swap3A], %add3A_427 {strides = array<i32>} : memref<2048xi32, #tpu.memory_space<vmem>>, vector<16xi32>,
      %scan3A_429 = arith.constant 0 : i32
      scf.yield %scan3A_429 : i32
    }
    %scan3A_270 = arith.constant 128 : i32
    %dma_start3A_271 = arith.constant 0 : i32
    %dma_start3A_272 = tpu.memref_slice %arg3[%dma_start3A_271] : memref<139536xf32, #tpu.memory_space<hbm>> -> memref<139536xf32, #tpu.memory_space<hbm>>
    tpu.enqueue_indirect_dma source(%dma_start3A_272 : memref<139536xf32, #tpu.memory_space<hbm>>) target(%arg10 : memref<2048xf32, #tpu.memory_space<vmem>>) offsets(%arg7 : memref<2048xi32, #tpu.memory_space<vmem>>) semaphore(%arg14 : memref<!tpu.dma_semaphore, #tpu.memory_space<semaphore_mem>>)
    %dma_wait3A_273 = arith.constant 0 : i32
    %dma_wait3A_274 = tpu.memref_slice %arg3[%dma_wait3A_273] : memref<139536xf32, #tpu.memory_space<hbm>> -> memref<139536xf32, #tpu.memory_space<hbm>>
    tpu.wait_indirect_dma semaphore(%arg15 : memref<!tpu.dma_semaphore, #tpu.memory_space<semaphore_mem>>) src(%dma_wait3A_274 : memref<139536xf32, #tpu.memory_space<hbm>>) dst(%arg11 : memref<2048xf32, #tpu.memory_space<vmem>>)
    %add3A_275 = arith.constant 983040 : i32
    %add3A_276 = arith.addi %add3A_275, %mul3A_2 : i32
    %dma_start3A_277 = tpu.memref_slice %arg5[%add3A_276] : memref<2097152xf32, #tpu.memory_space<hbm>> -> memref<2048xf32, #tpu.memory_space<hbm>>
    %dma_start3A_278 = tpu.memref_slice %arg5[%add3A_276] : memref<2097152xf32, #tpu.memory_space<hbm>> -> memref<2048xf32, #tpu.memory_space<hbm>>
    tpu.enqueue_dma source(%arg11 : memref<2048xf32, #tpu.memory_space<vmem>>) target(%dma_start3A_278 : memref<2048xf32, #tpu.memory_space<hbm>>) target_semaphore(%arg18 : memref<!tpu.dma_semaphore, #tpu.memory_space<semaphore_mem>>)
    %dma_wait3A_279 = tpu.memref_slice %arg5[%add3A_276] : memref<2097152xf32, #tpu.memory_space<hbm>> -> memref<2048xf32, #tpu.memory_space<hbm>>
    %dma_wait3A_280 = tpu.memref_slice %arg5[%add3A_276] : memref<2097152xf32, #tpu.memory_space<hbm>> -> memref<2048xf32, #tpu.memory_space<hbm>>
    tpu.wait_dma2 semaphore(%arg18 : memref<!tpu.dma_semaphore, #tpu.memory_space<semaphore_mem>>) src(%arg11 : memref<2048xf32, #tpu.memory_space<vmem>>) dst(%dma_wait3A_280 : memref<2048xf32, #tpu.memory_space<hbm>>)
    %scan3A_281 = arith.constant 0 : i32
    %scan3A_282 = arith.constant 0 : i32
    %scan3A_283 = arith.constant 128 : i32
    %scan3A_284 = arith.addi %scan3A_282, %scan3A_283 : i32
    %scan3A_285 = arith.constant 1 : i32
    %scan3A_286 = scf.for %scan3A_420 = %scan3A_282 to %scan3A_284 step %scan3A_285 iter_args(%scan3A_421 = %scan3A_281) -> (i32)  : i32 {
      %mul3A_422 = arith.constant 16 : i32
      %mul3A_423 = arith.muli %scan3A_420, %mul3A_422 : i32
      %get3A = arith.index_cast %mul3A_423 : i32 to index
      %get3A_424 = tpu.vector_load %arg12[%get3A] {strides = array<i32>} : memref<2048xi32, #tpu.memory_space<vmem>>, vector<16xi32>,
      %add3A_425 = arith.constant 6159 : i32
      %add3A_426 = vector.broadcast %add3A_425 : i32 to vector<16xi32>
      %add3A_427 = arith.addi %get3A_424, %add3A_426 : vector<16xi32>
      %swap3A = arith.index_cast %mul3A_423 : i32 to index
      %swap3A_428 = tpu.vector_load %arg8[%swap3A] {strides = array<i32>} : memref<2048xi32, #tpu.memory_space<vmem>>, vector<16xi32>,
      tpu.vector_store %arg8[%swap3A], %add3A_427 {strides = array<i32>} : memref<2048xi32, #tpu.memory_space<vmem>>, vector<16xi32>,
      %scan3A_429 = arith.constant 0 : i32
      scf.yield %scan3A_429 : i32
    }
    %scan3A_287 = arith.constant 128 : i32
    %dma_start3A_288 = arith.constant 0 : i32
    %dma_start3A_289 = tpu.memref_slice %arg3[%dma_start3A_288] : memref<139536xf32, #tpu.memory_space<hbm>> -> memref<139536xf32, #tpu.memory_space<hbm>>
    tpu.enqueue_indirect_dma source(%dma_start3A_289 : memref<139536xf32, #tpu.memory_space<hbm>>) target(%arg11 : memref<2048xf32, #tpu.memory_space<vmem>>) offsets(%arg8 : memref<2048xi32, #tpu.memory_space<vmem>>) semaphore(%arg15 : memref<!tpu.dma_semaphore, #tpu.memory_space<semaphore_mem>>)
    %dma_wait3A_290 = arith.constant 0 : i32
    %dma_wait3A_291 = tpu.memref_slice %arg3[%dma_wait3A_290] : memref<139536xf32, #tpu.memory_space<hbm>> -> memref<139536xf32, #tpu.memory_space<hbm>>
    tpu.wait_indirect_dma semaphore(%arg13 : memref<!tpu.dma_semaphore, #tpu.memory_space<semaphore_mem>>) src(%dma_wait3A_291 : memref<139536xf32, #tpu.memory_space<hbm>>) dst(%arg9 : memref<2048xf32, #tpu.memory_space<vmem>>)
    %add3A_292 = arith.constant 1048576 : i32
    %add3A_293 = arith.addi %add3A_292, %mul3A_2 : i32
    %dma_start3A_294 = tpu.memref_slice %arg5[%add3A_293] : memref<2097152xf32, #tpu.memory_space<hbm>> -> memref<2048xf32, #tpu.memory_space<hbm>>
    %dma_start3A_295 = tpu.memref_slice %arg5[%add3A_293] : memref<2097152xf32, #tpu.memory_space<hbm>> -> memref<2048xf32, #tpu.memory_space<hbm>>
    tpu.enqueue_dma source(%arg9 : memref<2048xf32, #tpu.memory_space<vmem>>) target(%dma_start3A_295 : memref<2048xf32, #tpu.memory_space<hbm>>) target_semaphore(%arg16 : memref<!tpu.dma_semaphore, #tpu.memory_space<semaphore_mem>>)
    %dma_wait3A_296 = tpu.memref_slice %arg5[%add3A_293] : memref<2097152xf32, #tpu.memory_space<hbm>> -> memref<2048xf32, #tpu.memory_space<hbm>>
    %dma_wait3A_297 = tpu.memref_slice %arg5[%add3A_293] : memref<2097152xf32, #tpu.memory_space<hbm>> -> memref<2048xf32, #tpu.memory_space<hbm>>
    tpu.wait_dma2 semaphore(%arg16 : memref<!tpu.dma_semaphore, #tpu.memory_space<semaphore_mem>>) src(%arg9 : memref<2048xf32, #tpu.memory_space<vmem>>) dst(%dma_wait3A_297 : memref<2048xf32, #tpu.memory_space<hbm>>)
    %scan3A_298 = arith.constant 0 : i32
    %scan3A_299 = arith.constant 0 : i32
    %scan3A_300 = arith.constant 128 : i32
    %scan3A_301 = arith.addi %scan3A_299, %scan3A_300 : i32
    %scan3A_302 = arith.constant 1 : i32
    %scan3A_303 = scf.for %scan3A_420 = %scan3A_299 to %scan3A_301 step %scan3A_302 iter_args(%scan3A_421 = %scan3A_298) -> (i32)  : i32 {
      %mul3A_422 = arith.constant 16 : i32
      %mul3A_423 = arith.muli %scan3A_420, %mul3A_422 : i32
      %get3A = arith.index_cast %mul3A_423 : i32 to index
      %get3A_424 = tpu.vector_load %arg12[%get3A] {strides = array<i32>} : memref<2048xi32, #tpu.memory_space<vmem>>, vector<16xi32>,
      %add3A_425 = arith.constant 6160 : i32
      %add3A_426 = vector.broadcast %add3A_425 : i32 to vector<16xi32>
      %add3A_427 = arith.addi %get3A_424, %add3A_426 : vector<16xi32>
      %swap3A = arith.index_cast %mul3A_423 : i32 to index
      %swap3A_428 = tpu.vector_load %arg6[%swap3A] {strides = array<i32>} : memref<2048xi32, #tpu.memory_space<vmem>>, vector<16xi32>,
      tpu.vector_store %arg6[%swap3A], %add3A_427 {strides = array<i32>} : memref<2048xi32, #tpu.memory_space<vmem>>, vector<16xi32>,
      %scan3A_429 = arith.constant 0 : i32
      scf.yield %scan3A_429 : i32
    }
    %scan3A_304 = arith.constant 128 : i32
    %dma_start3A_305 = arith.constant 0 : i32
    %dma_start3A_306 = tpu.memref_slice %arg3[%dma_start3A_305] : memref<139536xf32, #tpu.memory_space<hbm>> -> memref<139536xf32, #tpu.memory_space<hbm>>
    tpu.enqueue_indirect_dma source(%dma_start3A_306 : memref<139536xf32, #tpu.memory_space<hbm>>) target(%arg9 : memref<2048xf32, #tpu.memory_space<vmem>>) offsets(%arg6 : memref<2048xi32, #tpu.memory_space<vmem>>) semaphore(%arg13 : memref<!tpu.dma_semaphore, #tpu.memory_space<semaphore_mem>>)
    %dma_wait3A_307 = arith.constant 0 : i32
    %dma_wait3A_308 = tpu.memref_slice %arg3[%dma_wait3A_307] : memref<139536xf32, #tpu.memory_space<hbm>> -> memref<139536xf32, #tpu.memory_space<hbm>>
    tpu.wait_indirect_dma semaphore(%arg14 : memref<!tpu.dma_semaphore, #tpu.memory_space<semaphore_mem>>) src(%dma_wait3A_308 : memref<139536xf32, #tpu.memory_space<hbm>>) dst(%arg10 : memref<2048xf32, #tpu.memory_space<vmem>>)
    %add3A_309 = arith.constant 1114112 : i32
    %add3A_310 = arith.addi %add3A_309, %mul3A_2 : i32
    %dma_start3A_311 = tpu.memref_slice %arg5[%add3A_310] : memref<2097152xf32, #tpu.memory_space<hbm>> -> memref<2048xf32, #tpu.memory_space<hbm>>
    %dma_start3A_312 = tpu.memref_slice %arg5[%add3A_310] : memref<2097152xf32, #tpu.memory_space<hbm>> -> memref<2048xf32, #tpu.memory_space<hbm>>
    tpu.enqueue_dma source(%arg10 : memref<2048xf32, #tpu.memory_space<vmem>>) target(%dma_start3A_312 : memref<2048xf32, #tpu.memory_space<hbm>>) target_semaphore(%arg17 : memref<!tpu.dma_semaphore, #tpu.memory_space<semaphore_mem>>)
    %dma_wait3A_313 = tpu.memref_slice %arg5[%add3A_310] : memref<2097152xf32, #tpu.memory_space<hbm>> -> memref<2048xf32, #tpu.memory_space<hbm>>
    %dma_wait3A_314 = tpu.memref_slice %arg5[%add3A_310] : memref<2097152xf32, #tpu.memory_space<hbm>> -> memref<2048xf32, #tpu.memory_space<hbm>>
    tpu.wait_dma2 semaphore(%arg17 : memref<!tpu.dma_semaphore, #tpu.memory_space<semaphore_mem>>) src(%arg10 : memref<2048xf32, #tpu.memory_space<vmem>>) dst(%dma_wait3A_314 : memref<2048xf32, #tpu.memory_space<hbm>>)
    %scan3A_315 = arith.constant 0 : i32
    %scan3A_316 = arith.constant 0 : i32
    %scan3A_317 = arith.constant 128 : i32
    %scan3A_318 = arith.addi %scan3A_316, %scan3A_317 : i32
    %scan3A_319 = arith.constant 1 : i32
    %scan3A_320 = scf.for %scan3A_420 = %scan3A_316 to %scan3A_318 step %scan3A_319 iter_args(%scan3A_421 = %scan3A_315) -> (i32)  : i32 {
      %mul3A_422 = arith.constant 16 : i32
      %mul3A_423 = arith.muli %scan3A_420, %mul3A_422 : i32
      %get3A = arith.index_cast %mul3A_423 : i32 to index
      %get3A_424 = tpu.vector_load %arg12[%get3A] {strides = array<i32>} : memref<2048xi32, #tpu.memory_space<vmem>>, vector<16xi32>,
      %add3A_425 = arith.constant 8208 : i32
      %add3A_426 = vector.broadcast %add3A_425 : i32 to vector<16xi32>
      %add3A_427 = arith.addi %get3A_424, %add3A_426 : vector<16xi32>
      %swap3A = arith.index_cast %mul3A_423 : i32 to index
      %swap3A_428 = tpu.vector_load %arg7[%swap3A] {strides = array<i32>} : memref<2048xi32, #tpu.memory_space<vmem>>, vector<16xi32>,
      tpu.vector_store %arg7[%swap3A], %add3A_427 {strides = array<i32>} : memref<2048xi32, #tpu.memory_space<vmem>>, vector<16xi32>,
      %scan3A_429 = arith.constant 0 : i32
      scf.yield %scan3A_429 : i32
    }
    %scan3A_321 = arith.constant 128 : i32
    %dma_start3A_322 = arith.constant 0 : i32
    %dma_start3A_323 = tpu.memref_slice %arg3[%dma_start3A_322] : memref<139536xf32, #tpu.memory_space<hbm>> -> memref<139536xf32, #tpu.memory_space<hbm>>
    tpu.enqueue_indirect_dma source(%dma_start3A_323 : memref<139536xf32, #tpu.memory_space<hbm>>) target(%arg10 : memref<2048xf32, #tpu.memory_space<vmem>>) offsets(%arg7 : memref<2048xi32, #tpu.memory_space<vmem>>) semaphore(%arg14 : memref<!tpu.dma_semaphore, #tpu.memory_space<semaphore_mem>>)
    %dma_wait3A_324 = arith.constant 0 : i32
    %dma_wait3A_325 = tpu.memref_slice %arg3[%dma_wait3A_324] : memref<139536xf32, #tpu.memory_space<hbm>> -> memref<139536xf32, #tpu.memory_space<hbm>>
    tpu.wait_indirect_dma semaphore(%arg15 : memref<!tpu.dma_semaphore, #tpu.memory_space<semaphore_mem>>) src(%dma_wait3A_325 : memref<139536xf32, #tpu.memory_space<hbm>>) dst(%arg11 : memref<2048xf32, #tpu.memory_space<vmem>>)
    %add3A_326 = arith.constant 1179648 : i32
    %add3A_327 = arith.addi %add3A_326, %mul3A_2 : i32
    %dma_start3A_328 = tpu.memref_slice %arg5[%add3A_327] : memref<2097152xf32, #tpu.memory_space<hbm>> -> memref<2048xf32, #tpu.memory_space<hbm>>
    %dma_start3A_329 = tpu.memref_slice %arg5[%add3A_327] : memref<2097152xf32, #tpu.memory_space<hbm>> -> memref<2048xf32, #tpu.memory_space<hbm>>
    tpu.enqueue_dma source(%arg11 : memref<2048xf32, #tpu.memory_space<vmem>>) target(%dma_start3A_329 : memref<2048xf32, #tpu.memory_space<hbm>>) target_semaphore(%arg18 : memref<!tpu.dma_semaphore, #tpu.memory_space<semaphore_mem>>)
    %dma_wait3A_330 = tpu.memref_slice %arg5[%add3A_327] : memref<2097152xf32, #tpu.memory_space<hbm>> -> memref<2048xf32, #tpu.memory_space<hbm>>
    %dma_wait3A_331 = tpu.memref_slice %arg5[%add3A_327] : memref<2097152xf32, #tpu.memory_space<hbm>> -> memref<2048xf32, #tpu.memory_space<hbm>>
    tpu.wait_dma2 semaphore(%arg18 : memref<!tpu.dma_semaphore, #tpu.memory_space<semaphore_mem>>) src(%arg11 : memref<2048xf32, #tpu.memory_space<vmem>>) dst(%dma_wait3A_331 : memref<2048xf32, #tpu.memory_space<hbm>>)
    %scan3A_332 = arith.constant 0 : i32
    %scan3A_333 = arith.constant 0 : i32
    %scan3A_334 = arith.constant 128 : i32
    %scan3A_335 = arith.addi %scan3A_333, %scan3A_334 : i32
    %scan3A_336 = arith.constant 1 : i32
    %scan3A_337 = scf.for %scan3A_420 = %scan3A_333 to %scan3A_335 step %scan3A_336 iter_args(%scan3A_421 = %scan3A_332) -> (i32)  : i32 {
      %mul3A_422 = arith.constant 16 : i32
      %mul3A_423 = arith.muli %scan3A_420, %mul3A_422 : i32
      %get3A = arith.index_cast %mul3A_423 : i32 to index
      %get3A_424 = tpu.vector_load %arg12[%get3A] {strides = array<i32>} : memref<2048xi32, #tpu.memory_space<vmem>>, vector<16xi32>,
      %add3A_425 = arith.constant 8209 : i32
      %add3A_426 = vector.broadcast %add3A_425 : i32 to vector<16xi32>
      %add3A_427 = arith.addi %get3A_424, %add3A_426 : vector<16xi32>
      %swap3A = arith.index_cast %mul3A_423 : i32 to index
      %swap3A_428 = tpu.vector_load %arg8[%swap3A] {strides = array<i32>} : memref<2048xi32, #tpu.memory_space<vmem>>, vector<16xi32>,
      tpu.vector_store %arg8[%swap3A], %add3A_427 {strides = array<i32>} : memref<2048xi32, #tpu.memory_space<vmem>>, vector<16xi32>,
      %scan3A_429 = arith.constant 0 : i32
      scf.yield %scan3A_429 : i32
    }
    %scan3A_338 = arith.constant 128 : i32
    %dma_start3A_339 = arith.constant 0 : i32
    %dma_start3A_340 = tpu.memref_slice %arg3[%dma_start3A_339] : memref<139536xf32, #tpu.memory_space<hbm>> -> memref<139536xf32, #tpu.memory_space<hbm>>
    tpu.enqueue_indirect_dma source(%dma_start3A_340 : memref<139536xf32, #tpu.memory_space<hbm>>) target(%arg11 : memref<2048xf32, #tpu.memory_space<vmem>>) offsets(%arg8 : memref<2048xi32, #tpu.memory_space<vmem>>) semaphore(%arg15 : memref<!tpu.dma_semaphore, #tpu.memory_space<semaphore_mem>>)
    %dma_wait3A_341 = arith.constant 0 : i32
    %dma_wait3A_342 = tpu.memref_slice %arg3[%dma_wait3A_341] : memref<139536xf32, #tpu.memory_space<hbm>> -> memref<139536xf32, #tpu.memory_space<hbm>>
    tpu.wait_indirect_dma semaphore(%arg13 : memref<!tpu.dma_semaphore, #tpu.memory_space<semaphore_mem>>) src(%dma_wait3A_342 : memref<139536xf32, #tpu.memory_space<hbm>>) dst(%arg9 : memref<2048xf32, #tpu.memory_space<vmem>>)
    %add3A_343 = arith.constant 1245184 : i32
    %add3A_344 = arith.addi %add3A_343, %mul3A_2 : i32
    %dma_start3A_345 = tpu.memref_slice %arg5[%add3A_344] : memref<2097152xf32, #tpu.memory_space<hbm>> -> memref<2048xf32, #tpu.memory_space<hbm>>
    %dma_start3A_346 = tpu.memref_slice %arg5[%add3A_344] : memref<2097152xf32, #tpu.memory_space<hbm>> -> memref<2048xf32, #tpu.memory_space<hbm>>
    tpu.enqueue_dma source(%arg9 : memref<2048xf32, #tpu.memory_space<vmem>>) target(%dma_start3A_346 : memref<2048xf32, #tpu.memory_space<hbm>>) target_semaphore(%arg16 : memref<!tpu.dma_semaphore, #tpu.memory_space<semaphore_mem>>)
    %dma_wait3A_347 = tpu.memref_slice %arg5[%add3A_344] : memref<2097152xf32, #tpu.memory_space<hbm>> -> memref<2048xf32, #tpu.memory_space<hbm>>
    %dma_wait3A_348 = tpu.memref_slice %arg5[%add3A_344] : memref<2097152xf32, #tpu.memory_space<hbm>> -> memref<2048xf32, #tpu.memory_space<hbm>>
    tpu.wait_dma2 semaphore(%arg16 : memref<!tpu.dma_semaphore, #tpu.memory_space<semaphore_mem>>) src(%arg9 : memref<2048xf32, #tpu.memory_space<vmem>>) dst(%dma_wait3A_348 : memref<2048xf32, #tpu.memory_space<hbm>>)
    %scan3A_349 = arith.constant 0 : i32
    %scan3A_350 = arith.constant 0 : i32
    %scan3A_351 = arith.constant 128 : i32
    %scan3A_352 = arith.addi %scan3A_350, %scan3A_351 : i32
    %scan3A_353 = arith.constant 1 : i32
    %scan3A_354 = scf.for %scan3A_420 = %scan3A_350 to %scan3A_352 step %scan3A_353 iter_args(%scan3A_421 = %scan3A_349) -> (i32)  : i32 {
      %mul3A_422 = arith.constant 16 : i32
      %mul3A_423 = arith.muli %scan3A_420, %mul3A_422 : i32
      %get3A = arith.index_cast %mul3A_423 : i32 to index
      %get3A_424 = tpu.vector_load %arg12[%get3A] {strides = array<i32>} : memref<2048xi32, #tpu.memory_space<vmem>>, vector<16xi32>,
      %add3A_425 = arith.constant 8210 : i32
      %add3A_426 = vector.broadcast %add3A_425 : i32 to vector<16xi32>
      %add3A_427 = arith.addi %get3A_424, %add3A_426 : vector<16xi32>
      %swap3A = arith.index_cast %mul3A_423 : i32 to index
      %swap3A_428 = tpu.vector_load %arg6[%swap3A] {strides = array<i32>} : memref<2048xi32, #tpu.memory_space<vmem>>, vector<16xi32>,
      tpu.vector_store %arg6[%swap3A], %add3A_427 {strides = array<i32>} : memref<2048xi32, #tpu.memory_space<vmem>>, vector<16xi32>,
      %scan3A_429 = arith.constant 0 : i32
      scf.yield %scan3A_429 : i32
    }
    %scan3A_355 = arith.constant 128 : i32
    %dma_start3A_356 = arith.constant 0 : i32
    %dma_start3A_357 = tpu.memref_slice %arg3[%dma_start3A_356] : memref<139536xf32, #tpu.memory_space<hbm>> -> memref<139536xf32, #tpu.memory_space<hbm>>
    tpu.enqueue_indirect_dma source(%dma_start3A_357 : memref<139536xf32, #tpu.memory_space<hbm>>) target(%arg9 : memref<2048xf32, #tpu.memory_space<vmem>>) offsets(%arg6 : memref<2048xi32, #tpu.memory_space<vmem>>) semaphore(%arg13 : memref<!tpu.dma_semaphore, #tpu.memory_space<semaphore_mem>>)
    %dma_wait3A_358 = arith.constant 0 : i32
    %dma_wait3A_359 = tpu.memref_slice %arg3[%dma_wait3A_358] : memref<139536xf32, #tpu.memory_space<hbm>> -> memref<139536xf32, #tpu.memory_space<hbm>>
    tpu.wait_indirect_dma semaphore(%arg14 : memref<!tpu.dma_semaphore, #tpu.memory_space<semaphore_mem>>) src(%dma_wait3A_359 : memref<139536xf32, #tpu.memory_space<hbm>>) dst(%arg10 : memref<2048xf32, #tpu.memory_space<vmem>>)
    %add3A_360 = arith.constant 1310720 : i32
    %add3A_361 = arith.addi %add3A_360, %mul3A_2 : i32
    %dma_start3A_362 = tpu.memref_slice %arg5[%add3A_361] : memref<2097152xf32, #tpu.memory_space<hbm>> -> memref<2048xf32, #tpu.memory_space<hbm>>
    %dma_start3A_363 = tpu.memref_slice %arg5[%add3A_361] : memref<2097152xf32, #tpu.memory_space<hbm>> -> memref<2048xf32, #tpu.memory_space<hbm>>
    tpu.enqueue_dma source(%arg10 : memref<2048xf32, #tpu.memory_space<vmem>>) target(%dma_start3A_363 : memref<2048xf32, #tpu.memory_space<hbm>>) target_semaphore(%arg17 : memref<!tpu.dma_semaphore, #tpu.memory_space<semaphore_mem>>)
    %dma_wait3A_364 = tpu.memref_slice %arg5[%add3A_361] : memref<2097152xf32, #tpu.memory_space<hbm>> -> memref<2048xf32, #tpu.memory_space<hbm>>
    %dma_wait3A_365 = tpu.memref_slice %arg5[%add3A_361] : memref<2097152xf32, #tpu.memory_space<hbm>> -> memref<2048xf32, #tpu.memory_space<hbm>>
    tpu.wait_dma2 semaphore(%arg17 : memref<!tpu.dma_semaphore, #tpu.memory_space<semaphore_mem>>) src(%arg10 : memref<2048xf32, #tpu.memory_space<vmem>>) dst(%dma_wait3A_365 : memref<2048xf32, #tpu.memory_space<hbm>>)
    %scan3A_366 = arith.constant 0 : i32
    %scan3A_367 = arith.constant 0 : i32
    %scan3A_368 = arith.constant 128 : i32
    %scan3A_369 = arith.addi %scan3A_367, %scan3A_368 : i32
    %scan3A_370 = arith.constant 1 : i32
    %scan3A_371 = scf.for %scan3A_420 = %scan3A_367 to %scan3A_369 step %scan3A_370 iter_args(%scan3A_421 = %scan3A_366) -> (i32)  : i32 {
      %mul3A_422 = arith.constant 16 : i32
      %mul3A_423 = arith.muli %scan3A_420, %mul3A_422 : i32
      %get3A = arith.index_cast %mul3A_423 : i32 to index
      %get3A_424 = tpu.vector_load %arg12[%get3A] {strides = array<i32>} : memref<2048xi32, #tpu.memory_space<vmem>>, vector<16xi32>,
      %add3A_425 = arith.constant 8211 : i32
      %add3A_426 = vector.broadcast %add3A_425 : i32 to vector<16xi32>
      %add3A_427 = arith.addi %get3A_424, %add3A_426 : vector<16xi32>
      %swap3A = arith.index_cast %mul3A_423 : i32 to index
      %swap3A_428 = tpu.vector_load %arg7[%swap3A] {strides = array<i32>} : memref<2048xi32, #tpu.memory_space<vmem>>, vector<16xi32>,
      tpu.vector_store %arg7[%swap3A], %add3A_427 {strides = array<i32>} : memref<2048xi32, #tpu.memory_space<vmem>>, vector<16xi32>,
      %scan3A_429 = arith.constant 0 : i32
      scf.yield %scan3A_429 : i32
    }
    %scan3A_372 = arith.constant 128 : i32
    %dma_start3A_373 = arith.constant 0 : i32
    %dma_start3A_374 = tpu.memref_slice %arg3[%dma_start3A_373] : memref<139536xf32, #tpu.memory_space<hbm>> -> memref<139536xf32, #tpu.memory_space<hbm>>
    tpu.enqueue_indirect_dma source(%dma_start3A_374 : memref<139536xf32, #tpu.memory_space<hbm>>) target(%arg10 : memref<2048xf32, #tpu.memory_space<vmem>>) offsets(%arg7 : memref<2048xi32, #tpu.memory_space<vmem>>) semaphore(%arg14 : memref<!tpu.dma_semaphore, #tpu.memory_space<semaphore_mem>>)
    %dma_wait3A_375 = arith.constant 0 : i32
    %dma_wait3A_376 = tpu.memref_slice %arg3[%dma_wait3A_375] : memref<139536xf32, #tpu.memory_space<hbm>> -> memref<139536xf32, #tpu.memory_space<hbm>>
    tpu.wait_indirect_dma semaphore(%arg15 : memref<!tpu.dma_semaphore, #tpu.memory_space<semaphore_mem>>) src(%dma_wait3A_376 : memref<139536xf32, #tpu.memory_space<hbm>>) dst(%arg11 : memref<2048xf32, #tpu.memory_space<vmem>>)
    %add3A_377 = arith.constant 1376256 : i32
    %add3A_378 = arith.addi %add3A_377, %mul3A_2 : i32
    %dma_start3A_379 = tpu.memref_slice %arg5[%add3A_378] : memref<2097152xf32, #tpu.memory_space<hbm>> -> memref<2048xf32, #tpu.memory_space<hbm>>
    %dma_start3A_380 = tpu.memref_slice %arg5[%add3A_378] : memref<2097152xf32, #tpu.memory_space<hbm>> -> memref<2048xf32, #tpu.memory_space<hbm>>
    tpu.enqueue_dma source(%arg11 : memref<2048xf32, #tpu.memory_space<vmem>>) target(%dma_start3A_380 : memref<2048xf32, #tpu.memory_space<hbm>>) target_semaphore(%arg18 : memref<!tpu.dma_semaphore, #tpu.memory_space<semaphore_mem>>)
    %dma_wait3A_381 = tpu.memref_slice %arg5[%add3A_378] : memref<2097152xf32, #tpu.memory_space<hbm>> -> memref<2048xf32, #tpu.memory_space<hbm>>
    %dma_wait3A_382 = tpu.memref_slice %arg5[%add3A_378] : memref<2097152xf32, #tpu.memory_space<hbm>> -> memref<2048xf32, #tpu.memory_space<hbm>>
    tpu.wait_dma2 semaphore(%arg18 : memref<!tpu.dma_semaphore, #tpu.memory_space<semaphore_mem>>) src(%arg11 : memref<2048xf32, #tpu.memory_space<vmem>>) dst(%dma_wait3A_382 : memref<2048xf32, #tpu.memory_space<hbm>>)
    %scan3A_383 = arith.constant 0 : i32
    %scan3A_384 = arith.constant 0 : i32
    %scan3A_385 = arith.constant 128 : i32
    %scan3A_386 = arith.addi %scan3A_384, %scan3A_385 : i32
    %scan3A_387 = arith.constant 1 : i32
    %scan3A_388 = scf.for %scan3A_420 = %scan3A_384 to %scan3A_386 step %scan3A_387 iter_args(%scan3A_421 = %scan3A_383) -> (i32)  : i32 {
      %mul3A_422 = arith.constant 16 : i32
      %mul3A_423 = arith.muli %scan3A_420, %mul3A_422 : i32
      %get3A = arith.index_cast %mul3A_423 : i32 to index
      %get3A_424 = tpu.vector_load %arg12[%get3A] {strides = array<i32>} : memref<2048xi32, #tpu.memory_space<vmem>>, vector<16xi32>,
      %add3A_425 = arith.constant 8212 : i32
      %add3A_426 = vector.broadcast %add3A_425 : i32 to vector<16xi32>
      %add3A_427 = arith.addi %get3A_424, %add3A_426 : vector<16xi32>
      %swap3A = arith.index_cast %mul3A_423 : i32 to index
      %swap3A_428 = tpu.vector_load %arg8[%swap3A] {strides = array<i32>} : memref<2048xi32, #tpu.memory_space<vmem>>, vector<16xi32>,
      tpu.vector_store %arg8[%swap3A], %add3A_427 {strides = array<i32>} : memref<2048xi32, #tpu.memory_space<vmem>>, vector<16xi32>,
      %scan3A_429 = arith.constant 0 : i32
      scf.yield %scan3A_429 : i32
    }
    %scan3A_389 = arith.constant 128 : i32
    %dma_start3A_390 = arith.constant 0 : i32
    %dma_start3A_391 = tpu.memref_slice %arg3[%dma_start3A_390] : memref<139536xf32, #tpu.memory_space<hbm>> -> memref<139536xf32, #tpu.memory_space<hbm>>
    tpu.enqueue_indirect_dma source(%dma_start3A_391 : memref<139536xf32, #tpu.memory_space<hbm>>) target(%arg11 : memref<2048xf32, #tpu.memory_space<vmem>>) offsets(%arg8 : memref<2048xi32, #tpu.memory_space<vmem>>) semaphore(%arg15 : memref<!tpu.dma_semaphore, #tpu.memory_space<semaphore_mem>>)
    %dma_wait3A_392 = arith.constant 0 : i32
    %dma_wait3A_393 = tpu.memref_slice %arg3[%dma_wait3A_392] : memref<139536xf32, #tpu.memory_space<hbm>> -> memref<139536xf32, #tpu.memory_space<hbm>>
    tpu.wait_indirect_dma semaphore(%arg13 : memref<!tpu.dma_semaphore, #tpu.memory_space<semaphore_mem>>) src(%dma_wait3A_393 : memref<139536xf32, #tpu.memory_space<hbm>>) dst(%arg9 : memref<2048xf32, #tpu.memory_space<vmem>>)
    %add3A_394 = arith.constant 1441792 : i32
    %add3A_395 = arith.addi %add3A_394, %mul3A_2 : i32
    %dma_start3A_396 = tpu.memref_slice %arg5[%add3A_395] : memref<2097152xf32, #tpu.memory_space<hbm>> -> memref<2048xf32, #tpu.memory_space<hbm>>
    %dma_start3A_397 = tpu.memref_slice %arg5[%add3A_395] : memref<2097152xf32, #tpu.memory_space<hbm>> -> memref<2048xf32, #tpu.memory_space<hbm>>
    tpu.enqueue_dma source(%arg9 : memref<2048xf32, #tpu.memory_space<vmem>>) target(%dma_start3A_397 : memref<2048xf32, #tpu.memory_space<hbm>>) target_semaphore(%arg16 : memref<!tpu.dma_semaphore, #tpu.memory_space<semaphore_mem>>)
    %dma_wait3A_398 = tpu.memref_slice %arg5[%add3A_395] : memref<2097152xf32, #tpu.memory_space<hbm>> -> memref<2048xf32, #tpu.memory_space<hbm>>
    %dma_wait3A_399 = tpu.memref_slice %arg5[%add3A_395] : memref<2097152xf32, #tpu.memory_space<hbm>> -> memref<2048xf32, #tpu.memory_space<hbm>>
    tpu.wait_dma2 semaphore(%arg16 : memref<!tpu.dma_semaphore, #tpu.memory_space<semaphore_mem>>) src(%arg9 : memref<2048xf32, #tpu.memory_space<vmem>>) dst(%dma_wait3A_399 : memref<2048xf32, #tpu.memory_space<hbm>>)
    %dma_wait3A_400 = arith.constant 0 : i32
    %dma_wait3A_401 = tpu.memref_slice %arg3[%dma_wait3A_400] : memref<139536xf32, #tpu.memory_space<hbm>> -> memref<139536xf32, #tpu.memory_space<hbm>>
    tpu.wait_indirect_dma semaphore(%arg14 : memref<!tpu.dma_semaphore, #tpu.memory_space<semaphore_mem>>) src(%dma_wait3A_401 : memref<139536xf32, #tpu.memory_space<hbm>>) dst(%arg10 : memref<2048xf32, #tpu.memory_space<vmem>>)
    %add3A_402 = arith.constant 1507328 : i32
    %add3A_403 = arith.addi %add3A_402, %mul3A_2 : i32
    %dma_start3A_404 = tpu.memref_slice %arg5[%add3A_403] : memref<2097152xf32, #tpu.memory_space<hbm>> -> memref<2048xf32, #tpu.memory_space<hbm>>
    %dma_start3A_405 = tpu.memref_slice %arg5[%add3A_403] : memref<2097152xf32, #tpu.memory_space<hbm>> -> memref<2048xf32, #tpu.memory_space<hbm>>
    tpu.enqueue_dma source(%arg10 : memref<2048xf32, #tpu.memory_space<vmem>>) target(%dma_start3A_405 : memref<2048xf32, #tpu.memory_space<hbm>>) target_semaphore(%arg17 : memref<!tpu.dma_semaphore, #tpu.memory_space<semaphore_mem>>)
    %dma_wait3A_406 = tpu.memref_slice %arg5[%add3A_403] : memref<2097152xf32, #tpu.memory_space<hbm>> -> memref<2048xf32, #tpu.memory_space<hbm>>
    %dma_wait3A_407 = tpu.memref_slice %arg5[%add3A_403] : memref<2097152xf32, #tpu.memory_space<hbm>> -> memref<2048xf32, #tpu.memory_space<hbm>>
    tpu.wait_dma2 semaphore(%arg17 : memref<!tpu.dma_semaphore, #tpu.memory_space<semaphore_mem>>) src(%arg10 : memref<2048xf32, #tpu.memory_space<vmem>>) dst(%dma_wait3A_407 : memref<2048xf32, #tpu.memory_space<hbm>>)
    %dma_wait3A_408 = arith.constant 0 : i32
    %dma_wait3A_409 = tpu.memref_slice %arg3[%dma_wait3A_408] : memref<139536xf32, #tpu.memory_space<hbm>> -> memref<139536xf32, #tpu.memory_space<hbm>>
    tpu.wait_indirect_dma semaphore(%arg15 : memref<!tpu.dma_semaphore, #tpu.memory_space<semaphore_mem>>) src(%dma_wait3A_409 : memref<139536xf32, #tpu.memory_space<hbm>>) dst(%arg11 : memref<2048xf32, #tpu.memory_space<vmem>>)
    %add3A_410 = arith.constant 1572864 : i32
    %add3A_411 = arith.addi %add3A_410, %mul3A_2 : i32
    %dma_start3A_412 = tpu.memref_slice %arg5[%add3A_411] : memref<2097152xf32, #tpu.memory_space<hbm>> -> memref<2048xf32, #tpu.memory_space<hbm>>
    %dma_start3A_413 = tpu.memref_slice %arg5[%add3A_411] : memref<2097152xf32, #tpu.memory_space<hbm>> -> memref<2048xf32, #tpu.memory_space<hbm>>
    tpu.enqueue_dma source(%arg11 : memref<2048xf32, #tpu.memory_space<vmem>>) target(%dma_start3A_413 : memref<2048xf32, #tpu.memory_space<hbm>>) target_semaphore(%arg18 : memref<!tpu.dma_semaphore, #tpu.memory_space<semaphore_mem>>)
    %dma_wait3A_414 = tpu.memref_slice %arg5[%add3A_411] : memref<2097152xf32, #tpu.memory_space<hbm>> -> memref<2048xf32, #tpu.memory_space<hbm>>
    %dma_wait3A_415 = tpu.memref_slice %arg5[%add3A_411] : memref<2097152xf32, #tpu.memory_space<hbm>> -> memref<2048xf32, #tpu.memory_space<hbm>>
    tpu.wait_dma2 semaphore(%arg18 : memref<!tpu.dma_semaphore, #tpu.memory_space<semaphore_mem>>) src(%arg11 : memref<2048xf32, #tpu.memory_space<vmem>>) dst(%dma_wait3A_415 : memref<2048xf32, #tpu.memory_space<hbm>>)
    %dma_wait3A_416 = tpu.memref_slice %arg5[%add3A_4] : memref<2097152xf32, #tpu.memory_space<hbm>> -> memref<2048xf32, #tpu.memory_space<hbm>>
    %dma_wait3A_417 = tpu.memref_slice %arg5[%add3A_4] : memref<2097152xf32, #tpu.memory_space<hbm>> -> memref<2048xf32, #tpu.memory_space<hbm>>
    tpu.wait_dma2 semaphore(%arg20 : memref<!tpu.dma_semaphore, #tpu.memory_space<semaphore_mem>>) src(%arg19 : memref<2048xf32, #tpu.memory_space<vmem>>) dst(%dma_wait3A_417 : memref<2048xf32, #tpu.memory_space<hbm>>)
    %dma_wait3A_418 = tpu.memref_slice %arg5[%add3A_7] : memref<2097152xf32, #tpu.memory_space<hbm>> -> memref<2048xf32, #tpu.memory_space<hbm>>
    %dma_wait3A_419 = tpu.memref_slice %arg5[%add3A_7] : memref<2097152xf32, #tpu.memory_space<hbm>> -> memref<2048xf32, #tpu.memory_space<hbm>>
    tpu.wait_dma2 semaphore(%arg20 : memref<!tpu.dma_semaphore, #tpu.memory_space<semaphore_mem>>) src(%arg19 : memref<2048xf32, #tpu.memory_space<vmem>>) dst(%dma_wait3A_419 : memref<2048xf32, #tpu.memory_space<hbm>>)
    return
  }
}

module attributes {stable_mosaic.version = 14 : i64} {
  func.func @_tc_select_body(%arg0: i32, %arg1: memref<32x2048xf32, #tpu.memory_space<vmem>>, %arg2: memref<32x1xf32, #tpu.memory_space<vmem>>, %arg3: memref<1x1x2048xi32, #tpu.memory_space<vmem>>) attributes {dimension_semantics = [#tpu.dimension_semantics<arbitrary>], iteration_bounds = array<i64: 32>, scalar_prefetch = 0 : i64, scratch_operands = 0 : i64, tpu.core_type = #tpu.core_type<tc>, window_params = [{transform_indices = @transform_0, window_bounds = array<i64: 32, 2048>}, {pipeline_mode = #tpu.pipeline_mode<synchronous>, transform_indices = @transform_1, window_bounds = array<i64: 32, 1>}, {transform_indices = @transform_2, window_bounds = array<i64: 1, 1, 2048>}]} {
    %get3A = arith.constant 0 : index
    %get3A_0 = arith.constant 0 : index
    %get3A_1 = vector.load %arg1[%get3A, %get3A_0] : memref<32x2048xf32, #tpu.memory_space<vmem>>, vector<32x2048xf32>
    %get3A_2 = arith.constant 0 : index
    %get3A_3 = arith.constant 0 : index
    %get3A_4 = vector.load %arg2[%get3A_2, %get3A_3] : memref<32x1xf32, #tpu.memory_space<vmem>>, vector<32x1xf32>
    %slice3A = vector.extract_strided_slice %get3A_1 {offsets = [25, 0], sizes = [1, 2048], strides = [1, 1]} : vector<32x2048xf32> to vector<1x2048xf32>
    %iota3A = tpu.iota {dimensions = array<i32: 0>} : vector<32x2048xi32>
    %sub3A = vector.broadcast %slice3A : vector<1x2048xf32> to vector<32x2048xf32>
    %sub3A_5 = arith.subf %get3A_1, %sub3A : vector<32x2048xf32>
    %abs3A = math.absf %sub3A_5 : vector<32x2048xf32>
    %mul3A = vector.broadcast %get3A_4 : vector<32x1xf32> to vector<32x2048xf32>
    %mul3A_6 = arith.mulf %abs3A, %mul3A : vector<32x2048xf32>
    %lt3A = arith.constant 25 : i32
    %lt3A_7 = vector.broadcast %lt3A : i32 to vector<32x2048xi32>
    %lt3A_8 = arith.cmpi slt, %iota3A, %lt3A_7 : vector<32x2048xi32>
    %jit3A = arith.constant 0x7F800000 : f32
    %broadcast_in_dim3A = vector.broadcast %jit3A : f32 to vector<32x2048xf32>
    %select_n3A = arith.select %lt3A_8, %mul3A_6, %broadcast_in_dim3A : vector<32x2048xi1>, vector<32x2048xf32>
    %reduce_min3A = arith.constant dense<0x7F800000> : vector<2048xf32>
    %reduce_min3A_9 = vector.multi_reduction <minimumf>, %select_n3A, %reduce_min3A [0] : vector<32x2048xf32> to vector<2048xf32>
    %broadcast_in_dim3A_10 = vector.shape_cast %reduce_min3A_9 : vector<2048xf32> to vector<1x2048xf32>
    %eq3A = vector.broadcast %broadcast_in_dim3A_10 : vector<1x2048xf32> to vector<32x2048xf32>
    %eq3A_11 = arith.cmpf oeq, %select_n3A, %eq3A : vector<32x2048xf32>
    %jit3A_12 = arith.constant 32 : i32
    %broadcast_in_dim3A_13 = vector.broadcast %jit3A_12 : i32 to vector<32x2048xi32>
    %select_n3A_14 = arith.select %eq3A_11, %iota3A, %broadcast_in_dim3A_13 : vector<32x2048xi1>, vector<32x2048xi32>
    %reduce_min3A_15 = arith.constant dense<2147483647> : vector<2048xi32>
    %reduce_min3A_16 = vector.multi_reduction <minsi>, %select_n3A_14, %reduce_min3A_15 [0] : vector<32x2048xi32> to vector<2048xi32>
    %broadcast_in_dim3A_17 = vector.shape_cast %reduce_min3A_16 : vector<2048xi32> to vector<1x2048xi32>
    %eq3A_18 = vector.broadcast %broadcast_in_dim3A_17 : vector<1x2048xi32> to vector<32x2048xi32>
    %eq3A_19 = arith.cmpi eq, %iota3A, %eq3A_18 : vector<32x2048xi32>
    %gt3A = arith.constant 1.000000e+00 : f32
    %gt3A_20 = vector.broadcast %gt3A : f32 to vector<1x2048xf32>
    %gt3A_21 = arith.cmpf ogt, %broadcast_in_dim3A_10, %gt3A_20 : vector<1x2048xf32>
    %jit3A_22 = arith.constant 25 : i32
    %broadcast_in_dim3A_23 = vector.broadcast %jit3A_22 : i32 to vector<1x2048xi32>
    %select_n3A_24 = arith.select %gt3A_21, %broadcast_in_dim3A_23, %broadcast_in_dim3A_17 : vector<1x2048xi1>, vector<1x2048xi32>
    %jit3A_25 = arith.constant 0x7F800000 : f32
    %broadcast_in_dim3A_26 = vector.broadcast %jit3A_25 : f32 to vector<32x2048xf32>
    %select_n3A_27 = arith.select %eq3A_19, %broadcast_in_dim3A_26, %select_n3A : vector<32x2048xi1>, vector<32x2048xf32>
    %reduce_min3A_28 = arith.constant dense<0x7F800000> : vector<2048xf32>
    %reduce_min3A_29 = vector.multi_reduction <minimumf>, %select_n3A_27, %reduce_min3A_28 [0] : vector<32x2048xf32> to vector<2048xf32>
    %broadcast_in_dim3A_30 = vector.shape_cast %reduce_min3A_29 : vector<2048xf32> to vector<1x2048xf32>
    %eq3A_31 = vector.broadcast %broadcast_in_dim3A_30 : vector<1x2048xf32> to vector<32x2048xf32>
    %eq3A_32 = arith.cmpf oeq, %select_n3A_27, %eq3A_31 : vector<32x2048xf32>
    %jit3A_33 = arith.constant 32 : i32
    %broadcast_in_dim3A_34 = vector.broadcast %jit3A_33 : i32 to vector<32x2048xi32>
    %select_n3A_35 = arith.select %eq3A_32, %iota3A, %broadcast_in_dim3A_34 : vector<32x2048xi1>, vector<32x2048xi32>
    %reduce_min3A_36 = arith.constant dense<2147483647> : vector<2048xi32>
    %reduce_min3A_37 = vector.multi_reduction <minsi>, %select_n3A_35, %reduce_min3A_36 [0] : vector<32x2048xi32> to vector<2048xi32>
    %broadcast_in_dim3A_38 = vector.shape_cast %reduce_min3A_37 : vector<2048xi32> to vector<1x2048xi32>
    %eq3A_39 = vector.broadcast %broadcast_in_dim3A_38 : vector<1x2048xi32> to vector<32x2048xi32>
    %eq3A_40 = arith.cmpi eq, %iota3A, %eq3A_39 : vector<32x2048xi32>
    %gt3A_41 = arith.constant 1.000000e+00 : f32
    %gt3A_42 = vector.broadcast %gt3A_41 : f32 to vector<1x2048xf32>
    %gt3A_43 = arith.cmpf ogt, %broadcast_in_dim3A_30, %gt3A_42 : vector<1x2048xf32>
    %jit3A_44 = arith.constant 25 : i32
    %broadcast_in_dim3A_45 = vector.broadcast %jit3A_44 : i32 to vector<1x2048xi32>
    %select_n3A_46 = arith.select %gt3A_43, %broadcast_in_dim3A_45, %broadcast_in_dim3A_38 : vector<1x2048xi1>, vector<1x2048xi32>
    %shift_left3A = arith.constant 5 : i32
    %shift_left3A_47 = vector.broadcast %shift_left3A : i32 to vector<1x2048xi32>
    %shift_left3A_48 = arith.shli %select_n3A_46, %shift_left3A_47 : vector<1x2048xi32>
    %or3A = arith.ori %select_n3A_24, %shift_left3A_48 : vector<1x2048xi32>
    %jit3A_49 = arith.constant 0x7F800000 : f32
    %broadcast_in_dim3A_50 = vector.broadcast %jit3A_49 : f32 to vector<32x2048xf32>
    %select_n3A_51 = arith.select %eq3A_40, %broadcast_in_dim3A_50, %select_n3A_27 : vector<32x2048xi1>, vector<32x2048xf32>
    %reduce_min3A_52 = arith.constant dense<0x7F800000> : vector<2048xf32>
    %reduce_min3A_53 = vector.multi_reduction <minimumf>, %select_n3A_51, %reduce_min3A_52 [0] : vector<32x2048xf32> to vector<2048xf32>
    %broadcast_in_dim3A_54 = vector.shape_cast %reduce_min3A_53 : vector<2048xf32> to vector<1x2048xf32>
    %eq3A_55 = vector.broadcast %broadcast_in_dim3A_54 : vector<1x2048xf32> to vector<32x2048xf32>
    %eq3A_56 = arith.cmpf oeq, %select_n3A_51, %eq3A_55 : vector<32x2048xf32>
    %jit3A_57 = arith.constant 32 : i32
    %broadcast_in_dim3A_58 = vector.broadcast %jit3A_57 : i32 to vector<32x2048xi32>
    %select_n3A_59 = arith.select %eq3A_56, %iota3A, %broadcast_in_dim3A_58 : vector<32x2048xi1>, vector<32x2048xi32>
    %reduce_min3A_60 = arith.constant dense<2147483647> : vector<2048xi32>
    %reduce_min3A_61 = vector.multi_reduction <minsi>, %select_n3A_59, %reduce_min3A_60 [0] : vector<32x2048xi32> to vector<2048xi32>
    %broadcast_in_dim3A_62 = vector.shape_cast %reduce_min3A_61 : vector<2048xi32> to vector<1x2048xi32>
    %eq3A_63 = vector.broadcast %broadcast_in_dim3A_62 : vector<1x2048xi32> to vector<32x2048xi32>
    %eq3A_64 = arith.cmpi eq, %iota3A, %eq3A_63 : vector<32x2048xi32>
    %gt3A_65 = arith.constant 1.000000e+00 : f32
    %gt3A_66 = vector.broadcast %gt3A_65 : f32 to vector<1x2048xf32>
    %gt3A_67 = arith.cmpf ogt, %broadcast_in_dim3A_54, %gt3A_66 : vector<1x2048xf32>
    %jit3A_68 = arith.constant 25 : i32
    %broadcast_in_dim3A_69 = vector.broadcast %jit3A_68 : i32 to vector<1x2048xi32>
    %select_n3A_70 = arith.select %gt3A_67, %broadcast_in_dim3A_69, %broadcast_in_dim3A_62 : vector<1x2048xi1>, vector<1x2048xi32>
    %shift_left3A_71 = arith.constant 10 : i32
    %shift_left3A_72 = vector.broadcast %shift_left3A_71 : i32 to vector<1x2048xi32>
    %shift_left3A_73 = arith.shli %select_n3A_70, %shift_left3A_72 : vector<1x2048xi32>
    %or3A_74 = arith.ori %or3A, %shift_left3A_73 : vector<1x2048xi32>
    %jit3A_75 = arith.constant 0x7F800000 : f32
    %broadcast_in_dim3A_76 = vector.broadcast %jit3A_75 : f32 to vector<32x2048xf32>
    %select_n3A_77 = arith.select %eq3A_64, %broadcast_in_dim3A_76, %select_n3A_51 : vector<32x2048xi1>, vector<32x2048xf32>
    %reduce_min3A_78 = arith.constant dense<0x7F800000> : vector<2048xf32>
    %reduce_min3A_79 = vector.multi_reduction <minimumf>, %select_n3A_77, %reduce_min3A_78 [0] : vector<32x2048xf32> to vector<2048xf32>
    %broadcast_in_dim3A_80 = vector.shape_cast %reduce_min3A_79 : vector<2048xf32> to vector<1x2048xf32>
    %eq3A_81 = vector.broadcast %broadcast_in_dim3A_80 : vector<1x2048xf32> to vector<32x2048xf32>
    %eq3A_82 = arith.cmpf oeq, %select_n3A_77, %eq3A_81 : vector<32x2048xf32>
    %jit3A_83 = arith.constant 32 : i32
    %broadcast_in_dim3A_84 = vector.broadcast %jit3A_83 : i32 to vector<32x2048xi32>
    %select_n3A_85 = arith.select %eq3A_82, %iota3A, %broadcast_in_dim3A_84 : vector<32x2048xi1>, vector<32x2048xi32>
    %reduce_min3A_86 = arith.constant dense<2147483647> : vector<2048xi32>
    %reduce_min3A_87 = vector.multi_reduction <minsi>, %select_n3A_85, %reduce_min3A_86 [0] : vector<32x2048xi32> to vector<2048xi32>
    %broadcast_in_dim3A_88 = vector.shape_cast %reduce_min3A_87 : vector<2048xi32> to vector<1x2048xi32>
    %eq3A_89 = vector.broadcast %broadcast_in_dim3A_88 : vector<1x2048xi32> to vector<32x2048xi32>
    %eq3A_90 = arith.cmpi eq, %iota3A, %eq3A_89 : vector<32x2048xi32>
    %gt3A_91 = arith.constant 1.000000e+00 : f32
    %gt3A_92 = vector.broadcast %gt3A_91 : f32 to vector<1x2048xf32>
    %gt3A_93 = arith.cmpf ogt, %broadcast_in_dim3A_80, %gt3A_92 : vector<1x2048xf32>
    %jit3A_94 = arith.constant 25 : i32
    %broadcast_in_dim3A_95 = vector.broadcast %jit3A_94 : i32 to vector<1x2048xi32>
    %select_n3A_96 = arith.select %gt3A_93, %broadcast_in_dim3A_95, %broadcast_in_dim3A_88 : vector<1x2048xi1>, vector<1x2048xi32>
    %shift_left3A_97 = arith.constant 15 : i32
    %shift_left3A_98 = vector.broadcast %shift_left3A_97 : i32 to vector<1x2048xi32>
    %shift_left3A_99 = arith.shli %select_n3A_96, %shift_left3A_98 : vector<1x2048xi32>
    %or3A_100 = arith.ori %or3A_74, %shift_left3A_99 : vector<1x2048xi32>
    %jit3A_101 = arith.constant 0x7F800000 : f32
    %broadcast_in_dim3A_102 = vector.broadcast %jit3A_101 : f32 to vector<32x2048xf32>
    %select_n3A_103 = arith.select %eq3A_90, %broadcast_in_dim3A_102, %select_n3A_77 : vector<32x2048xi1>, vector<32x2048xf32>
    %reduce_min3A_104 = arith.constant dense<0x7F800000> : vector<2048xf32>
    %reduce_min3A_105 = vector.multi_reduction <minimumf>, %select_n3A_103, %reduce_min3A_104 [0] : vector<32x2048xf32> to vector<2048xf32>
    %broadcast_in_dim3A_106 = vector.shape_cast %reduce_min3A_105 : vector<2048xf32> to vector<1x2048xf32>
    %eq3A_107 = vector.broadcast %broadcast_in_dim3A_106 : vector<1x2048xf32> to vector<32x2048xf32>
    %eq3A_108 = arith.cmpf oeq, %select_n3A_103, %eq3A_107 : vector<32x2048xf32>
    %jit3A_109 = arith.constant 32 : i32
    %broadcast_in_dim3A_110 = vector.broadcast %jit3A_109 : i32 to vector<32x2048xi32>
    %select_n3A_111 = arith.select %eq3A_108, %iota3A, %broadcast_in_dim3A_110 : vector<32x2048xi1>, vector<32x2048xi32>
    %reduce_min3A_112 = arith.constant dense<2147483647> : vector<2048xi32>
    %reduce_min3A_113 = vector.multi_reduction <minsi>, %select_n3A_111, %reduce_min3A_112 [0] : vector<32x2048xi32> to vector<2048xi32>
    %broadcast_in_dim3A_114 = vector.shape_cast %reduce_min3A_113 : vector<2048xi32> to vector<1x2048xi32>
    %gt3A_115 = arith.constant 1.000000e+00 : f32
    %gt3A_116 = vector.broadcast %gt3A_115 : f32 to vector<1x2048xf32>
    %gt3A_117 = arith.cmpf ogt, %broadcast_in_dim3A_106, %gt3A_116 : vector<1x2048xf32>
    %jit3A_118 = arith.constant 25 : i32
    %broadcast_in_dim3A_119 = vector.broadcast %jit3A_118 : i32 to vector<1x2048xi32>
    %select_n3A_120 = arith.select %gt3A_117, %broadcast_in_dim3A_119, %broadcast_in_dim3A_114 : vector<1x2048xi1>, vector<1x2048xi32>
    %shift_left3A_121 = arith.constant 20 : i32
    %shift_left3A_122 = vector.broadcast %shift_left3A_121 : i32 to vector<1x2048xi32>
    %shift_left3A_123 = arith.shli %select_n3A_120, %shift_left3A_122 : vector<1x2048xi32>
    %or3A_124 = arith.ori %or3A_100, %shift_left3A_123 : vector<1x2048xi32>
    %reshape3A = vector.shape_cast %or3A_124 : vector<1x2048xi32> to vector<1x1x2048xi32>
    %swap3A = arith.constant 0 : index
    %swap3A_125 = arith.constant 0 : index
    %swap3A_126 = arith.constant 0 : index
    %swap3A_127 = vector.load %arg3[%swap3A, %swap3A_125, %swap3A_126] : memref<1x1x2048xi32, #tpu.memory_space<vmem>>, vector<1x1x2048xi32>
    tpu.vector_store %arg3[%swap3A, %swap3A_125, %swap3A_126], %reshape3A {strides = array<i32>} : memref<1x1x2048xi32, #tpu.memory_space<vmem>>, vector<1x1x2048xi32>,
    return
  }
  func.func @transform_0(%arg0: i32) -> (i32, i32) {
    %c0_i32 = arith.constant 0 : i32
    %c0_i32_0 = arith.constant 0 : i32
    return %c0_i32, %arg0 : i32, i32
  }
  func.func @transform_1(%arg0: i32) -> (i32, i32) {
    %c0_i32 = arith.constant 0 : i32
    %c0_i32_0 = arith.constant 0 : i32
    %c0_i32_1 = arith.constant 0 : i32
    return %c0_i32, %c0_i32_0 : i32, i32
  }
  func.func @transform_2(%arg0: i32) -> (i32, i32, i32) {
    %c0_i32 = arith.constant 0 : i32
    %c0_i32_0 = arith.constant 0 : i32
    %c0_i32_1 = arith.constant 0 : i32
    return %arg0, %c0_i32, %c0_i32_0 : i32, i32, i32
  }
}

</mosaic_0001>

<sc_bundles>
// kernel: kernel.11.cloned.1.call-start
scs
__scs_entry_jumppad:
0x0: {  	(pc) =	sbr.rel $0x88, $3  }
0x1: {  	(tag) =	ssettag $0x0;
	lr =	simm.s32 $0x1  }
0x2: {  	[smem:$0x3F9C] =	sst lr;
	_ =	strace $0xD0000000  }
0x3: {  	_ = 	snop  }
0x4: {  	_ = 	snop  }
0x5: {  	_ = 	snop  }
0x6: {  	_ = 	snop  }
0x7: {  	_ = 	snop  }
__scs_overlays_trampoline_lowered:
0x8: {  	[smem:$0x3FAB] =	sst s0  }
0x9: {  	[smem:$0x3FAC] =	sst s1  }
0xa: {  	[smem:$0x3FAD] =	sst s2  }
0xb: {  	[smem:$0x3FAE] =	sst s3  }
0xc: {  	[smem:$0x3FAF] =	sst s4  }
0xd: {  	[smem:$0x3FB0] =	sst s5  }
0xe: {  	[smem:$0x3FB1] =	sst s6  }
0xf: {  	[smem:$0x3FB2] =	sst s7  }
0x10: {  	[smem:$0x3FB3] =	sst s8  }
0x11: {  	[smem:$0x3FB4] =	sst s9;
	s0 =	simm.s32 @!p0 $0x0  }
0x12: {  	s1 =	sld [smem:$0x3F9A];
	s0 =	simm.s32 @p0 $0x1  }
0x13: {  	[smem:$0x3FB5] =	sst s0;
	s0 =	simm.s32 @!p1 $0x0  }
0x14: {  	s2 =	sld [smem:$0x3F99];
	s0 =	simm.s32 @p1 $0x1  }
0x15: {  	[smem:$0x3FB6] =	sst s0;
	s0 =	simm.s32 @!p2 $0x0  }
0x16: {  	s3 =	sld [smem:$0x3FDB];
	s0 =	simm.s32 @p2 $0x1  }
0x17: {  	s4 =	simm.s32 $0x1BF5;
	[smem:$0x3FB8] =	sst s0  }
0x18: {  	s0 =	sld [smem:$0x3F9B];
	_ =	swait.ge [sflag:s4], $0x0  }
0x19: {  	s7 =	sld [smem:$0x3F9C]  }
0x1a: {  	s8 =	sadd.s32 $0xFFFFE003, lr  }
0x1b: {  	s9 =	sadd.s32 $0xFFFFFEF7, lr;
	s5 =	simm.s32 $0xFFFFFFFF;
	p2 =	slt.u32 s8, $0xFFFFF086  }
0x1c: {  	p1 =	slt.u32 s9, $0xF7A;
	s5 =	simm.s32 @!p2 $0x0  }
0x1d: {  	s5 =	simm.s32 @p1 $0x1;
	p0 =	seq.s32 s7, s2  }
0x1e: {  	s7 =	smul.u32 @!p0 $0xF7A, s2;
	p2 =	seq.s32 @!p0 s5, $0x0  }
0x1f: {  	s9 =	smul.u32 $0xF7A, s1;
	s8 =	simm.s32 @!p0 $0x1BF5;
	p2 =	por !p2, p0  }
0x20: {  	[sflag:s8] =	ssyncset.s32 @!p0 $0xFFFFF086;
	s6 =	sadd.s32 @!p0 s3, s7;
	s7 =	simm.s32 @!p0 $0x108  }
0x21: {  	s3 =	sadd.s32 s3, s9;
	s6 =	sadd.s32 @!p0 $0x88, s6;
	s7 =	simm.s32 @p2 $0x1082  }
0x22: {  	[simem:s7], [sflag:s8] =	dma.local @!p0 [hbm:s6], $0xF7A  }
0x23: {  	s9 =	sor.u32 $0xD0000000, s2;
	s6 =	simm.s32 $0x108;
	_ =	swait.ge @!p0 [sflag:s8], $0x0  }
0x24: {  	s3 =	sadd.s32 $0x88, s3;
	s6 =	simm.s32 @!p1 $0x1082;
	[sflag:s4] =	ssyncset.s32 $0xFFFFF086  }
0x25: {  	[simem:s6], [sflag:s4] =	dma.local [hbm:s3], $0xF7A  }
0x26: {  	[smem:$0x3F9C] =	sst s1;
	(tag) =	ssettag s2;
	_ =	strace s9  }
0x27: {  	s1 =	sld [smem:$0x3FAC]  }
0x28: {  	s2 =	sld [smem:$0x3FAD]  }
0x29: {  	s4 =	sld [smem:$0x3FAF]  }
0x2a: {  	p0 =	seq.s32 s5, $0x0;
	s5 =	sld [smem:$0x3FB0]  }
0x2b: {  	s6 =	sld [smem:$0x3FB1]  }
0x2c: {  	s7 =	sld [smem:$0x3FB2]  }
0x2d: {  	s3 =	simm.s32 $0x108;
	s8 =	sld [smem:$0x3FB3]  }
0x2e: {  	s3 =	simm.s32 @!p0 $0x1082;
	s9 =	sld [smem:$0x3FB4]  }
0x2f: {  	lr =	sadd.s32 s0, s3;
	s0 =	sld [smem:$0x3FAB]  }
0x30: {  	s3 =	sld [smem:$0x3FAE]  }
0x31: {  	[smem:$0x3FB7] =	sst s10  }
0x32: {  	s10 =	sld [smem:$0x3FB5];
	_ =	sdelay $0x3  }
0x33: {  	p0 =	seq.s32 s10, $0x1;
	s10 =	sld [smem:$0x3FB7];
	_ =	sdelay $0x3  }
0x34: {  	[smem:$0x3FB7] =	sst s10  }
0x35: {  	s10 =	sld [smem:$0x3FB6];
	_ =	sdelay $0x3  }
0x36: {  	p1 =	seq.s32 s10, $0x1;
	s10 =	sld [smem:$0x3FB7];
	_ =	sdelay $0x3  }
0x37: {  	[smem:$0x3FB7] =	sst s10  }
0x38: {  	s10 =	sld [smem:$0x3FB8]  }
0x39: {  	_ = 	snop;
	(pc) =	sbr.ind lr, $3  }
0x3a: {  	_ = 	snop  }
0x3b: {  	_ = 	snop  }
0x3c: {  	p2 =	seq.s32 s10, $0x1;
	s10 =	sld [smem:$0x3FB7]  }
0x3d: {  	_ =	shalt  }
0x3e: {  	_ =	shalt  }
0x3f: {  	_ =	shalt  }
0x40: {  	_ =	shalt  }
0x41: {  	_ =	shalt  }
0x42: {  	_ =	shalt  }
0x43: {  	_ =	shalt  }
0x44: {  	_ =	shalt  }
0x45: {  	_ =	shalt  }
0x46: {  	_ =	shalt  }
0x47: {  	_ =	shalt  }
0x48: {  	_ =	shalt  }
0x49: {  	_ =	shalt  }
0x4a: {  	_ =	shalt  }
0x4b: {  	_ =	shalt  }
0x4c: {  	_ =	shalt  }
0x4d: {  	_ =	shalt  }
0x4e: {  	_ =	shalt  }
0x4f: {  	_ =	shalt  }
0x50: {  	_ =	shalt  }
0x51: {  	_ =	shalt  }
0x52: {  	_ =	shalt  }
0x53: {  	_ =	shalt  }
0x54: {  	_ =	shalt  }
0x55: {  	_ =	shalt  }
0x56: {  	_ =	shalt  }
0x57: {  	_ =	shalt  }
0x58: {  	_ =	shalt  }
0x59: {  	_ =	shalt  }
0x5a: {  	_ =	shalt  }
0x5b: {  	_ =	shalt  }
0x5c: {  	_ =	shalt  }
0x5d: {  	_ =	shalt  }
0x5e: {  	_ =	shalt  }
0x5f: {  	_ =	shalt  }
0x60: {  	_ =	shalt  }
0x61: {  	_ =	shalt  }
0x62: {  	_ =	shalt  }
0x63: {  	_ =	shalt  }
0x64: {  	_ =	shalt  }
0x65: {  	_ =	shalt  }
0x66: {  	_ =	shalt  }
0x67: {  	_ =	shalt  }
0x68: {  	_ =	shalt  }
0x69: {  	_ =	shalt  }
0x6a: {  	_ =	shalt  }
0x6b: {  	_ =	shalt  }
0x6c: {  	_ =	shalt  }
0x6d: {  	_ =	shalt  }
0x6e: {  	_ =	shalt  }
0x6f: {  	_ =	shalt  }
0x70: {  	_ =	shalt  }
0x71: {  	_ =	shalt  }
0x72: {  	_ =	shalt  }
0x73: {  	_ =	shalt  }
0x74: {  	_ =	shalt  }
0x75: {  	_ =	shalt  }
0x76: {  	_ =	shalt  }
0x77: {  	_ =	shalt  }
0x78: {  	_ =	shalt  }
0x79: {  	_ =	shalt  }
0x7a: {  	_ =	shalt  }
0x7b: {  	_ =	shalt  }
0x7c: {  	_ =	shalt  }
0x7d: {  	_ =	shalt  }
0x7e: {  	_ =	shalt  }
0x7f: {  	_ =	shalt  }
0x80: {  	_ =	shalt  }
0x81: {  	_ =	shalt  }
0x82: {  	_ =	shalt  }
0x83: {  	_ =	shalt  }
0x84: {  	_ =	shalt  }
0x85: {  	_ =	shalt  }
0x86: {  	_ =	shalt  }
0x87: {  	_ =	shalt  }
.Lfunc_end0:
.L_simem_size_0:
called_computation.1_lowered:
.L_overlay_start_0:
0x88: {  	s2 =	sld [smem:$0x3FD9]  }
0x89: {  	s3 =	sld [smem:$0x3FFE];
	_ =	sdelay $0x1  }
0x8a: {  	s1 =	srdreg.scid  }
0x8b: {  	s0 =	sand.u32 $0x1, s1  }
0x8c: {  	s17 =	sshll.u32 s0, $0xA;
	s2 =	sadd.s32 s3, s2  }
0x8d: {  	s2 =	sadd.s32 s2, s17  }
0x8e: {  	[smem:$0x3FC3] =	sst s2  }
0x8f: {  	_ = 	snop  }
0x90: {  	s18 =	sld [smem:$0x3FD0];
	(tm) =	ssettm $0x1  }
0x91: {  	s19 =	sld [smem:$0x3FFB];
	_ =	sdelay $0x3  }
0x92: {  	_ =	strace s19  }
0x93: {  	s2 =	sld [smem:$0x3FFC];
	_ =	sdelay $0x3  }
0x94: {  	_ =	strace s2  }
0x95: {  	s2 =	sld [smem:$0x3FFD];
	_ =	sdelay $0x3  }
0x96: {  	_ =	strace s2  }
0x97: {  	_ =	strace $0x8FFFFFFF  }
0x98: {  	s20 =	sld [smem:$0x3FDB];
	_ =	sdelay $0x1  }
0x99: {  	s4 =	simm.s32 $_scs_section_size  }
0x9a: {  	s5 =	simm.s32 $_size__tile_overlayer_lowered;
	s6 =	simm.s32 $_tile_overlayer_lowered  }
0x9b: {  	s7 =	simm.s32 $0x1BFF;
	s21 =	sshll.u32 s6, $0x1;
	s4 =	sadd.s32 s4, s20  }
0x9c: {  	s22 =	simm.s32 $0x0;
	s5 =	sshll.u32 s5, $0x1;
	s6 =	sadd.s32 s21, s4  }
0x9d: {  	[timem:s22], [sflag:s7] =	dma.local [hbm:s6], s5  }
0x9e: {  	_ =	swait.ge [sflag:s7], s5  }
0x9f: {  	s5 =	ssub.s32 $0x0, s5;
	[sflag:s7] =	ssyncset.done $0x0  }
0xa0: {  	[sflag:s7] =	ssyncadd.s32 s5;
	_ =	sdelay $0x1  }
0xa1: {  	s23 =	simm.s32 $0x1B8B  }
0xa2: {  	_ =	swait.ge [sflag:s23], $0x1  }
0xa3: {  	[sflag:s23] =	ssyncset.done $0x0  }
0xa4: {  	[sflag:s23] =	ssyncadd.s32 $0xFFFFFFFF  }
0xa5: {  	s5 =	sld [smem:$0x0]  }
0xa6: {  	s6 =	sand.u32 $0xFFFFFFFE, s1  }
0xa7: {  	p0 =	sne.s32 s1, s6  }
0xa8: {  	s6 =	sshll.u32 @p0 s6, $0xE  }
0xa9: {  	s6 =	sadd.s32 @p0 $0x11B8D, s6;
	s7 =	sshll.u32 @p0 s5, $0x11  }
0xaa: {  	s6 =	sor.u32 @p0 s7, s6  }
0xab: {  	[sflag:s6] =	ssyncadd.remote.s32 @p0 $0x1;
	_ =	sdelay $0x1  }
0xac: {  	s6 =	simm.s32 @p0 $0x1B8D  }
0xad: {  	_ =	swait.eq @p0 [sflag:s6], $0x1  }
0xae: {  	[sflag:s6] =	ssyncadd.s32 @p0 $0xFFFFFFFF  }
0xaf: {  	s7 =	sshll.u32 @!p0 s1, $0xE  }
0xb0: {  	s7 =	sor.u32 @!p0 $0x4000, s7;
	s6 =	simm.s32 @!p0 $0x1B8D  }
0xb1: {  	s5 =	sshll.u32 @!p0 s5, $0x11;
	s7 =	sadd.s32 @!p0 $0x11B8D, s7;
	_ =	swait.eq @!p0 [sflag:s6], $0x1  }
0xb2: {  	s5 =	sor.u32 @!p0 s5, s7;
	[sflag:s6] =	ssyncadd.s32 @!p0 $0xFFFFFFFF  }
0xb3: {  	s25 =	simm.s32 $0x1B8E;
	s24 =	sld [smem:$0x3FFE];
	[sflag:s5] =	ssyncadd.remote.s32 @!p0 $0x1  }
0xb4: {  	s26 =	simm.s32 $execute0_lowered;
	[smem:$0x3FD2] =	sst s25  }
0xb5: {  	s6 =	sshll.u32 s26, $0x1;
	_ =	strace $0x8000004C;
	[dreg:$0x1] =	wrdreg $0xFFFFFFFF  }
0xb6: {  	s28 =	simm.s32 $_size_execute0_lowered;
	s4 =	sadd.s32 s4, s6;
	[dreg:$0x0] =	wrdreg $0x0  }
0xb7: {  	s6 =	sshll.u32 s28, $0x1;
	[dreg:$0x2] =	wrdreg s4  }
0xb8: {  	[dreg:$0x3] =	wrdreg s6  }
0xb9: {  	[dreg:$0x4] =	wrdreg $0xC0  }
0xba: {  	_ =	task [dreg:s22], $0x5FFFF  }
0xbb: {  	[dreg:$0x1] =	wrdreg $0xFFFFFFFF  }
0xbc: {  	[dreg:$0x0] =	wrdreg $0x60  }
0xbd: {  	[dreg:$0x2] =	wrdreg s24  }
0xbe: {  	[dreg:$0x3] =	wrdreg s18  }
0xbf: {  	[dreg:$0x4] =	wrdreg $0x9  }
0xc0: {  	_ =	task.clear_ibuf [dreg:s22], $0x5FFFF;
	_ =	strace $0x9000004C  }
0xc1: {  	s29 =	simm.s32 $0x9;
	_ =	strace $0x8000004E  }
0xc2: {  	_ =	swait.ge [sflag:s29], $0x1  }
0xc3: {  	[sflag:s29] =	ssyncadd.s32 $0xFFFFFFFF  }
0xc4: {  	_ =	strace $0x9000004E  }
0xc5: {  	_ =	sfence  }
0xc6: {  	s30 =	sld [smem:$0x0];
	_ =	sdelay $0x2  }
0xc7: {  	s31 =	sshll.u32 s1, $0xD;
	s1 =	sshrl.u32 s1, $0x2  }
0xc8: {  	s4 =	sand.u32 $0x4000, s31;
	s1 =	sadd.s32 s1, s30  }
0xc9: {  	s0 =	sor.u32 s4, s0;
	s1 =	sshll.u32 s1, $0x11  }
0xca: {  	s0 =	sor.u32 s1, s0  }
0xcb: {  	s0 =	sadd.s32 $0x8F2B, s0  }
0xcc: {  	[sflag:s0] =	ssyncadd.remote.s32 $0x1  }
0xcd: {  	_ =	sfence.sel $0xFFFF  }
0xce: {  	[dreg:$0x0] =	wrdreg $0xFFFFFFFF;
	(pc) =	sbr.abs _section_cstart, $3  }
0xcf: {  	[dreg:$0x1] =	wrdreg $0xFFFFFFFF  }
0xd0: {  	_ =	task.clear_ibuf [dreg:s22], $0x2FFFF;
	_ =	strace $0x9FFFFFFF  }
0xd1: {  	(tm) =	ssettm $0x7FFFFFFF  }
tec
execute0_lowered:
.L_overlay_start_1:
0x0: {  	(tag) =	ssettag $0x1  }
0x1: {  	s4 =	rddreg [dreg:$0x0]  }
0x2: {  	s5 =	rddreg [dreg:$0x1];
	s2 =	simm.s32 $0x0;
	s3 =	srdreg.scid  }
0x3: {  	s1 =	stileid.u32;
	s10 =	simm.s32 $0x6000;
	s11 =	simm.s32 $0x800  }
0x4: {  	s12 =	simm.s32 $0x2800;
	s13 =	simm.s32 $0x3000;
	s14 =	simm.s32 $0x1000  }
0x5: {  	s15 =	simm.s32 $0x3800;
	s16 =	simm.s32 $0x1800;
	s17 =	simm.s32 $0x4000  }
0x6: {  	s18 =	simm.s32 $0x2000;
	s19 =	simm.s32 $0x4800;
	s20 =	simm.s32 $0x1  }
0x7: {  	s21 =	simm.s32 $0x2;
	s22 =	simm.s32 $0x3;
	s23 =	simm.s32 $0x4  }
0x8: {  	s24 =	simm.s32 $0x5;
	s25 =	simm.s32 $0x5000;
	s26 =	simm.s32 $0x6  }
0x9: {  	s28 =	simm.s32 $0x0;
	[smem:$0x7FF] =	sst s2;
	s3 =	sand.u32 $0x1, s3  }
0xa: {  	s6 =	sshll.u32 s1, $0x9;
	s7 =	sshll.u32 s3, $0x8;
	s8 =	ssub.s32 $0x2, s3  }
0xb: {  	_ =	strace $0x8000004D;
	s6 =	sor.u32 s7, s6;
	s31 =	sshrl.u32 s8, $0x1  }
0xc: {  	s3 =	sadd.s32 $0x8BC00, s4;
	s9 =	sadd.s32 s6, s4;
	s7 =	ssub.s32 s8, s31  }
0xd: {  	s5 =	sadd.s32 s5, s6;
	s8 =	simm.s32 $0x5800;
	s4 =	sadd.s32 $0x7C00, s9  }
0xe: {  	v0 =	vimm.s32 $0x1;
	v1 =	vimm.s32 $0x0;
	s6 =	sadd.s32 $0xBC00, s9;
	s7 =	smax.u32 s7, $0x1;
	s9 =	simm.s32 $0x7  }
.LBB2_1:
0xf: {  	[tilespmem:s8], [sflag:$0x7] =	stream.linear.gather [hbm4b:s4+s2], $0x800, $0x38;
	[tilespmem:$0x6800] =	vst v63  }
0x10: {  	_ =	swait.ge [sflag:s9], $0x800  }
0x11: {  	[sflag:s9] =	ssyncset.done $0x0  }
0x12: {  	[sflag:s9] =	ssyncadd.s32 $0xFFFFF800  }
0x13: {  	[tilespmem:s10], [sflag:$0x7] =	stream.linear.gather [hbm4b:s5+s2], $0x800, $0x38;
	[tilespmem:$0x6800] =	vst v63  }
0x14: {  	_ =	swait.ge [sflag:s9], $0x800  }
0x15: {  	[sflag:s9] =	ssyncset.done $0x0  }
0x16: {  	s29 =	simm.s32 $0x0;
	[sflag:s9] =	ssyncadd.s32 $0xFFFFF800  }
0x17: {  	v2 =	vld [tilespmem:s29+$0x5800];
	_ =	sdelay $0x4  }
0x18: {  	v2 =	vand.u32 $0x1F, v2  }
0x19: {  	v3 =	vmul.u32 $0xD, v2  }
0x1a: {  	s30 =	simm.s32 $0x10;
	v5 =	vld [tilespmem:s29+$0x6000]  }
0x1b: {  	v4 =	vshrl.u32 v3, $0x6;
	v3 =	vld [tilespmem:s30+$0x5800];
	_ =	sdelay $0x2  }
0x1c: {  	v4 =	vmul.u32 $0x7FF, v4  }
0x1d: {  	s31 =	simm.s32 $0x80;
	v5 =	vadd.s32 v5, v2  }
.LBB2_2:
0x1e: {  	s0 =	sshra.s32 s31, $0x2;
	p0 =	sne.s32 s31, $0x1FC0;
	s31 =	sadd.s32 $0x40, s31;
	v6 =	vld [tilespmem:s30+$0x6000];
	v4 =	vadd.s32 v4, v5;
	vm0 =	veq.s32 v2, $0x19;
	v2 =	vand.u32 $0x1F, v3  }
.Ltmp0:
0x1f: {  	v3 =	vld [tilespmem:s0+$0x5800];
	v5 =	vmul.u32 $0xD, v2;
	v4 =	vsel vm0, $0x22110, v4;
	(pc) =	sbr.rel @p0 .LBB2_2-.Ltmp0, $4  }
0x20: {  	[tilespmem:s29+$0x0] =	vst v4;
	s29 =	smov.u32 s30;
	s30 =	smov.u32 s0  }
0x21: {  	v4 =	vshrl.u32 v5, $0x6  }
0x22: {  	v4 =	vmul.u32 $0x7FF, v4  }
0x23: {  	v5 =	vadd.s32 v6, v2  }
0x24: {  	v6 =	vld [tilespmem:s30+$0x6000];
	v3 =	vand.u32 $0x1F, v3  }
0x25: {  	v7 =	vmul.u32 $0xD, v3;
	_ =	sdelay $0x1  }
0x26: {  	v7 =	vshrl.u32 v7, $0x6  }
0x27: {  	v7 =	vmul.u32 $0x7FF, v7  }
0x28: {  	v4 =	vadd.s32 v4, v5;
	vm0 =	veq.s32 v2, $0x19;
	v2 =	vadd.s32 v6, v3  }
0x29: {  	v4 =	vsel vm0, $0x22110, v4;
	vm15 =	veq.s32 v3, $0x19;
	v2 =	vadd.s32 v7, v2  }
0x2a: {  	[tilespmem:s29+$0x0] =	vst v4;
	v2 =	vsel vm15, $0x22110, v2  }
0x2b: {  	s0 =	simm.s32 $0x0;
	s29 =	simm.s32 $0x0;
	[tilespmem:s30+$0x0] =	vst v2  }
0x2c: {  	[tilespmem:s12], [sflag:$0x1] =	stream.indirect.gather [hbm4b:s3+s11], $0x1, s0, s11, $0xb8;
	[tilespmem:$0x6800] =	vst v63  }
0x2d: {  	v2 =	vld [tilespmem:s29+$0x5800];
	_ =	sdelay $0x4  }
0x2e: {  	v2 =	vshrl.u32 v2, $0x5  }
0x2f: {  	v2 =	vand.u32 $0x1F, v2  }
0x30: {  	v4 =	vmul.u32 $0xD, v2  }
0x31: {  	s30 =	simm.s32 $0x10;
	v3 =	vld [tilespmem:s29+$0x6000]  }
0x32: {  	v5 =	vshrl.u32 v4, $0x6;
	v4 =	vld [tilespmem:s30+$0x5800];
	_ =	sdelay $0x3  }
0x33: {  	s31 =	simm.s32 $0x80;
	v5 =	vmul.u32 $0x7FF, v5  }
.LBB2_4:
0x34: {  	s0 =	sshra.s32 s31, $0x2;
	p0 =	sne.s32 s31, $0x1FC0;
	s31 =	sadd.s32 $0x40, s31;
	v6 =	vshrl.u32 v4, $0x5;
	v7 =	vadd.s32 v3, v2;
	v3 =	vld [tilespmem:s30+$0x6000]  }
.Ltmp1:
0x35: {  	vm0 =	veq.s32 v2, $0x19;
	v4 =	vld [tilespmem:s0+$0x5800];
	v5 =	vadd.s32 v5, v7;
	v2 =	vand.u32 $0x1F, v6;
	(pc) =	sbr.rel @p0 .LBB2_4-.Ltmp1, $4  }
0x36: {  	v6 =	vmul.u32 $0xD, v2;
	v5 =	vsel vm0, $0x22110, v5  }
0x37: {  	[tilespmem:s29+$0x800] =	vst v5;
	s29 =	smov.u32 s30;
	s30 =	smov.u32 s0  }
0x38: {  	v5 =	vshrl.u32 v6, $0x6  }
0x39: {  	v5 =	vmul.u32 $0x7FF, v5  }
0x3a: {  	v4 =	vshrl.u32 v4, $0x5  }
0x3b: {  	v6 =	vld [tilespmem:s30+$0x6000];
	v4 =	vand.u32 $0x1F, v4  }
0x3c: {  	v7 =	vmul.u32 $0xD, v4;
	_ =	sdelay $0x1  }
0x3d: {  	v7 =	vshrl.u32 v7, $0x6  }
0x3e: {  	v3 =	vadd.s32 v3, v2;
	v7 =	vmul.u32 $0x7FF, v7  }
0x3f: {  	vm0 =	veq.s32 v2, $0x19;
	v3 =	vadd.s32 v5, v3;
	v2 =	vadd.s32 v6, v4  }
0x40: {  	v3 =	vsel vm0, $0x22110, v3;
	vm15 =	veq.s32 v4, $0x19;
	v2 =	vadd.s32 v7, v2  }
0x41: {  	[tilespmem:s29+$0x800] =	vst v3;
	v2 =	vsel vm15, $0x22110, v2  }
0x42: {  	s29 =	simm.s32 $0x0;
	[tilespmem:s30+$0x800] =	vst v2  }
0x43: {  	[tilespmem:s13], [sflag:$0x2] =	stream.indirect.gather [hbm4b:s3+s11], $0x1, s11, s11, $0xb8;
	[tilespmem:$0x6800] =	vst v63  }
0x44: {  	v2 =	vld [tilespmem:s29+$0x5800];
	_ =	sdelay $0x4  }
0x45: {  	v2 =	vshrl.u32 v2, $0xA  }
0x46: {  	v2 =	vand.u32 $0x1F, v2  }
0x47: {  	v4 =	vmul.u32 $0xD, v2  }
0x48: {  	s30 =	simm.s32 $0x10;
	v3 =	vld [tilespmem:s29+$0x6000]  }
0x49: {  	v5 =	vshrl.u32 v4, $0x6;
	v4 =	vld [tilespmem:s30+$0x5800];
	_ =	sdelay $0x3  }
0x4a: {  	s31 =	simm.s32 $0x80;
	v5 =	vmul.u32 $0x7FF, v5  }
.LBB2_6:
0x4b: {  	s0 =	sshra.s32 s31, $0x2;
	p0 =	sne.s32 s31, $0x1FC0;
	s31 =	sadd.s32 $0x40, s31;
	v6 =	vshrl.u32 v4, $0xA;
	v7 =	vadd.s32 v3, v2;
	v3 =	vld [tilespmem:s30+$0x6000]  }
.Ltmp2:
0x4c: {  	vm0 =	veq.s32 v2, $0x19;
	v4 =	vld [tilespmem:s0+$0x5800];
	v5 =	vadd.s32 v5, v7;
	v2 =	vand.u32 $0x1F, v6;
	(pc) =	sbr.rel @p0 .LBB2_6-.Ltmp2, $4  }
0x4d: {  	v6 =	vmul.u32 $0xD, v2;
	v5 =	vsel vm0, $0x22110, v5  }
0x4e: {  	[tilespmem:s29+$0x1000] =	vst v5;
	s29 =	smov.u32 s30;
	s30 =	smov.u32 s0  }
0x4f: {  	v5 =	vshrl.u32 v6, $0x6  }
0x50: {  	v5 =	vmul.u32 $0x7FF, v5  }
0x51: {  	v4 =	vshrl.u32 v4, $0xA  }
0x52: {  	v6 =	vld [tilespmem:s30+$0x6000];
	v4 =	vand.u32 $0x1F, v4  }
0x53: {  	v7 =	vmul.u32 $0xD, v4;
	_ =	sdelay $0x1  }
0x54: {  	v7 =	vshrl.u32 v7, $0x6  }
0x55: {  	v3 =	vadd.s32 v3, v2;
	v7 =	vmul.u32 $0x7FF, v7  }
0x56: {  	vm0 =	veq.s32 v2, $0x19;
	v3 =	vadd.s32 v5, v3;
	v2 =	vadd.s32 v6, v4  }
0x57: {  	v3 =	vsel vm0, $0x22110, v3;
	vm15 =	veq.s32 v4, $0x19;
	v2 =	vadd.s32 v7, v2  }
0x58: {  	[tilespmem:s29+$0x1000] =	vst v3;
	v2 =	vsel vm15, $0x22110, v2  }
0x59: {  	s29 =	simm.s32 $0x0;
	[tilespmem:s30+$0x1000] =	vst v2  }
0x5a: {  	[tilespmem:s15], [sflag:$0x3] =	stream.indirect.gather [hbm4b:s3+s11], $0x1, s14, s11, $0xb8;
	[tilespmem:$0x6800] =	vst v63  }
0x5b: {  	v2 =	vld [tilespmem:s29+$0x5800];
	_ =	sdelay $0x4  }
0x5c: {  	v2 =	vshrl.u32 v2, $0xF  }
0x5d: {  	v2 =	vand.u32 $0x1F, v2  }
0x5e: {  	v4 =	vmul.u32 $0xD, v2  }
0x5f: {  	s30 =	simm.s32 $0x10;
	v3 =	vld [tilespmem:s29+$0x6000]  }
0x60: {  	v5 =	vshrl.u32 v4, $0x6;
	v4 =	vld [tilespmem:s30+$0x5800];
	_ =	sdelay $0x3  }
0x61: {  	s31 =	simm.s32 $0x80;
	v5 =	vmul.u32 $0x7FF, v5  }
.LBB2_8:
0x62: {  	s0 =	sshra.s32 s31, $0x2;
	p0 =	sne.s32 s31, $0x1FC0;
	s31 =	sadd.s32 $0x40, s31;
	v6 =	vshrl.u32 v4, $0xF;
	v7 =	vadd.s32 v3, v2;
	v3 =	vld [tilespmem:s30+$0x6000]  }
.Ltmp3:
0x63: {  	vm0 =	veq.s32 v2, $0x19;
	v4 =	vld [tilespmem:s0+$0x5800];
	v5 =	vadd.s32 v5, v7;
	v2 =	vand.u32 $0x1F, v6;
	(pc) =	sbr.rel @p0 .LBB2_8-.Ltmp3, $4  }
0x64: {  	v6 =	vmul.u32 $0xD, v2;
	v5 =	vsel vm0, $0x22110, v5  }
0x65: {  	[tilespmem:s29+$0x1800] =	vst v5;
	s29 =	smov.u32 s30;
	s30 =	smov.u32 s0  }
0x66: {  	v5 =	vshrl.u32 v6, $0x6  }
0x67: {  	v5 =	vmul.u32 $0x7FF, v5  }
0x68: {  	v4 =	vshrl.u32 v4, $0xF  }
0x69: {  	v6 =	vld [tilespmem:s30+$0x6000];
	v4 =	vand.u32 $0x1F, v4  }
0x6a: {  	v7 =	vmul.u32 $0xD, v4;
	_ =	sdelay $0x1  }
0x6b: {  	v7 =	vshrl.u32 v7, $0x6  }
0x6c: {  	v3 =	vadd.s32 v3, v2;
	v7 =	vmul.u32 $0x7FF, v7  }
0x6d: {  	vm0 =	veq.s32 v2, $0x19;
	v3 =	vadd.s32 v5, v3;
	v2 =	vadd.s32 v6, v4  }
0x6e: {  	v3 =	vsel vm0, $0x22110, v3;
	vm15 =	veq.s32 v4, $0x19;
	v2 =	vadd.s32 v7, v2  }
0x6f: {  	[tilespmem:s29+$0x1800] =	vst v3;
	v2 =	vsel vm15, $0x22110, v2  }
0x70: {  	s29 =	simm.s32 $0x0;
	[tilespmem:s30+$0x1800] =	vst v2  }
0x71: {  	[tilespmem:s17], [sflag:$0x4] =	stream.indirect.gather [hbm4b:s3+s11], $0x1, s16, s11, $0xb8;
	[tilespmem:$0x6800] =	vst v63  }
0x72: {  	v2 =	vld [tilespmem:s29+$0x5800];
	_ =	sdelay $0x4  }
0x73: {  	v2 =	vshrl.u32 v2, $0x14  }
0x74: {  	v2 =	vand.u32 $0x1F, v2  }
0x75: {  	v4 =	vmul.u32 $0xD, v2  }
0x76: {  	s30 =	simm.s32 $0x10;
	v3 =	vld [tilespmem:s29+$0x6000]  }
0x77: {  	v5 =	vshrl.u32 v4, $0x6;
	v4 =	vld [tilespmem:s30+$0x5800];
	_ =	sdelay $0x3  }
0x78: {  	s31 =	simm.s32 $0x80;
	v5 =	vmul.u32 $0x7FF, v5  }
.LBB2_10:
0x79: {  	s0 =	sshra.s32 s31, $0x2;
	p0 =	sne.s32 s31, $0x1FC0;
	s31 =	sadd.s32 $0x40, s31;
	v6 =	vshrl.u32 v4, $0x14;
	v7 =	vadd.s32 v3, v2;
	v3 =	vld [tilespmem:s30+$0x6000]  }
.Ltmp4:
0x7a: {  	vm0 =	veq.s32 v2, $0x19;
	v4 =	vld [tilespmem:s0+$0x5800];
	v5 =	vadd.s32 v5, v7;
	v2 =	vand.u32 $0x1F, v6;
	(pc) =	sbr.rel @p0 .LBB2_10-.Ltmp4, $4  }
0x7b: {  	v6 =	vmul.u32 $0xD, v2;
	v5 =	vsel vm0, $0x22110, v5  }
0x7c: {  	[tilespmem:s29+$0x2000] =	vst v5;
	s29 =	smov.u32 s30;
	s30 =	smov.u32 s0  }
0x7d: {  	v5 =	vshrl.u32 v6, $0x6  }
0x7e: {  	v5 =	vmul.u32 $0x7FF, v5  }
0x7f: {  	v4 =	vshrl.u32 v4, $0x14  }
0x80: {  	v6 =	vld [tilespmem:s30+$0x6000];
	v4 =	vand.u32 $0x1F, v4  }
0x81: {  	v7 =	vmul.u32 $0xD, v4;
	_ =	sdelay $0x1  }
0x82: {  	v7 =	vshrl.u32 v7, $0x6  }
0x83: {  	v3 =	vadd.s32 v3, v2;
	v7 =	vmul.u32 $0x7FF, v7  }
0x84: {  	vm0 =	veq.s32 v2, $0x19;
	v3 =	vadd.s32 v5, v3;
	v2 =	vadd.s32 v6, v4  }
0x85: {  	v3 =	vsel vm0, $0x22110, v3;
	vm0 =	veq.s32 v4, $0x19;
	v2 =	vadd.s32 v7, v2  }
0x86: {  	[tilespmem:s29+$0x2000] =	vst v3;
	v2 =	vsel vm0, $0x22110, v2  }
0x87: {  	[tilespmem:s30+$0x2000] =	vst v2  }
0x88: {  	[tilespmem:s19], [sflag:$0x5] =	stream.indirect.gather [hbm4b:s3+s11], $0x1, s18, s11, $0xb8;
	[tilespmem:$0x6800] =	vst v63  }
0x89: {  	_ =	swait.ge [sflag:s20], $0x800  }
0x8a: {  	[sflag:s20] =	ssyncset.done $0x0  }
0x8b: {  	[sflag:s20] =	ssyncadd.s32 $0xFFFFF800  }
0x8c: {  	_ =	swait.ge [sflag:s21], $0x800  }
0x8d: {  	[sflag:s21] =	ssyncset.done $0x0  }
0x8e: {  	[sflag:s21] =	ssyncadd.s32 $0xFFFFF800  }
0x8f: {  	_ =	swait.ge [sflag:s22], $0x800  }
0x90: {  	[sflag:s22] =	ssyncset.done $0x0  }
0x91: {  	[sflag:s22] =	ssyncadd.s32 $0xFFFFF800  }
0x92: {  	_ =	swait.ge [sflag:s23], $0x800  }
0x93: {  	[sflag:s23] =	ssyncset.done $0x0  }
0x94: {  	[sflag:s23] =	ssyncadd.s32 $0xFFFFF800  }
0x95: {  	_ =	swait.ge [sflag:s24], $0x800  }
0x96: {  	[sflag:s24] =	ssyncset.done $0x0  }
0x97: {  	s29 =	simm.s32 $0x0;
	[sflag:s24] =	ssyncadd.s32 $0xFFFFF800  }
0x98: {  	v5 =	vld [tilespmem:s29+$0x4800]  }
0x99: {  	v7 =	vld [tilespmem:s29+$0x4000]  }
0x9a: {  	v2 =	vld [tilespmem:s29+$0x3000]  }
0x9b: {  	v4 =	vld [tilespmem:s29+$0x3800]  }
0x9c: {  	v3 =	vld [tilespmem:s29+$0x2800];
	_ =	sdelay $0x2  }
0x9d: {  	v6 =	vadd.s32 $0xFFFFFFFF, v7;
	v8 =	vadd.s32 $0xFFFFFFFF, v5;
	v9 =	vadd.s32 $0xFFFFFFFF, v2  }
0x9e: {  	v10 =	vadd.s32 $0xFFFFFFFF, v4;
	vm3 =	veq.s32 v4, v5;
	vm4 =	veq.s32 v7, v5  }
0x9f: {  	v11 =	vadd.s32 $0xFFFFFFFF, v3;
	vm5 =	veq.s32 v2, v5;
	vm6 =	veq.s32 v4, v7  }
0xa0: {  	vm7 =	veq.s32 v3, v5;
	vm8 =	veq.s32 v2, v4;
	vm9 =	veq.s32 v2, v7  }
0xa1: {  	vm10 =	veq.s32 v3, v2;
	vm11 =	veq.s32 v3, v4;
	vm12 =	veq.s32 v3, v7  }
0xa2: {  	vm1 =	vlt.u32 v9, $0x13;
	vm2 =	vlt.u32 v10, $0x13;
	vm0 =	vlt.u32 v6, $0x13  }
0xa3: {  	v6 =	vsel vm12, $0x2, v0;
	v9 =	vsel vm7, $0x2, v0;
	v10 =	vsel vm4, $0x1, v1  }
0xa4: {  	v12 =	vsel vm6, $0x1, v1;
	v13 =	vsel vm3, $0x1, v1;
	vm3 =	vlt.u32 v11, $0x13  }
0xa5: {  	v11 =	vsel vm10, $0x2, v0;
	v14 =	vsel vm11, $0x1, v1;
	v15 =	vsel vm11, $0x2, v0  }
0xa6: {  	v16 =	vsel vm12, $0x1, v1;
	v17 =	vsel vm5, $0x1, v1;
	v14 =	vadd.s32 v14, v11  }
0xa7: {  	v62 =	vsel vm7, $0x1, v1;
	v18 =	vsel vm9, $0x1, v1;
	v14 =	vadd.s32 v16, v14  }
0xa8: {  	v63 =	vsel vm8, $0x1, v1;
	v9 =	vadd.s32 v17, v9;
	v14 =	vadd.s32 v62, v14  }
0xa9: {  	v11 =	vadd.s32 v63, v11;
	v6 =	vadd.s32 v18, v6;
	v14 =	vshll.u32 v14, $0x5  }
0xaa: {  	v15 =	vadd.s32 v63, v15;
	v11 =	vadd.s32 v18, v11;
	v3 =	vsub.s32 v14, v3  }
0xab: {  	v9 =	vadd.s32 v13, v9;
	v11 =	vadd.s32 v17, v11;
	vm4 =	vgt.s32 v3, $0xFFFFFC18  }
0xac: {  	v11 =	vshll.u32 v11, $0x5;
	v14 =	vadd.s32 v12, v15;
	v3 =	vnsel vm4, $0xFFFFFC18, v3  }
0xad: {  	v11 =	vsub.s32 v11, v2;
	v13 =	vadd.s32 v13, v14;
	v14 =	vnsel vm3, $0xFFFFFC18, v3  }
0xae: {  	s30 =	simm.s32 $0x10;
	v6 =	vadd.s32 v12, v6;
	v12 =	vshll.u32 v13, $0x5;
	vm3 =	vgt.s32 v14, v11  }
0xaf: {  	v2 =	vld [tilespmem:s30+$0x4800];
	v13 =	vadd.s32 v10, v6;
	v4 =	vsub.s32 v12, v4;
	v11 =	vsel vm3, v14, v11  }
0xb0: {  	v3 =	vld [tilespmem:s30+$0x4000];
	v13 =	vshll.u32 v13, $0x5;
	v12 =	vnsel vm2, $0xFFFFFC18, v4;
	v11 =	vsel vm1, v11, v14  }
0xb1: {  	v9 =	vadd.s32 v10, v9;
	v4 =	vld [tilespmem:s30+$0x3800];
	v7 =	vsub.s32 v13, v7;
	vm1 =	vgt.s32 v11, v12  }
0xb2: {  	v9 =	vshll.u32 v9, $0x5;
	v6 =	vld [tilespmem:s30+$0x3000];
	v10 =	vsel vm1, v11, v12;
	v11 =	vnsel vm0, $0xFFFFFC18, v7  }
0xb3: {  	v5 =	vsub.s32 v9, v5;
	v7 =	vld [tilespmem:s30+$0x2800];
	vm1 =	vlt.u32 v8, $0x13;
	vm0 =	vgt.s32 v10, v11  }
0xb4: {  	v8 =	vsel vm0, v10, v11;
	v10 =	vnsel vm1, $0xFFFFFC18, v5  }
0xb5: {  	v9 =	vadd.s32 $0xFFFFFFFF, v3;
	vm4 =	veq.s32 v3, v2;
	vm0 =	vgt.s32 v8, v10  }
0xb6: {  	v12 =	vadd.s32 $0xFFFFFFFF, v4;
	v5 =	vadd.s32 $0xFFFFFFFF, v2;
	v8 =	vsel vm0, v8, v10  }
0xb7: {  	v11 =	vadd.s32 $0xFFFFFFFF, v6;
	vm1 =	veq.s32 v4, v2;
	v13 =	vand.u32 $0x1F, v8  }
0xb8: {  	s31 =	simm.s32 $0x80;
	v10 =	vadd.s32 $0xFFFFFFFF, v7;
	vm0 =	veq.s32 v8, $0xFFFFFC18;
	v8 =	vsub.s32 $0x20, v13  }
.LBB2_12:
0xb9: {  	p0 =	sne.s32 s31, $0x1FC0;
	vm6 =	veq.s32 v6, v2;
	vm7 =	veq.s32 v4, v3;
	v8 =	vsel vm0, $0x1, v8  }
0xba: {  	vm8 =	veq.s32 v7, v2;
	vm5 =	veq.s32 v6, v4;
	vm9 =	veq.s32 v6, v3;
	[tilespmem:s29+$0x5000] =	vst v8;
	s29 =	smov.u32 s30  }
0xbb: {  	vm10 =	veq.s32 v7, v6;
	vm11 =	veq.s32 v7, v4;
	vm12 =	veq.s32 v7, v3  }
0xbc: {  	vm2 =	vlt.u32 v11, $0x13;
	vm3 =	vlt.u32 v12, $0x13;
	vm0 =	vlt.u32 v9, $0x13  }
0xbd: {  	v11 =	vsel vm4, $0x1, v1;
	v8 =	vsel vm12, $0x2, v0;
	v9 =	vsel vm8, $0x2, v0  }
0xbe: {  	v13 =	vsel vm1, $0x1, v1;
	vm1 =	vlt.u32 v10, $0x13;
	v12 =	vsel vm7, $0x1, v1  }
0xbf: {  	v10 =	vsel vm10, $0x2, v0;
	v14 =	vsel vm11, $0x1, v1;
	v15 =	vsel vm11, $0x2, v0  }
0xc0: {  	v16 =	vsel vm12, $0x1, v1;
	v17 =	vsel vm6, $0x1, v1;
	v14 =	vadd.s32 v14, v10  }
0xc1: {  	v18 =	vsel vm9, $0x1, v1;
	v14 =	vadd.s32 v16, v14;
	v16 =	vsel vm8, $0x1, v1  }
0xc2: {  	v9 =	vadd.s32 v17, v9;
	v14 =	vadd.s32 v16, v14;
	v16 =	vsel vm5, $0x1, v1  }
0xc3: {  	v8 =	vadd.s32 v18, v8;
	v10 =	vadd.s32 v16, v10;
	v14 =	vshll.u32 v14, $0x5  }
0xc4: {  	v15 =	vadd.s32 v16, v15;
	v10 =	vadd.s32 v18, v10;
	v7 =	vsub.s32 v14, v7  }
0xc5: {  	v9 =	vadd.s32 v13, v9;
	v10 =	vadd.s32 v17, v10;
	vm4 =	vgt.s32 v7, $0xFFFFFC18  }
0xc6: {  	v14 =	vadd.s32 v12, v15;
	v7 =	vnsel vm4, $0xFFFFFC18, v7;
	v10 =	vshll.u32 v10, $0x5  }
0xc7: {  	s30 =	sshra.s32 s31, $0x2;
	v13 =	vadd.s32 v13, v14;
	v7 =	vnsel vm1, $0xFFFFFC18, v7;
	v6 =	vsub.s32 v10, v6  }
0xc8: {  	v8 =	vadd.s32 v12, v8;
	v12 =	vshll.u32 v13, $0x5;
	vm1 =	vgt.s32 v7, v6;
	v10 =	vld [tilespmem:s30+$0x4800]  }
0xc9: {  	v8 =	vadd.s32 v11, v8;
	v4 =	vsub.s32 v12, v4;
	v14 =	vsel vm1, v7, v6;
	v13 =	vld [tilespmem:s30+$0x4000]  }
0xca: {  	v8 =	vshll.u32 v8, $0x5;
	v12 =	vnsel vm3, $0xFFFFFC18, v4;
	v7 =	vsel vm2, v14, v7;
	v6 =	vld [tilespmem:s30+$0x3000]  }
0xcb: {  	v9 =	vadd.s32 v11, v9;
	v3 =	vsub.s32 v8, v3;
	vm1 =	vgt.s32 v7, v12;
	v4 =	vld [tilespmem:s30+$0x3800]  }
0xcc: {  	v9 =	vshll.u32 v9, $0x5;
	v11 =	vnsel vm0, $0xFFFFFC18, v3;
	v8 =	vsel vm1, v7, v12  }
0xcd: {  	vm1 =	vlt.u32 v5, $0x13;
	v5 =	vsub.s32 v9, v2;
	vm0 =	vgt.s32 v8, v11;
	v7 =	vld [tilespmem:s30+$0x2800];
	v2 =	vmovc v10  }
.Ltmp5:
0xce: {  	v8 =	vsel vm0, v8, v11;
	v10 =	vnsel vm1, $0xFFFFFC18, v5;
	v3 =	vmov v13;
	(pc) =	sbr.rel @p0 .LBB2_12-.Ltmp5, $4  }
0xcf: {  	v5 =	vadd.s32 $0xFFFFFFFF, v2;
	vm0 =	vgt.s32 v8, v10;
	v9 =	vadd.s32 $0xFFFFFFFF, v3  }
0xd0: {  	v11 =	vadd.s32 $0xFFFFFFFF, v6;
	v8 =	vsel vm0, v8, v10;
	v12 =	vadd.s32 $0xFFFFFFFF, v4  }
0xd1: {  	vm4 =	veq.s32 v3, v2;
	vm1 =	veq.s32 v4, v2;
	v13 =	vand.u32 $0x1F, v8  }
0xd2: {  	s31 =	sadd.s32 $0x40, s31;
	vm0 =	veq.s32 v8, $0xFFFFFC18;
	v8 =	vsub.s32 $0x20, v13;
	v10 =	vadd.s32 $0xFFFFFFFF, v7  }
0xd3: {  	vm2 =	veq.s32 v7, v6;
	vm6 =	veq.s32 v7, v4  }
0xd4: {  	vm7 =	veq.s32 v7, v3;
	vm8 =	veq.s32 v7, v2;
	vm9 =	veq.s32 v6, v2  }
0xd5: {  	vm10 =	veq.s32 v4, v3;
	vm11 =	veq.s32 v6, v4;
	vm12 =	veq.s32 v6, v3  }
0xd6: {  	vm3 =	vlt.u32 v11, $0x13;
	vm5 =	vlt.u32 v12, $0x13;
	vm15 =	vlt.u32 v9, $0x13  }
0xd7: {  	v53 =	vsel vm4, $0x1, v1;
	v16 =	vsel vm1, $0x1, v1;
	v13 =	vsel vm2, $0x2, v0  }
0xd8: {  	v14 =	vsel vm6, $0x1, v1;
	v15 =	vsel vm7, $0x1, v1;
	v50 =	vsel vm8, $0x1, v1  }
0xd9: {  	v51 =	vsel vm7, $0x2, v0;
	v52 =	vsel vm8, $0x2, v0;
	v54 =	vsel vm10, $0x1, v1  }
0xda: {  	vm10 =	vlt.u32 v10, $0x13;
	v55 =	vsel vm6, $0x2, v0;
	v14 =	vadd.s32 v14, v13  }
0xdb: {  	v17 =	vsel vm11, $0x1, v1;
	v18 =	vsel vm9, $0x1, v1;
	v14 =	vadd.s32 v15, v14  }
0xdc: {  	v56 =	vsel vm12, $0x1, v1;
	v13 =	vadd.s32 v17, v13;
	v14 =	vadd.s32 v50, v14  }
0xdd: {  	v10 =	vadd.s32 v17, v55;
	v11 =	vadd.s32 v18, v52;
	v14 =	vshll.u32 v14, $0x5  }
0xde: {  	v9 =	vadd.s32 v56, v51;
	v13 =	vadd.s32 v56, v13;
	v57 =	vsub.s32 v14, v7  }
0xdf: {  	v11 =	vadd.s32 v16, v11;
	v13 =	vadd.s32 v18, v13;
	vm12 =	vgt.s32 v57, $0xFFFFFC18  }
0xe0: {  	v10 =	vadd.s32 v54, v10;
	v13 =	vshll.u32 v13, $0x5;
	v7 =	vnsel vm12, $0xFFFFFC18, v57  }
0xe1: {  	v10 =	vadd.s32 v16, v10;
	v58 =	vsub.s32 v13, v6;
	v7 =	vnsel vm10, $0xFFFFFC18, v7  }
0xe2: {  	v9 =	vadd.s32 v54, v9;
	v10 =	vshll.u32 v10, $0x5;
	vm1 =	vgt.s32 v7, v58  }
0xe3: {  	v9 =	vadd.s32 v53, v9;
	v59 =	vsub.s32 v10, v4;
	v6 =	vsel vm1, v7, v58  }
0xe4: {  	v60 =	vshll.u32 v9, $0x5;
	v4 =	vnsel vm5, $0xFFFFFC18, v59;
	v6 =	vsel vm3, v6, v7  }
0xe5: {  	v61 =	vadd.s32 v53, v11;
	v3 =	vsub.s32 v60, v3;
	vm13 =	vgt.s32 v6, v4  }
0xe6: {  	v62 =	vshll.u32 v61, $0x5;
	v3 =	vnsel vm15, $0xFFFFFC18, v3;
	v4 =	vsel vm13, v6, v4  }
0xe7: {  	vm14 =	vlt.u32 v5, $0x13;
	v2 =	vsub.s32 v62, v2;
	vm1 =	vgt.s32 v4, v3  }
0xe8: {  	v2 =	vnsel vm14, $0xFFFFFC18, v2;
	v3 =	vsel vm1, v4, v3  }
0xe9: {  	vm1 =	vgt.s32 v3, v2  }
0xea: {  	v2 =	vsel vm1, v3, v2  }
0xeb: {  	v3 =	vand.u32 $0x1F, v2  }
0xec: {  	v63 =	vsel vm0, $0x1, v8;
	s28 =	sadd.s32 $0x1, s28;
	vm15 =	veq.s32 v2, $0xFFFFFC18;
	v2 =	vsub.s32 $0x20, v3  }
0xed: {  	[tilespmem:s29+$0x5000] =	vst v63;
	p0 =	sne.s32 s28, s7;
	v2 =	vsel vm15, $0x1, v2  }
.Ltmp6:
0xee: {  	[tilespmem:s30+$0x5000] =	vst v2;
	(pc) =	sbr.rel @p0 .LBB2_1-.Ltmp6, $4  }
0xef: {  	[hbm4b:s6+s2] =	stream.linear.scatter [tilespmem:s25], [sflag:$0x6], $0x800, $0x38;
	[tilespmem:$0x6800] =	vst v63  }
0xf0: {  	_ =	swait.ge [sflag:s26], $0x800  }
0xf1: {  	[sflag:s26] =	ssyncset.done $0x0  }
0xf2: {  	[sflag:s26] =	ssyncadd.s32 $0xFFFFF800  }
0xf3: {  	_ =	sfence.sel $0x180000  }
0xf4: {  	[bflag:$0x0] =	sbarrier.arrive $0xFFFF  }
0xf5: {  	_ =	strace $0x9000004D  }
0xf6: {  	[bflag:$0x2] =	sbarrier.arrive $0xFFFF  }
0xf7: {  	p0 =	sne.s32 s1, $0x0;
	s0 =	rddreg [dreg:$0x2]  }
0xf8: {  	s0 =	sadd.s32 @!p0 $0x100000, s0  }
0xf9: {  	[sflag:s0] =	ssyncadd.tile.s32 @!p0 $0x1;
	_ =	shalt  }
.Lfunc_end2:
_tile_overlayer_lowered:
.L_overlay_start_2:
0xfa: {  	(tag) =	ssettag $0x2  }
0xfb: {  	s0 =	rddreg [dreg:$0x0];
	s2 =	stileid.u32  }
0xfc: {  	s1 =	rddreg [dreg:$0x1];
	p0 =	sne.s32 s2, $0x0  }
0xfd: {  	s3 =	rddreg [dreg:$0x2];
	[bflag:$0x3] =	sbarrier.arrive $0xFFFF;
	s2 =	simm.s32 @!p0 $0x1C07  }
0xfe: {  	[timem:s3], [sflag:s2] =	dma.local @!p0 [hbm:s0], s1  }
0xff: {  	s0 =	simm.s32 @!p0 $0x7  }
0x100: {  	_ =	swait.ge @!p0 [sflag:s0], s1  }
0x101: {  	s1 =	ssub.s32 @!p0 $0x0, s1;
	[sflag:s0] =	ssyncset.done @!p0 $0x0  }
0x102: {  	[sflag:s0] =	ssyncadd.s32 @!p0 s1  }
0x103: {  	[bflag:$0x3] =	sbarrier.arrive $0xFFFF  }
0x104: {  	_ =	shalt  }

// kernel: kernel.14.cloned.1.call-start
scs
__scs_entry_jumppad:
0x0: {  	(pc) =	sbr.rel $0x88, $3  }
0x1: {  	(tag) =	ssettag $0x0;
	lr =	simm.s32 $0x1  }
0x2: {  	[smem:$0x3F9C] =	sst lr;
	_ =	strace $0xD0000000  }
0x3: {  	_ = 	snop  }
0x4: {  	_ = 	snop  }
0x5: {  	_ = 	snop  }
0x6: {  	_ = 	snop  }
0x7: {  	_ = 	snop  }
__scs_overlays_trampoline_lowered:
0x8: {  	[smem:$0x3FAB] =	sst s0  }
0x9: {  	[smem:$0x3FAC] =	sst s1  }
0xa: {  	[smem:$0x3FAD] =	sst s2  }
0xb: {  	[smem:$0x3FAE] =	sst s3  }
0xc: {  	[smem:$0x3FAF] =	sst s4  }
0xd: {  	[smem:$0x3FB0] =	sst s5  }
0xe: {  	[smem:$0x3FB1] =	sst s6  }
0xf: {  	[smem:$0x3FB2] =	sst s7  }
0x10: {  	[smem:$0x3FB3] =	sst s8  }
0x11: {  	[smem:$0x3FB4] =	sst s9;
	s0 =	simm.s32 @!p0 $0x0  }
0x12: {  	s1 =	sld [smem:$0x3F9A];
	s0 =	simm.s32 @p0 $0x1  }
0x13: {  	[smem:$0x3FB5] =	sst s0;
	s0 =	simm.s32 @!p1 $0x0  }
0x14: {  	s2 =	sld [smem:$0x3F99];
	s0 =	simm.s32 @p1 $0x1  }
0x15: {  	[smem:$0x3FB6] =	sst s0;
	s0 =	simm.s32 @!p2 $0x0  }
0x16: {  	s3 =	sld [smem:$0x3FDB];
	s0 =	simm.s32 @p2 $0x1  }
0x17: {  	s4 =	simm.s32 $0x1BF5;
	[smem:$0x3FB8] =	sst s0  }
0x18: {  	s0 =	sld [smem:$0x3F9B];
	_ =	swait.ge [sflag:s4], $0x0  }
0x19: {  	s7 =	sld [smem:$0x3F9C]  }
0x1a: {  	s8 =	sadd.s32 $0xFFFFE003, lr  }
0x1b: {  	s9 =	sadd.s32 $0xFFFFFEF7, lr;
	s5 =	simm.s32 $0xFFFFFFFF;
	p2 =	slt.u32 s8, $0xFFFFF086  }
0x1c: {  	p1 =	slt.u32 s9, $0xF7A;
	s5 =	simm.s32 @!p2 $0x0  }
0x1d: {  	s5 =	simm.s32 @p1 $0x1;
	p0 =	seq.s32 s7, s2  }
0x1e: {  	s7 =	smul.u32 @!p0 $0xF7A, s2;
	p2 =	seq.s32 @!p0 s5, $0x0  }
0x1f: {  	s9 =	smul.u32 $0xF7A, s1;
	s8 =	simm.s32 @!p0 $0x1BF5;
	p2 =	por !p2, p0  }
0x20: {  	[sflag:s8] =	ssyncset.s32 @!p0 $0xFFFFF086;
	s6 =	sadd.s32 @!p0 s3, s7;
	s7 =	simm.s32 @!p0 $0x108  }
0x21: {  	s3 =	sadd.s32 s3, s9;
	s6 =	sadd.s32 @!p0 $0x88, s6;
	s7 =	simm.s32 @p2 $0x1082  }
0x22: {  	[simem:s7], [sflag:s8] =	dma.local @!p0 [hbm:s6], $0xF7A  }
0x23: {  	s9 =	sor.u32 $0xD0000000, s2;
	s6 =	simm.s32 $0x108;
	_ =	swait.ge @!p0 [sflag:s8], $0x0  }
0x24: {  	s3 =	sadd.s32 $0x88, s3;
	s6 =	simm.s32 @!p1 $0x1082;
	[sflag:s4] =	ssyncset.s32 $0xFFFFF086  }
0x25: {  	[simem:s6], [sflag:s4] =	dma.local [hbm:s3], $0xF7A  }
0x26: {  	[smem:$0x3F9C] =	sst s1;
	(tag) =	ssettag s2;
	_ =	strace s9  }
0x27: {  	s1 =	sld [smem:$0x3FAC]  }
0x28: {  	s2 =	sld [smem:$0x3FAD]  }
0x29: {  	s4 =	sld [smem:$0x3FAF]  }
0x2a: {  	p0 =	seq.s32 s5, $0x0;
	s5 =	sld [smem:$0x3FB0]  }
0x2b: {  	s6 =	sld [smem:$0x3FB1]  }
0x2c: {  	s7 =	sld [smem:$0x3FB2]  }
0x2d: {  	s3 =	simm.s32 $0x108;
	s8 =	sld [smem:$0x3FB3]  }
0x2e: {  	s3 =	simm.s32 @!p0 $0x1082;
	s9 =	sld [smem:$0x3FB4]  }
0x2f: {  	lr =	sadd.s32 s0, s3;
	s0 =	sld [smem:$0x3FAB]  }
0x30: {  	s3 =	sld [smem:$0x3FAE]  }
0x31: {  	[smem:$0x3FB7] =	sst s10  }
0x32: {  	s10 =	sld [smem:$0x3FB5];
	_ =	sdelay $0x3  }
0x33: {  	p0 =	seq.s32 s10, $0x1;
	s10 =	sld [smem:$0x3FB7];
	_ =	sdelay $0x3  }
0x34: {  	[smem:$0x3FB7] =	sst s10  }
0x35: {  	s10 =	sld [smem:$0x3FB6];
	_ =	sdelay $0x3  }
0x36: {  	p1 =	seq.s32 s10, $0x1;
	s10 =	sld [smem:$0x3FB7];
	_ =	sdelay $0x3  }
0x37: {  	[smem:$0x3FB7] =	sst s10  }
0x38: {  	s10 =	sld [smem:$0x3FB8]  }
0x39: {  	_ = 	snop;
	(pc) =	sbr.ind lr, $3  }
0x3a: {  	_ = 	snop  }
0x3b: {  	_ = 	snop  }
0x3c: {  	p2 =	seq.s32 s10, $0x1;
	s10 =	sld [smem:$0x3FB7]  }
0x3d: {  	_ =	shalt  }
0x3e: {  	_ =	shalt  }
0x3f: {  	_ =	shalt  }
0x40: {  	_ =	shalt  }
0x41: {  	_ =	shalt  }
0x42: {  	_ =	shalt  }
0x43: {  	_ =	shalt  }
0x44: {  	_ =	shalt  }
0x45: {  	_ =	shalt  }
0x46: {  	_ =	shalt  }
0x47: {  	_ =	shalt  }
0x48: {  	_ =	shalt  }
0x49: {  	_ =	shalt  }
0x4a: {  	_ =	shalt  }
0x4b: {  	_ =	shalt  }
0x4c: {  	_ =	shalt  }
0x4d: {  	_ =	shalt  }
0x4e: {  	_ =	shalt  }
0x4f: {  	_ =	shalt  }
0x50: {  	_ =	shalt  }
0x51: {  	_ =	shalt  }
0x52: {  	_ =	shalt  }
0x53: {  	_ =	shalt  }
0x54: {  	_ =	shalt  }
0x55: {  	_ =	shalt  }
0x56: {  	_ =	shalt  }
0x57: {  	_ =	shalt  }
0x58: {  	_ =	shalt  }
0x59: {  	_ =	shalt  }
0x5a: {  	_ =	shalt  }
0x5b: {  	_ =	shalt  }
0x5c: {  	_ =	shalt  }
0x5d: {  	_ =	shalt  }
0x5e: {  	_ =	shalt  }
0x5f: {  	_ =	shalt  }
0x60: {  	_ =	shalt  }
0x61: {  	_ =	shalt  }
0x62: {  	_ =	shalt  }
0x63: {  	_ =	shalt  }
0x64: {  	_ =	shalt  }
0x65: {  	_ =	shalt  }
0x66: {  	_ =	shalt  }
0x67: {  	_ =	shalt  }
0x68: {  	_ =	shalt  }
0x69: {  	_ =	shalt  }
0x6a: {  	_ =	shalt  }
0x6b: {  	_ =	shalt  }
0x6c: {  	_ =	shalt  }
0x6d: {  	_ =	shalt  }
0x6e: {  	_ =	shalt  }
0x6f: {  	_ =	shalt  }
0x70: {  	_ =	shalt  }
0x71: {  	_ =	shalt  }
0x72: {  	_ =	shalt  }
0x73: {  	_ =	shalt  }
0x74: {  	_ =	shalt  }
0x75: {  	_ =	shalt  }
0x76: {  	_ =	shalt  }
0x77: {  	_ =	shalt  }
0x78: {  	_ =	shalt  }
0x79: {  	_ =	shalt  }
0x7a: {  	_ =	shalt  }
0x7b: {  	_ =	shalt  }
0x7c: {  	_ =	shalt  }
0x7d: {  	_ =	shalt  }
0x7e: {  	_ =	shalt  }
0x7f: {  	_ =	shalt  }
0x80: {  	_ =	shalt  }
0x81: {  	_ =	shalt  }
0x82: {  	_ =	shalt  }
0x83: {  	_ =	shalt  }
0x84: {  	_ =	shalt  }
0x85: {  	_ =	shalt  }
0x86: {  	_ =	shalt  }
0x87: {  	_ =	shalt  }
.Lfunc_end0:
.L_simem_size_0:
called_computation.2_lowered:
.L_overlay_start_0:
0x88: {  	s2 =	sld [smem:$0x3FD9]  }
0x89: {  	s3 =	sld [smem:$0x3FFE];
	_ =	sdelay $0x1  }
0x8a: {  	s1 =	srdreg.scid  }
0x8b: {  	s0 =	sand.u32 $0x1, s1  }
0x8c: {  	s17 =	sshll.u32 s0, $0xA;
	s2 =	sadd.s32 s3, s2  }
0x8d: {  	s2 =	sadd.s32 s2, s17  }
0x8e: {  	[smem:$0x3FC3] =	sst s2  }
0x8f: {  	_ = 	snop  }
0x90: {  	(tm) =	ssettm $0x1  }
0x91: {  	s18 =	sld [smem:$0x3FFB];
	_ =	sdelay $0x3  }
0x92: {  	_ =	strace s18  }
0x93: {  	s2 =	sld [smem:$0x3FFC];
	_ =	sdelay $0x3  }
0x94: {  	_ =	strace s2  }
0x95: {  	s2 =	sld [smem:$0x3FFD];
	_ =	sdelay $0x3  }
0x96: {  	_ =	strace s2  }
0x97: {  	_ =	strace $0x8FFFFFFF  }
0x98: {  	s19 =	sld [smem:$0x3FDB];
	_ =	sdelay $0x1  }
0x99: {  	s20 =	simm.s32 $_scs_section_size  }
0x9a: {  	s4 =	simm.s32 $_size__tile_overlayer_lowered;
	s5 =	simm.s32 $_tile_overlayer_lowered  }
0x9b: {  	s6 =	simm.s32 $0x1BFF;
	s21 =	sshll.u32 s5, $0x1;
	s3 =	sadd.s32 s20, s19  }
0x9c: {  	s22 =	simm.s32 $0x0;
	s4 =	sshll.u32 s4, $0x1;
	s5 =	sadd.s32 s21, s3  }
0x9d: {  	[timem:s22], [sflag:s6] =	dma.local [hbm:s5], s4  }
0x9e: {  	_ =	swait.ge [sflag:s6], s4  }
0x9f: {  	s4 =	ssub.s32 $0x0, s4;
	[sflag:s6] =	ssyncset.done $0x0  }
0xa0: {  	[sflag:s6] =	ssyncadd.s32 s4;
	_ =	sdelay $0x1  }
0xa1: {  	s23 =	simm.s32 $0x1B8B  }
0xa2: {  	_ =	swait.ge [sflag:s23], $0x1  }
0xa3: {  	[sflag:s23] =	ssyncset.done $0x0  }
0xa4: {  	[sflag:s23] =	ssyncadd.s32 $0xFFFFFFFF  }
0xa5: {  	s4 =	sld [smem:$0x0]  }
0xa6: {  	s5 =	sand.u32 $0xFFFFFFFE, s1  }
0xa7: {  	p0 =	sne.s32 s1, s5  }
0xa8: {  	s5 =	sshll.u32 @p0 s5, $0xE  }
0xa9: {  	s5 =	sadd.s32 @p0 $0x11B8D, s5;
	s6 =	sshll.u32 @p0 s4, $0x11  }
0xaa: {  	s5 =	sor.u32 @p0 s6, s5  }
0xab: {  	[sflag:s5] =	ssyncadd.remote.s32 @p0 $0x1;
	_ =	sdelay $0x1  }
0xac: {  	s5 =	simm.s32 @p0 $0x1B8D  }
0xad: {  	_ =	swait.eq @p0 [sflag:s5], $0x1  }
0xae: {  	[sflag:s5] =	ssyncadd.s32 @p0 $0xFFFFFFFF  }
0xaf: {  	s6 =	sshll.u32 @!p0 s1, $0xE  }
0xb0: {  	s6 =	sor.u32 @!p0 $0x4000, s6;
	s5 =	simm.s32 @!p0 $0x1B8D  }
0xb1: {  	s4 =	sshll.u32 @!p0 s4, $0x11;
	s6 =	sadd.s32 @!p0 $0x11B8D, s6;
	_ =	swait.eq @!p0 [sflag:s5], $0x1  }
0xb2: {  	s4 =	sor.u32 @!p0 s4, s6;
	[sflag:s5] =	ssyncadd.s32 @!p0 $0xFFFFFFFF  }
0xb3: {  	s25 =	simm.s32 $0x1B8E;
	s24 =	sld [smem:$0x3FFE];
	[sflag:s4] =	ssyncadd.remote.s32 @!p0 $0x1  }
0xb4: {  	s26 =	simm.s32 $execute0_lowered;
	[smem:$0x3FD2] =	sst s25  }
0xb5: {  	s5 =	sshll.u32 s26, $0x1;
	_ =	strace $0x80000049;
	[dreg:$0x1] =	wrdreg $0xFFFFFFFF  }
0xb6: {  	s28 =	simm.s32 $_size_execute0_lowered;
	s3 =	sadd.s32 s3, s5;
	[dreg:$0x0] =	wrdreg $0x0  }
0xb7: {  	s5 =	sshll.u32 s28, $0x1;
	[dreg:$0x2] =	wrdreg s3  }
0xb8: {  	[dreg:$0x3] =	wrdreg s5  }
0xb9: {  	[dreg:$0x4] =	wrdreg $0xC0  }
0xba: {  	_ =	task [dreg:s22], $0x5FFFF  }
0xbb: {  	[dreg:$0x1] =	wrdreg $0xFFFFFFFF  }
0xbc: {  	[dreg:$0x0] =	wrdreg $0x60  }
0xbd: {  	[dreg:$0x2] =	wrdreg s24  }
0xbe: {  	[dreg:$0x3] =	wrdreg $0xA  }
0xbf: {  	_ =	task.clear_ibuf [dreg:s22], $0x4FFFF;
	_ =	strace $0x90000049  }
0xc0: {  	s29 =	simm.s32 $0xA;
	_ =	strace $0x8000004B  }
0xc1: {  	_ =	swait.ge [sflag:s29], $0x1  }
0xc2: {  	[sflag:s29] =	ssyncadd.s32 $0xFFFFFFFF  }
0xc3: {  	_ =	strace $0x9000004B  }
0xc4: {  	_ =	sfence  }
0xc5: {  	s30 =	sld [smem:$0x0];
	_ =	sdelay $0x2  }
0xc6: {  	s31 =	sshll.u32 s1, $0xD;
	s1 =	sshrl.u32 s1, $0x2  }
0xc7: {  	s4 =	sand.u32 $0x4000, s31;
	s1 =	sadd.s32 s1, s30  }
0xc8: {  	s0 =	sor.u32 s4, s0;
	s1 =	sshll.u32 s1, $0x11  }
0xc9: {  	s0 =	sor.u32 s1, s0  }
0xca: {  	s0 =	sadd.s32 $0x8F2B, s0  }
0xcb: {  	[sflag:s0] =	ssyncadd.remote.s32 $0x1  }
0xcc: {  	_ =	sfence.sel $0xFFFF  }
0xcd: {  	[dreg:$0x0] =	wrdreg $0xFFFFFFFF;
	(pc) =	sbr.abs _section_cstart, $3  }
0xce: {  	[dreg:$0x1] =	wrdreg $0xFFFFFFFF  }
0xcf: {  	_ =	task.clear_ibuf [dreg:s22], $0x2FFFF;
	_ =	strace $0x9FFFFFFF  }
0xd0: {  	(tm) =	ssettm $0x7FFFFFFF  }
0xd1: {  	_ =	shalt  }
tec
execute0_lowered:
.L_overlay_start_1:
0x0: {  	(tag) =	ssettag $0x1  }
0x1: {  	s1 =	srdreg.scid  }
0x2: {  	s3 =	stileid.u32;
	s1 =	sand.u32 $0x1, s1  }
0x3: {  	s3 =	sshll.u32 s3, $0x9;
	s4 =	sshll.u32 s1, $0x8  }
0x4: {  	s0 =	rddreg [dreg:$0x0];
	s4 =	sor.u32 s4, s3  }
0x5: {  	s2 =	simm.s32 $0x0;
	s3 =	sadd.s32 $0x3600, s0;
	s0 =	sadd.s32 s4, s0  }
0x6: {  	[smem:$0x7FF] =	sst s2;
	s4 =	sadd.s32 $0x1600, s0  }
0x7: {  	_ =	strace $0x8000004A;
	s10 =	sadd.s32 $0x9C00, s0;
	[dreg:$0x2] =	wrdreg s4  }
0x8: {  	s11 =	sadd.s32 $0x63C00, s0;
	[dreg:$0x3] =	wrdreg s10  }
0x9: {  	s12 =	sadd.s32 $0x7DC00, s0;
	[dreg:$0x4] =	wrdreg s11  }
0xa: {  	s13 =	sadd.s32 $0x4BC00, s0;
	[dreg:$0x5] =	wrdreg s12  }
0xb: {  	s14 =	sadd.s32 $0x4DC00, s0;
	[dreg:$0x6] =	wrdreg s13  }
0xc: {  	s6 =	simm.s32 $0x800;
	s15 =	sadd.s32 $0x4FC00, s0;
	[dreg:$0x7] =	wrdreg s14  }
0xd: {  	s7 =	simm.s32 $0x1800;
	s16 =	sadd.s32 $0x51C00, s0;
	[dreg:$0x8] =	wrdreg s15  }
0xe: {  	s8 =	simm.s32 $0x2000;
	s17 =	sadd.s32 $0x53C00, s0;
	[dreg:$0x9] =	wrdreg s16  }
0xf: {  	s9 =	simm.s32 $0x1000;
	s18 =	sadd.s32 $0x55C00, s0;
	[dreg:$0xa] =	wrdreg s17  }
0x10: {  	s1 =	ssub.s32 $0x2, s1;
	s19 =	sadd.s32 $0x57C00, s0;
	[dreg:$0xb] =	wrdreg s18  }
0x11: {  	s5 =	sshrl.u32 s1, $0x1;
	s20 =	sadd.s32 $0x59C00, s0;
	[dreg:$0xc] =	wrdreg s19  }
0x12: {  	s1 =	ssub.s32 s1, s5;
	s21 =	sadd.s32 $0x5BC00, s0;
	[dreg:$0xd] =	wrdreg s20  }
0x13: {  	s5 =	simm.s32 $0x3800;
	s22 =	sadd.s32 $0x5DC00, s0;
	[dreg:$0xe] =	wrdreg s21  }
0x14: {  	s23 =	sadd.s32 $0x5FC00, s0;
	s24 =	sadd.s32 $0x61C00, s0;
	[dreg:$0xf] =	wrdreg s22  }
0x15: {  	s25 =	sadd.s32 $0x65C00, s0;
	s26 =	sadd.s32 $0x67C00, s0;
	[dreg:$0x10] =	wrdreg s23  }
0x16: {  	s28 =	sadd.s32 $0x73C00, s0;
	s29 =	sadd.s32 $0x75C00, s0;
	[dreg:$0x11] =	wrdreg s24  }
0x17: {  	s30 =	sadd.s32 $0x77C00, s0;
	s31 =	sadd.s32 $0x79C00, s0;
	[dreg:$0x12] =	wrdreg s25  }
0x18: {  	s1 =	smax.u32 s1, $0x1;
	[dreg:$0x13] =	wrdreg s26;
	s22 =	sadd.s32 $0x69C00, s0  }
0x19: {  	s23 =	sadd.s32 $0x6BC00, s0;
	s24 =	sadd.s32 $0x6DC00, s0;
	s25 =	sadd.s32 $0x6FC00, s0  }
0x1a: {  	s26 =	sadd.s32 $0x71C00, s0;
	s0 =	sadd.s32 $0x7BC00, s0;
	s4 =	simm.s32 $0x8  }
0x1b: {  	s10 =	simm.s32 $0x2800;
	s11 =	simm.s32 $0x1;
	s12 =	simm.s32 $0x4  }
0x1c: {  	s13 =	simm.s32 $0x2;
	s14 =	simm.s32 $0x5;
	s15 =	simm.s32 $0x3  }
0x1d: {  	s16 =	simm.s32 $0x6;
	s17 =	simm.s32 $0x7;
	s18 =	simm.s32 $0x0  }
.LBB2_1:
0x1e: {  	s19 =	rddreg [dreg:$0x2];
	s20 =	simm.s32 $0x3000  }
0x1f: {  	[tilespmem:s20], [sflag:$0x8] =	stream.linear.gather [hbm4b:s19+s2], $0x800, $0x38;
	[tilespmem:$0x4000] =	vst v63  }
0x20: {  	_ =	swait.ge [sflag:s4], $0x800  }
0x21: {  	[sflag:s4] =	ssyncset.done $0x0  }
0x22: {  	s21 =	rddreg [dreg:$0x3];
	[sflag:s4] =	ssyncadd.s32 $0xFFFFF800  }
0x23: {  	[tilespmem:s5], [sflag:$0x8] =	stream.linear.gather [hbm4b:s21+s2], $0x800, $0x38;
	[tilespmem:$0x4000] =	vst v63  }
0x24: {  	_ =	swait.ge [sflag:s4], $0x800  }
0x25: {  	[sflag:s4] =	ssyncset.done $0x0  }
0x26: {  	s20 =	rddreg [dreg:$0x4];
	[sflag:s4] =	ssyncadd.s32 $0xFFFFF800  }
0x27: {  	[hbm4b:s20+s2] =	stream.linear.scatter [tilespmem:s5], [sflag:$0x7], $0x800, $0x38;
	[tilespmem:$0x4000] =	vst v63  }
0x28: {  	s19 =	simm.s32 $0x0;
	s21 =	rddreg [dreg:$0x5]  }
0x29: {  	[hbm4b:s21+s2] =	stream.linear.scatter [tilespmem:s5], [sflag:$0x7], $0x800, $0x38;
	[tilespmem:$0x4000] =	vst v63  }
0x2a: {  	s20 =	simm.s32 $0x40;
	v0 =	vld [tilespmem:s19+$0x3000]  }
.LBB2_2:
0x2b: {  	p0 =	sne.s32 s20, $0x1FC0  }
.Ltmp0:
0x2c: {  	_ = 	snop;
	(pc) =	sbr.rel @p0 .LBB2_2-.Ltmp0, $3  }
0x2d: {  	_ =	sdelay $0x1  }
0x2e: {  	[tilespmem:s19+$0x0] =	vst v0;
	s19 =	sshra.s32 s20, $0x2;
	s20 =	sadd.s32 $0x40, s20  }
0x2f: {  	v0 =	vld [tilespmem:s19+$0x3000]  }
0x30: {  	_ =	sdelay $0x3  }
0x31: {  	s21 =	simm.s32 $0x0;
	[tilespmem:s19+$0x0] =	vst v0;
	s19 =	simm.s32 $0x0  }
0x32: {  	[tilespmem:s7], [sflag:$0x1] =	stream.indirect.gather [hbm4b:s3+s6], $0x1, s21, s6, $0xb8;
	[tilespmem:$0x4000] =	vst v63  }
0x33: {  	s20 =	simm.s32 $0x40;
	v0 =	vld [tilespmem:s19+$0x3000]  }
.LBB2_4:
0x34: {  	p0 =	sne.s32 s20, $0x1FC0  }
.Ltmp1:
0x35: {  	_ = 	snop;
	(pc) =	sbr.rel @p0 .LBB2_4-.Ltmp1, $3  }
0x36: {  	_ =	sdelay $0x1  }
0x37: {  	s21 =	sshra.s32 s20, $0x2;
	s20 =	sadd.s32 $0x40, s20;
	v1 =	vadd.s32 $0x1, v0  }
0x38: {  	v0 =	vld [tilespmem:s21+$0x3000];
	[tilespmem:s19+$0x800] =	vst v1;
	s19 =	smov.u32 s21  }
0x39: {  	_ =	sdelay $0x3  }
0x3a: {  	v0 =	vadd.s32 $0x1, v0  }
0x3b: {  	[tilespmem:s19+$0x800] =	vst v0;
	s19 =	simm.s32 $0x0  }
0x3c: {  	[tilespmem:s8], [sflag:$0x2] =	stream.indirect.gather [hbm4b:s3+s6], $0x1, s6, s6, $0xb8;
	[tilespmem:$0x4000] =	vst v63  }
0x3d: {  	s20 =	simm.s32 $0x40;
	v0 =	vld [tilespmem:s19+$0x3000]  }
.LBB2_6:
0x3e: {  	p0 =	sne.s32 s20, $0x1FC0  }
.Ltmp2:
0x3f: {  	_ = 	snop;
	(pc) =	sbr.rel @p0 .LBB2_6-.Ltmp2, $3  }
0x40: {  	_ =	sdelay $0x1  }
0x41: {  	s21 =	sshra.s32 s20, $0x2;
	s20 =	sadd.s32 $0x40, s20;
	v1 =	vadd.s32 $0x2, v0  }
0x42: {  	v0 =	vld [tilespmem:s21+$0x3000];
	[tilespmem:s19+$0x1000] =	vst v1;
	s19 =	smov.u32 s21  }
0x43: {  	_ =	sdelay $0x3  }
0x44: {  	v0 =	vadd.s32 $0x2, v0  }
0x45: {  	[tilespmem:s19+$0x1000] =	vst v0  }
0x46: {  	[tilespmem:s10], [sflag:$0x3] =	stream.indirect.gather [hbm4b:s3+s6], $0x1, s9, s6, $0xb8;
	[tilespmem:$0x4000] =	vst v63  }
0x47: {  	_ =	swait.ge [sflag:s11], $0x800  }
0x48: {  	[sflag:s11] =	ssyncset.done $0x0  }
0x49: {  	s21 =	simm.s32 $0x0;
	s20 =	rddreg [dreg:$0x6];
	[sflag:s11] =	ssyncadd.s32 $0xFFFFF800  }
0x4a: {  	[hbm4b:s20+s21] =	stream.linear.scatter [tilespmem:s7], [sflag:$0x4], $0x800, $0x38;
	[tilespmem:$0x4000] =	vst v63  }
0x4b: {  	_ =	swait.ge [sflag:s12], $0x800  }
0x4c: {  	[sflag:s12] =	ssyncset.done $0x0  }
0x4d: {  	s19 =	simm.s32 $0x0;
	[sflag:s12] =	ssyncadd.s32 $0xFFFFF800  }
0x4e: {  	s20 =	simm.s32 $0x40;
	v0 =	vld [tilespmem:s19+$0x3000]  }
.LBB2_8:
0x4f: {  	p0 =	sne.s32 s20, $0x1FC0  }
.Ltmp3:
0x50: {  	_ = 	snop;
	(pc) =	sbr.rel @p0 .LBB2_8-.Ltmp3, $3  }
0x51: {  	_ =	sdelay $0x1  }
0x52: {  	s21 =	sshra.s32 s20, $0x2;
	s20 =	sadd.s32 $0x40, s20;
	v1 =	vadd.s32 $0x3, v0  }
0x53: {  	v0 =	vld [tilespmem:s21+$0x3000];
	[tilespmem:s19+$0x0] =	vst v1;
	s19 =	smov.u32 s21  }
0x54: {  	_ =	sdelay $0x3  }
0x55: {  	v0 =	vadd.s32 $0x3, v0  }
0x56: {  	s21 =	simm.s32 $0x0;
	[tilespmem:s19+$0x0] =	vst v0  }
0x57: {  	[tilespmem:s7], [sflag:$0x1] =	stream.indirect.gather [hbm4b:s3+s6], $0x1, s21, s6, $0xb8;
	[tilespmem:$0x4000] =	vst v63  }
0x58: {  	_ =	swait.ge [sflag:s13], $0x800  }
0x59: {  	[sflag:s13] =	ssyncset.done $0x0  }
0x5a: {  	s20 =	rddreg [dreg:$0x7];
	[sflag:s13] =	ssyncadd.s32 $0xFFFFF800  }
0x5b: {  	[hbm4b:s20+s21] =	stream.linear.scatter [tilespmem:s8], [sflag:$0x5], $0x800, $0x38;
	[tilespmem:$0x4000] =	vst v63  }
0x5c: {  	_ =	swait.ge [sflag:s14], $0x800  }
0x5d: {  	[sflag:s14] =	ssyncset.done $0x0  }
0x5e: {  	s19 =	simm.s32 $0x0;
	[sflag:s14] =	ssyncadd.s32 $0xFFFFF800  }
0x5f: {  	s20 =	simm.s32 $0x40;
	v0 =	vld [tilespmem:s19+$0x3000]  }
.LBB2_10:
0x60: {  	p0 =	sne.s32 s20, $0x1FC0  }
.Ltmp4:
0x61: {  	_ = 	snop;
	(pc) =	sbr.rel @p0 .LBB2_10-.Ltmp4, $3  }
0x62: {  	_ =	sdelay $0x1  }
0x63: {  	s21 =	sshra.s32 s20, $0x2;
	s20 =	sadd.s32 $0x40, s20;
	v1 =	vadd.s32 $0x4, v0  }
0x64: {  	v0 =	vld [tilespmem:s21+$0x3000];
	[tilespmem:s19+$0x800] =	vst v1;
	s19 =	smov.u32 s21  }
0x65: {  	_ =	sdelay $0x3  }
0x66: {  	v0 =	vadd.s32 $0x4, v0  }
0x67: {  	[tilespmem:s19+$0x800] =	vst v0  }
0x68: {  	[tilespmem:s8], [sflag:$0x2] =	stream.indirect.gather [hbm4b:s3+s6], $0x1, s6, s6, $0xb8;
	[tilespmem:$0x4000] =	vst v63  }
0x69: {  	_ =	swait.ge [sflag:s15], $0x800  }
0x6a: {  	[sflag:s15] =	ssyncset.done $0x0  }
0x6b: {  	s21 =	simm.s32 $0x0;
	s20 =	rddreg [dreg:$0x8];
	[sflag:s15] =	ssyncadd.s32 $0xFFFFF800  }
0x6c: {  	[hbm4b:s20+s21] =	stream.linear.scatter [tilespmem:s10], [sflag:$0x6], $0x800, $0x38;
	[tilespmem:$0x4000] =	vst v63  }
0x6d: {  	_ =	swait.ge [sflag:s16], $0x800  }
0x6e: {  	[sflag:s16] =	ssyncset.done $0x0  }
0x6f: {  	s19 =	simm.s32 $0x0;
	[sflag:s16] =	ssyncadd.s32 $0xFFFFF800  }
0x70: {  	s20 =	simm.s32 $0x40;
	v0 =	vld [tilespmem:s19+$0x3000]  }
.LBB2_12:
0x71: {  	p0 =	sne.s32 s20, $0x1FC0  }
.Ltmp5:
0x72: {  	_ = 	snop;
	(pc) =	sbr.rel @p0 .LBB2_12-.Ltmp5, $3  }
0x73: {  	_ =	sdelay $0x1  }
0x74: {  	s21 =	sshra.s32 s20, $0x2;
	s20 =	sadd.s32 $0x40, s20;
	v1 =	vadd.s32 $0x804, v0  }
0x75: {  	v0 =	vld [tilespmem:s21+$0x3000];
	[tilespmem:s19+$0x1000] =	vst v1;
	s19 =	smov.u32 s21  }
0x76: {  	_ =	sdelay $0x3  }
0x77: {  	v0 =	vadd.s32 $0x804, v0  }
0x78: {  	[tilespmem:s19+$0x1000] =	vst v0  }
0x79: {  	[tilespmem:s10], [sflag:$0x3] =	stream.indirect.gather [hbm4b:s3+s6], $0x1, s9, s6, $0xb8;
	[tilespmem:$0x4000] =	vst v63  }
0x7a: {  	_ =	swait.ge [sflag:s11], $0x800  }
0x7b: {  	[sflag:s11] =	ssyncset.done $0x0  }
0x7c: {  	s21 =	simm.s32 $0x0;
	s20 =	rddreg [dreg:$0x9];
	[sflag:s11] =	ssyncadd.s32 $0xFFFFF800  }
0x7d: {  	[hbm4b:s20+s21] =	stream.linear.scatter [tilespmem:s7], [sflag:$0x4], $0x800, $0x38;
	[tilespmem:$0x4000] =	vst v63  }
0x7e: {  	_ =	swait.ge [sflag:s12], $0x800  }
0x7f: {  	[sflag:s12] =	ssyncset.done $0x0  }
0x80: {  	s19 =	simm.s32 $0x0;
	[sflag:s12] =	ssyncadd.s32 $0xFFFFF800  }
0x81: {  	s20 =	simm.s32 $0x40;
	v0 =	vld [tilespmem:s19+$0x3000]  }
.LBB2_14:
0x82: {  	p0 =	sne.s32 s20, $0x1FC0  }
.Ltmp6:
0x83: {  	_ = 	snop;
	(pc) =	sbr.rel @p0 .LBB2_14-.Ltmp6, $3  }
0x84: {  	_ =	sdelay $0x1  }
0x85: {  	s21 =	sshra.s32 s20, $0x2;
	s20 =	sadd.s32 $0x40, s20;
	v1 =	vadd.s32 $0x805, v0  }
0x86: {  	v0 =	vld [tilespmem:s21+$0x3000];
	[tilespmem:s19+$0x0] =	vst v1;
	s19 =	smov.u32 s21  }
0x87: {  	_ =	sdelay $0x3  }
0x88: {  	v0 =	vadd.s32 $0x805, v0  }
0x89: {  	s21 =	simm.s32 $0x0;
	[tilespmem:s19+$0x0] =	vst v0  }
0x8a: {  	[tilespmem:s7], [sflag:$0x1] =	stream.indirect.gather [hbm4b:s3+s6], $0x1, s21, s6, $0xb8;
	[tilespmem:$0x4000] =	vst v63  }
0x8b: {  	_ =	swait.ge [sflag:s13], $0x800  }
0x8c: {  	[sflag:s13] =	ssyncset.done $0x0  }
0x8d: {  	s20 =	rddreg [dreg:$0xa];
	[sflag:s13] =	ssyncadd.s32 $0xFFFFF800  }
0x8e: {  	[hbm4b:s20+s21] =	stream.linear.scatter [tilespmem:s8], [sflag:$0x5], $0x800, $0x38;
	[tilespmem:$0x4000] =	vst v63  }
0x8f: {  	_ =	swait.ge [sflag:s14], $0x800  }
0x90: {  	[sflag:s14] =	ssyncset.done $0x0  }
0x91: {  	s19 =	simm.s32 $0x0;
	[sflag:s14] =	ssyncadd.s32 $0xFFFFF800  }
0x92: {  	s20 =	simm.s32 $0x40;
	v0 =	vld [tilespmem:s19+$0x3000]  }
.LBB2_16:
0x93: {  	p0 =	sne.s32 s20, $0x1FC0  }
.Ltmp7:
0x94: {  	_ = 	snop;
	(pc) =	sbr.rel @p0 .LBB2_16-.Ltmp7, $3  }
0x95: {  	_ =	sdelay $0x1  }
0x96: {  	s21 =	sshra.s32 s20, $0x2;
	s20 =	sadd.s32 $0x40, s20;
	v1 =	vadd.s32 $0x806, v0  }
0x97: {  	v0 =	vld [tilespmem:s21+$0x3000];
	[tilespmem:s19+$0x800] =	vst v1;
	s19 =	smov.u32 s21  }
0x98: {  	_ =	sdelay $0x3  }
0x99: {  	v0 =	vadd.s32 $0x806, v0  }
0x9a: {  	[tilespmem:s19+$0x800] =	vst v0  }
0x9b: {  	[tilespmem:s8], [sflag:$0x2] =	stream.indirect.gather [hbm4b:s3+s6], $0x1, s6, s6, $0xb8;
	[tilespmem:$0x4000] =	vst v63  }
0x9c: {  	_ =	swait.ge [sflag:s15], $0x800  }
0x9d: {  	[sflag:s15] =	ssyncset.done $0x0  }
0x9e: {  	s21 =	simm.s32 $0x0;
	s20 =	rddreg [dreg:$0xb];
	[sflag:s15] =	ssyncadd.s32 $0xFFFFF800  }
0x9f: {  	[hbm4b:s20+s21] =	stream.linear.scatter [tilespmem:s10], [sflag:$0x6], $0x800, $0x38;
	[tilespmem:$0x4000] =	vst v63  }
0xa0: {  	_ =	swait.ge [sflag:s16], $0x800  }
0xa1: {  	[sflag:s16] =	ssyncset.done $0x0  }
0xa2: {  	s19 =	simm.s32 $0x0;
	[sflag:s16] =	ssyncadd.s32 $0xFFFFF800  }
0xa3: {  	s20 =	simm.s32 $0x40;
	v0 =	vld [tilespmem:s19+$0x3000]  }
.LBB2_18:
0xa4: {  	p0 =	sne.s32 s20, $0x1FC0  }
.Ltmp8:
0xa5: {  	_ = 	snop;
	(pc) =	sbr.rel @p0 .LBB2_18-.Ltmp8, $3  }
0xa6: {  	_ =	sdelay $0x1  }
0xa7: {  	s21 =	sshra.s32 s20, $0x2;
	s20 =	sadd.s32 $0x40, s20;
	v1 =	vadd.s32 $0x807, v0  }
0xa8: {  	v0 =	vld [tilespmem:s21+$0x3000];
	[tilespmem:s19+$0x1000] =	vst v1;
	s19 =	smov.u32 s21  }
0xa9: {  	_ =	sdelay $0x3  }
0xaa: {  	v0 =	vadd.s32 $0x807, v0  }
0xab: {  	[tilespmem:s19+$0x1000] =	vst v0  }
0xac: {  	[tilespmem:s10], [sflag:$0x3] =	stream.indirect.gather [hbm4b:s3+s6], $0x1, s9, s6, $0xb8;
	[tilespmem:$0x4000] =	vst v63  }
0xad: {  	_ =	swait.ge [sflag:s11], $0x800  }
0xae: {  	[sflag:s11] =	ssyncset.done $0x0  }
0xaf: {  	s21 =	simm.s32 $0x0;
	s20 =	rddreg [dreg:$0xc];
	[sflag:s11] =	ssyncadd.s32 $0xFFFFF800  }
0xb0: {  	[hbm4b:s20+s21] =	stream.linear.scatter [tilespmem:s7], [sflag:$0x4], $0x800, $0x38;
	[tilespmem:$0x4000] =	vst v63  }
0xb1: {  	_ =	swait.ge [sflag:s12], $0x800  }
0xb2: {  	[sflag:s12] =	ssyncset.done $0x0  }
0xb3: {  	s19 =	simm.s32 $0x0;
	[sflag:s12] =	ssyncadd.s32 $0xFFFFF800  }
0xb4: {  	s20 =	simm.s32 $0x40;
	v0 =	vld [tilespmem:s19+$0x3000]  }
.LBB2_20:
0xb5: {  	p0 =	sne.s32 s20, $0x1FC0  }
.Ltmp9:
0xb6: {  	_ = 	snop;
	(pc) =	sbr.rel @p0 .LBB2_20-.Ltmp9, $3  }
0xb7: {  	_ =	sdelay $0x1  }
0xb8: {  	s21 =	sshra.s32 s20, $0x2;
	s20 =	sadd.s32 $0x40, s20;
	v1 =	vadd.s32 $0x808, v0  }
0xb9: {  	v0 =	vld [tilespmem:s21+$0x3000];
	[tilespmem:s19+$0x0] =	vst v1;
	s19 =	smov.u32 s21  }
0xba: {  	_ =	sdelay $0x3  }
0xbb: {  	v0 =	vadd.s32 $0x808, v0  }
0xbc: {  	s21 =	simm.s32 $0x0;
	[tilespmem:s19+$0x0] =	vst v0  }
0xbd: {  	[tilespmem:s7], [sflag:$0x1] =	stream.indirect.gather [hbm4b:s3+s6], $0x1, s21, s6, $0xb8;
	[tilespmem:$0x4000] =	vst v63  }
0xbe: {  	_ =	swait.ge [sflag:s13], $0x800  }
0xbf: {  	[sflag:s13] =	ssyncset.done $0x0  }
0xc0: {  	s20 =	rddreg [dreg:$0xd];
	[sflag:s13] =	ssyncadd.s32 $0xFFFFF800  }
0xc1: {  	[hbm4b:s20+s21] =	stream.linear.scatter [tilespmem:s8], [sflag:$0x5], $0x800, $0x38;
	[tilespmem:$0x4000] =	vst v63  }
0xc2: {  	_ =	swait.ge [sflag:s14], $0x800  }
0xc3: {  	[sflag:s14] =	ssyncset.done $0x0  }
0xc4: {  	s19 =	simm.s32 $0x0;
	[sflag:s14] =	ssyncadd.s32 $0xFFFFF800  }
0xc5: {  	s20 =	simm.s32 $0x40;
	v0 =	vld [tilespmem:s19+$0x3000]  }
.LBB2_22:
0xc6: {  	p0 =	sne.s32 s20, $0x1FC0  }
.Ltmp10:
0xc7: {  	_ = 	snop;
	(pc) =	sbr.rel @p0 .LBB2_22-.Ltmp10, $3  }
0xc8: {  	_ =	sdelay $0x1  }
0xc9: {  	s21 =	sshra.s32 s20, $0x2;
	s20 =	sadd.s32 $0x40, s20;
	v1 =	vadd.s32 $0x1008, v0  }
0xca: {  	v0 =	vld [tilespmem:s21+$0x3000];
	[tilespmem:s19+$0x800] =	vst v1;
	s19 =	smov.u32 s21  }
0xcb: {  	_ =	sdelay $0x3  }
0xcc: {  	v0 =	vadd.s32 $0x1008, v0  }
0xcd: {  	[tilespmem:s19+$0x800] =	vst v0  }
0xce: {  	[tilespmem:s8], [sflag:$0x2] =	stream.indirect.gather [hbm4b:s3+s6], $0x1, s6, s6, $0xb8;
	[tilespmem:$0x4000] =	vst v63  }
0xcf: {  	_ =	swait.ge [sflag:s15], $0x800  }
0xd0: {  	[sflag:s15] =	ssyncset.done $0x0  }
0xd1: {  	s21 =	simm.s32 $0x0;
	s20 =	rddreg [dreg:$0xe];
	[sflag:s15] =	ssyncadd.s32 $0xFFFFF800  }
0xd2: {  	[hbm4b:s20+s21] =	stream.linear.scatter [tilespmem:s10], [sflag:$0x6], $0x800, $0x38;
	[tilespmem:$0x4000] =	vst v63  }
0xd3: {  	_ =	swait.ge [sflag:s16], $0x800  }
0xd4: {  	[sflag:s16] =	ssyncset.done $0x0  }
0xd5: {  	s19 =	simm.s32 $0x0;
	[sflag:s16] =	ssyncadd.s32 $0xFFFFF800  }
0xd6: {  	s20 =	simm.s32 $0x40;
	v0 =	vld [tilespmem:s19+$0x3000]  }
.LBB2_24:
0xd7: {  	p0 =	sne.s32 s20, $0x1FC0  }
.Ltmp11:
0xd8: {  	_ = 	snop;
	(pc) =	sbr.rel @p0 .LBB2_24-.Ltmp11, $3  }
0xd9: {  	_ =	sdelay $0x1  }
0xda: {  	s21 =	sshra.s32 s20, $0x2;
	s20 =	sadd.s32 $0x40, s20;
	v1 =	vadd.s32 $0x1009, v0  }
0xdb: {  	v0 =	vld [tilespmem:s21+$0x3000];
	[tilespmem:s19+$0x1000] =	vst v1;
	s19 =	smov.u32 s21  }
0xdc: {  	_ =	sdelay $0x3  }
0xdd: {  	v0 =	vadd.s32 $0x1009, v0  }
0xde: {  	[tilespmem:s19+$0x1000] =	vst v0  }
0xdf: {  	[tilespmem:s10], [sflag:$0x3] =	stream.indirect.gather [hbm4b:s3+s6], $0x1, s9, s6, $0xb8;
	[tilespmem:$0x4000] =	vst v63  }
0xe0: {  	_ =	swait.ge [sflag:s11], $0x800  }
0xe1: {  	[sflag:s11] =	ssyncset.done $0x0  }
0xe2: {  	s21 =	simm.s32 $0x0;
	s20 =	rddreg [dreg:$0xf];
	[sflag:s11] =	ssyncadd.s32 $0xFFFFF800  }
0xe3: {  	[hbm4b:s20+s21] =	stream.linear.scatter [tilespmem:s7], [sflag:$0x4], $0x800, $0x38;
	[tilespmem:$0x4000] =	vst v63  }
0xe4: {  	_ =	swait.ge [sflag:s12], $0x800  }
0xe5: {  	[sflag:s12] =	ssyncset.done $0x0  }
0xe6: {  	s19 =	simm.s32 $0x0;
	[sflag:s12] =	ssyncadd.s32 $0xFFFFF800  }
0xe7: {  	s20 =	simm.s32 $0x40;
	v0 =	vld [tilespmem:s19+$0x3000]  }
.LBB2_26:
0xe8: {  	p0 =	sne.s32 s20, $0x1FC0  }
.Ltmp12:
0xe9: {  	_ = 	snop;
	(pc) =	sbr.rel @p0 .LBB2_26-.Ltmp12, $3  }
0xea: {  	_ =	sdelay $0x1  }
0xeb: {  	s21 =	sshra.s32 s20, $0x2;
	s20 =	sadd.s32 $0x40, s20;
	v1 =	vadd.s32 $0x100B, v0  }
0xec: {  	v0 =	vld [tilespmem:s21+$0x3000];
	[tilespmem:s19+$0x0] =	vst v1;
	s19 =	smov.u32 s21  }
0xed: {  	_ =	sdelay $0x3  }
0xee: {  	v0 =	vadd.s32 $0x100B, v0  }
0xef: {  	s21 =	simm.s32 $0x0;
	[tilespmem:s19+$0x0] =	vst v0  }
0xf0: {  	[tilespmem:s7], [sflag:$0x1] =	stream.indirect.gather [hbm4b:s3+s6], $0x1, s21, s6, $0xb8;
	[tilespmem:$0x4000] =	vst v63  }
0xf1: {  	_ =	swait.ge [sflag:s13], $0x800  }
0xf2: {  	[sflag:s13] =	ssyncset.done $0x0  }
0xf3: {  	s20 =	rddreg [dreg:$0x10];
	[sflag:s13] =	ssyncadd.s32 $0xFFFFF800  }
0xf4: {  	[hbm4b:s20+s21] =	stream.linear.scatter [tilespmem:s8], [sflag:$0x5], $0x800, $0x38;
	[tilespmem:$0x4000] =	vst v63  }
0xf5: {  	_ =	swait.ge [sflag:s14], $0x800  }
0xf6: {  	[sflag:s14] =	ssyncset.done $0x0  }
0xf7: {  	s19 =	simm.s32 $0x0;
	[sflag:s14] =	ssyncadd.s32 $0xFFFFF800  }
0xf8: {  	s20 =	simm.s32 $0x40;
	v0 =	vld [tilespmem:s19+$0x3000]  }
.LBB2_28:
0xf9: {  	p0 =	sne.s32 s20, $0x1FC0  }
.Ltmp13:
0xfa: {  	_ = 	snop;
	(pc) =	sbr.rel @p0 .LBB2_28-.Ltmp13, $3  }
0xfb: {  	_ =	sdelay $0x1  }
0xfc: {  	s21 =	sshra.s32 s20, $0x2;
	s20 =	sadd.s32 $0x40, s20;
	v1 =	vadd.s32 $0x100C, v0  }
0xfd: {  	v0 =	vld [tilespmem:s21+$0x3000];
	[tilespmem:s19+$0x800] =	vst v1;
	s19 =	smov.u32 s21  }
0xfe: {  	_ =	sdelay $0x3  }
0xff: {  	v0 =	vadd.s32 $0x100C, v0  }
0x100: {  	[tilespmem:s19+$0x800] =	vst v0  }
0x101: {  	[tilespmem:s8], [sflag:$0x2] =	stream.indirect.gather [hbm4b:s3+s6], $0x1, s6, s6, $0xb8;
	[tilespmem:$0x4000] =	vst v63  }
0x102: {  	_ =	swait.ge [sflag:s15], $0x800  }
0x103: {  	[sflag:s15] =	ssyncset.done $0x0  }
0x104: {  	s21 =	simm.s32 $0x0;
	s20 =	rddreg [dreg:$0x11];
	[sflag:s15] =	ssyncadd.s32 $0xFFFFF800  }
0x105: {  	[hbm4b:s20+s21] =	stream.linear.scatter [tilespmem:s10], [sflag:$0x6], $0x800, $0x38;
	[tilespmem:$0x4000] =	vst v63  }
0x106: {  	_ =	swait.ge [sflag:s16], $0x800  }
0x107: {  	[sflag:s16] =	ssyncset.done $0x0  }
0x108: {  	s19 =	simm.s32 $0x0;
	[sflag:s16] =	ssyncadd.s32 $0xFFFFF800  }
0x109: {  	s20 =	simm.s32 $0x40;
	v0 =	vld [tilespmem:s19+$0x3000]  }
.LBB2_30:
0x10a: {  	p0 =	sne.s32 s20, $0x1FC0  }
.Ltmp14:
0x10b: {  	_ = 	snop;
	(pc) =	sbr.rel @p0 .LBB2_30-.Ltmp14, $3  }
0x10c: {  	_ =	sdelay $0x1  }
0x10d: {  	s21 =	sshra.s32 s20, $0x2;
	s20 =	sadd.s32 $0x40, s20;
	v1 =	vadd.s32 $0x180C, v0  }
0x10e: {  	v0 =	vld [tilespmem:s21+$0x3000];
	[tilespmem:s19+$0x1000] =	vst v1;
	s19 =	smov.u32 s21  }
0x10f: {  	_ =	sdelay $0x3  }
0x110: {  	v0 =	vadd.s32 $0x180C, v0  }
0x111: {  	[tilespmem:s19+$0x1000] =	vst v0  }
0x112: {  	[tilespmem:s10], [sflag:$0x3] =	stream.indirect.gather [hbm4b:s3+s6], $0x1, s9, s6, $0xb8;
	[tilespmem:$0x4000] =	vst v63  }
0x113: {  	_ =	swait.ge [sflag:s11], $0x800  }
0x114: {  	[sflag:s11] =	ssyncset.done $0x0  }
0x115: {  	s21 =	simm.s32 $0x0;
	s20 =	rddreg [dreg:$0x12];
	[sflag:s11] =	ssyncadd.s32 $0xFFFFF800  }
0x116: {  	[hbm4b:s20+s21] =	stream.linear.scatter [tilespmem:s7], [sflag:$0x4], $0x800, $0x38;
	[tilespmem:$0x4000] =	vst v63  }
0x117: {  	_ =	swait.ge [sflag:s12], $0x800  }
0x118: {  	[sflag:s12] =	ssyncset.done $0x0  }
0x119: {  	s19 =	simm.s32 $0x0;
	[sflag:s12] =	ssyncadd.s32 $0xFFFFF800  }
0x11a: {  	s20 =	simm.s32 $0x40;
	v0 =	vld [tilespmem:s19+$0x3000]  }
.LBB2_32:
0x11b: {  	p0 =	sne.s32 s20, $0x1FC0  }
.Ltmp15:
0x11c: {  	_ = 	snop;
	(pc) =	sbr.rel @p0 .LBB2_32-.Ltmp15, $3  }
0x11d: {  	_ =	sdelay $0x1  }
0x11e: {  	s21 =	sshra.s32 s20, $0x2;
	s20 =	sadd.s32 $0x40, s20;
	v1 =	vadd.s32 $0x180D, v0  }
0x11f: {  	v0 =	vld [tilespmem:s21+$0x3000];
	[tilespmem:s19+$0x0] =	vst v1;
	s19 =	smov.u32 s21  }
0x120: {  	_ =	sdelay $0x3  }
0x121: {  	v0 =	vadd.s32 $0x180D, v0  }
0x122: {  	s21 =	simm.s32 $0x0;
	[tilespmem:s19+$0x0] =	vst v0  }
0x123: {  	[tilespmem:s7], [sflag:$0x1] =	stream.indirect.gather [hbm4b:s3+s6], $0x1, s21, s6, $0xb8;
	[tilespmem:$0x4000] =	vst v63  }
0x124: {  	_ =	swait.ge [sflag:s13], $0x800  }
0x125: {  	[sflag:s13] =	ssyncset.done $0x0  }
0x126: {  	s20 =	rddreg [dreg:$0x13];
	[sflag:s13] =	ssyncadd.s32 $0xFFFFF800  }
0x127: {  	[hbm4b:s20+s21] =	stream.linear.scatter [tilespmem:s8], [sflag:$0x5], $0x800, $0x38;
	[tilespmem:$0x4000] =	vst v63  }
0x128: {  	_ =	swait.ge [sflag:s14], $0x800  }
0x129: {  	[sflag:s14] =	ssyncset.done $0x0  }
0x12a: {  	s19 =	simm.s32 $0x0;
	[sflag:s14] =	ssyncadd.s32 $0xFFFFF800  }
0x12b: {  	s20 =	simm.s32 $0x40;
	v0 =	vld [tilespmem:s19+$0x3000]  }
.LBB2_34:
0x12c: {  	p0 =	sne.s32 s20, $0x1FC0  }
.Ltmp16:
0x12d: {  	_ = 	snop;
	(pc) =	sbr.rel @p0 .LBB2_34-.Ltmp16, $3  }
0x12e: {  	_ =	sdelay $0x1  }
0x12f: {  	s21 =	sshra.s32 s20, $0x2;
	s20 =	sadd.s32 $0x40, s20;
	v1 =	vadd.s32 $0x180E, v0  }
0x130: {  	v0 =	vld [tilespmem:s21+$0x3000];
	[tilespmem:s19+$0x800] =	vst v1;
	s19 =	smov.u32 s21  }
0x131: {  	_ =	sdelay $0x3  }
0x132: {  	v0 =	vadd.s32 $0x180E, v0  }
0x133: {  	[tilespmem:s19+$0x800] =	vst v0  }
0x134: {  	[tilespmem:s8], [sflag:$0x2] =	stream.indirect.gather [hbm4b:s3+s6], $0x1, s6, s6, $0xb8;
	[tilespmem:$0x4000] =	vst v63  }
0x135: {  	_ =	swait.ge [sflag:s15], $0x800  }
0x136: {  	[sflag:s15] =	ssyncset.done $0x0  }
0x137: {  	s21 =	simm.s32 $0x0;
	[sflag:s15] =	ssyncadd.s32 $0xFFFFF800  }
0x138: {  	[hbm4b:s22+s21] =	stream.linear.scatter [tilespmem:s10], [sflag:$0x6], $0x800, $0x38;
	[tilespmem:$0x4000] =	vst v63  }
0x139: {  	_ =	swait.ge [sflag:s16], $0x800  }
0x13a: {  	[sflag:s16] =	ssyncset.done $0x0  }
0x13b: {  	s19 =	simm.s32 $0x0;
	[sflag:s16] =	ssyncadd.s32 $0xFFFFF800  }
0x13c: {  	s20 =	simm.s32 $0x40;
	v0 =	vld [tilespmem:s19+$0x3000]  }
.LBB2_36:
0x13d: {  	p0 =	sne.s32 s20, $0x1FC0  }
.Ltmp17:
0x13e: {  	_ = 	snop;
	(pc) =	sbr.rel @p0 .LBB2_36-.Ltmp17, $3  }
0x13f: {  	_ =	sdelay $0x1  }
0x140: {  	s21 =	sshra.s32 s20, $0x2;
	s20 =	sadd.s32 $0x40, s20;
	v1 =	vadd.s32 $0x180F, v0  }
0x141: {  	v0 =	vld [tilespmem:s21+$0x3000];
	[tilespmem:s19+$0x1000] =	vst v1;
	s19 =	smov.u32 s21  }
0x142: {  	_ =	sdelay $0x3  }
0x143: {  	v0 =	vadd.s32 $0x180F, v0  }
0x144: {  	[tilespmem:s19+$0x1000] =	vst v0  }
0x145: {  	[tilespmem:s10], [sflag:$0x3] =	stream.indirect.gather [hbm4b:s3+s6], $0x1, s9, s6, $0xb8;
	[tilespmem:$0x4000] =	vst v63  }
0x146: {  	_ =	swait.ge [sflag:s11], $0x800  }
0x147: {  	[sflag:s11] =	ssyncset.done $0x0  }
0x148: {  	s21 =	simm.s32 $0x0;
	[sflag:s11] =	ssyncadd.s32 $0xFFFFF800  }
0x149: {  	[hbm4b:s23+s21] =	stream.linear.scatter [tilespmem:s7], [sflag:$0x4], $0x800, $0x38;
	[tilespmem:$0x4000] =	vst v63  }
0x14a: {  	_ =	swait.ge [sflag:s12], $0x800  }
0x14b: {  	[sflag:s12] =	ssyncset.done $0x0  }
0x14c: {  	s19 =	simm.s32 $0x0;
	[sflag:s12] =	ssyncadd.s32 $0xFFFFF800  }
0x14d: {  	s20 =	simm.s32 $0x40;
	v0 =	vld [tilespmem:s19+$0x3000]  }
.LBB2_38:
0x14e: {  	p0 =	sne.s32 s20, $0x1FC0  }
.Ltmp18:
0x14f: {  	_ = 	snop;
	(pc) =	sbr.rel @p0 .LBB2_38-.Ltmp18, $3  }
0x150: {  	_ =	sdelay $0x1  }
0x151: {  	s21 =	sshra.s32 s20, $0x2;
	s20 =	sadd.s32 $0x40, s20;
	v1 =	vadd.s32 $0x1810, v0  }
0x152: {  	v0 =	vld [tilespmem:s21+$0x3000];
	[tilespmem:s19+$0x0] =	vst v1;
	s19 =	smov.u32 s21  }
0x153: {  	_ =	sdelay $0x3  }
0x154: {  	v0 =	vadd.s32 $0x1810, v0  }
0x155: {  	s21 =	simm.s32 $0x0;
	[tilespmem:s19+$0x0] =	vst v0  }
0x156: {  	[tilespmem:s7], [sflag:$0x1] =	stream.indirect.gather [hbm4b:s3+s6], $0x1, s21, s6, $0xb8;
	[tilespmem:$0x4000] =	vst v63  }
0x157: {  	_ =	swait.ge [sflag:s13], $0x800  }
0x158: {  	[sflag:s13] =	ssyncset.done $0x0  }
0x159: {  	[sflag:s13] =	ssyncadd.s32 $0xFFFFF800  }
0x15a: {  	[hbm4b:s24+s21] =	stream.linear.scatter [tilespmem:s8], [sflag:$0x5], $0x800, $0x38;
	[tilespmem:$0x4000] =	vst v63  }
0x15b: {  	_ =	swait.ge [sflag:s14], $0x800  }
0x15c: {  	[sflag:s14] =	ssyncset.done $0x0  }
0x15d: {  	s19 =	simm.s32 $0x0;
	[sflag:s14] =	ssyncadd.s32 $0xFFFFF800  }
0x15e: {  	s20 =	simm.s32 $0x40;
	v0 =	vld [tilespmem:s19+$0x3000]  }
.LBB2_40:
0x15f: {  	p0 =	sne.s32 s20, $0x1FC0  }
.Ltmp19:
0x160: {  	_ = 	snop;
	(pc) =	sbr.rel @p0 .LBB2_40-.Ltmp19, $3  }
0x161: {  	_ =	sdelay $0x1  }
0x162: {  	s21 =	sshra.s32 s20, $0x2;
	s20 =	sadd.s32 $0x40, s20;
	v1 =	vadd.s32 $0x2010, v0  }
0x163: {  	v0 =	vld [tilespmem:s21+$0x3000];
	[tilespmem:s19+$0x800] =	vst v1;
	s19 =	smov.u32 s21  }
0x164: {  	_ =	sdelay $0x3  }
0x165: {  	v0 =	vadd.s32 $0x2010, v0  }
0x166: {  	[tilespmem:s19+$0x800] =	vst v0  }
0x167: {  	[tilespmem:s8], [sflag:$0x2] =	stream.indirect.gather [hbm4b:s3+s6], $0x1, s6, s6, $0xb8;
	[tilespmem:$0x4000] =	vst v63  }
0x168: {  	_ =	swait.ge [sflag:s15], $0x800  }
0x169: {  	[sflag:s15] =	ssyncset.done $0x0  }
0x16a: {  	s21 =	simm.s32 $0x0;
	[sflag:s15] =	ssyncadd.s32 $0xFFFFF800  }
0x16b: {  	[hbm4b:s25+s21] =	stream.linear.scatter [tilespmem:s10], [sflag:$0x6], $0x800, $0x38;
	[tilespmem:$0x4000] =	vst v63  }
0x16c: {  	_ =	swait.ge [sflag:s16], $0x800  }
0x16d: {  	[sflag:s16] =	ssyncset.done $0x0  }
0x16e: {  	s19 =	simm.s32 $0x0;
	[sflag:s16] =	ssyncadd.s32 $0xFFFFF800  }
0x16f: {  	s20 =	simm.s32 $0x40;
	v0 =	vld [tilespmem:s19+$0x3000]  }
.LBB2_42:
0x170: {  	p0 =	sne.s32 s20, $0x1FC0  }
.Ltmp20:
0x171: {  	_ = 	snop;
	(pc) =	sbr.rel @p0 .LBB2_42-.Ltmp20, $3  }
0x172: {  	_ =	sdelay $0x1  }
0x173: {  	s21 =	sshra.s32 s20, $0x2;
	s20 =	sadd.s32 $0x40, s20;
	v1 =	vadd.s32 $0x2011, v0  }
0x174: {  	v0 =	vld [tilespmem:s21+$0x3000];
	[tilespmem:s19+$0x1000] =	vst v1;
	s19 =	smov.u32 s21  }
0x175: {  	_ =	sdelay $0x3  }
0x176: {  	v0 =	vadd.s32 $0x2011, v0  }
0x177: {  	[tilespmem:s19+$0x1000] =	vst v0  }
0x178: {  	[tilespmem:s10], [sflag:$0x3] =	stream.indirect.gather [hbm4b:s3+s6], $0x1, s9, s6, $0xb8;
	[tilespmem:$0x4000] =	vst v63  }
0x179: {  	_ =	swait.ge [sflag:s11], $0x800  }
0x17a: {  	[sflag:s11] =	ssyncset.done $0x0  }
0x17b: {  	s21 =	simm.s32 $0x0;
	[sflag:s11] =	ssyncadd.s32 $0xFFFFF800  }
0x17c: {  	[hbm4b:s26+s21] =	stream.linear.scatter [tilespmem:s7], [sflag:$0x4], $0x800, $0x38;
	[tilespmem:$0x4000] =	vst v63  }
0x17d: {  	_ =	swait.ge [sflag:s12], $0x800  }
0x17e: {  	[sflag:s12] =	ssyncset.done $0x0  }
0x17f: {  	s19 =	simm.s32 $0x0;
	[sflag:s12] =	ssyncadd.s32 $0xFFFFF800  }
0x180: {  	s20 =	simm.s32 $0x40;
	v0 =	vld [tilespmem:s19+$0x3000]  }
.LBB2_44:
0x181: {  	p0 =	sne.s32 s20, $0x1FC0  }
.Ltmp21:
0x182: {  	_ = 	snop;
	(pc) =	sbr.rel @p0 .LBB2_44-.Ltmp21, $3  }
0x183: {  	_ =	sdelay $0x1  }
0x184: {  	s21 =	sshra.s32 s20, $0x2;
	s20 =	sadd.s32 $0x40, s20;
	v1 =	vadd.s32 $0x2012, v0  }
0x185: {  	v0 =	vld [tilespmem:s21+$0x3000];
	[tilespmem:s19+$0x0] =	vst v1;
	s19 =	smov.u32 s21  }
0x186: {  	_ =	sdelay $0x3  }
0x187: {  	v0 =	vadd.s32 $0x2012, v0  }
0x188: {  	s21 =	simm.s32 $0x0;
	[tilespmem:s19+$0x0] =	vst v0  }
0x189: {  	[tilespmem:s7], [sflag:$0x1] =	stream.indirect.gather [hbm4b:s3+s6], $0x1, s21, s6, $0xb8;
	[tilespmem:$0x4000] =	vst v63  }
0x18a: {  	_ =	swait.ge [sflag:s13], $0x800  }
0x18b: {  	[sflag:s13] =	ssyncset.done $0x0  }
0x18c: {  	[sflag:s13] =	ssyncadd.s32 $0xFFFFF800  }
0x18d: {  	[hbm4b:s28+s21] =	stream.linear.scatter [tilespmem:s8], [sflag:$0x5], $0x800, $0x38;
	[tilespmem:$0x4000] =	vst v63  }
0x18e: {  	_ =	swait.ge [sflag:s14], $0x800  }
0x18f: {  	[sflag:s14] =	ssyncset.done $0x0  }
0x190: {  	s19 =	simm.s32 $0x0;
	[sflag:s14] =	ssyncadd.s32 $0xFFFFF800  }
0x191: {  	s20 =	simm.s32 $0x40;
	v0 =	vld [tilespmem:s19+$0x3000]  }
.LBB2_46:
0x192: {  	p0 =	sne.s32 s20, $0x1FC0  }
.Ltmp22:
0x193: {  	_ = 	snop;
	(pc) =	sbr.rel @p0 .LBB2_46-.Ltmp22, $3  }
0x194: {  	_ =	sdelay $0x1  }
0x195: {  	s21 =	sshra.s32 s20, $0x2;
	s20 =	sadd.s32 $0x40, s20;
	v1 =	vadd.s32 $0x2013, v0  }
0x196: {  	v0 =	vld [tilespmem:s21+$0x3000];
	[tilespmem:s19+$0x800] =	vst v1;
	s19 =	smov.u32 s21  }
0x197: {  	_ =	sdelay $0x3  }
0x198: {  	v0 =	vadd.s32 $0x2013, v0  }
0x199: {  	[tilespmem:s19+$0x800] =	vst v0  }
0x19a: {  	[tilespmem:s8], [sflag:$0x2] =	stream.indirect.gather [hbm4b:s3+s6], $0x1, s6, s6, $0xb8;
	[tilespmem:$0x4000] =	vst v63  }
0x19b: {  	_ =	swait.ge [sflag:s15], $0x800  }
0x19c: {  	[sflag:s15] =	ssyncset.done $0x0  }
0x19d: {  	s21 =	simm.s32 $0x0;
	[sflag:s15] =	ssyncadd.s32 $0xFFFFF800  }
0x19e: {  	[hbm4b:s29+s21] =	stream.linear.scatter [tilespmem:s10], [sflag:$0x6], $0x800, $0x38;
	[tilespmem:$0x4000] =	vst v63  }
0x19f: {  	_ =	swait.ge [sflag:s16], $0x800  }
0x1a0: {  	[sflag:s16] =	ssyncset.done $0x0  }
0x1a1: {  	s19 =	simm.s32 $0x0;
	[sflag:s16] =	ssyncadd.s32 $0xFFFFF800  }
0x1a2: {  	s20 =	simm.s32 $0x40;
	v0 =	vld [tilespmem:s19+$0x3000]  }
.LBB2_48:
0x1a3: {  	p0 =	sne.s32 s20, $0x1FC0  }
.Ltmp23:
0x1a4: {  	_ = 	snop;
	(pc) =	sbr.rel @p0 .LBB2_48-.Ltmp23, $3  }
0x1a5: {  	_ =	sdelay $0x1  }
0x1a6: {  	s21 =	sshra.s32 s20, $0x2;
	s20 =	sadd.s32 $0x40, s20;
	v1 =	vadd.s32 $0x2014, v0  }
0x1a7: {  	v0 =	vld [tilespmem:s21+$0x3000];
	[tilespmem:s19+$0x1000] =	vst v1;
	s19 =	smov.u32 s21  }
0x1a8: {  	_ =	sdelay $0x3  }
0x1a9: {  	v0 =	vadd.s32 $0x2014, v0  }
0x1aa: {  	[tilespmem:s19+$0x1000] =	vst v0  }
0x1ab: {  	[tilespmem:s10], [sflag:$0x3] =	stream.indirect.gather [hbm4b:s3+s6], $0x1, s9, s6, $0xb8;
	[tilespmem:$0x4000] =	vst v63  }
0x1ac: {  	_ =	swait.ge [sflag:s11], $0x800  }
0x1ad: {  	[sflag:s11] =	ssyncset.done $0x0  }
0x1ae: {  	[sflag:s11] =	ssyncadd.s32 $0xFFFFF800  }
0x1af: {  	[hbm4b:s30+s2] =	stream.linear.scatter [tilespmem:s7], [sflag:$0x4], $0x800, $0x38;
	[tilespmem:$0x4000] =	vst v63  }
0x1b0: {  	_ =	swait.ge [sflag:s12], $0x800  }
0x1b1: {  	[sflag:s12] =	ssyncset.done $0x0  }
0x1b2: {  	[sflag:s12] =	ssyncadd.s32 $0xFFFFF800  }
0x1b3: {  	_ =	swait.ge [sflag:s13], $0x800  }
0x1b4: {  	[sflag:s13] =	ssyncset.done $0x0  }
0x1b5: {  	[sflag:s13] =	ssyncadd.s32 $0xFFFFF800  }
0x1b6: {  	[hbm4b:s31+s2] =	stream.linear.scatter [tilespmem:s8], [sflag:$0x5], $0x800, $0x38;
	[tilespmem:$0x4000] =	vst v63  }
0x1b7: {  	_ =	swait.ge [sflag:s14], $0x800  }
0x1b8: {  	[sflag:s14] =	ssyncset.done $0x0  }
0x1b9: {  	[sflag:s14] =	ssyncadd.s32 $0xFFFFF800  }
0x1ba: {  	_ =	swait.ge [sflag:s15], $0x800  }
0x1bb: {  	[sflag:s15] =	ssyncset.done $0x0  }
0x1bc: {  	[sflag:s15] =	ssyncadd.s32 $0xFFFFF800  }
0x1bd: {  	[hbm4b:s0+s2] =	stream.linear.scatter [tilespmem:s10], [sflag:$0x6], $0x800, $0x38;
	[tilespmem:$0x4000] =	vst v63  }
0x1be: {  	_ =	swait.ge [sflag:s16], $0x800  }
0x1bf: {  	[sflag:s16] =	ssyncset.done $0x0  }
0x1c0: {  	s18 =	sadd.s32 $0x1, s18;
	[sflag:s16] =	ssyncadd.s32 $0xFFFFF800  }
0x1c1: {  	p0 =	sne.s32 s18, s1;
	_ =	swait.ge [sflag:s17], $0x800  }
.Ltmp24:
0x1c2: {  	[sflag:s17] =	ssyncset.done $0x0;
	(pc) =	sbr.rel @p0 .LBB2_1-.Ltmp24, $4  }
0x1c3: {  	[sflag:s17] =	ssyncadd.s32 $0xFFFFF800  }
0x1c4: {  	_ =	swait.ge [sflag:s17], $0x800  }
0x1c5: {  	[sflag:s17] =	ssyncset.done $0x0  }
0x1c6: {  	[sflag:s17] =	ssyncadd.s32 $0xFFFFF800  }
0x1c7: {  	_ =	sfence.sel $0x180000  }
0x1c8: {  	[bflag:$0x0] =	sbarrier.arrive $0xFFFF  }
0x1c9: {  	_ =	strace $0x9000004A  }
0x1ca: {  	s0 =	stileid.u32;
	[bflag:$0x2] =	sbarrier.arrive $0xFFFF  }
0x1cb: {  	p0 =	sne.s32 s0, $0x0;
	s0 =	rddreg [dreg:$0x1]  }
0x1cc: {  	s0 =	sadd.s32 @!p0 $0x100000, s0  }
0x1cd: {  	[sflag:s0] =	ssyncadd.tile.s32 @!p0 $0x1;
	_ =	shalt  }
.Lfunc_end2:
_tile_overlayer_lowered:
.L_overlay_start_2:
0x1ce: {  	(tag) =	ssettag $0x2  }
0x1cf: {  	s0 =	rddreg [dreg:$0x0];
	s2 =	stileid.u32  }
0x1d0: {  	s1 =	rddreg [dreg:$0x1];
	p0 =	sne.s32 s2, $0x0  }
0x1d1: {  	s3 =	rddreg [dreg:$0x2];
	[bflag:$0x3] =	sbarrier.arrive $0xFFFF;
	s2 =	simm.s32 @!p0 $0x1C08  }
0x1d2: {  	[timem:s3], [sflag:s2] =	dma.local @!p0 [hbm:s0], s1  }
0x1d3: {  	s0 =	simm.s32 @!p0 $0x8  }
0x1d4: {  	_ =	swait.ge @!p0 [sflag:s0], s1  }
0x1d5: {  	s1 =	ssub.s32 @!p0 $0x0, s1;
	[sflag:s0] =	ssyncset.done @!p0 $0x0  }
0x1d6: {  	[sflag:s0] =	ssyncadd.s32 @!p0 s1  }
0x1d7: {  	[bflag:$0x3] =	sbarrier.arrive $0xFFFF  }
0x1d8: {  	_ =	shalt  }

// kernel: kernel.17.cloned.1.call-start
scs
__scs_entry_jumppad:
0x0: {  	(pc) =	sbr.rel $0x88, $3  }
0x1: {  	(tag) =	ssettag $0x0;
	lr =	simm.s32 $0x1  }
0x2: {  	[smem:$0x3F9C] =	sst lr;
	_ =	strace $0xD0000000  }
0x3: {  	_ = 	snop  }
0x4: {  	_ = 	snop  }
0x5: {  	_ = 	snop  }
0x6: {  	_ = 	snop  }
0x7: {  	_ = 	snop  }
__scs_overlays_trampoline_lowered:
0x8: {  	[smem:$0x3FAB] =	sst s0  }
0x9: {  	[smem:$0x3FAC] =	sst s1  }
0xa: {  	[smem:$0x3FAD] =	sst s2  }
0xb: {  	[smem:$0x3FAE] =	sst s3  }
0xc: {  	[smem:$0x3FAF] =	sst s4  }
0xd: {  	[smem:$0x3FB0] =	sst s5  }
0xe: {  	[smem:$0x3FB1] =	sst s6  }
0xf: {  	[smem:$0x3FB2] =	sst s7  }
0x10: {  	[smem:$0x3FB3] =	sst s8  }
0x11: {  	[smem:$0x3FB4] =	sst s9;
	s0 =	simm.s32 @!p0 $0x0  }
0x12: {  	s1 =	sld [smem:$0x3F9A];
	s0 =	simm.s32 @p0 $0x1  }
0x13: {  	[smem:$0x3FB5] =	sst s0;
	s0 =	simm.s32 @!p1 $0x0  }
0x14: {  	s2 =	sld [smem:$0x3F99];
	s0 =	simm.s32 @p1 $0x1  }
0x15: {  	[smem:$0x3FB6] =	sst s0;
	s0 =	simm.s32 @!p2 $0x0  }
0x16: {  	s3 =	sld [smem:$0x3FDB];
	s0 =	simm.s32 @p2 $0x1  }
0x17: {  	s4 =	simm.s32 $0x1BF5;
	[smem:$0x3FB8] =	sst s0  }
0x18: {  	s0 =	sld [smem:$0x3F9B];
	_ =	swait.ge [sflag:s4], $0x0  }
0x19: {  	s7 =	sld [smem:$0x3F9C]  }
0x1a: {  	s8 =	sadd.s32 $0xFFFFE003, lr  }
0x1b: {  	s9 =	sadd.s32 $0xFFFFFEF7, lr;
	s5 =	simm.s32 $0xFFFFFFFF;
	p2 =	slt.u32 s8, $0xFFFFF086  }
0x1c: {  	p1 =	slt.u32 s9, $0xF7A;
	s5 =	simm.s32 @!p2 $0x0  }
0x1d: {  	s5 =	simm.s32 @p1 $0x1;
	p0 =	seq.s32 s7, s2  }
0x1e: {  	s7 =	smul.u32 @!p0 $0xF7A, s2;
	p2 =	seq.s32 @!p0 s5, $0x0  }
0x1f: {  	s9 =	smul.u32 $0xF7A, s1;
	s8 =	simm.s32 @!p0 $0x1BF5;
	p2 =	por !p2, p0  }
0x20: {  	[sflag:s8] =	ssyncset.s32 @!p0 $0xFFFFF086;
	s6 =	sadd.s32 @!p0 s3, s7;
	s7 =	simm.s32 @!p0 $0x108  }
0x21: {  	s3 =	sadd.s32 s3, s9;
	s6 =	sadd.s32 @!p0 $0x88, s6;
	s7 =	simm.s32 @p2 $0x1082  }
0x22: {  	[simem:s7], [sflag:s8] =	dma.local @!p0 [hbm:s6], $0xF7A  }
0x23: {  	s9 =	sor.u32 $0xD0000000, s2;
	s6 =	simm.s32 $0x108;
	_ =	swait.ge @!p0 [sflag:s8], $0x0  }
0x24: {  	s3 =	sadd.s32 $0x88, s3;
	s6 =	simm.s32 @!p1 $0x1082;
	[sflag:s4] =	ssyncset.s32 $0xFFFFF086  }
0x25: {  	[simem:s6], [sflag:s4] =	dma.local [hbm:s3], $0xF7A  }
0x26: {  	[smem:$0x3F9C] =	sst s1;
	(tag) =	ssettag s2;
	_ =	strace s9  }
0x27: {  	s1 =	sld [smem:$0x3FAC]  }
0x28: {  	s2 =	sld [smem:$0x3FAD]  }
0x29: {  	s4 =	sld [smem:$0x3FAF]  }
0x2a: {  	p0 =	seq.s32 s5, $0x0;
	s5 =	sld [smem:$0x3FB0]  }
0x2b: {  	s6 =	sld [smem:$0x3FB1]  }
0x2c: {  	s7 =	sld [smem:$0x3FB2]  }
0x2d: {  	s3 =	simm.s32 $0x108;
	s8 =	sld [smem:$0x3FB3]  }
0x2e: {  	s3 =	simm.s32 @!p0 $0x1082;
	s9 =	sld [smem:$0x3FB4]  }
0x2f: {  	lr =	sadd.s32 s0, s3;
	s0 =	sld [smem:$0x3FAB]  }
0x30: {  	s3 =	sld [smem:$0x3FAE]  }
0x31: {  	[smem:$0x3FB7] =	sst s10  }
0x32: {  	s10 =	sld [smem:$0x3FB5];
	_ =	sdelay $0x3  }
0x33: {  	p0 =	seq.s32 s10, $0x1;
	s10 =	sld [smem:$0x3FB7];
	_ =	sdelay $0x3  }
0x34: {  	[smem:$0x3FB7] =	sst s10  }
0x35: {  	s10 =	sld [smem:$0x3FB6];
	_ =	sdelay $0x3  }
0x36: {  	p1 =	seq.s32 s10, $0x1;
	s10 =	sld [smem:$0x3FB7];
	_ =	sdelay $0x3  }
0x37: {  	[smem:$0x3FB7] =	sst s10  }
0x38: {  	s10 =	sld [smem:$0x3FB8]  }
0x39: {  	_ = 	snop;
	(pc) =	sbr.ind lr, $3  }
0x3a: {  	_ = 	snop  }
0x3b: {  	_ = 	snop  }
0x3c: {  	p2 =	seq.s32 s10, $0x1;
	s10 =	sld [smem:$0x3FB7]  }
0x3d: {  	_ =	shalt  }
0x3e: {  	_ =	shalt  }
0x3f: {  	_ =	shalt  }
0x40: {  	_ =	shalt  }
0x41: {  	_ =	shalt  }
0x42: {  	_ =	shalt  }
0x43: {  	_ =	shalt  }
0x44: {  	_ =	shalt  }
0x45: {  	_ =	shalt  }
0x46: {  	_ =	shalt  }
0x47: {  	_ =	shalt  }
0x48: {  	_ =	shalt  }
0x49: {  	_ =	shalt  }
0x4a: {  	_ =	shalt  }
0x4b: {  	_ =	shalt  }
0x4c: {  	_ =	shalt  }
0x4d: {  	_ =	shalt  }
0x4e: {  	_ =	shalt  }
0x4f: {  	_ =	shalt  }
0x50: {  	_ =	shalt  }
0x51: {  	_ =	shalt  }
0x52: {  	_ =	shalt  }
0x53: {  	_ =	shalt  }
0x54: {  	_ =	shalt  }
0x55: {  	_ =	shalt  }
0x56: {  	_ =	shalt  }
0x57: {  	_ =	shalt  }
0x58: {  	_ =	shalt  }
0x59: {  	_ =	shalt  }
0x5a: {  	_ =	shalt  }
0x5b: {  	_ =	shalt  }
0x5c: {  	_ =	shalt  }
0x5d: {  	_ =	shalt  }
0x5e: {  	_ =	shalt  }
0x5f: {  	_ =	shalt  }
0x60: {  	_ =	shalt  }
0x61: {  	_ =	shalt  }
0x62: {  	_ =	shalt  }
0x63: {  	_ =	shalt  }
0x64: {  	_ =	shalt  }
0x65: {  	_ =	shalt  }
0x66: {  	_ =	shalt  }
0x67: {  	_ =	shalt  }
0x68: {  	_ =	shalt  }
0x69: {  	_ =	shalt  }
0x6a: {  	_ =	shalt  }
0x6b: {  	_ =	shalt  }
0x6c: {  	_ =	shalt  }
0x6d: {  	_ =	shalt  }
0x6e: {  	_ =	shalt  }
0x6f: {  	_ =	shalt  }
0x70: {  	_ =	shalt  }
0x71: {  	_ =	shalt  }
0x72: {  	_ =	shalt  }
0x73: {  	_ =	shalt  }
0x74: {  	_ =	shalt  }
0x75: {  	_ =	shalt  }
0x76: {  	_ =	shalt  }
0x77: {  	_ =	shalt  }
0x78: {  	_ =	shalt  }
0x79: {  	_ =	shalt  }
0x7a: {  	_ =	shalt  }
0x7b: {  	_ =	shalt  }
0x7c: {  	_ =	shalt  }
0x7d: {  	_ =	shalt  }
0x7e: {  	_ =	shalt  }
0x7f: {  	_ =	shalt  }
0x80: {  	_ =	shalt  }
0x81: {  	_ =	shalt  }
0x82: {  	_ =	shalt  }
0x83: {  	_ =	shalt  }
0x84: {  	_ =	shalt  }
0x85: {  	_ =	shalt  }
0x86: {  	_ =	shalt  }
0x87: {  	_ =	shalt  }
.Lfunc_end0:
.L_simem_size_0:
called_computation.3_lowered:
.L_overlay_start_0:
0x88: {  	s2 =	sld [smem:$0x3FD9]  }
0x89: {  	s3 =	sld [smem:$0x3FFE];
	_ =	sdelay $0x1  }
0x8a: {  	s1 =	srdreg.scid  }
0x8b: {  	s0 =	sand.u32 $0x1, s1  }
0x8c: {  	s17 =	sshll.u32 s0, $0xA;
	s2 =	sadd.s32 s3, s2  }
0x8d: {  	s2 =	sadd.s32 s2, s17  }
0x8e: {  	[smem:$0x3FC3] =	sst s2  }
0x8f: {  	_ = 	snop  }
0x90: {  	(tm) =	ssettm $0x1  }
0x91: {  	s18 =	sld [smem:$0x3FFB];
	_ =	sdelay $0x3  }
0x92: {  	_ =	strace s18  }
0x93: {  	s2 =	sld [smem:$0x3FFC];
	_ =	sdelay $0x3  }
0x94: {  	_ =	strace s2  }
0x95: {  	s2 =	sld [smem:$0x3FFD];
	_ =	sdelay $0x3  }
0x96: {  	_ =	strace s2  }
0x97: {  	_ =	strace $0x8FFFFFFF  }
0x98: {  	s19 =	sld [smem:$0x3FDB];
	_ =	sdelay $0x1  }
0x99: {  	s20 =	simm.s32 $_scs_section_size  }
0x9a: {  	s4 =	simm.s32 $_size__tile_overlayer_lowered;
	s5 =	simm.s32 $_tile_overlayer_lowered  }
0x9b: {  	s6 =	simm.s32 $0x1BFF;
	s21 =	sshll.u32 s5, $0x1;
	s3 =	sadd.s32 s20, s19  }
0x9c: {  	s22 =	simm.s32 $0x0;
	s4 =	sshll.u32 s4, $0x1;
	s5 =	sadd.s32 s21, s3  }
0x9d: {  	[timem:s22], [sflag:s6] =	dma.local [hbm:s5], s4  }
0x9e: {  	_ =	swait.ge [sflag:s6], s4  }
0x9f: {  	s4 =	ssub.s32 $0x0, s4;
	[sflag:s6] =	ssyncset.done $0x0  }
0xa0: {  	[sflag:s6] =	ssyncadd.s32 s4;
	_ =	sdelay $0x1  }
0xa1: {  	s23 =	simm.s32 $0x1B8B  }
0xa2: {  	_ =	swait.ge [sflag:s23], $0x1  }
0xa3: {  	[sflag:s23] =	ssyncset.done $0x0  }
0xa4: {  	[sflag:s23] =	ssyncadd.s32 $0xFFFFFFFF  }
0xa5: {  	s4 =	sld [smem:$0x0]  }
0xa6: {  	s5 =	sand.u32 $0xFFFFFFFE, s1  }
0xa7: {  	p0 =	sne.s32 s1, s5  }
0xa8: {  	s5 =	sshll.u32 @p0 s5, $0xE  }
0xa9: {  	s5 =	sadd.s32 @p0 $0x11B8D, s5;
	s6 =	sshll.u32 @p0 s4, $0x11  }
0xaa: {  	s5 =	sor.u32 @p0 s6, s5  }
0xab: {  	[sflag:s5] =	ssyncadd.remote.s32 @p0 $0x1;
	_ =	sdelay $0x1  }
0xac: {  	s5 =	simm.s32 @p0 $0x1B8D  }
0xad: {  	_ =	swait.eq @p0 [sflag:s5], $0x1  }
0xae: {  	[sflag:s5] =	ssyncadd.s32 @p0 $0xFFFFFFFF  }
0xaf: {  	s6 =	sshll.u32 @!p0 s1, $0xE  }
0xb0: {  	s6 =	sor.u32 @!p0 $0x4000, s6;
	s5 =	simm.s32 @!p0 $0x1B8D  }
0xb1: {  	s4 =	sshll.u32 @!p0 s4, $0x11;
	s6 =	sadd.s32 @!p0 $0x11B8D, s6;
	_ =	swait.eq @!p0 [sflag:s5], $0x1  }
0xb2: {  	s4 =	sor.u32 @!p0 s4, s6;
	[sflag:s5] =	ssyncadd.s32 @!p0 $0xFFFFFFFF  }
0xb3: {  	s25 =	simm.s32 $0x1B8E;
	s24 =	sld [smem:$0x3FFE];
	[sflag:s4] =	ssyncadd.remote.s32 @!p0 $0x1  }
0xb4: {  	s26 =	simm.s32 $execute0_lowered;
	[smem:$0x3FD2] =	sst s25  }
0xb5: {  	s5 =	sshll.u32 s26, $0x1;
	_ =	strace $0x8000004F;
	[dreg:$0x1] =	wrdreg $0xFFFFFFFF  }
0xb6: {  	s28 =	simm.s32 $_size_execute0_lowered;
	s3 =	sadd.s32 s3, s5;
	[dreg:$0x0] =	wrdreg $0x0  }
0xb7: {  	s5 =	sshll.u32 s28, $0x1;
	[dreg:$0x2] =	wrdreg s3  }
0xb8: {  	[dreg:$0x3] =	wrdreg s5  }
0xb9: {  	[dreg:$0x4] =	wrdreg $0xC0  }
0xba: {  	_ =	task [dreg:s22], $0x5FFFF  }
0xbb: {  	[dreg:$0x1] =	wrdreg $0xFFFFFFFF  }
0xbc: {  	[dreg:$0x0] =	wrdreg $0x60  }
0xbd: {  	[dreg:$0x2] =	wrdreg s24  }
0xbe: {  	[dreg:$0x3] =	wrdreg $0xA  }
0xbf: {  	_ =	task.clear_ibuf [dreg:s22], $0x4FFFF;
	_ =	strace $0x9000004F  }
0xc0: {  	s29 =	simm.s32 $0xA;
	_ =	strace $0x80000051  }
0xc1: {  	_ =	swait.ge [sflag:s29], $0x1  }
0xc2: {  	[sflag:s29] =	ssyncadd.s32 $0xFFFFFFFF  }
0xc3: {  	_ =	strace $0x90000051  }
0xc4: {  	_ =	sfence  }
0xc5: {  	s30 =	sld [smem:$0x0];
	_ =	sdelay $0x2  }
0xc6: {  	s31 =	sshll.u32 s1, $0xD;
	s1 =	sshrl.u32 s1, $0x2  }
0xc7: {  	s4 =	sand.u32 $0x4000, s31;
	s1 =	sadd.s32 s1, s30  }
0xc8: {  	s0 =	sor.u32 s4, s0;
	s1 =	sshll.u32 s1, $0x11  }
0xc9: {  	s0 =	sor.u32 s1, s0  }
0xca: {  	s0 =	sadd.s32 $0x8F2B, s0  }
0xcb: {  	[sflag:s0] =	ssyncadd.remote.s32 $0x1  }
0xcc: {  	_ =	sfence.sel $0xFFFF  }
0xcd: {  	[dreg:$0x0] =	wrdreg $0xFFFFFFFF;
	(pc) =	sbr.abs _section_cstart, $3  }
0xce: {  	[dreg:$0x1] =	wrdreg $0xFFFFFFFF  }
0xcf: {  	_ =	task.clear_ibuf [dreg:s22], $0x2FFFF;
	_ =	strace $0x9FFFFFFF  }
0xd0: {  	(tm) =	ssettm $0x7FFFFFFF  }
0xd1: {  	_ =	shalt  }
tec
execute0_lowered:
.L_overlay_start_1:
0x0: {  	(tag) =	ssettag $0x1  }
0x1: {  	s4 =	rddreg [dreg:$0x0];
	s2 =	simm.s32 $0x0;
	s3 =	srdreg.scid  }
0x2: {  	s1 =	stileid.u32;
	s9 =	simm.s32 $0x7;
	s10 =	simm.s32 $0x6000  }
0x3: {  	s11 =	simm.s32 $0x800;
	s12 =	simm.s32 $0x2800;
	s13 =	simm.s32 $0x3000  }
0x4: {  	s14 =	simm.s32 $0x1000;
	s15 =	simm.s32 $0x3800;
	s16 =	simm.s32 $0x1800  }
0x5: {  	s17 =	simm.s32 $0x4000;
	s18 =	simm.s32 $0x2000;
	s19 =	simm.s32 $0x4800  }
0x6: {  	s20 =	simm.s32 $0x1;
	s21 =	simm.s32 $0x2;
	s22 =	simm.s32 $0x3  }
0x7: {  	s23 =	simm.s32 $0x4;
	s24 =	simm.s32 $0x5;
	s25 =	simm.s32 $0x5000  }
0x8: {  	s26 =	simm.s32 $0x6;
	s28 =	simm.s32 $0x0;
	s3 =	sand.u32 $0x1, s3  }
0x9: {  	[smem:$0x7FF] =	sst s2;
	s5 =	sshll.u32 s1, $0x9;
	s6 =	sshll.u32 s3, $0x8  }
0xa: {  	s7 =	ssub.s32 $0x2, s3;
	_ =	strace $0x80000050;
	s5 =	sor.u32 s6, s5  }
0xb: {  	s3 =	sadd.s32 $0x8BC00, s4;
	s31 =	sshrl.u32 s7, $0x1;
	s8 =	sadd.s32 s5, s4  }
0xc: {  	s7 =	ssub.s32 s7, s31;
	s4 =	sadd.s32 $0x9C00, s8;
	s5 =	sadd.s32 $0x1600, s8  }
0xd: {  	v0 =	vimm.s32 $0x1;
	v1 =	vimm.s32 $0x0;
	s6 =	sadd.s32 $0x3600, s8;
	s7 =	smax.u32 s7, $0x1;
	s8 =	simm.s32 $0x5800  }
.LBB2_1:
0xe: {  	[tilespmem:s8], [sflag:$0x7] =	stream.linear.gather [hbm4b:s4+s2], $0x800, $0x38;
	[tilespmem:$0x6800] =	vst v63  }
0xf: {  	_ =	swait.ge [sflag:s9], $0x800  }
0x10: {  	[sflag:s9] =	ssyncset.done $0x0  }
0x11: {  	[sflag:s9] =	ssyncadd.s32 $0xFFFFF800  }
0x12: {  	[tilespmem:s10], [sflag:$0x7] =	stream.linear.gather [hbm4b:s5+s2], $0x800, $0x38;
	[tilespmem:$0x6800] =	vst v63  }
0x13: {  	_ =	swait.ge [sflag:s9], $0x800  }
0x14: {  	[sflag:s9] =	ssyncset.done $0x0  }
0x15: {  	s29 =	simm.s32 $0x0;
	[sflag:s9] =	ssyncadd.s32 $0xFFFFF800  }
0x16: {  	v2 =	vld [tilespmem:s29+$0x5800];
	_ =	sdelay $0x4  }
0x17: {  	v2 =	vand.u32 $0x1F, v2  }
0x18: {  	v3 =	vmul.u32 $0xD, v2  }
0x19: {  	s30 =	simm.s32 $0x10;
	v5 =	vld [tilespmem:s29+$0x6000]  }
0x1a: {  	v4 =	vshrl.u32 v3, $0x6;
	v3 =	vld [tilespmem:s30+$0x5800];
	_ =	sdelay $0x2  }
0x1b: {  	v4 =	vmul.u32 $0x7FF, v4  }
0x1c: {  	s31 =	simm.s32 $0x80;
	v5 =	vadd.s32 v5, v2  }
.LBB2_2:
0x1d: {  	s0 =	sshra.s32 s31, $0x2;
	p0 =	sne.s32 s31, $0x1FC0;
	s31 =	sadd.s32 $0x40, s31;
	v6 =	vld [tilespmem:s30+$0x6000];
	v4 =	vadd.s32 v4, v5;
	vm0 =	veq.s32 v2, $0x19;
	v2 =	vand.u32 $0x1F, v3  }
.Ltmp0:
0x1e: {  	v3 =	vld [tilespmem:s0+$0x5800];
	v5 =	vmul.u32 $0xD, v2;
	v4 =	vsel vm0, $0x22110, v4;
	(pc) =	sbr.rel @p0 .LBB2_2-.Ltmp0, $4  }
0x1f: {  	[tilespmem:s29+$0x0] =	vst v4;
	s29 =	smov.u32 s30;
	s30 =	smov.u32 s0  }
0x20: {  	v4 =	vshrl.u32 v5, $0x6  }
0x21: {  	v4 =	vmul.u32 $0x7FF, v4  }
0x22: {  	v5 =	vadd.s32 v6, v2  }
0x23: {  	v6 =	vld [tilespmem:s30+$0x6000];
	v3 =	vand.u32 $0x1F, v3  }
0x24: {  	v7 =	vmul.u32 $0xD, v3;
	_ =	sdelay $0x1  }
0x25: {  	v7 =	vshrl.u32 v7, $0x6  }
0x26: {  	v7 =	vmul.u32 $0x7FF, v7  }
0x27: {  	v4 =	vadd.s32 v4, v5;
	vm0 =	veq.s32 v2, $0x19;
	v2 =	vadd.s32 v6, v3  }
0x28: {  	v4 =	vsel vm0, $0x22110, v4;
	vm15 =	veq.s32 v3, $0x19;
	v2 =	vadd.s32 v7, v2  }
0x29: {  	[tilespmem:s29+$0x0] =	vst v4;
	v2 =	vsel vm15, $0x22110, v2  }
0x2a: {  	s0 =	simm.s32 $0x0;
	s29 =	simm.s32 $0x0;
	[tilespmem:s30+$0x0] =	vst v2  }
0x2b: {  	[tilespmem:s12], [sflag:$0x1] =	stream.indirect.gather [hbm4b:s3+s11], $0x1, s0, s11, $0xb8;
	[tilespmem:$0x6800] =	vst v63  }
0x2c: {  	v2 =	vld [tilespmem:s29+$0x5800];
	_ =	sdelay $0x4  }
0x2d: {  	v2 =	vshrl.u32 v2, $0x5  }
0x2e: {  	v2 =	vand.u32 $0x1F, v2  }
0x2f: {  	v4 =	vmul.u32 $0xD, v2  }
0x30: {  	s30 =	simm.s32 $0x10;
	v3 =	vld [tilespmem:s29+$0x6000]  }
0x31: {  	v5 =	vshrl.u32 v4, $0x6;
	v4 =	vld [tilespmem:s30+$0x5800];
	_ =	sdelay $0x3  }
0x32: {  	s31 =	simm.s32 $0x80;
	v5 =	vmul.u32 $0x7FF, v5  }
.LBB2_4:
0x33: {  	s0 =	sshra.s32 s31, $0x2;
	p0 =	sne.s32 s31, $0x1FC0;
	s31 =	sadd.s32 $0x40, s31;
	v6 =	vshrl.u32 v4, $0x5;
	v7 =	vadd.s32 v3, v2;
	v3 =	vld [tilespmem:s30+$0x6000]  }
.Ltmp1:
0x34: {  	vm0 =	veq.s32 v2, $0x19;
	v4 =	vld [tilespmem:s0+$0x5800];
	v5 =	vadd.s32 v5, v7;
	v2 =	vand.u32 $0x1F, v6;
	(pc) =	sbr.rel @p0 .LBB2_4-.Ltmp1, $4  }
0x35: {  	v6 =	vmul.u32 $0xD, v2;
	v5 =	vsel vm0, $0x22110, v5  }
0x36: {  	[tilespmem:s29+$0x800] =	vst v5;
	s29 =	smov.u32 s30;
	s30 =	smov.u32 s0  }
0x37: {  	v5 =	vshrl.u32 v6, $0x6  }
0x38: {  	v5 =	vmul.u32 $0x7FF, v5  }
0x39: {  	v4 =	vshrl.u32 v4, $0x5  }
0x3a: {  	v6 =	vld [tilespmem:s30+$0x6000];
	v4 =	vand.u32 $0x1F, v4  }
0x3b: {  	v7 =	vmul.u32 $0xD, v4;
	_ =	sdelay $0x1  }
0x3c: {  	v7 =	vshrl.u32 v7, $0x6  }
0x3d: {  	v3 =	vadd.s32 v3, v2;
	v7 =	vmul.u32 $0x7FF, v7  }
0x3e: {  	vm0 =	veq.s32 v2, $0x19;
	v3 =	vadd.s32 v5, v3;
	v2 =	vadd.s32 v6, v4  }
0x3f: {  	v3 =	vsel vm0, $0x22110, v3;
	vm15 =	veq.s32 v4, $0x19;
	v2 =	vadd.s32 v7, v2  }
0x40: {  	[tilespmem:s29+$0x800] =	vst v3;
	v2 =	vsel vm15, $0x22110, v2  }
0x41: {  	s29 =	simm.s32 $0x0;
	[tilespmem:s30+$0x800] =	vst v2  }
0x42: {  	[tilespmem:s13], [sflag:$0x2] =	stream.indirect.gather [hbm4b:s3+s11], $0x1, s11, s11, $0xb8;
	[tilespmem:$0x6800] =	vst v63  }
0x43: {  	v2 =	vld [tilespmem:s29+$0x5800];
	_ =	sdelay $0x4  }
0x44: {  	v2 =	vshrl.u32 v2, $0xA  }
0x45: {  	v2 =	vand.u32 $0x1F, v2  }
0x46: {  	v4 =	vmul.u32 $0xD, v2  }
0x47: {  	s30 =	simm.s32 $0x10;
	v3 =	vld [tilespmem:s29+$0x6000]  }
0x48: {  	v5 =	vshrl.u32 v4, $0x6;
	v4 =	vld [tilespmem:s30+$0x5800];
	_ =	sdelay $0x3  }
0x49: {  	s31 =	simm.s32 $0x80;
	v5 =	vmul.u32 $0x7FF, v5  }
.LBB2_6:
0x4a: {  	s0 =	sshra.s32 s31, $0x2;
	p0 =	sne.s32 s31, $0x1FC0;
	s31 =	sadd.s32 $0x40, s31;
	v6 =	vshrl.u32 v4, $0xA;
	v7 =	vadd.s32 v3, v2;
	v3 =	vld [tilespmem:s30+$0x6000]  }
.Ltmp2:
0x4b: {  	vm0 =	veq.s32 v2, $0x19;
	v4 =	vld [tilespmem:s0+$0x5800];
	v5 =	vadd.s32 v5, v7;
	v2 =	vand.u32 $0x1F, v6;
	(pc) =	sbr.rel @p0 .LBB2_6-.Ltmp2, $4  }
0x4c: {  	v6 =	vmul.u32 $0xD, v2;
	v5 =	vsel vm0, $0x22110, v5  }
0x4d: {  	[tilespmem:s29+$0x1000] =	vst v5;
	s29 =	smov.u32 s30;
	s30 =	smov.u32 s0  }
0x4e: {  	v5 =	vshrl.u32 v6, $0x6  }
0x4f: {  	v5 =	vmul.u32 $0x7FF, v5  }
0x50: {  	v4 =	vshrl.u32 v4, $0xA  }
0x51: {  	v6 =	vld [tilespmem:s30+$0x6000];
	v4 =	vand.u32 $0x1F, v4  }
0x52: {  	v7 =	vmul.u32 $0xD, v4;
	_ =	sdelay $0x1  }
0x53: {  	v7 =	vshrl.u32 v7, $0x6  }
0x54: {  	v3 =	vadd.s32 v3, v2;
	v7 =	vmul.u32 $0x7FF, v7  }
0x55: {  	vm0 =	veq.s32 v2, $0x19;
	v3 =	vadd.s32 v5, v3;
	v2 =	vadd.s32 v6, v4  }
0x56: {  	v3 =	vsel vm0, $0x22110, v3;
	vm15 =	veq.s32 v4, $0x19;
	v2 =	vadd.s32 v7, v2  }
0x57: {  	[tilespmem:s29+$0x1000] =	vst v3;
	v2 =	vsel vm15, $0x22110, v2  }
0x58: {  	s29 =	simm.s32 $0x0;
	[tilespmem:s30+$0x1000] =	vst v2  }
0x59: {  	[tilespmem:s15], [sflag:$0x3] =	stream.indirect.gather [hbm4b:s3+s11], $0x1, s14, s11, $0xb8;
	[tilespmem:$0x6800] =	vst v63  }
0x5a: {  	v2 =	vld [tilespmem:s29+$0x5800];
	_ =	sdelay $0x4  }
0x5b: {  	v2 =	vshrl.u32 v2, $0xF  }
0x5c: {  	v2 =	vand.u32 $0x1F, v2  }
0x5d: {  	v4 =	vmul.u32 $0xD, v2  }
0x5e: {  	s30 =	simm.s32 $0x10;
	v3 =	vld [tilespmem:s29+$0x6000]  }
0x5f: {  	v5 =	vshrl.u32 v4, $0x6;
	v4 =	vld [tilespmem:s30+$0x5800];
	_ =	sdelay $0x3  }
0x60: {  	s31 =	simm.s32 $0x80;
	v5 =	vmul.u32 $0x7FF, v5  }
.LBB2_8:
0x61: {  	s0 =	sshra.s32 s31, $0x2;
	p0 =	sne.s32 s31, $0x1FC0;
	s31 =	sadd.s32 $0x40, s31;
	v6 =	vshrl.u32 v4, $0xF;
	v7 =	vadd.s32 v3, v2;
	v3 =	vld [tilespmem:s30+$0x6000]  }
.Ltmp3:
0x62: {  	vm0 =	veq.s32 v2, $0x19;
	v4 =	vld [tilespmem:s0+$0x5800];
	v5 =	vadd.s32 v5, v7;
	v2 =	vand.u32 $0x1F, v6;
	(pc) =	sbr.rel @p0 .LBB2_8-.Ltmp3, $4  }
0x63: {  	v6 =	vmul.u32 $0xD, v2;
	v5 =	vsel vm0, $0x22110, v5  }
0x64: {  	[tilespmem:s29+$0x1800] =	vst v5;
	s29 =	smov.u32 s30;
	s30 =	smov.u32 s0  }
0x65: {  	v5 =	vshrl.u32 v6, $0x6  }
0x66: {  	v5 =	vmul.u32 $0x7FF, v5  }
0x67: {  	v4 =	vshrl.u32 v4, $0xF  }
0x68: {  	v6 =	vld [tilespmem:s30+$0x6000];
	v4 =	vand.u32 $0x1F, v4  }
0x69: {  	v7 =	vmul.u32 $0xD, v4;
	_ =	sdelay $0x1  }
0x6a: {  	v7 =	vshrl.u32 v7, $0x6  }
0x6b: {  	v3 =	vadd.s32 v3, v2;
	v7 =	vmul.u32 $0x7FF, v7  }
0x6c: {  	vm0 =	veq.s32 v2, $0x19;
	v3 =	vadd.s32 v5, v3;
	v2 =	vadd.s32 v6, v4  }
0x6d: {  	v3 =	vsel vm0, $0x22110, v3;
	vm15 =	veq.s32 v4, $0x19;
	v2 =	vadd.s32 v7, v2  }
0x6e: {  	[tilespmem:s29+$0x1800] =	vst v3;
	v2 =	vsel vm15, $0x22110, v2  }
0x6f: {  	s29 =	simm.s32 $0x0;
	[tilespmem:s30+$0x1800] =	vst v2  }
0x70: {  	[tilespmem:s17], [sflag:$0x4] =	stream.indirect.gather [hbm4b:s3+s11], $0x1, s16, s11, $0xb8;
	[tilespmem:$0x6800] =	vst v63  }
0x71: {  	v2 =	vld [tilespmem:s29+$0x5800];
	_ =	sdelay $0x4  }
0x72: {  	v2 =	vshrl.u32 v2, $0x14  }
0x73: {  	v2 =	vand.u32 $0x1F, v2  }
0x74: {  	v4 =	vmul.u32 $0xD, v2  }
0x75: {  	s30 =	simm.s32 $0x10;
	v3 =	vld [tilespmem:s29+$0x6000]  }
0x76: {  	v5 =	vshrl.u32 v4, $0x6;
	v4 =	vld [tilespmem:s30+$0x5800];
	_ =	sdelay $0x3  }
0x77: {  	s31 =	simm.s32 $0x80;
	v5 =	vmul.u32 $0x7FF, v5  }
.LBB2_10:
0x78: {  	s0 =	sshra.s32 s31, $0x2;
	p0 =	sne.s32 s31, $0x1FC0;
	s31 =	sadd.s32 $0x40, s31;
	v6 =	vshrl.u32 v4, $0x14;
	v7 =	vadd.s32 v3, v2;
	v3 =	vld [tilespmem:s30+$0x6000]  }
.Ltmp4:
0x79: {  	vm0 =	veq.s32 v2, $0x19;
	v4 =	vld [tilespmem:s0+$0x5800];
	v5 =	vadd.s32 v5, v7;
	v2 =	vand.u32 $0x1F, v6;
	(pc) =	sbr.rel @p0 .LBB2_10-.Ltmp4, $4  }
0x7a: {  	v6 =	vmul.u32 $0xD, v2;
	v5 =	vsel vm0, $0x22110, v5  }
0x7b: {  	[tilespmem:s29+$0x2000] =	vst v5;
	s29 =	smov.u32 s30;
	s30 =	smov.u32 s0  }
0x7c: {  	v5 =	vshrl.u32 v6, $0x6  }
0x7d: {  	v5 =	vmul.u32 $0x7FF, v5  }
0x7e: {  	v4 =	vshrl.u32 v4, $0x14  }
0x7f: {  	v6 =	vld [tilespmem:s30+$0x6000];
	v4 =	vand.u32 $0x1F, v4  }
0x80: {  	v7 =	vmul.u32 $0xD, v4;
	_ =	sdelay $0x1  }
0x81: {  	v7 =	vshrl.u32 v7, $0x6  }
0x82: {  	v3 =	vadd.s32 v3, v2;
	v7 =	vmul.u32 $0x7FF, v7  }
0x83: {  	vm0 =	veq.s32 v2, $0x19;
	v3 =	vadd.s32 v5, v3;
	v2 =	vadd.s32 v6, v4  }
0x84: {  	v3 =	vsel vm0, $0x22110, v3;
	vm0 =	veq.s32 v4, $0x19;
	v2 =	vadd.s32 v7, v2  }
0x85: {  	[tilespmem:s29+$0x2000] =	vst v3;
	v2 =	vsel vm0, $0x22110, v2  }
0x86: {  	[tilespmem:s30+$0x2000] =	vst v2  }
0x87: {  	[tilespmem:s19], [sflag:$0x5] =	stream.indirect.gather [hbm4b:s3+s11], $0x1, s18, s11, $0xb8;
	[tilespmem:$0x6800] =	vst v63  }
0x88: {  	_ =	swait.ge [sflag:s20], $0x800  }
0x89: {  	[sflag:s20] =	ssyncset.done $0x0  }
0x8a: {  	[sflag:s20] =	ssyncadd.s32 $0xFFFFF800  }
0x8b: {  	_ =	swait.ge [sflag:s21], $0x800  }
0x8c: {  	[sflag:s21] =	ssyncset.done $0x0  }
0x8d: {  	[sflag:s21] =	ssyncadd.s32 $0xFFFFF800  }
0x8e: {  	_ =	swait.ge [sflag:s22], $0x800  }
0x8f: {  	[sflag:s22] =	ssyncset.done $0x0  }
0x90: {  	[sflag:s22] =	ssyncadd.s32 $0xFFFFF800  }
0x91: {  	_ =	swait.ge [sflag:s23], $0x800  }
0x92: {  	[sflag:s23] =	ssyncset.done $0x0  }
0x93: {  	[sflag:s23] =	ssyncadd.s32 $0xFFFFF800  }
0x94: {  	_ =	swait.ge [sflag:s24], $0x800  }
0x95: {  	[sflag:s24] =	ssyncset.done $0x0  }
0x96: {  	s29 =	simm.s32 $0x0;
	[sflag:s24] =	ssyncadd.s32 $0xFFFFF800  }
0x97: {  	v5 =	vld [tilespmem:s29+$0x4800]  }
0x98: {  	v7 =	vld [tilespmem:s29+$0x4000]  }
0x99: {  	v2 =	vld [tilespmem:s29+$0x3000]  }
0x9a: {  	v4 =	vld [tilespmem:s29+$0x3800]  }
0x9b: {  	v3 =	vld [tilespmem:s29+$0x2800];
	_ =	sdelay $0x2  }
0x9c: {  	v6 =	vadd.s32 $0xFFFFFFFF, v7;
	v8 =	vadd.s32 $0xFFFFFFFF, v5;
	v9 =	vadd.s32 $0xFFFFFFFF, v2  }
0x9d: {  	v10 =	vadd.s32 $0xFFFFFFFF, v4;
	vm3 =	veq.s32 v4, v5;
	vm4 =	veq.s32 v7, v5  }
0x9e: {  	v11 =	vadd.s32 $0xFFFFFFFF, v3;
	vm5 =	veq.s32 v2, v5;
	vm6 =	veq.s32 v4, v7  }
0x9f: {  	vm7 =	veq.s32 v3, v5;
	vm8 =	veq.s32 v2, v4;
	vm9 =	veq.s32 v2, v7  }
0xa0: {  	vm10 =	veq.s32 v3, v2;
	vm11 =	veq.s32 v3, v4;
	vm12 =	veq.s32 v3, v7  }
0xa1: {  	vm1 =	vlt.u32 v9, $0x13;
	vm2 =	vlt.u32 v10, $0x13;
	vm0 =	vlt.u32 v6, $0x13  }
0xa2: {  	v6 =	vsel vm12, $0x2, v0;
	v9 =	vsel vm7, $0x2, v0;
	v10 =	vsel vm4, $0x1, v1  }
0xa3: {  	v12 =	vsel vm6, $0x1, v1;
	v13 =	vsel vm3, $0x1, v1;
	vm3 =	vlt.u32 v11, $0x13  }
0xa4: {  	v11 =	vsel vm10, $0x2, v0;
	v14 =	vsel vm11, $0x1, v1;
	v15 =	vsel vm11, $0x2, v0  }
0xa5: {  	v16 =	vsel vm12, $0x1, v1;
	v17 =	vsel vm5, $0x1, v1;
	v14 =	vadd.s32 v14, v11  }
0xa6: {  	v62 =	vsel vm7, $0x1, v1;
	v18 =	vsel vm9, $0x1, v1;
	v14 =	vadd.s32 v16, v14  }
0xa7: {  	v63 =	vsel vm8, $0x1, v1;
	v9 =	vadd.s32 v17, v9;
	v14 =	vadd.s32 v62, v14  }
0xa8: {  	v11 =	vadd.s32 v63, v11;
	v6 =	vadd.s32 v18, v6;
	v14 =	vshll.u32 v14, $0x5  }
0xa9: {  	v15 =	vadd.s32 v63, v15;
	v11 =	vadd.s32 v18, v11;
	v3 =	vsub.s32 v14, v3  }
0xaa: {  	v9 =	vadd.s32 v13, v9;
	v11 =	vadd.s32 v17, v11;
	vm4 =	vgt.s32 v3, $0xFFFFFC18  }
0xab: {  	v11 =	vshll.u32 v11, $0x5;
	v14 =	vadd.s32 v12, v15;
	v3 =	vnsel vm4, $0xFFFFFC18, v3  }
0xac: {  	v11 =	vsub.s32 v11, v2;
	v13 =	vadd.s32 v13, v14;
	v14 =	vnsel vm3, $0xFFFFFC18, v3  }
0xad: {  	s30 =	simm.s32 $0x10;
	v6 =	vadd.s32 v12, v6;
	v12 =	vshll.u32 v13, $0x5;
	vm3 =	vgt.s32 v14, v11  }
0xae: {  	v2 =	vld [tilespmem:s30+$0x4800];
	v13 =	vadd.s32 v10, v6;
	v4 =	vsub.s32 v12, v4;
	v11 =	vsel vm3, v14, v11  }
0xaf: {  	v3 =	vld [tilespmem:s30+$0x4000];
	v13 =	vshll.u32 v13, $0x5;
	v12 =	vnsel vm2, $0xFFFFFC18, v4;
	v11 =	vsel vm1, v11, v14  }
0xb0: {  	v9 =	vadd.s32 v10, v9;
	v4 =	vld [tilespmem:s30+$0x3800];
	v7 =	vsub.s32 v13, v7;
	vm1 =	vgt.s32 v11, v12  }
0xb1: {  	v9 =	vshll.u32 v9, $0x5;
	v6 =	vld [tilespmem:s30+$0x3000];
	v10 =	vsel vm1, v11, v12;
	v11 =	vnsel vm0, $0xFFFFFC18, v7  }
0xb2: {  	v5 =	vsub.s32 v9, v5;
	v7 =	vld [tilespmem:s30+$0x2800];
	vm1 =	vlt.u32 v8, $0x13;
	vm0 =	vgt.s32 v10, v11  }
0xb3: {  	v8 =	vsel vm0, v10, v11;
	v10 =	vnsel vm1, $0xFFFFFC18, v5  }
0xb4: {  	v9 =	vadd.s32 $0xFFFFFFFF, v3;
	vm4 =	veq.s32 v3, v2;
	vm0 =	vgt.s32 v8, v10  }
0xb5: {  	v12 =	vadd.s32 $0xFFFFFFFF, v4;
	v5 =	vadd.s32 $0xFFFFFFFF, v2;
	v8 =	vsel vm0, v8, v10  }
0xb6: {  	v11 =	vadd.s32 $0xFFFFFFFF, v6;
	vm1 =	veq.s32 v4, v2;
	v13 =	vand.u32 $0x1F, v8  }
0xb7: {  	s31 =	simm.s32 $0x80;
	v10 =	vadd.s32 $0xFFFFFFFF, v7;
	vm0 =	veq.s32 v8, $0xFFFFFC18;
	v8 =	vsub.s32 $0x20, v13  }
.LBB2_12:
0xb8: {  	p0 =	sne.s32 s31, $0x1FC0;
	vm6 =	veq.s32 v6, v2;
	vm7 =	veq.s32 v4, v3;
	v8 =	vsel vm0, $0x1, v8  }
0xb9: {  	vm8 =	veq.s32 v7, v2;
	vm5 =	veq.s32 v6, v4;
	vm9 =	veq.s32 v6, v3;
	[tilespmem:s29+$0x5000] =	vst v8;
	s29 =	smov.u32 s30  }
0xba: {  	vm10 =	veq.s32 v7, v6;
	vm11 =	veq.s32 v7, v4;
	vm12 =	veq.s32 v7, v3  }
0xbb: {  	vm2 =	vlt.u32 v11, $0x13;
	vm3 =	vlt.u32 v12, $0x13;
	vm0 =	vlt.u32 v9, $0x13  }
0xbc: {  	v11 =	vsel vm4, $0x1, v1;
	v8 =	vsel vm12, $0x2, v0;
	v9 =	vsel vm8, $0x2, v0  }
0xbd: {  	v13 =	vsel vm1, $0x1, v1;
	vm1 =	vlt.u32 v10, $0x13;
	v12 =	vsel vm7, $0x1, v1  }
0xbe: {  	v10 =	vsel vm10, $0x2, v0;
	v14 =	vsel vm11, $0x1, v1;
	v15 =	vsel vm11, $0x2, v0  }
0xbf: {  	v16 =	vsel vm12, $0x1, v1;
	v17 =	vsel vm6, $0x1, v1;
	v14 =	vadd.s32 v14, v10  }
0xc0: {  	v18 =	vsel vm9, $0x1, v1;
	v14 =	vadd.s32 v16, v14;
	v16 =	vsel vm8, $0x1, v1  }
0xc1: {  	v9 =	vadd.s32 v17, v9;
	v14 =	vadd.s32 v16, v14;
	v16 =	vsel vm5, $0x1, v1  }
0xc2: {  	v8 =	vadd.s32 v18, v8;
	v10 =	vadd.s32 v16, v10;
	v14 =	vshll.u32 v14, $0x5  }
0xc3: {  	v15 =	vadd.s32 v16, v15;
	v10 =	vadd.s32 v18, v10;
	v7 =	vsub.s32 v14, v7  }
0xc4: {  	v9 =	vadd.s32 v13, v9;
	v10 =	vadd.s32 v17, v10;
	vm4 =	vgt.s32 v7, $0xFFFFFC18  }
0xc5: {  	v14 =	vadd.s32 v12, v15;
	v7 =	vnsel vm4, $0xFFFFFC18, v7;
	v10 =	vshll.u32 v10, $0x5  }
0xc6: {  	s30 =	sshra.s32 s31, $0x2;
	v13 =	vadd.s32 v13, v14;
	v7 =	vnsel vm1, $0xFFFFFC18, v7;
	v6 =	vsub.s32 v10, v6  }
0xc7: {  	v8 =	vadd.s32 v12, v8;
	v12 =	vshll.u32 v13, $0x5;
	vm1 =	vgt.s32 v7, v6;
	v10 =	vld [tilespmem:s30+$0x4800]  }
0xc8: {  	v8 =	vadd.s32 v11, v8;
	v4 =	vsub.s32 v12, v4;
	v14 =	vsel vm1, v7, v6;
	v13 =	vld [tilespmem:s30+$0x4000]  }
0xc9: {  	v8 =	vshll.u32 v8, $0x5;
	v12 =	vnsel vm3, $0xFFFFFC18, v4;
	v7 =	vsel vm2, v14, v7;
	v6 =	vld [tilespmem:s30+$0x3000]  }
0xca: {  	v9 =	vadd.s32 v11, v9;
	v3 =	vsub.s32 v8, v3;
	vm1 =	vgt.s32 v7, v12;
	v4 =	vld [tilespmem:s30+$0x3800]  }
0xcb: {  	v9 =	vshll.u32 v9, $0x5;
	v11 =	vnsel vm0, $0xFFFFFC18, v3;
	v8 =	vsel vm1, v7, v12  }
0xcc: {  	vm1 =	vlt.u32 v5, $0x13;
	v5 =	vsub.s32 v9, v2;
	vm0 =	vgt.s32 v8, v11;
	v7 =	vld [tilespmem:s30+$0x2800];
	v2 =	vmovc v10  }
.Ltmp5:
0xcd: {  	v8 =	vsel vm0, v8, v11;
	v10 =	vnsel vm1, $0xFFFFFC18, v5;
	v3 =	vmov v13;
	(pc) =	sbr.rel @p0 .LBB2_12-.Ltmp5, $4  }
0xce: {  	v5 =	vadd.s32 $0xFFFFFFFF, v2;
	vm0 =	vgt.s32 v8, v10;
	v9 =	vadd.s32 $0xFFFFFFFF, v3  }
0xcf: {  	v11 =	vadd.s32 $0xFFFFFFFF, v6;
	v8 =	vsel vm0, v8, v10;
	v12 =	vadd.s32 $0xFFFFFFFF, v4  }
0xd0: {  	vm4 =	veq.s32 v3, v2;
	vm1 =	veq.s32 v4, v2;
	v13 =	vand.u32 $0x1F, v8  }
0xd1: {  	s31 =	sadd.s32 $0x40, s31;
	vm0 =	veq.s32 v8, $0xFFFFFC18;
	v8 =	vsub.s32 $0x20, v13;
	v10 =	vadd.s32 $0xFFFFFFFF, v7  }
0xd2: {  	vm2 =	veq.s32 v7, v6;
	vm6 =	veq.s32 v7, v4  }
0xd3: {  	vm7 =	veq.s32 v7, v3;
	vm8 =	veq.s32 v7, v2;
	vm9 =	veq.s32 v6, v2  }
0xd4: {  	vm10 =	veq.s32 v4, v3;
	vm11 =	veq.s32 v6, v4;
	vm12 =	veq.s32 v6, v3  }
0xd5: {  	vm3 =	vlt.u32 v11, $0x13;
	vm5 =	vlt.u32 v12, $0x13;
	vm15 =	vlt.u32 v9, $0x13  }
0xd6: {  	v53 =	vsel vm4, $0x1, v1;
	v16 =	vsel vm1, $0x1, v1;
	v13 =	vsel vm2, $0x2, v0  }
0xd7: {  	v14 =	vsel vm6, $0x1, v1;
	v15 =	vsel vm7, $0x1, v1;
	v50 =	vsel vm8, $0x1, v1  }
0xd8: {  	v51 =	vsel vm7, $0x2, v0;
	v52 =	vsel vm8, $0x2, v0;
	v54 =	vsel vm10, $0x1, v1  }
0xd9: {  	vm10 =	vlt.u32 v10, $0x13;
	v55 =	vsel vm6, $0x2, v0;
	v14 =	vadd.s32 v14, v13  }
0xda: {  	v17 =	vsel vm11, $0x1, v1;
	v18 =	vsel vm9, $0x1, v1;
	v14 =	vadd.s32 v15, v14  }
0xdb: {  	v56 =	vsel vm12, $0x1, v1;
	v13 =	vadd.s32 v17, v13;
	v14 =	vadd.s32 v50, v14  }
0xdc: {  	v10 =	vadd.s32 v17, v55;
	v11 =	vadd.s32 v18, v52;
	v14 =	vshll.u32 v14, $0x5  }
0xdd: {  	v9 =	vadd.s32 v56, v51;
	v13 =	vadd.s32 v56, v13;
	v57 =	vsub.s32 v14, v7  }
0xde: {  	v11 =	vadd.s32 v16, v11;
	v13 =	vadd.s32 v18, v13;
	vm12 =	vgt.s32 v57, $0xFFFFFC18  }
0xdf: {  	v10 =	vadd.s32 v54, v10;
	v13 =	vshll.u32 v13, $0x5;
	v7 =	vnsel vm12, $0xFFFFFC18, v57  }
0xe0: {  	v10 =	vadd.s32 v16, v10;
	v58 =	vsub.s32 v13, v6;
	v7 =	vnsel vm10, $0xFFFFFC18, v7  }
0xe1: {  	v9 =	vadd.s32 v54, v9;
	v10 =	vshll.u32 v10, $0x5;
	vm1 =	vgt.s32 v7, v58  }
0xe2: {  	v9 =	vadd.s32 v53, v9;
	v59 =	vsub.s32 v10, v4;
	v6 =	vsel vm1, v7, v58  }
0xe3: {  	v60 =	vshll.u32 v9, $0x5;
	v4 =	vnsel vm5, $0xFFFFFC18, v59;
	v6 =	vsel vm3, v6, v7  }
0xe4: {  	v61 =	vadd.s32 v53, v11;
	v3 =	vsub.s32 v60, v3;
	vm13 =	vgt.s32 v6, v4  }
0xe5: {  	v62 =	vshll.u32 v61, $0x5;
	v3 =	vnsel vm15, $0xFFFFFC18, v3;
	v4 =	vsel vm13, v6, v4  }
0xe6: {  	vm14 =	vlt.u32 v5, $0x13;
	v2 =	vsub.s32 v62, v2;
	vm1 =	vgt.s32 v4, v3  }
0xe7: {  	v2 =	vnsel vm14, $0xFFFFFC18, v2;
	v3 =	vsel vm1, v4, v3  }
0xe8: {  	vm1 =	vgt.s32 v3, v2  }
0xe9: {  	v2 =	vsel vm1, v3, v2  }
0xea: {  	v3 =	vand.u32 $0x1F, v2  }
0xeb: {  	v63 =	vsel vm0, $0x1, v8;
	s28 =	sadd.s32 $0x1, s28;
	vm15 =	veq.s32 v2, $0xFFFFFC18;
	v2 =	vsub.s32 $0x20, v3  }
0xec: {  	[tilespmem:s29+$0x5000] =	vst v63;
	p0 =	sne.s32 s28, s7;
	v2 =	vsel vm15, $0x1, v2  }
.Ltmp6:
0xed: {  	[tilespmem:s30+$0x5000] =	vst v2;
	(pc) =	sbr.rel @p0 .LBB2_1-.Ltmp6, $4  }
0xee: {  	[hbm4b:s6+s2] =	stream.linear.scatter [tilespmem:s25], [sflag:$0x6], $0x800, $0x38;
	[tilespmem:$0x6800] =	vst v63  }
0xef: {  	_ =	swait.ge [sflag:s26], $0x800  }
0xf0: {  	[sflag:s26] =	ssyncset.done $0x0  }
0xf1: {  	[sflag:s26] =	ssyncadd.s32 $0xFFFFF800  }
0xf2: {  	_ =	sfence.sel $0x180000  }
0xf3: {  	[bflag:$0x0] =	sbarrier.arrive $0xFFFF  }
0xf4: {  	_ =	strace $0x90000050  }
0xf5: {  	[bflag:$0x2] =	sbarrier.arrive $0xFFFF  }
0xf6: {  	p0 =	sne.s32 s1, $0x0;
	s0 =	rddreg [dreg:$0x1]  }
0xf7: {  	s0 =	sadd.s32 @!p0 $0x100000, s0  }
0xf8: {  	[sflag:s0] =	ssyncadd.tile.s32 @!p0 $0x1;
	_ =	shalt  }
.Lfunc_end2:
_tile_overlayer_lowered:
.L_overlay_start_2:
0xf9: {  	(tag) =	ssettag $0x2  }
0xfa: {  	s0 =	rddreg [dreg:$0x0];
	s2 =	stileid.u32  }
0xfb: {  	s1 =	rddreg [dreg:$0x1];
	p0 =	sne.s32 s2, $0x0  }
0xfc: {  	s3 =	rddreg [dreg:$0x2];
	[bflag:$0x3] =	sbarrier.arrive $0xFFFF;
	s2 =	simm.s32 @!p0 $0x1C07  }
0xfd: {  	[timem:s3], [sflag:s2] =	dma.local @!p0 [hbm:s0], s1  }
0xfe: {  	s0 =	simm.s32 @!p0 $0x7  }
0xff: {  	_ =	swait.ge @!p0 [sflag:s0], s1  }
0x100: {  	s1 =	ssub.s32 @!p0 $0x0, s1;
	[sflag:s0] =	ssyncset.done @!p0 $0x0  }
0x101: {  	[sflag:s0] =	ssyncadd.s32 @!p0 s1  }
0x102: {  	[bflag:$0x3] =	sbarrier.arrive $0xFFFF  }
0x103: {  	_ =	shalt  }

// kernel: kernel.8.cloned.1.call-start
scs
__scs_entry_jumppad:
0x0: {  	(pc) =	sbr.rel $0x88, $3  }
0x1: {  	(tag) =	ssettag $0x0;
	lr =	simm.s32 $0x1  }
0x2: {  	[smem:$0x3F9C] =	sst lr;
	_ =	strace $0xD0000000  }
0x3: {  	_ = 	snop  }
0x4: {  	_ = 	snop  }
0x5: {  	_ = 	snop  }
0x6: {  	_ = 	snop  }
0x7: {  	_ = 	snop  }
__scs_overlays_trampoline_lowered:
0x8: {  	[smem:$0x3FAB] =	sst s0  }
0x9: {  	[smem:$0x3FAC] =	sst s1  }
0xa: {  	[smem:$0x3FAD] =	sst s2  }
0xb: {  	[smem:$0x3FAE] =	sst s3  }
0xc: {  	[smem:$0x3FAF] =	sst s4  }
0xd: {  	[smem:$0x3FB0] =	sst s5  }
0xe: {  	[smem:$0x3FB1] =	sst s6  }
0xf: {  	[smem:$0x3FB2] =	sst s7  }
0x10: {  	[smem:$0x3FB3] =	sst s8  }
0x11: {  	[smem:$0x3FB4] =	sst s9;
	s0 =	simm.s32 @!p0 $0x0  }
0x12: {  	s1 =	sld [smem:$0x3F9A];
	s0 =	simm.s32 @p0 $0x1  }
0x13: {  	[smem:$0x3FB5] =	sst s0;
	s0 =	simm.s32 @!p1 $0x0  }
0x14: {  	s2 =	sld [smem:$0x3F99];
	s0 =	simm.s32 @p1 $0x1  }
0x15: {  	[smem:$0x3FB6] =	sst s0;
	s0 =	simm.s32 @!p2 $0x0  }
0x16: {  	s3 =	sld [smem:$0x3FDB];
	s0 =	simm.s32 @p2 $0x1  }
0x17: {  	s4 =	simm.s32 $0x1BF5;
	[smem:$0x3FB8] =	sst s0  }
0x18: {  	s0 =	sld [smem:$0x3F9B];
	_ =	swait.ge [sflag:s4], $0x0  }
0x19: {  	s7 =	sld [smem:$0x3F9C]  }
0x1a: {  	s8 =	sadd.s32 $0xFFFFE003, lr  }
0x1b: {  	s9 =	sadd.s32 $0xFFFFFEF7, lr;
	s5 =	simm.s32 $0xFFFFFFFF;
	p2 =	slt.u32 s8, $0xFFFFF086  }
0x1c: {  	p1 =	slt.u32 s9, $0xF7A;
	s5 =	simm.s32 @!p2 $0x0  }
0x1d: {  	s5 =	simm.s32 @p1 $0x1;
	p0 =	seq.s32 s7, s2  }
0x1e: {  	s7 =	smul.u32 @!p0 $0xF7A, s2;
	p2 =	seq.s32 @!p0 s5, $0x0  }
0x1f: {  	s9 =	smul.u32 $0xF7A, s1;
	s8 =	simm.s32 @!p0 $0x1BF5;
	p2 =	por !p2, p0  }
0x20: {  	[sflag:s8] =	ssyncset.s32 @!p0 $0xFFFFF086;
	s6 =	sadd.s32 @!p0 s3, s7;
	s7 =	simm.s32 @!p0 $0x108  }
0x21: {  	s3 =	sadd.s32 s3, s9;
	s6 =	sadd.s32 @!p0 $0x88, s6;
	s7 =	simm.s32 @p2 $0x1082  }
0x22: {  	[simem:s7], [sflag:s8] =	dma.local @!p0 [hbm:s6], $0xF7A  }
0x23: {  	s9 =	sor.u32 $0xD0000000, s2;
	s6 =	simm.s32 $0x108;
	_ =	swait.ge @!p0 [sflag:s8], $0x0  }
0x24: {  	s3 =	sadd.s32 $0x88, s3;
	s6 =	simm.s32 @!p1 $0x1082;
	[sflag:s4] =	ssyncset.s32 $0xFFFFF086  }
0x25: {  	[simem:s6], [sflag:s4] =	dma.local [hbm:s3], $0xF7A  }
0x26: {  	[smem:$0x3F9C] =	sst s1;
	(tag) =	ssettag s2;
	_ =	strace s9  }
0x27: {  	s1 =	sld [smem:$0x3FAC]  }
0x28: {  	s2 =	sld [smem:$0x3FAD]  }
0x29: {  	s4 =	sld [smem:$0x3FAF]  }
0x2a: {  	p0 =	seq.s32 s5, $0x0;
	s5 =	sld [smem:$0x3FB0]  }
0x2b: {  	s6 =	sld [smem:$0x3FB1]  }
0x2c: {  	s7 =	sld [smem:$0x3FB2]  }
0x2d: {  	s3 =	simm.s32 $0x108;
	s8 =	sld [smem:$0x3FB3]  }
0x2e: {  	s3 =	simm.s32 @!p0 $0x1082;
	s9 =	sld [smem:$0x3FB4]  }
0x2f: {  	lr =	sadd.s32 s0, s3;
	s0 =	sld [smem:$0x3FAB]  }
0x30: {  	s3 =	sld [smem:$0x3FAE]  }
0x31: {  	[smem:$0x3FB7] =	sst s10  }
0x32: {  	s10 =	sld [smem:$0x3FB5];
	_ =	sdelay $0x3  }
0x33: {  	p0 =	seq.s32 s10, $0x1;
	s10 =	sld [smem:$0x3FB7];
	_ =	sdelay $0x3  }
0x34: {  	[smem:$0x3FB7] =	sst s10  }
0x35: {  	s10 =	sld [smem:$0x3FB6];
	_ =	sdelay $0x3  }
0x36: {  	p1 =	seq.s32 s10, $0x1;
	s10 =	sld [smem:$0x3FB7];
	_ =	sdelay $0x3  }
0x37: {  	[smem:$0x3FB7] =	sst s10  }
0x38: {  	s10 =	sld [smem:$0x3FB8]  }
0x39: {  	_ = 	snop;
	(pc) =	sbr.ind lr, $3  }
0x3a: {  	_ = 	snop  }
0x3b: {  	_ = 	snop  }
0x3c: {  	p2 =	seq.s32 s10, $0x1;
	s10 =	sld [smem:$0x3FB7]  }
0x3d: {  	_ =	shalt  }
0x3e: {  	_ =	shalt  }
0x3f: {  	_ =	shalt  }
0x40: {  	_ =	shalt  }
0x41: {  	_ =	shalt  }
0x42: {  	_ =	shalt  }
0x43: {  	_ =	shalt  }
0x44: {  	_ =	shalt  }
0x45: {  	_ =	shalt  }
0x46: {  	_ =	shalt  }
0x47: {  	_ =	shalt  }
0x48: {  	_ =	shalt  }
0x49: {  	_ =	shalt  }
0x4a: {  	_ =	shalt  }
0x4b: {  	_ =	shalt  }
0x4c: {  	_ =	shalt  }
0x4d: {  	_ =	shalt  }
0x4e: {  	_ =	shalt  }
0x4f: {  	_ =	shalt  }
0x50: {  	_ =	shalt  }
0x51: {  	_ =	shalt  }
0x52: {  	_ =	shalt  }
0x53: {  	_ =	shalt  }
0x54: {  	_ =	shalt  }
0x55: {  	_ =	shalt  }
0x56: {  	_ =	shalt  }
0x57: {  	_ =	shalt  }
0x58: {  	_ =	shalt  }
0x59: {  	_ =	shalt  }
0x5a: {  	_ =	shalt  }
0x5b: {  	_ =	shalt  }
0x5c: {  	_ =	shalt  }
0x5d: {  	_ =	shalt  }
0x5e: {  	_ =	shalt  }
0x5f: {  	_ =	shalt  }
0x60: {  	_ =	shalt  }
0x61: {  	_ =	shalt  }
0x62: {  	_ =	shalt  }
0x63: {  	_ =	shalt  }
0x64: {  	_ =	shalt  }
0x65: {  	_ =	shalt  }
0x66: {  	_ =	shalt  }
0x67: {  	_ =	shalt  }
0x68: {  	_ =	shalt  }
0x69: {  	_ =	shalt  }
0x6a: {  	_ =	shalt  }
0x6b: {  	_ =	shalt  }
0x6c: {  	_ =	shalt  }
0x6d: {  	_ =	shalt  }
0x6e: {  	_ =	shalt  }
0x6f: {  	_ =	shalt  }
0x70: {  	_ =	shalt  }
0x71: {  	_ =	shalt  }
0x72: {  	_ =	shalt  }
0x73: {  	_ =	shalt  }
0x74: {  	_ =	shalt  }
0x75: {  	_ =	shalt  }
0x76: {  	_ =	shalt  }
0x77: {  	_ =	shalt  }
0x78: {  	_ =	shalt  }
0x79: {  	_ =	shalt  }
0x7a: {  	_ =	shalt  }
0x7b: {  	_ =	shalt  }
0x7c: {  	_ =	shalt  }
0x7d: {  	_ =	shalt  }
0x7e: {  	_ =	shalt  }
0x7f: {  	_ =	shalt  }
0x80: {  	_ =	shalt  }
0x81: {  	_ =	shalt  }
0x82: {  	_ =	shalt  }
0x83: {  	_ =	shalt  }
0x84: {  	_ =	shalt  }
0x85: {  	_ =	shalt  }
0x86: {  	_ =	shalt  }
0x87: {  	_ =	shalt  }
.Lfunc_end0:
.L_simem_size_0:
called_computation_lowered:
.L_overlay_start_0:
0x88: {  	s2 =	sld [smem:$0x3FD9]  }
0x89: {  	s3 =	sld [smem:$0x3FFE];
	_ =	sdelay $0x1  }
0x8a: {  	s1 =	srdreg.scid  }
0x8b: {  	s0 =	sand.u32 $0x1, s1  }
0x8c: {  	s17 =	sshll.u32 s0, $0xA;
	s2 =	sadd.s32 s3, s2  }
0x8d: {  	s2 =	sadd.s32 s2, s17  }
0x8e: {  	[smem:$0x3FC3] =	sst s2  }
0x8f: {  	_ = 	snop  }
0x90: {  	s2 =	sld [smem:$0x3FD0];
	(tm) =	ssettm $0x1  }
0x91: {  	s18 =	sld [smem:$0x3FFB];
	_ =	sdelay $0x3  }
0x92: {  	_ =	strace s18  }
0x93: {  	s3 =	sld [smem:$0x3FFC];
	_ =	sdelay $0x3  }
0x94: {  	_ =	strace s3  }
0x95: {  	s3 =	sld [smem:$0x3FFD];
	_ =	sdelay $0x3  }
0x96: {  	_ =	strace s3  }
0x97: {  	_ =	strace $0x8FFFFFFF  }
0x98: {  	s19 =	sld [smem:$0x3FDB];
	_ =	sdelay $0x1  }
0x99: {  	s4 =	simm.s32 $_scs_section_size  }
0x9a: {  	s5 =	simm.s32 $_size__tile_overlayer_lowered;
	s6 =	simm.s32 $_tile_overlayer_lowered  }
0x9b: {  	s22 =	simm.s32 $0x1BFF;
	s21 =	sshll.u32 s6, $0x1;
	s3 =	sadd.s32 s4, s19  }
0x9c: {  	s7 =	simm.s32 $0x0;
	s20 =	sshll.u32 s5, $0x1;
	s5 =	sadd.s32 s21, s3  }
0x9d: {  	[timem:s7], [sflag:s22] =	dma.local [hbm:s5], s20  }
0x9e: {  	_ =	swait.ge [sflag:s22], s20  }
0x9f: {  	s4 =	ssub.s32 $0x0, s20;
	[sflag:s22] =	ssyncset.done $0x0  }
0xa0: {  	[sflag:s22] =	ssyncadd.s32 s4;
	_ =	sdelay $0x1  }
0xa1: {  	s23 =	simm.s32 $0x1B8B  }
0xa2: {  	_ =	swait.ge [sflag:s23], $0x1  }
0xa3: {  	[sflag:s23] =	ssyncset.done $0x0  }
0xa4: {  	s25 =	simm.s32 $0x1B8E;
	s24 =	sld [smem:$0x3FFE];
	[sflag:s23] =	ssyncadd.s32 $0xFFFFFFFF  }
0xa5: {  	s26 =	simm.s32 $execute0_lowered;
	[smem:$0x3FD2] =	sst s25  }
0xa6: {  	s5 =	sshll.u32 s26, $0x1;
	_ =	strace $0x80000046;
	[dreg:$0x1] =	wrdreg $0xFFFFFFFF  }
0xa7: {  	s28 =	simm.s32 $_size_execute0_lowered;
	s3 =	sadd.s32 s3, s5;
	[dreg:$0x0] =	wrdreg $0x0  }
0xa8: {  	s5 =	sshll.u32 s28, $0x1;
	[dreg:$0x2] =	wrdreg s3  }
0xa9: {  	[dreg:$0x3] =	wrdreg s5  }
0xaa: {  	[dreg:$0x4] =	wrdreg $0xC0  }
0xab: {  	_ =	task [dreg:s7], $0x5FFFF  }
0xac: {  	[dreg:$0x1] =	wrdreg $0xFFFFFFFF  }
0xad: {  	[dreg:$0x0] =	wrdreg $0x60  }
0xae: {  	[dreg:$0x2] =	wrdreg s2  }
0xaf: {  	[dreg:$0x3] =	wrdreg s24  }
0xb0: {  	[dreg:$0x4] =	wrdreg $0x9  }
0xb1: {  	_ =	task.clear_ibuf [dreg:s7], $0x5FFFF;
	_ =	strace $0x90000046  }
0xb2: {  	s29 =	simm.s32 $0x9;
	_ =	strace $0x80000048  }
0xb3: {  	_ =	swait.ge [sflag:s29], $0x1  }
0xb4: {  	[sflag:s29] =	ssyncadd.s32 $0xFFFFFFFF  }
0xb5: {  	_ =	strace $0x90000048  }
0xb6: {  	_ =	sfence  }
0xb7: {  	s30 =	sld [smem:$0x0];
	_ =	sdelay $0x2  }
0xb8: {  	s31 =	sshll.u32 s1, $0xD;
	s1 =	sshrl.u32 s1, $0x2  }
0xb9: {  	s3 =	sand.u32 $0x4000, s31;
	s1 =	sadd.s32 s1, s30  }
0xba: {  	s0 =	sor.u32 s3, s0;
	s1 =	sshll.u32 s1, $0x11  }
0xbb: {  	s0 =	sor.u32 s1, s0  }
0xbc: {  	s0 =	sadd.s32 $0x8F2B, s0  }
0xbd: {  	[sflag:s0] =	ssyncadd.remote.s32 $0x1  }
0xbe: {  	_ =	sfence.sel $0xFFFF  }
0xbf: {  	[dreg:$0x0] =	wrdreg $0xFFFFFFFF;
	(pc) =	sbr.abs _section_cstart, $3  }
0xc0: {  	[dreg:$0x1] =	wrdreg $0xFFFFFFFF  }
0xc1: {  	_ =	task.clear_ibuf [dreg:s7], $0x2FFFF;
	_ =	strace $0x9FFFFFFF  }
0xc2: {  	(tm) =	ssettm $0x7FFFFFFF  }
0xc3: {  	_ =	shalt  }
tec
execute0_lowered:
.L_overlay_start_1:
0x0: {  	(tag) =	ssettag $0x1  }
0x1: {  	s0 =	rddreg [dreg:$0x0];
	s3 =	srdreg.scid  }
0x2: {  	s1 =	rddreg [dreg:$0x1];
	s4 =	stileid.u32;
	s3 =	sand.u32 $0x1, s3  }
0x3: {  	s2 =	simm.s32 $0x0;
	s4 =	sshll.u32 s4, $0x9;
	s5 =	sshll.u32 s3, $0x8  }
0x4: {  	[smem:$0x7FF] =	sst s2;
	s6 =	ssub.s32 $0x2, s3;
	s4 =	sor.u32 s5, s4  }
0x5: {  	s3 =	sadd.s32 $0x3600, s1;
	s1 =	sadd.s32 s4, s1;
	s0 =	sadd.s32 s0, s4  }
0x6: {  	_ =	strace $0x80000047;
	[dreg:$0x3] =	wrdreg s0;
	s10 =	sadd.s32 $0x7C00, s1  }
0x7: {  	s11 =	sadd.s32 $0x23C00, s1;
	[dreg:$0x4] =	wrdreg s10  }
0x8: {  	s12 =	sadd.s32 $0x3DC00, s1;
	[dreg:$0x5] =	wrdreg s11  }
0x9: {  	s13 =	sadd.s32 $0xBC00, s1;
	[dreg:$0x6] =	wrdreg s12  }
0xa: {  	s14 =	sadd.s32 $0xDC00, s1;
	[dreg:$0x7] =	wrdreg s13  }
0xb: {  	s15 =	sadd.s32 $0xFC00, s1;
	[dreg:$0x8] =	wrdreg s14  }
0xc: {  	s7 =	simm.s32 $0x1800;
	s16 =	sadd.s32 $0x11C00, s1;
	[dreg:$0x9] =	wrdreg s15  }
0xd: {  	s8 =	simm.s32 $0x2000;
	s17 =	sadd.s32 $0x13C00, s1;
	[dreg:$0xa] =	wrdreg s16  }
0xe: {  	s9 =	sshrl.u32 s6, $0x1;
	s18 =	sadd.s32 $0x15C00, s1;
	[dreg:$0xb] =	wrdreg s17  }
0xf: {  	s5 =	ssub.s32 s6, s9;
	s19 =	sadd.s32 $0x17C00, s1;
	[dreg:$0xc] =	wrdreg s18  }
0x10: {  	s4 =	simm.s32 $0x8;
	s20 =	sadd.s32 $0x19C00, s1;
	[dreg:$0xd] =	wrdreg s19  }
0x11: {  	s6 =	simm.s32 $0x800;
	s21 =	sadd.s32 $0x1BC00, s1;
	[dreg:$0xe] =	wrdreg s20  }
0x12: {  	s9 =	simm.s32 $0x1000;
	s22 =	sadd.s32 $0x1DC00, s1;
	[dreg:$0xf] =	wrdreg s21  }
0x13: {  	s23 =	sadd.s32 $0x1FC00, s1;
	s24 =	sadd.s32 $0x21C00, s1;
	[dreg:$0x10] =	wrdreg s22  }
0x14: {  	s25 =	sadd.s32 $0x25C00, s1;
	s26 =	sadd.s32 $0x27C00, s1;
	[dreg:$0x11] =	wrdreg s23  }
0x15: {  	s28 =	sadd.s32 $0x33C00, s1;
	s29 =	sadd.s32 $0x35C00, s1;
	[dreg:$0x12] =	wrdreg s24  }
0x16: {  	s30 =	sadd.s32 $0x37C00, s1;
	s31 =	sadd.s32 $0x39C00, s1;
	[dreg:$0x13] =	wrdreg s25  }
0x17: {  	s0 =	sadd.s32 $0x3BC00, s1;
	[dreg:$0x14] =	wrdreg s26;
	s22 =	sadd.s32 $0x29C00, s1  }
0x18: {  	s23 =	sadd.s32 $0x2BC00, s1;
	s24 =	sadd.s32 $0x2DC00, s1;
	s25 =	sadd.s32 $0x2FC00, s1  }
0x19: {  	s26 =	sadd.s32 $0x31C00, s1;
	s1 =	smax.u32 s5, $0x1;
	s5 =	simm.s32 $0x3800  }
0x1a: {  	s10 =	simm.s32 $0x2800;
	s11 =	simm.s32 $0x1;
	s12 =	simm.s32 $0x4  }
0x1b: {  	s13 =	simm.s32 $0x2;
	s14 =	simm.s32 $0x5;
	s15 =	simm.s32 $0x3  }
0x1c: {  	s16 =	simm.s32 $0x6;
	s17 =	simm.s32 $0x7;
	s18 =	simm.s32 $0x0  }
.LBB2_1:
0x1d: {  	s19 =	rddreg [dreg:$0x3];
	s20 =	simm.s32 $0x3000  }
0x1e: {  	[tilespmem:s20], [sflag:$0x8] =	stream.linear.gather [hbm4b:s19+s2], $0x800, $0x38;
	[tilespmem:$0x4000] =	vst v63  }
0x1f: {  	_ =	swait.ge [sflag:s4], $0x800  }
0x20: {  	[sflag:s4] =	ssyncset.done $0x0  }
0x21: {  	s21 =	rddreg [dreg:$0x4];
	[sflag:s4] =	ssyncadd.s32 $0xFFFFF800  }
0x22: {  	[tilespmem:s5], [sflag:$0x8] =	stream.linear.gather [hbm4b:s21+s2], $0x800, $0x38;
	[tilespmem:$0x4000] =	vst v63  }
0x23: {  	_ =	swait.ge [sflag:s4], $0x800  }
0x24: {  	[sflag:s4] =	ssyncset.done $0x0  }
0x25: {  	s20 =	rddreg [dreg:$0x5];
	[sflag:s4] =	ssyncadd.s32 $0xFFFFF800  }
0x26: {  	[hbm4b:s20+s2] =	stream.linear.scatter [tilespmem:s5], [sflag:$0x7], $0x800, $0x38;
	[tilespmem:$0x4000] =	vst v63  }
0x27: {  	s19 =	simm.s32 $0x0;
	s21 =	rddreg [dreg:$0x6]  }
0x28: {  	[hbm4b:s21+s2] =	stream.linear.scatter [tilespmem:s5], [sflag:$0x7], $0x800, $0x38;
	[tilespmem:$0x4000] =	vst v63  }
0x29: {  	s20 =	simm.s32 $0x40;
	v0 =	vld [tilespmem:s19+$0x3000]  }
.LBB2_2:
0x2a: {  	p0 =	sne.s32 s20, $0x1FC0  }
.Ltmp0:
0x2b: {  	_ = 	snop;
	(pc) =	sbr.rel @p0 .LBB2_2-.Ltmp0, $3  }
0x2c: {  	_ =	sdelay $0x1  }
0x2d: {  	[tilespmem:s19+$0x0] =	vst v0;
	s19 =	sshra.s32 s20, $0x2;
	s20 =	sadd.s32 $0x40, s20  }
0x2e: {  	v0 =	vld [tilespmem:s19+$0x3000]  }
0x2f: {  	_ =	sdelay $0x3  }
0x30: {  	s21 =	simm.s32 $0x0;
	[tilespmem:s19+$0x0] =	vst v0;
	s19 =	simm.s32 $0x0  }
0x31: {  	[tilespmem:s7], [sflag:$0x1] =	stream.indirect.gather [hbm4b:s3+s6], $0x1, s21, s6, $0xb8;
	[tilespmem:$0x4000] =	vst v63  }
0x32: {  	s20 =	simm.s32 $0x40;
	v0 =	vld [tilespmem:s19+$0x3000]  }
.LBB2_4:
0x33: {  	p0 =	sne.s32 s20, $0x1FC0  }
.Ltmp1:
0x34: {  	_ = 	snop;
	(pc) =	sbr.rel @p0 .LBB2_4-.Ltmp1, $3  }
0x35: {  	_ =	sdelay $0x1  }
0x36: {  	s21 =	sshra.s32 s20, $0x2;
	s20 =	sadd.s32 $0x40, s20;
	v1 =	vadd.s32 $0x1, v0  }
0x37: {  	v0 =	vld [tilespmem:s21+$0x3000];
	[tilespmem:s19+$0x800] =	vst v1;
	s19 =	smov.u32 s21  }
0x38: {  	_ =	sdelay $0x3  }
0x39: {  	v0 =	vadd.s32 $0x1, v0  }
0x3a: {  	[tilespmem:s19+$0x800] =	vst v0;
	s19 =	simm.s32 $0x0  }
0x3b: {  	[tilespmem:s8], [sflag:$0x2] =	stream.indirect.gather [hbm4b:s3+s6], $0x1, s6, s6, $0xb8;
	[tilespmem:$0x4000] =	vst v63  }
0x3c: {  	s20 =	simm.s32 $0x40;
	v0 =	vld [tilespmem:s19+$0x3000]  }
.LBB2_6:
0x3d: {  	p0 =	sne.s32 s20, $0x1FC0  }
.Ltmp2:
0x3e: {  	_ = 	snop;
	(pc) =	sbr.rel @p0 .LBB2_6-.Ltmp2, $3  }
0x3f: {  	_ =	sdelay $0x1  }
0x40: {  	s21 =	sshra.s32 s20, $0x2;
	s20 =	sadd.s32 $0x40, s20;
	v1 =	vadd.s32 $0x2, v0  }
0x41: {  	v0 =	vld [tilespmem:s21+$0x3000];
	[tilespmem:s19+$0x1000] =	vst v1;
	s19 =	smov.u32 s21  }
0x42: {  	_ =	sdelay $0x3  }
0x43: {  	v0 =	vadd.s32 $0x2, v0  }
0x44: {  	[tilespmem:s19+$0x1000] =	vst v0  }
0x45: {  	[tilespmem:s10], [sflag:$0x3] =	stream.indirect.gather [hbm4b:s3+s6], $0x1, s9, s6, $0xb8;
	[tilespmem:$0x4000] =	vst v63  }
0x46: {  	_ =	swait.ge [sflag:s11], $0x800  }
0x47: {  	[sflag:s11] =	ssyncset.done $0x0  }
0x48: {  	s21 =	simm.s32 $0x0;
	s20 =	rddreg [dreg:$0x7];
	[sflag:s11] =	ssyncadd.s32 $0xFFFFF800  }
0x49: {  	[hbm4b:s20+s21] =	stream.linear.scatter [tilespmem:s7], [sflag:$0x4], $0x800, $0x38;
	[tilespmem:$0x4000] =	vst v63  }
0x4a: {  	_ =	swait.ge [sflag:s12], $0x800  }
0x4b: {  	[sflag:s12] =	ssyncset.done $0x0  }
0x4c: {  	s19 =	simm.s32 $0x0;
	[sflag:s12] =	ssyncadd.s32 $0xFFFFF800  }
0x4d: {  	s20 =	simm.s32 $0x40;
	v0 =	vld [tilespmem:s19+$0x3000]  }
.LBB2_8:
0x4e: {  	p0 =	sne.s32 s20, $0x1FC0  }
.Ltmp3:
0x4f: {  	_ = 	snop;
	(pc) =	sbr.rel @p0 .LBB2_8-.Ltmp3, $3  }
0x50: {  	_ =	sdelay $0x1  }
0x51: {  	s21 =	sshra.s32 s20, $0x2;
	s20 =	sadd.s32 $0x40, s20;
	v1 =	vadd.s32 $0x3, v0  }
0x52: {  	v0 =	vld [tilespmem:s21+$0x3000];
	[tilespmem:s19+$0x0] =	vst v1;
	s19 =	smov.u32 s21  }
0x53: {  	_ =	sdelay $0x3  }
0x54: {  	v0 =	vadd.s32 $0x3, v0  }
0x55: {  	s21 =	simm.s32 $0x0;
	[tilespmem:s19+$0x0] =	vst v0  }
0x56: {  	[tilespmem:s7], [sflag:$0x1] =	stream.indirect.gather [hbm4b:s3+s6], $0x1, s21, s6, $0xb8;
	[tilespmem:$0x4000] =	vst v63  }
0x57: {  	_ =	swait.ge [sflag:s13], $0x800  }
0x58: {  	[sflag:s13] =	ssyncset.done $0x0  }
0x59: {  	s20 =	rddreg [dreg:$0x8];
	[sflag:s13] =	ssyncadd.s32 $0xFFFFF800  }
0x5a: {  	[hbm4b:s20+s21] =	stream.linear.scatter [tilespmem:s8], [sflag:$0x5], $0x800, $0x38;
	[tilespmem:$0x4000] =	vst v63  }
0x5b: {  	_ =	swait.ge [sflag:s14], $0x800  }
0x5c: {  	[sflag:s14] =	ssyncset.done $0x0  }
0x5d: {  	s19 =	simm.s32 $0x0;
	[sflag:s14] =	ssyncadd.s32 $0xFFFFF800  }
0x5e: {  	s20 =	simm.s32 $0x40;
	v0 =	vld [tilespmem:s19+$0x3000]  }
.LBB2_10:
0x5f: {  	p0 =	sne.s32 s20, $0x1FC0  }
.Ltmp4:
0x60: {  	_ = 	snop;
	(pc) =	sbr.rel @p0 .LBB2_10-.Ltmp4, $3  }
0x61: {  	_ =	sdelay $0x1  }
0x62: {  	s21 =	sshra.s32 s20, $0x2;
	s20 =	sadd.s32 $0x40, s20;
	v1 =	vadd.s32 $0x4, v0  }
0x63: {  	v0 =	vld [tilespmem:s21+$0x3000];
	[tilespmem:s19+$0x800] =	vst v1;
	s19 =	smov.u32 s21  }
0x64: {  	_ =	sdelay $0x3  }
0x65: {  	v0 =	vadd.s32 $0x4, v0  }
0x66: {  	[tilespmem:s19+$0x800] =	vst v0  }
0x67: {  	[tilespmem:s8], [sflag:$0x2] =	stream.indirect.gather [hbm4b:s3+s6], $0x1, s6, s6, $0xb8;
	[tilespmem:$0x4000] =	vst v63  }
0x68: {  	_ =	swait.ge [sflag:s15], $0x800  }
0x69: {  	[sflag:s15] =	ssyncset.done $0x0  }
0x6a: {  	s21 =	simm.s32 $0x0;
	s20 =	rddreg [dreg:$0x9];
	[sflag:s15] =	ssyncadd.s32 $0xFFFFF800  }
0x6b: {  	[hbm4b:s20+s21] =	stream.linear.scatter [tilespmem:s10], [sflag:$0x6], $0x800, $0x38;
	[tilespmem:$0x4000] =	vst v63  }
0x6c: {  	_ =	swait.ge [sflag:s16], $0x800  }
0x6d: {  	[sflag:s16] =	ssyncset.done $0x0  }
0x6e: {  	s19 =	simm.s32 $0x0;
	[sflag:s16] =	ssyncadd.s32 $0xFFFFF800  }
0x6f: {  	s20 =	simm.s32 $0x40;
	v0 =	vld [tilespmem:s19+$0x3000]  }
.LBB2_12:
0x70: {  	p0 =	sne.s32 s20, $0x1FC0  }
.Ltmp5:
0x71: {  	_ = 	snop;
	(pc) =	sbr.rel @p0 .LBB2_12-.Ltmp5, $3  }
0x72: {  	_ =	sdelay $0x1  }
0x73: {  	s21 =	sshra.s32 s20, $0x2;
	s20 =	sadd.s32 $0x40, s20;
	v1 =	vadd.s32 $0x804, v0  }
0x74: {  	v0 =	vld [tilespmem:s21+$0x3000];
	[tilespmem:s19+$0x1000] =	vst v1;
	s19 =	smov.u32 s21  }
0x75: {  	_ =	sdelay $0x3  }
0x76: {  	v0 =	vadd.s32 $0x804, v0  }
0x77: {  	[tilespmem:s19+$0x1000] =	vst v0  }
0x78: {  	[tilespmem:s10], [sflag:$0x3] =	stream.indirect.gather [hbm4b:s3+s6], $0x1, s9, s6, $0xb8;
	[tilespmem:$0x4000] =	vst v63  }
0x79: {  	_ =	swait.ge [sflag:s11], $0x800  }
0x7a: {  	[sflag:s11] =	ssyncset.done $0x0  }
0x7b: {  	s21 =	simm.s32 $0x0;
	s20 =	rddreg [dreg:$0xa];
	[sflag:s11] =	ssyncadd.s32 $0xFFFFF800  }
0x7c: {  	[hbm4b:s20+s21] =	stream.linear.scatter [tilespmem:s7], [sflag:$0x4], $0x800, $0x38;
	[tilespmem:$0x4000] =	vst v63  }
0x7d: {  	_ =	swait.ge [sflag:s12], $0x800  }
0x7e: {  	[sflag:s12] =	ssyncset.done $0x0  }
0x7f: {  	s19 =	simm.s32 $0x0;
	[sflag:s12] =	ssyncadd.s32 $0xFFFFF800  }
0x80: {  	s20 =	simm.s32 $0x40;
	v0 =	vld [tilespmem:s19+$0x3000]  }
.LBB2_14:
0x81: {  	p0 =	sne.s32 s20, $0x1FC0  }
.Ltmp6:
0x82: {  	_ = 	snop;
	(pc) =	sbr.rel @p0 .LBB2_14-.Ltmp6, $3  }
0x83: {  	_ =	sdelay $0x1  }
0x84: {  	s21 =	sshra.s32 s20, $0x2;
	s20 =	sadd.s32 $0x40, s20;
	v1 =	vadd.s32 $0x805, v0  }
0x85: {  	v0 =	vld [tilespmem:s21+$0x3000];
	[tilespmem:s19+$0x0] =	vst v1;
	s19 =	smov.u32 s21  }
0x86: {  	_ =	sdelay $0x3  }
0x87: {  	v0 =	vadd.s32 $0x805, v0  }
0x88: {  	s21 =	simm.s32 $0x0;
	[tilespmem:s19+$0x0] =	vst v0  }
0x89: {  	[tilespmem:s7], [sflag:$0x1] =	stream.indirect.gather [hbm4b:s3+s6], $0x1, s21, s6, $0xb8;
	[tilespmem:$0x4000] =	vst v63  }
0x8a: {  	_ =	swait.ge [sflag:s13], $0x800  }
0x8b: {  	[sflag:s13] =	ssyncset.done $0x0  }
0x8c: {  	s20 =	rddreg [dreg:$0xb];
	[sflag:s13] =	ssyncadd.s32 $0xFFFFF800  }
0x8d: {  	[hbm4b:s20+s21] =	stream.linear.scatter [tilespmem:s8], [sflag:$0x5], $0x800, $0x38;
	[tilespmem:$0x4000] =	vst v63  }
0x8e: {  	_ =	swait.ge [sflag:s14], $0x800  }
0x8f: {  	[sflag:s14] =	ssyncset.done $0x0  }
0x90: {  	s19 =	simm.s32 $0x0;
	[sflag:s14] =	ssyncadd.s32 $0xFFFFF800  }
0x91: {  	s20 =	simm.s32 $0x40;
	v0 =	vld [tilespmem:s19+$0x3000]  }
.LBB2_16:
0x92: {  	p0 =	sne.s32 s20, $0x1FC0  }
.Ltmp7:
0x93: {  	_ = 	snop;
	(pc) =	sbr.rel @p0 .LBB2_16-.Ltmp7, $3  }
0x94: {  	_ =	sdelay $0x1  }
0x95: {  	s21 =	sshra.s32 s20, $0x2;
	s20 =	sadd.s32 $0x40, s20;
	v1 =	vadd.s32 $0x806, v0  }
0x96: {  	v0 =	vld [tilespmem:s21+$0x3000];
	[tilespmem:s19+$0x800] =	vst v1;
	s19 =	smov.u32 s21  }
0x97: {  	_ =	sdelay $0x3  }
0x98: {  	v0 =	vadd.s32 $0x806, v0  }
0x99: {  	[tilespmem:s19+$0x800] =	vst v0  }
0x9a: {  	[tilespmem:s8], [sflag:$0x2] =	stream.indirect.gather [hbm4b:s3+s6], $0x1, s6, s6, $0xb8;
	[tilespmem:$0x4000] =	vst v63  }
0x9b: {  	_ =	swait.ge [sflag:s15], $0x800  }
0x9c: {  	[sflag:s15] =	ssyncset.done $0x0  }
0x9d: {  	s21 =	simm.s32 $0x0;
	s20 =	rddreg [dreg:$0xc];
	[sflag:s15] =	ssyncadd.s32 $0xFFFFF800  }
0x9e: {  	[hbm4b:s20+s21] =	stream.linear.scatter [tilespmem:s10], [sflag:$0x6], $0x800, $0x38;
	[tilespmem:$0x4000] =	vst v63  }
0x9f: {  	_ =	swait.ge [sflag:s16], $0x800  }
0xa0: {  	[sflag:s16] =	ssyncset.done $0x0  }
0xa1: {  	s19 =	simm.s32 $0x0;
	[sflag:s16] =	ssyncadd.s32 $0xFFFFF800  }
0xa2: {  	s20 =	simm.s32 $0x40;
	v0 =	vld [tilespmem:s19+$0x3000]  }
.LBB2_18:
0xa3: {  	p0 =	sne.s32 s20, $0x1FC0  }
.Ltmp8:
0xa4: {  	_ = 	snop;
	(pc) =	sbr.rel @p0 .LBB2_18-.Ltmp8, $3  }
0xa5: {  	_ =	sdelay $0x1  }
0xa6: {  	s21 =	sshra.s32 s20, $0x2;
	s20 =	sadd.s32 $0x40, s20;
	v1 =	vadd.s32 $0x807, v0  }
0xa7: {  	v0 =	vld [tilespmem:s21+$0x3000];
	[tilespmem:s19+$0x1000] =	vst v1;
	s19 =	smov.u32 s21  }
0xa8: {  	_ =	sdelay $0x3  }
0xa9: {  	v0 =	vadd.s32 $0x807, v0  }
0xaa: {  	[tilespmem:s19+$0x1000] =	vst v0  }
0xab: {  	[tilespmem:s10], [sflag:$0x3] =	stream.indirect.gather [hbm4b:s3+s6], $0x1, s9, s6, $0xb8;
	[tilespmem:$0x4000] =	vst v63  }
0xac: {  	_ =	swait.ge [sflag:s11], $0x800  }
0xad: {  	[sflag:s11] =	ssyncset.done $0x0  }
0xae: {  	s21 =	simm.s32 $0x0;
	s20 =	rddreg [dreg:$0xd];
	[sflag:s11] =	ssyncadd.s32 $0xFFFFF800  }
0xaf: {  	[hbm4b:s20+s21] =	stream.linear.scatter [tilespmem:s7], [sflag:$0x4], $0x800, $0x38;
	[tilespmem:$0x4000] =	vst v63  }
0xb0: {  	_ =	swait.ge [sflag:s12], $0x800  }
0xb1: {  	[sflag:s12] =	ssyncset.done $0x0  }
0xb2: {  	s19 =	simm.s32 $0x0;
	[sflag:s12] =	ssyncadd.s32 $0xFFFFF800  }
0xb3: {  	s20 =	simm.s32 $0x40;
	v0 =	vld [tilespmem:s19+$0x3000]  }
.LBB2_20:
0xb4: {  	p0 =	sne.s32 s20, $0x1FC0  }
.Ltmp9:
0xb5: {  	_ = 	snop;
	(pc) =	sbr.rel @p0 .LBB2_20-.Ltmp9, $3  }
0xb6: {  	_ =	sdelay $0x1  }
0xb7: {  	s21 =	sshra.s32 s20, $0x2;
	s20 =	sadd.s32 $0x40, s20;
	v1 =	vadd.s32 $0x808, v0  }
0xb8: {  	v0 =	vld [tilespmem:s21+$0x3000];
	[tilespmem:s19+$0x0] =	vst v1;
	s19 =	smov.u32 s21  }
0xb9: {  	_ =	sdelay $0x3  }
0xba: {  	v0 =	vadd.s32 $0x808, v0  }
0xbb: {  	s21 =	simm.s32 $0x0;
	[tilespmem:s19+$0x0] =	vst v0  }
0xbc: {  	[tilespmem:s7], [sflag:$0x1] =	stream.indirect.gather [hbm4b:s3+s6], $0x1, s21, s6, $0xb8;
	[tilespmem:$0x4000] =	vst v63  }
0xbd: {  	_ =	swait.ge [sflag:s13], $0x800  }
0xbe: {  	[sflag:s13] =	ssyncset.done $0x0  }
0xbf: {  	s20 =	rddreg [dreg:$0xe];
	[sflag:s13] =	ssyncadd.s32 $0xFFFFF800  }
0xc0: {  	[hbm4b:s20+s21] =	stream.linear.scatter [tilespmem:s8], [sflag:$0x5], $0x800, $0x38;
	[tilespmem:$0x4000] =	vst v63  }
0xc1: {  	_ =	swait.ge [sflag:s14], $0x800  }
0xc2: {  	[sflag:s14] =	ssyncset.done $0x0  }
0xc3: {  	s19 =	simm.s32 $0x0;
	[sflag:s14] =	ssyncadd.s32 $0xFFFFF800  }
0xc4: {  	s20 =	simm.s32 $0x40;
	v0 =	vld [tilespmem:s19+$0x3000]  }
.LBB2_22:
0xc5: {  	p0 =	sne.s32 s20, $0x1FC0  }
.Ltmp10:
0xc6: {  	_ = 	snop;
	(pc) =	sbr.rel @p0 .LBB2_22-.Ltmp10, $3  }
0xc7: {  	_ =	sdelay $0x1  }
0xc8: {  	s21 =	sshra.s32 s20, $0x2;
	s20 =	sadd.s32 $0x40, s20;
	v1 =	vadd.s32 $0x1008, v0  }
0xc9: {  	v0 =	vld [tilespmem:s21+$0x3000];
	[tilespmem:s19+$0x800] =	vst v1;
	s19 =	smov.u32 s21  }
0xca: {  	_ =	sdelay $0x3  }
0xcb: {  	v0 =	vadd.s32 $0x1008, v0  }
0xcc: {  	[tilespmem:s19+$0x800] =	vst v0  }
0xcd: {  	[tilespmem:s8], [sflag:$0x2] =	stream.indirect.gather [hbm4b:s3+s6], $0x1, s6, s6, $0xb8;
	[tilespmem:$0x4000] =	vst v63  }
0xce: {  	_ =	swait.ge [sflag:s15], $0x800  }
0xcf: {  	[sflag:s15] =	ssyncset.done $0x0  }
0xd0: {  	s21 =	simm.s32 $0x0;
	s20 =	rddreg [dreg:$0xf];
	[sflag:s15] =	ssyncadd.s32 $0xFFFFF800  }
0xd1: {  	[hbm4b:s20+s21] =	stream.linear.scatter [tilespmem:s10], [sflag:$0x6], $0x800, $0x38;
	[tilespmem:$0x4000] =	vst v63  }
0xd2: {  	_ =	swait.ge [sflag:s16], $0x800  }
0xd3: {  	[sflag:s16] =	ssyncset.done $0x0  }
0xd4: {  	s19 =	simm.s32 $0x0;
	[sflag:s16] =	ssyncadd.s32 $0xFFFFF800  }
0xd5: {  	s20 =	simm.s32 $0x40;
	v0 =	vld [tilespmem:s19+$0x3000]  }
.LBB2_24:
0xd6: {  	p0 =	sne.s32 s20, $0x1FC0  }
.Ltmp11:
0xd7: {  	_ = 	snop;
	(pc) =	sbr.rel @p0 .LBB2_24-.Ltmp11, $3  }
0xd8: {  	_ =	sdelay $0x1  }
0xd9: {  	s21 =	sshra.s32 s20, $0x2;
	s20 =	sadd.s32 $0x40, s20;
	v1 =	vadd.s32 $0x1009, v0  }
0xda: {  	v0 =	vld [tilespmem:s21+$0x3000];
	[tilespmem:s19+$0x1000] =	vst v1;
	s19 =	smov.u32 s21  }
0xdb: {  	_ =	sdelay $0x3  }
0xdc: {  	v0 =	vadd.s32 $0x1009, v0  }
0xdd: {  	[tilespmem:s19+$0x1000] =	vst v0  }
0xde: {  	[tilespmem:s10], [sflag:$0x3] =	stream.indirect.gather [hbm4b:s3+s6], $0x1, s9, s6, $0xb8;
	[tilespmem:$0x4000] =	vst v63  }
0xdf: {  	_ =	swait.ge [sflag:s11], $0x800  }
0xe0: {  	[sflag:s11] =	ssyncset.done $0x0  }
0xe1: {  	s21 =	simm.s32 $0x0;
	s20 =	rddreg [dreg:$0x10];
	[sflag:s11] =	ssyncadd.s32 $0xFFFFF800  }
0xe2: {  	[hbm4b:s20+s21] =	stream.linear.scatter [tilespmem:s7], [sflag:$0x4], $0x800, $0x38;
	[tilespmem:$0x4000] =	vst v63  }
0xe3: {  	_ =	swait.ge [sflag:s12], $0x800  }
0xe4: {  	[sflag:s12] =	ssyncset.done $0x0  }
0xe5: {  	s19 =	simm.s32 $0x0;
	[sflag:s12] =	ssyncadd.s32 $0xFFFFF800  }
0xe6: {  	s20 =	simm.s32 $0x40;
	v0 =	vld [tilespmem:s19+$0x3000]  }
.LBB2_26:
0xe7: {  	p0 =	sne.s32 s20, $0x1FC0  }
.Ltmp12:
0xe8: {  	_ = 	snop;
	(pc) =	sbr.rel @p0 .LBB2_26-.Ltmp12, $3  }
0xe9: {  	_ =	sdelay $0x1  }
0xea: {  	s21 =	sshra.s32 s20, $0x2;
	s20 =	sadd.s32 $0x40, s20;
	v1 =	vadd.s32 $0x100B, v0  }
0xeb: {  	v0 =	vld [tilespmem:s21+$0x3000];
	[tilespmem:s19+$0x0] =	vst v1;
	s19 =	smov.u32 s21  }
0xec: {  	_ =	sdelay $0x3  }
0xed: {  	v0 =	vadd.s32 $0x100B, v0  }
0xee: {  	s21 =	simm.s32 $0x0;
	[tilespmem:s19+$0x0] =	vst v0  }
0xef: {  	[tilespmem:s7], [sflag:$0x1] =	stream.indirect.gather [hbm4b:s3+s6], $0x1, s21, s6, $0xb8;
	[tilespmem:$0x4000] =	vst v63  }
0xf0: {  	_ =	swait.ge [sflag:s13], $0x800  }
0xf1: {  	[sflag:s13] =	ssyncset.done $0x0  }
0xf2: {  	s20 =	rddreg [dreg:$0x11];
	[sflag:s13] =	ssyncadd.s32 $0xFFFFF800  }
0xf3: {  	[hbm4b:s20+s21] =	stream.linear.scatter [tilespmem:s8], [sflag:$0x5], $0x800, $0x38;
	[tilespmem:$0x4000] =	vst v63  }
0xf4: {  	_ =	swait.ge [sflag:s14], $0x800  }
0xf5: {  	[sflag:s14] =	ssyncset.done $0x0  }
0xf6: {  	s19 =	simm.s32 $0x0;
	[sflag:s14] =	ssyncadd.s32 $0xFFFFF800  }
0xf7: {  	s20 =	simm.s32 $0x40;
	v0 =	vld [tilespmem:s19+$0x3000]  }
.LBB2_28:
0xf8: {  	p0 =	sne.s32 s20, $0x1FC0  }
.Ltmp13:
0xf9: {  	_ = 	snop;
	(pc) =	sbr.rel @p0 .LBB2_28-.Ltmp13, $3  }
0xfa: {  	_ =	sdelay $0x1  }
0xfb: {  	s21 =	sshra.s32 s20, $0x2;
	s20 =	sadd.s32 $0x40, s20;
	v1 =	vadd.s32 $0x100C, v0  }
0xfc: {  	v0 =	vld [tilespmem:s21+$0x3000];
	[tilespmem:s19+$0x800] =	vst v1;
	s19 =	smov.u32 s21  }
0xfd: {  	_ =	sdelay $0x3  }
0xfe: {  	v0 =	vadd.s32 $0x100C, v0  }
0xff: {  	[tilespmem:s19+$0x800] =	vst v0  }
0x100: {  	[tilespmem:s8], [sflag:$0x2] =	stream.indirect.gather [hbm4b:s3+s6], $0x1, s6, s6, $0xb8;
	[tilespmem:$0x4000] =	vst v63  }
0x101: {  	_ =	swait.ge [sflag:s15], $0x800  }
0x102: {  	[sflag:s15] =	ssyncset.done $0x0  }
0x103: {  	s21 =	simm.s32 $0x0;
	s20 =	rddreg [dreg:$0x12];
	[sflag:s15] =	ssyncadd.s32 $0xFFFFF800  }
0x104: {  	[hbm4b:s20+s21] =	stream.linear.scatter [tilespmem:s10], [sflag:$0x6], $0x800, $0x38;
	[tilespmem:$0x4000] =	vst v63  }
0x105: {  	_ =	swait.ge [sflag:s16], $0x800  }
0x106: {  	[sflag:s16] =	ssyncset.done $0x0  }
0x107: {  	s19 =	simm.s32 $0x0;
	[sflag:s16] =	ssyncadd.s32 $0xFFFFF800  }
0x108: {  	s20 =	simm.s32 $0x40;
	v0 =	vld [tilespmem:s19+$0x3000]  }
.LBB2_30:
0x109: {  	p0 =	sne.s32 s20, $0x1FC0  }
.Ltmp14:
0x10a: {  	_ = 	snop;
	(pc) =	sbr.rel @p0 .LBB2_30-.Ltmp14, $3  }
0x10b: {  	_ =	sdelay $0x1  }
0x10c: {  	s21 =	sshra.s32 s20, $0x2;
	s20 =	sadd.s32 $0x40, s20;
	v1 =	vadd.s32 $0x180C, v0  }
0x10d: {  	v0 =	vld [tilespmem:s21+$0x3000];
	[tilespmem:s19+$0x1000] =	vst v1;
	s19 =	smov.u32 s21  }
0x10e: {  	_ =	sdelay $0x3  }
0x10f: {  	v0 =	vadd.s32 $0x180C, v0  }
0x110: {  	[tilespmem:s19+$0x1000] =	vst v0  }
0x111: {  	[tilespmem:s10], [sflag:$0x3] =	stream.indirect.gather [hbm4b:s3+s6], $0x1, s9, s6, $0xb8;
	[tilespmem:$0x4000] =	vst v63  }
0x112: {  	_ =	swait.ge [sflag:s11], $0x800  }
0x113: {  	[sflag:s11] =	ssyncset.done $0x0  }
0x114: {  	s21 =	simm.s32 $0x0;
	s20 =	rddreg [dreg:$0x13];
	[sflag:s11] =	ssyncadd.s32 $0xFFFFF800  }
0x115: {  	[hbm4b:s20+s21] =	stream.linear.scatter [tilespmem:s7], [sflag:$0x4], $0x800, $0x38;
	[tilespmem:$0x4000] =	vst v63  }
0x116: {  	_ =	swait.ge [sflag:s12], $0x800  }
0x117: {  	[sflag:s12] =	ssyncset.done $0x0  }
0x118: {  	s19 =	simm.s32 $0x0;
	[sflag:s12] =	ssyncadd.s32 $0xFFFFF800  }
0x119: {  	s20 =	simm.s32 $0x40;
	v0 =	vld [tilespmem:s19+$0x3000]  }
.LBB2_32:
0x11a: {  	p0 =	sne.s32 s20, $0x1FC0  }
.Ltmp15:
0x11b: {  	_ = 	snop;
	(pc) =	sbr.rel @p0 .LBB2_32-.Ltmp15, $3  }
0x11c: {  	_ =	sdelay $0x1  }
0x11d: {  	s21 =	sshra.s32 s20, $0x2;
	s20 =	sadd.s32 $0x40, s20;
	v1 =	vadd.s32 $0x180D, v0  }
0x11e: {  	v0 =	vld [tilespmem:s21+$0x3000];
	[tilespmem:s19+$0x0] =	vst v1;
	s19 =	smov.u32 s21  }
0x11f: {  	_ =	sdelay $0x3  }
0x120: {  	v0 =	vadd.s32 $0x180D, v0  }
0x121: {  	s21 =	simm.s32 $0x0;
	[tilespmem:s19+$0x0] =	vst v0  }
0x122: {  	[tilespmem:s7], [sflag:$0x1] =	stream.indirect.gather [hbm4b:s3+s6], $0x1, s21, s6, $0xb8;
	[tilespmem:$0x4000] =	vst v63  }
0x123: {  	_ =	swait.ge [sflag:s13], $0x800  }
0x124: {  	[sflag:s13] =	ssyncset.done $0x0  }
0x125: {  	s20 =	rddreg [dreg:$0x14];
	[sflag:s13] =	ssyncadd.s32 $0xFFFFF800  }
0x126: {  	[hbm4b:s20+s21] =	stream.linear.scatter [tilespmem:s8], [sflag:$0x5], $0x800, $0x38;
	[tilespmem:$0x4000] =	vst v63  }
0x127: {  	_ =	swait.ge [sflag:s14], $0x800  }
0x128: {  	[sflag:s14] =	ssyncset.done $0x0  }
0x129: {  	s19 =	simm.s32 $0x0;
	[sflag:s14] =	ssyncadd.s32 $0xFFFFF800  }
0x12a: {  	s20 =	simm.s32 $0x40;
	v0 =	vld [tilespmem:s19+$0x3000]  }
.LBB2_34:
0x12b: {  	p0 =	sne.s32 s20, $0x1FC0  }
.Ltmp16:
0x12c: {  	_ = 	snop;
	(pc) =	sbr.rel @p0 .LBB2_34-.Ltmp16, $3  }
0x12d: {  	_ =	sdelay $0x1  }
0x12e: {  	s21 =	sshra.s32 s20, $0x2;
	s20 =	sadd.s32 $0x40, s20;
	v1 =	vadd.s32 $0x180E, v0  }
0x12f: {  	v0 =	vld [tilespmem:s21+$0x3000];
	[tilespmem:s19+$0x800] =	vst v1;
	s19 =	smov.u32 s21  }
0x130: {  	_ =	sdelay $0x3  }
0x131: {  	v0 =	vadd.s32 $0x180E, v0  }
0x132: {  	[tilespmem:s19+$0x800] =	vst v0  }
0x133: {  	[tilespmem:s8], [sflag:$0x2] =	stream.indirect.gather [hbm4b:s3+s6], $0x1, s6, s6, $0xb8;
	[tilespmem:$0x4000] =	vst v63  }
0x134: {  	_ =	swait.ge [sflag:s15], $0x800  }
0x135: {  	[sflag:s15] =	ssyncset.done $0x0  }
0x136: {  	s21 =	simm.s32 $0x0;
	[sflag:s15] =	ssyncadd.s32 $0xFFFFF800  }
0x137: {  	[hbm4b:s22+s21] =	stream.linear.scatter [tilespmem:s10], [sflag:$0x6], $0x800, $0x38;
	[tilespmem:$0x4000] =	vst v63  }
0x138: {  	_ =	swait.ge [sflag:s16], $0x800  }
0x139: {  	[sflag:s16] =	ssyncset.done $0x0  }
0x13a: {  	s19 =	simm.s32 $0x0;
	[sflag:s16] =	ssyncadd.s32 $0xFFFFF800  }
0x13b: {  	s20 =	simm.s32 $0x40;
	v0 =	vld [tilespmem:s19+$0x3000]  }
.LBB2_36:
0x13c: {  	p0 =	sne.s32 s20, $0x1FC0  }
.Ltmp17:
0x13d: {  	_ = 	snop;
	(pc) =	sbr.rel @p0 .LBB2_36-.Ltmp17, $3  }
0x13e: {  	_ =	sdelay $0x1  }
0x13f: {  	s21 =	sshra.s32 s20, $0x2;
	s20 =	sadd.s32 $0x40, s20;
	v1 =	vadd.s32 $0x180F, v0  }
0x140: {  	v0 =	vld [tilespmem:s21+$0x3000];
	[tilespmem:s19+$0x1000] =	vst v1;
	s19 =	smov.u32 s21  }
0x141: {  	_ =	sdelay $0x3  }
0x142: {  	v0 =	vadd.s32 $0x180F, v0  }
0x143: {  	[tilespmem:s19+$0x1000] =	vst v0  }
0x144: {  	[tilespmem:s10], [sflag:$0x3] =	stream.indirect.gather [hbm4b:s3+s6], $0x1, s9, s6, $0xb8;
	[tilespmem:$0x4000] =	vst v63  }
0x145: {  	_ =	swait.ge [sflag:s11], $0x800  }
0x146: {  	[sflag:s11] =	ssyncset.done $0x0  }
0x147: {  	s21 =	simm.s32 $0x0;
	[sflag:s11] =	ssyncadd.s32 $0xFFFFF800  }
0x148: {  	[hbm4b:s23+s21] =	stream.linear.scatter [tilespmem:s7], [sflag:$0x4], $0x800, $0x38;
	[tilespmem:$0x4000] =	vst v63  }
0x149: {  	_ =	swait.ge [sflag:s12], $0x800  }
0x14a: {  	[sflag:s12] =	ssyncset.done $0x0  }
0x14b: {  	s19 =	simm.s32 $0x0;
	[sflag:s12] =	ssyncadd.s32 $0xFFFFF800  }
0x14c: {  	s20 =	simm.s32 $0x40;
	v0 =	vld [tilespmem:s19+$0x3000]  }
.LBB2_38:
0x14d: {  	p0 =	sne.s32 s20, $0x1FC0  }
.Ltmp18:
0x14e: {  	_ = 	snop;
	(pc) =	sbr.rel @p0 .LBB2_38-.Ltmp18, $3  }
0x14f: {  	_ =	sdelay $0x1  }
0x150: {  	s21 =	sshra.s32 s20, $0x2;
	s20 =	sadd.s32 $0x40, s20;
	v1 =	vadd.s32 $0x1810, v0  }
0x151: {  	v0 =	vld [tilespmem:s21+$0x3000];
	[tilespmem:s19+$0x0] =	vst v1;
	s19 =	smov.u32 s21  }
0x152: {  	_ =	sdelay $0x3  }
0x153: {  	v0 =	vadd.s32 $0x1810, v0  }
0x154: {  	s21 =	simm.s32 $0x0;
	[tilespmem:s19+$0x0] =	vst v0  }
0x155: {  	[tilespmem:s7], [sflag:$0x1] =	stream.indirect.gather [hbm4b:s3+s6], $0x1, s21, s6, $0xb8;
	[tilespmem:$0x4000] =	vst v63  }
0x156: {  	_ =	swait.ge [sflag:s13], $0x800  }
0x157: {  	[sflag:s13] =	ssyncset.done $0x0  }
0x158: {  	[sflag:s13] =	ssyncadd.s32 $0xFFFFF800  }
0x159: {  	[hbm4b:s24+s21] =	stream.linear.scatter [tilespmem:s8], [sflag:$0x5], $0x800, $0x38;
	[tilespmem:$0x4000] =	vst v63  }
0x15a: {  	_ =	swait.ge [sflag:s14], $0x800  }
0x15b: {  	[sflag:s14] =	ssyncset.done $0x0  }
0x15c: {  	s19 =	simm.s32 $0x0;
	[sflag:s14] =	ssyncadd.s32 $0xFFFFF800  }
0x15d: {  	s20 =	simm.s32 $0x40;
	v0 =	vld [tilespmem:s19+$0x3000]  }
.LBB2_40:
0x15e: {  	p0 =	sne.s32 s20, $0x1FC0  }
.Ltmp19:
0x15f: {  	_ = 	snop;
	(pc) =	sbr.rel @p0 .LBB2_40-.Ltmp19, $3  }
0x160: {  	_ =	sdelay $0x1  }
0x161: {  	s21 =	sshra.s32 s20, $0x2;
	s20 =	sadd.s32 $0x40, s20;
	v1 =	vadd.s32 $0x2010, v0  }
0x162: {  	v0 =	vld [tilespmem:s21+$0x3000];
	[tilespmem:s19+$0x800] =	vst v1;
	s19 =	smov.u32 s21  }
0x163: {  	_ =	sdelay $0x3  }
0x164: {  	v0 =	vadd.s32 $0x2010, v0  }
0x165: {  	[tilespmem:s19+$0x800] =	vst v0  }
0x166: {  	[tilespmem:s8], [sflag:$0x2] =	stream.indirect.gather [hbm4b:s3+s6], $0x1, s6, s6, $0xb8;
	[tilespmem:$0x4000] =	vst v63  }
0x167: {  	_ =	swait.ge [sflag:s15], $0x800  }
0x168: {  	[sflag:s15] =	ssyncset.done $0x0  }
0x169: {  	s21 =	simm.s32 $0x0;
	[sflag:s15] =	ssyncadd.s32 $0xFFFFF800  }
0x16a: {  	[hbm4b:s25+s21] =	stream.linear.scatter [tilespmem:s10], [sflag:$0x6], $0x800, $0x38;
	[tilespmem:$0x4000] =	vst v63  }
0x16b: {  	_ =	swait.ge [sflag:s16], $0x800  }
0x16c: {  	[sflag:s16] =	ssyncset.done $0x0  }
0x16d: {  	s19 =	simm.s32 $0x0;
	[sflag:s16] =	ssyncadd.s32 $0xFFFFF800  }
0x16e: {  	s20 =	simm.s32 $0x40;
	v0 =	vld [tilespmem:s19+$0x3000]  }
.LBB2_42:
0x16f: {  	p0 =	sne.s32 s20, $0x1FC0  }
.Ltmp20:
0x170: {  	_ = 	snop;
	(pc) =	sbr.rel @p0 .LBB2_42-.Ltmp20, $3  }
0x171: {  	_ =	sdelay $0x1  }
0x172: {  	s21 =	sshra.s32 s20, $0x2;
	s20 =	sadd.s32 $0x40, s20;
	v1 =	vadd.s32 $0x2011, v0  }
0x173: {  	v0 =	vld [tilespmem:s21+$0x3000];
	[tilespmem:s19+$0x1000] =	vst v1;
	s19 =	smov.u32 s21  }
0x174: {  	_ =	sdelay $0x3  }
0x175: {  	v0 =	vadd.s32 $0x2011, v0  }
0x176: {  	[tilespmem:s19+$0x1000] =	vst v0  }
0x177: {  	[tilespmem:s10], [sflag:$0x3] =	stream.indirect.gather [hbm4b:s3+s6], $0x1, s9, s6, $0xb8;
	[tilespmem:$0x4000] =	vst v63  }
0x178: {  	_ =	swait.ge [sflag:s11], $0x800  }
0x179: {  	[sflag:s11] =	ssyncset.done $0x0  }
0x17a: {  	s21 =	simm.s32 $0x0;
	[sflag:s11] =	ssyncadd.s32 $0xFFFFF800  }
0x17b: {  	[hbm4b:s26+s21] =	stream.linear.scatter [tilespmem:s7], [sflag:$0x4], $0x800, $0x38;
	[tilespmem:$0x4000] =	vst v63  }
0x17c: {  	_ =	swait.ge [sflag:s12], $0x800  }
0x17d: {  	[sflag:s12] =	ssyncset.done $0x0  }
0x17e: {  	s19 =	simm.s32 $0x0;
	[sflag:s12] =	ssyncadd.s32 $0xFFFFF800  }
0x17f: {  	s20 =	simm.s32 $0x40;
	v0 =	vld [tilespmem:s19+$0x3000]  }
.LBB2_44:
0x180: {  	p0 =	sne.s32 s20, $0x1FC0  }
.Ltmp21:
0x181: {  	_ = 	snop;
	(pc) =	sbr.rel @p0 .LBB2_44-.Ltmp21, $3  }
0x182: {  	_ =	sdelay $0x1  }
0x183: {  	s21 =	sshra.s32 s20, $0x2;
	s20 =	sadd.s32 $0x40, s20;
	v1 =	vadd.s32 $0x2012, v0  }
0x184: {  	v0 =	vld [tilespmem:s21+$0x3000];
	[tilespmem:s19+$0x0] =	vst v1;
	s19 =	smov.u32 s21  }
0x185: {  	_ =	sdelay $0x3  }
0x186: {  	v0 =	vadd.s32 $0x2012, v0  }
0x187: {  	s21 =	simm.s32 $0x0;
	[tilespmem:s19+$0x0] =	vst v0  }
0x188: {  	[tilespmem:s7], [sflag:$0x1] =	stream.indirect.gather [hbm4b:s3+s6], $0x1, s21, s6, $0xb8;
	[tilespmem:$0x4000] =	vst v63  }
0x189: {  	_ =	swait.ge [sflag:s13], $0x800  }
0x18a: {  	[sflag:s13] =	ssyncset.done $0x0  }
0x18b: {  	[sflag:s13] =	ssyncadd.s32 $0xFFFFF800  }
0x18c: {  	[hbm4b:s28+s21] =	stream.linear.scatter [tilespmem:s8], [sflag:$0x5], $0x800, $0x38;
	[tilespmem:$0x4000] =	vst v63  }
0x18d: {  	_ =	swait.ge [sflag:s14], $0x800  }
0x18e: {  	[sflag:s14] =	ssyncset.done $0x0  }
0x18f: {  	s19 =	simm.s32 $0x0;
	[sflag:s14] =	ssyncadd.s32 $0xFFFFF800  }
0x190: {  	s20 =	simm.s32 $0x40;
	v0 =	vld [tilespmem:s19+$0x3000]  }
.LBB2_46:
0x191: {  	p0 =	sne.s32 s20, $0x1FC0  }
.Ltmp22:
0x192: {  	_ = 	snop;
	(pc) =	sbr.rel @p0 .LBB2_46-.Ltmp22, $3  }
0x193: {  	_ =	sdelay $0x1  }
0x194: {  	s21 =	sshra.s32 s20, $0x2;
	s20 =	sadd.s32 $0x40, s20;
	v1 =	vadd.s32 $0x2013, v0  }
0x195: {  	v0 =	vld [tilespmem:s21+$0x3000];
	[tilespmem:s19+$0x800] =	vst v1;
	s19 =	smov.u32 s21  }
0x196: {  	_ =	sdelay $0x3  }
0x197: {  	v0 =	vadd.s32 $0x2013, v0  }
0x198: {  	[tilespmem:s19+$0x800] =	vst v0  }
0x199: {  	[tilespmem:s8], [sflag:$0x2] =	stream.indirect.gather [hbm4b:s3+s6], $0x1, s6, s6, $0xb8;
	[tilespmem:$0x4000] =	vst v63  }
0x19a: {  	_ =	swait.ge [sflag:s15], $0x800  }
0x19b: {  	[sflag:s15] =	ssyncset.done $0x0  }
0x19c: {  	s21 =	simm.s32 $0x0;
	[sflag:s15] =	ssyncadd.s32 $0xFFFFF800  }
0x19d: {  	[hbm4b:s29+s21] =	stream.linear.scatter [tilespmem:s10], [sflag:$0x6], $0x800, $0x38;
	[tilespmem:$0x4000] =	vst v63  }
0x19e: {  	_ =	swait.ge [sflag:s16], $0x800  }
0x19f: {  	[sflag:s16] =	ssyncset.done $0x0  }
0x1a0: {  	s19 =	simm.s32 $0x0;
	[sflag:s16] =	ssyncadd.s32 $0xFFFFF800  }
0x1a1: {  	s20 =	simm.s32 $0x40;
	v0 =	vld [tilespmem:s19+$0x3000]  }
.LBB2_48:
0x1a2: {  	p0 =	sne.s32 s20, $0x1FC0  }
.Ltmp23:
0x1a3: {  	_ = 	snop;
	(pc) =	sbr.rel @p0 .LBB2_48-.Ltmp23, $3  }
0x1a4: {  	_ =	sdelay $0x1  }
0x1a5: {  	s21 =	sshra.s32 s20, $0x2;
	s20 =	sadd.s32 $0x40, s20;
	v1 =	vadd.s32 $0x2014, v0  }
0x1a6: {  	v0 =	vld [tilespmem:s21+$0x3000];
	[tilespmem:s19+$0x1000] =	vst v1;
	s19 =	smov.u32 s21  }
0x1a7: {  	_ =	sdelay $0x3  }
0x1a8: {  	v0 =	vadd.s32 $0x2014, v0  }
0x1a9: {  	[tilespmem:s19+$0x1000] =	vst v0  }
0x1aa: {  	[tilespmem:s10], [sflag:$0x3] =	stream.indirect.gather [hbm4b:s3+s6], $0x1, s9, s6, $0xb8;
	[tilespmem:$0x4000] =	vst v63  }
0x1ab: {  	_ =	swait.ge [sflag:s11], $0x800  }
0x1ac: {  	[sflag:s11] =	ssyncset.done $0x0  }
0x1ad: {  	[sflag:s11] =	ssyncadd.s32 $0xFFFFF800  }
0x1ae: {  	[hbm4b:s30+s2] =	stream.linear.scatter [tilespmem:s7], [sflag:$0x4], $0x800, $0x38;
	[tilespmem:$0x4000] =	vst v63  }
0x1af: {  	_ =	swait.ge [sflag:s12], $0x800  }
0x1b0: {  	[sflag:s12] =	ssyncset.done $0x0  }
0x1b1: {  	[sflag:s12] =	ssyncadd.s32 $0xFFFFF800  }
0x1b2: {  	_ =	swait.ge [sflag:s13], $0x800  }
0x1b3: {  	[sflag:s13] =	ssyncset.done $0x0  }
0x1b4: {  	[sflag:s13] =	ssyncadd.s32 $0xFFFFF800  }
0x1b5: {  	[hbm4b:s31+s2] =	stream.linear.scatter [tilespmem:s8], [sflag:$0x5], $0x800, $0x38;
	[tilespmem:$0x4000] =	vst v63  }
0x1b6: {  	_ =	swait.ge [sflag:s14], $0x800  }
0x1b7: {  	[sflag:s14] =	ssyncset.done $0x0  }
0x1b8: {  	[sflag:s14] =	ssyncadd.s32 $0xFFFFF800  }
0x1b9: {  	_ =	swait.ge [sflag:s15], $0x800  }
0x1ba: {  	[sflag:s15] =	ssyncset.done $0x0  }
0x1bb: {  	[sflag:s15] =	ssyncadd.s32 $0xFFFFF800  }
0x1bc: {  	[hbm4b:s0+s2] =	stream.linear.scatter [tilespmem:s10], [sflag:$0x6], $0x800, $0x38;
	[tilespmem:$0x4000] =	vst v63  }
0x1bd: {  	_ =	swait.ge [sflag:s16], $0x800  }
0x1be: {  	[sflag:s16] =	ssyncset.done $0x0  }
0x1bf: {  	s18 =	sadd.s32 $0x1, s18;
	[sflag:s16] =	ssyncadd.s32 $0xFFFFF800  }
0x1c0: {  	p0 =	sne.s32 s18, s1;
	_ =	swait.ge [sflag:s17], $0x800  }
.Ltmp24:
0x1c1: {  	[sflag:s17] =	ssyncset.done $0x0;
	(pc) =	sbr.rel @p0 .LBB2_1-.Ltmp24, $4  }
0x1c2: {  	[sflag:s17] =	ssyncadd.s32 $0xFFFFF800  }
0x1c3: {  	_ =	swait.ge [sflag:s17], $0x800  }
0x1c4: {  	[sflag:s17] =	ssyncset.done $0x0  }
0x1c5: {  	[sflag:s17] =	ssyncadd.s32 $0xFFFFF800  }
0x1c6: {  	_ =	sfence.sel $0x180000  }
0x1c7: {  	[bflag:$0x0] =	sbarrier.arrive $0xFFFF  }
0x1c8: {  	_ =	strace $0x90000047  }
0x1c9: {  	s0 =	stileid.u32;
	[bflag:$0x2] =	sbarrier.arrive $0xFFFF  }
0x1ca: {  	p0 =	sne.s32 s0, $0x0;
	s0 =	rddreg [dreg:$0x2]  }
0x1cb: {  	s0 =	sadd.s32 @!p0 $0x100000, s0  }
0x1cc: {  	[sflag:s0] =	ssyncadd.tile.s32 @!p0 $0x1;
	_ =	shalt  }
.Lfunc_end2:
_tile_overlayer_lowered:
.L_overlay_start_2:
0x1cd: {  	(tag) =	ssettag $0x2  }
0x1ce: {  	s0 =	rddreg [dreg:$0x0];
	s2 =	stileid.u32  }
0x1cf: {  	s1 =	rddreg [dreg:$0x1];
	p0 =	sne.s32 s2, $0x0  }
0x1d0: {  	s3 =	rddreg [dreg:$0x2];
	[bflag:$0x3] =	sbarrier.arrive $0xFFFF;
	s2 =	simm.s32 @!p0 $0x1C08  }
0x1d1: {  	[timem:s3], [sflag:s2] =	dma.local @!p0 [hbm:s0], s1  }
0x1d2: {  	s0 =	simm.s32 @!p0 $0x8  }
0x1d3: {  	_ =	swait.ge @!p0 [sflag:s0], s1  }
0x1d4: {  	s1 =	ssub.s32 @!p0 $0x0, s1;
	[sflag:s0] =	ssyncset.done @!p0 $0x0  }
0x1d5: {  	[sflag:s0] =	ssyncadd.s32 @!p0 s1  }
0x1d6: {  	[bflag:$0x3] =	sbarrier.arrive $0xFFFF  }
0x1d7: {  	_ =	shalt  }

</sc_bundles>
